<compile_context>
chip_gen: v7x
topology: tpu7x:2x2x1
jax: 0.10.2.dev20260603
libtpu: 0.0.44.dev20260713+nightly
codegen_flags: <defaults>
</compile_context>

<pallas_src>
import functools

import jax
import jax.numpy as jnp
from jax import lax
from jax.experimental import pallas as pl
from jax.experimental.pallas import tpu as pltpu
from jax.experimental.pallas import tpu_sc as plsc

NN = 10000
EE = 320000
NG = 64
N_PAD = 10240
NC = 2
NS = 16
NW = NC * NS
CH = 128
NCH = -(-EE // (NW * CH))
E_PAD = NW * NCH * CH
RPT = N_PAD // NS
ZR = 128



def _sc_degree(dst_slabs, ones_rows, zero_rows):
    mesh = plsc.VectorSubcoreMesh(core_axis_name="c", subcore_axis_name="s",
                                  num_cores=NC, num_subcores=NS)

    @functools.partial(
        pl.kernel,
        out_type=jax.ShapeDtypeStruct((NC, N_PAD, 8), jnp.float32),
        mesh=mesh,
        compiler_params=pltpu.CompilerParams(use_tc_tiling_on_sc=False),
        scratch_types=[
            pltpu.VMEM((NCH, CH), jnp.int32),
            pltpu.VMEM((CH, 8), jnp.float32),
            pltpu.VMEM((ZR, 8), jnp.float32),
            pltpu.VMEM_SHARED((N_PAD, 8), jnp.float32),
            pltpu.SemaphoreType.DMA,
        ],
    )
    def k(dst_hbm, ones_hbm, z_hbm, out_hbm, dst_v, ones_v, zbuf_v, acc, sem):
        c = lax.axis_index("c")
        s = lax.axis_index("s")
        wid = c * NS + s
        pltpu.sync_copy(dst_hbm.at[wid], dst_v)
        pltpu.sync_copy(ones_hbm, ones_v)
        pltpu.sync_copy(z_hbm, zbuf_v)
        for t in range(RPT // ZR):
            pltpu.sync_copy(zbuf_v, acc.at[pl.ds(s * RPT + t * ZR, ZR)])
        plsc.subcore_barrier()

        def body(j, carry):
            pltpu.async_copy(ones_v, acc.at[dst_v.at[j]], sem, add=True)
            return carry

        lax.fori_loop(0, NCH, body, 0)

        def drain(j, carry):
            pltpu.make_async_copy(ones_v, acc.at[dst_v.at[0]], sem).wait()
            return carry

        lax.fori_loop(0, NCH, drain, 0)
        plsc.subcore_barrier()
        for t in range(RPT // ZR):
            pltpu.sync_copy(acc.at[pl.ds(s * RPT + t * ZR, ZR)], zbuf_v)
            pltpu.sync_copy(zbuf_v, out_hbm.at[c, pl.ds(s * RPT + t * ZR, ZR)])

    return k(dst_slabs, ones_rows, zero_rows)


def _sc_scatter_rows(g, src_slabs, dst_slabs, zero_rows, f):
    mesh = plsc.VectorSubcoreMesh(core_axis_name="c", subcore_axis_name="s",
                                  num_cores=NC, num_subcores=NS)

    @functools.partial(
        pl.kernel,
        out_type=jax.ShapeDtypeStruct((NC, N_PAD, f), jnp.float32),
        mesh=mesh,
        compiler_params=pltpu.CompilerParams(use_tc_tiling_on_sc=False),
        scratch_types=[
            pltpu.VMEM((NCH, CH), jnp.int32),
            pltpu.VMEM((NCH, CH), jnp.int32),
            pltpu.VMEM((2, CH, f), jnp.float32),
            pltpu.VMEM((ZR, f), jnp.float32),
            pltpu.VMEM_SHARED((N_PAD, f), jnp.float32),
            pltpu.SemaphoreType.DMA,
            pltpu.SemaphoreType.DMA,
        ],
    )
    def k(g_hbm, src_hbm, dst_hbm, z_hbm, out_hbm,
          src_v, dst_v, buf_v, zbuf_v, acc, gsem, ssem):
        c = lax.axis_index("c")
        s = lax.axis_index("s")
        wid = c * NS + s
        pltpu.sync_copy(src_hbm.at[wid], src_v)
        pltpu.sync_copy(dst_hbm.at[wid], dst_v)
        pltpu.sync_copy(z_hbm, zbuf_v)
        for t in range(RPT // ZR):
            pltpu.sync_copy(zbuf_v, acc.at[pl.ds(s * RPT + t * ZR, ZR)])
        plsc.subcore_barrier()

        pltpu.async_copy(g_hbm.at[src_v.at[0]], buf_v.at[0], gsem)

        def body(j, carry):
            pltpu.make_async_copy(g_hbm.at[src_v.at[0]], buf_v.at[0],
                                  gsem).wait()

            @pl.when(j >= 1)
            def _():
                pltpu.make_async_copy(buf_v.at[0], acc.at[dst_v.at[0]],
                                      ssem).wait()

            @pl.when(j < NCH - 1)
            def _():
                pltpu.async_copy(g_hbm.at[src_v.at[j + 1]],
                                 buf_v.at[(j + 1) % 2], gsem)

            pltpu.async_copy(buf_v.at[j % 2], acc.at[dst_v.at[j]],
                             ssem, add=True)
            return carry

        lax.fori_loop(0, NCH, body, 0)
        pltpu.make_async_copy(buf_v.at[0], acc.at[dst_v.at[0]], ssem).wait()
        plsc.subcore_barrier()
        for t in range(RPT // ZR):
            pltpu.sync_copy(acc.at[pl.ds(s * RPT + t * ZR, ZR)], zbuf_v)
            pltpu.sync_copy(zbuf_v, out_hbm.at[c, pl.ds(s * RPT + t * ZR, ZR)])

    return k(g, src_slabs, dst_slabs, zero_rows)



_BLK = 1024


def _tc_first(x_p, W1, degp):
    fo = W1.shape[1]

    def body(x_ref, w_ref, d_ref, g_ref, dv_ref):
        i = pl.program_id(0)
        deg = d_ref[0, :, 0:1] + d_ref[1, :, 0:1] + 1.0
        rows = lax.broadcasted_iota(jnp.int32, (_BLK, 1), 0) + i * _BLK
        m = (rows < NN).astype(jnp.float32)
        dinv = lax.rsqrt(deg) * m
        g_ref[...] = jnp.dot(x_ref[...], w_ref[...],
                             preferred_element_type=jnp.float32) * dinv
        dv_ref[...] = jnp.broadcast_to(dinv, (_BLK, 8))

    return pl.pallas_call(
        body,
        grid=(N_PAD // _BLK,),
        in_specs=[
            pl.BlockSpec((_BLK, 128), lambda i: (i, 0)),
            pl.BlockSpec((128, fo), lambda i: (0, 0)),
            pl.BlockSpec((NC, _BLK, 8), lambda i: (0, i, 0)),
        ],
        out_specs=[
            pl.BlockSpec((_BLK, fo), lambda i: (i, 0)),
            pl.BlockSpec((_BLK, 8), lambda i: (i, 0)),
        ],
        out_shape=[
            jax.ShapeDtypeStruct((N_PAD, fo), jnp.float32),
            jax.ShapeDtypeStruct((N_PAD, 8), jnp.float32),
        ],
    )(x_p, W1, degp)


def _tc_fuse(s2, g, dinv, b, W):
    fp = g.shape[1]
    fn = W.shape[1]

    def body(s_ref, g_ref, d_ref, b_ref, w_ref, o_ref):
        dv = d_ref[:, 0:1]
        a = jnp.maximum(dv * (s_ref[0] + s_ref[1] + g_ref[...]) + b_ref[...], 0.0)
        o_ref[...] = jnp.dot(a, w_ref[...],
                             preferred_element_type=jnp.float32) * dv

    return pl.pallas_call(
        body,
        grid=(N_PAD // _BLK,),
        in_specs=[
            pl.BlockSpec((NC, _BLK, fp), lambda i: (0, i, 0)),
            pl.BlockSpec((_BLK, fp), lambda i: (i, 0)),
            pl.BlockSpec((_BLK, 8), lambda i: (i, 0)),
            pl.BlockSpec((1, fp), lambda i: (0, 0)),
            pl.BlockSpec((fp, fn), lambda i: (0, 0)),
        ],
        out_specs=pl.BlockSpec((_BLK, fn), lambda i: (i, 0)),
        out_shape=jax.ShapeDtypeStruct((N_PAD, fn), jnp.float32),
    )(s2, g, dinv, b, W)


def _tc_pool(s2, g, dinv, b, batch_row, Wo, bo):

    def body(s_ref, g_ref, d_ref, b_ref, bt_ref, wo_ref, bo_ref, o_ref):
        dv = d_ref[0:NN, 0:1]
        h = jnp.maximum(
            dv * (s_ref[0, 0:NN] + s_ref[1, 0:NN] + g_ref[0:NN]) + b_ref[...],
            0.0)
        seg = lax.broadcasted_iota(jnp.int32, (NG, NN), 0)
        m = (seg == bt_ref[...]).astype(jnp.float32)
        sums = jnp.dot(m, h, preferred_element_type=jnp.float32)
        cnt = jnp.sum(m, axis=1, keepdims=True)
        pooled = sums / jnp.maximum(cnt, 1.0)
        o_ref[...] = jnp.dot(pooled, wo_ref[...],
                             preferred_element_type=jnp.float32) + bo_ref[...]

    return pl.pallas_call(
        body,
        out_shape=jax.ShapeDtypeStruct((NG, 1), jnp.float32),
    )(s2, g, dinv, b, batch_row, Wo, bo)



def kernel(x, edge_index, batch, W1, b1, W2, b2, W3, b3, W4, b4, Wo, bo):
    f32 = jnp.float32
    x_p = jnp.zeros((N_PAD, 128), f32).at[:NN].set(x)
    pad = E_PAD - EE
    src_p = jnp.concatenate(
        [edge_index[0], jnp.full((pad,), NN, jnp.int32)]).reshape(NW, NCH, CH)
    dst_p = jnp.concatenate(
        [edge_index[1], jnp.full((pad,), NN, jnp.int32)]).reshape(NW, NCH, CH)

    degp = _sc_degree(dst_p, jnp.ones((CH, 8), f32), jnp.zeros((ZR, 8), f32))
    g1, dinv = _tc_first(x_p, W1, degp)
    s1 = _sc_scatter_rows(g1, src_p, dst_p, jnp.zeros((ZR, 64), f32), 64)
    g2 = _tc_fuse(s1, g1, dinv, b1.reshape(1, -1), W2)
    s2 = _sc_scatter_rows(g2, src_p, dst_p, jnp.zeros((ZR, 32), f32), 32)
    g3 = _tc_fuse(s2, g2, dinv, b2.reshape(1, -1), W3)
    s3 = _sc_scatter_rows(g3, src_p, dst_p, jnp.zeros((ZR, 16), f32), 16)
    W4p = jnp.zeros((16, 8), f32).at[:, :4].set(W4)
    b4p = jnp.zeros((8,), f32).at[:4].set(b4)
    Wop = jnp.zeros((8, 1), f32).at[:4].set(Wo)
    g4 = _tc_fuse(s3, g3, dinv, b3.reshape(1, -1), W4p)
    s4 = _sc_scatter_rows(g4, src_p, dst_p, jnp.zeros((ZR, 8), f32), 8)
    return _tc_pool(s4, g4, dinv, b4p.reshape(1, -1),
                    batch.reshape(1, NN), Wop, bo.reshape(1, 1))

# --- scband reference (transcript-rebuilt; emitter-appended) ---
"""Pipeline reference for scband-gcn-28716151341385 (READ-ONLY COPY).

The authoritative reference and input builder live on the scoring server;
editing this copy changes nothing except your own understanding.
"""

import jax, jax.numpy as jnp
import numpy as np

N = 10000
E = 320000
NUM_GRAPHS = 64


def gcn_conv(x, edge_index, W, b):
    n = x.shape[0]
    # add self loops (PyG GCNConv default)
    loop = jnp.arange(n, dtype=edge_index.dtype)
    src = jnp.concatenate([edge_index[0], loop])
    dst = jnp.concatenate([edge_index[1], loop])
    # symmetric normalization D^{-1/2} (A+I) D^{-1/2}
    deg = jnp.zeros((n,), x.dtype).at[dst].add(1.0)
    dinv = jax.lax.rsqrt(jnp.maximum(deg, 1e-12))
    norm = dinv[src] * dinv[dst]
    h = x @ W
    msg = h[src] * norm[:, None]
    out = jnp.zeros((n, W.shape[1]), x.dtype).at[dst].add(msg)
    return out + b


def setup_inputs(seed: int = 0) -> dict:
    key = jax.random.key(seed)
    ks = jax.random.split(key, 14)
    x = jax.random.normal(ks[0], (N, 128), jnp.float32)
    edge_index = jax.random.randint(ks[1], (2, E), 0, N, jnp.int32)
    batch = jnp.sort(jax.random.randint(ks[2], (N,), 0, NUM_GRAPHS, jnp.int32))
    def glorot(k, fi, fo):
        s = np.sqrt(6.0 / (fi + fo))
        return jax.random.uniform(k, (fi, fo), jnp.float32, -s, s)
    return {
        'x': x, 'edge_index': edge_index, 'batch': batch,
        'W1': glorot(ks[3], 128, 64), 'b1': jnp.zeros((64,), jnp.float32),
        'W2': glorot(ks[4], 64, 32),  'b2': jnp.zeros((32,), jnp.float32),
        'W3': glorot(ks[5], 32, 16),  'b3': jnp.zeros((16,), jnp.float32),
        'W4': glorot(ks[6], 16, 4),   'b4': jnp.zeros((4,), jnp.float32),
        'Wo': glorot(ks[7], 4, 1),    'bo': jnp.zeros((1,), jnp.float32),
    }


def reference(x, edge_index, batch, W1, b1, W2, b2, W3, b3, W4, b4, Wo, bo):
    h = jax.nn.relu(gcn_conv(x, edge_index, W1, b1))
    h = jax.nn.relu(gcn_conv(h, edge_index, W2, b2))
    h = jax.nn.relu(gcn_conv(h, edge_index, W3, b3))
    h = jax.nn.relu(gcn_conv(h, edge_index, W4, b4))
    # global mean pool per graph
    sums = jax.ops.segment_sum(h, batch, num_segments=NUM_GRAPHS)
    cnts = jax.ops.segment_sum(jnp.ones((h.shape[0],), h.dtype), batch, num_segments=NUM_GRAPHS)
    pooled = sums / jnp.maximum(cnts, 1.0)[:, None]
    return pooled @ Wo + bo

if __name__ == "__main__":
    import jax
    _d = setup_inputs()
    print(jax.jit(kernel)(*tuple(_d.values())))

</pallas_src>

<mosaic_0001>
#map = affine_map<(d0, d1) -> (0, 0)>
#map1 = affine_map<(d0, d1) -> (0, 0, 0)>
module attributes {stable_mosaic.version = 14 : i64} {
  func.func @k(%arg0: i32, %arg1: i32, %arg2: memref<10240x64xf32, #tpu.memory_space<hbm>>, %arg3: memref<32x79x128xi32, #tpu.memory_space<hbm>>, %arg4: memref<32x79x128xi32, #tpu.memory_space<hbm>>, %arg5: memref<128x64xf32, #tpu.memory_space<hbm>>, %arg6: memref<2x10240x64xf32, #tpu.memory_space<hbm>>, %arg7: memref<79x128xi32, #tpu.memory_space<vmem>>, %arg8: memref<79x128xi32, #tpu.memory_space<vmem>>, %arg9: memref<2x128x64xf32, #tpu.memory_space<vmem>>, %arg10: memref<128x64xf32, #tpu.memory_space<vmem>>, %arg11: memref<10240x64xf32, #tpu.memory_space<vmem_shared>>, %arg12: memref<!tpu.dma_semaphore, #tpu.memory_space<semaphore_mem>>, %arg13: memref<!tpu.dma_semaphore, #tpu.memory_space<semaphore_mem>>) attributes {dimension_semantics = [#tpu.dimension_semantics<core_parallel>, #tpu.dimension_semantics<subcore_parallel>], iteration_bounds = array<i64: 2, 16>, scalar_prefetch = 0 : i64, scratch_operands = 7 : i64, tpu.core_type = #tpu.core_type<sc_vector_subcore>, window_params = [{transform_indices = #map}, {transform_indices = #map1}, {transform_indices = #map1}, {transform_indices = #map}, {transform_indices = #map1}]} {
    %mul3A = arith.constant 16 : i32
    %mul3A_0 = arith.muli %arg0, %mul3A : i32
    %add3A = arith.addi %mul3A_0, %arg1 : i32
    "tpu.region"() ({
      %run_scoped3A = tpu.sem_alloc : memref<!tpu.dma_semaphore, #tpu.memory_space<semaphore_mem>>
      %dma_start3A_89 = arith.constant 0 : i32
      %dma_start3A_90 = arith.constant 0 : i32
      %dma_start3A_91 = tpu.memref_slice %arg3[%add3A, %dma_start3A_89, %dma_start3A_90] : memref<32x79x128xi32, #tpu.memory_space<hbm>> -> memref<1x79x128xi32, #tpu.memory_space<hbm>>
      %dma_start3A_92 = tpu.memref_squeeze %dma_start3A_91 : memref<1x79x128xi32, #tpu.memory_space<hbm>> -> memref<79x128xi32, #tpu.memory_space<hbm>>
      %dma_start3A_93 = arith.constant 0 : i32
      %dma_start3A_94 = arith.constant 0 : i32
      %dma_start3A_95 = tpu.memref_slice %arg3[%add3A, %dma_start3A_93, %dma_start3A_94] : memref<32x79x128xi32, #tpu.memory_space<hbm>> -> memref<1x79x128xi32, #tpu.memory_space<hbm>>
      %dma_start3A_96 = tpu.memref_squeeze %dma_start3A_95 : memref<1x79x128xi32, #tpu.memory_space<hbm>> -> memref<79x128xi32, #tpu.memory_space<hbm>>
      tpu.enqueue_dma source(%dma_start3A_96 : memref<79x128xi32, #tpu.memory_space<hbm>>) target(%arg7 : memref<79x128xi32, #tpu.memory_space<vmem>>) target_semaphore(%run_scoped3A : memref<!tpu.dma_semaphore, #tpu.memory_space<semaphore_mem>>)
      %dma_wait3A_97 = arith.constant 0 : i32
      %dma_wait3A_98 = arith.constant 0 : i32
      %dma_wait3A_99 = tpu.memref_slice %arg3[%add3A, %dma_wait3A_97, %dma_wait3A_98] : memref<32x79x128xi32, #tpu.memory_space<hbm>> -> memref<1x79x128xi32, #tpu.memory_space<hbm>>
      %dma_wait3A_100 = tpu.memref_squeeze %dma_wait3A_99 : memref<1x79x128xi32, #tpu.memory_space<hbm>> -> memref<79x128xi32, #tpu.memory_space<hbm>>
      %dma_wait3A_101 = arith.constant 0 : i32
      %dma_wait3A_102 = arith.constant 0 : i32
      %dma_wait3A_103 = tpu.memref_slice %arg3[%add3A, %dma_wait3A_101, %dma_wait3A_102] : memref<32x79x128xi32, #tpu.memory_space<hbm>> -> memref<1x79x128xi32, #tpu.memory_space<hbm>>
      %dma_wait3A_104 = tpu.memref_squeeze %dma_wait3A_103 : memref<1x79x128xi32, #tpu.memory_space<hbm>> -> memref<79x128xi32, #tpu.memory_space<hbm>>
      tpu.wait_dma2 semaphore(%run_scoped3A : memref<!tpu.dma_semaphore, #tpu.memory_space<semaphore_mem>>) src(%dma_wait3A_104 : memref<79x128xi32, #tpu.memory_space<hbm>>) dst(%arg7 : memref<79x128xi32, #tpu.memory_space<vmem>>)
      tpu.yield
    }) : () -> ()
    "tpu.region"() ({
      %run_scoped3A = tpu.sem_alloc : memref<!tpu.dma_semaphore, #tpu.memory_space<semaphore_mem>>
      %dma_start3A_89 = arith.constant 0 : i32
      %dma_start3A_90 = arith.constant 0 : i32
      %dma_start3A_91 = tpu.memref_slice %arg4[%add3A, %dma_start3A_89, %dma_start3A_90] : memref<32x79x128xi32, #tpu.memory_space<hbm>> -> memref<1x79x128xi32, #tpu.memory_space<hbm>>
      %dma_start3A_92 = tpu.memref_squeeze %dma_start3A_91 : memref<1x79x128xi32, #tpu.memory_space<hbm>> -> memref<79x128xi32, #tpu.memory_space<hbm>>
      %dma_start3A_93 = arith.constant 0 : i32
      %dma_start3A_94 = arith.constant 0 : i32
      %dma_start3A_95 = tpu.memref_slice %arg4[%add3A, %dma_start3A_93, %dma_start3A_94] : memref<32x79x128xi32, #tpu.memory_space<hbm>> -> memref<1x79x128xi32, #tpu.memory_space<hbm>>
      %dma_start3A_96 = tpu.memref_squeeze %dma_start3A_95 : memref<1x79x128xi32, #tpu.memory_space<hbm>> -> memref<79x128xi32, #tpu.memory_space<hbm>>
      tpu.enqueue_dma source(%dma_start3A_96 : memref<79x128xi32, #tpu.memory_space<hbm>>) target(%arg8 : memref<79x128xi32, #tpu.memory_space<vmem>>) target_semaphore(%run_scoped3A : memref<!tpu.dma_semaphore, #tpu.memory_space<semaphore_mem>>)
      %dma_wait3A_97 = arith.constant 0 : i32
      %dma_wait3A_98 = arith.constant 0 : i32
      %dma_wait3A_99 = tpu.memref_slice %arg4[%add3A, %dma_wait3A_97, %dma_wait3A_98] : memref<32x79x128xi32, #tpu.memory_space<hbm>> -> memref<1x79x128xi32, #tpu.memory_space<hbm>>
      %dma_wait3A_100 = tpu.memref_squeeze %dma_wait3A_99 : memref<1x79x128xi32, #tpu.memory_space<hbm>> -> memref<79x128xi32, #tpu.memory_space<hbm>>
      %dma_wait3A_101 = arith.constant 0 : i32
      %dma_wait3A_102 = arith.constant 0 : i32
      %dma_wait3A_103 = tpu.memref_slice %arg4[%add3A, %dma_wait3A_101, %dma_wait3A_102] : memref<32x79x128xi32, #tpu.memory_space<hbm>> -> memref<1x79x128xi32, #tpu.memory_space<hbm>>
      %dma_wait3A_104 = tpu.memref_squeeze %dma_wait3A_103 : memref<1x79x128xi32, #tpu.memory_space<hbm>> -> memref<79x128xi32, #tpu.memory_space<hbm>>
      tpu.wait_dma2 semaphore(%run_scoped3A : memref<!tpu.dma_semaphore, #tpu.memory_space<semaphore_mem>>) src(%dma_wait3A_104 : memref<79x128xi32, #tpu.memory_space<hbm>>) dst(%arg8 : memref<79x128xi32, #tpu.memory_space<vmem>>)
      tpu.yield
    }) : () -> ()
    "tpu.region"() ({
      %run_scoped3A = tpu.sem_alloc : memref<!tpu.dma_semaphore, #tpu.memory_space<semaphore_mem>>
      tpu.enqueue_dma source(%arg5 : memref<128x64xf32, #tpu.memory_space<hbm>>) target(%arg10 : memref<128x64xf32, #tpu.memory_space<vmem>>) target_semaphore(%run_scoped3A : memref<!tpu.dma_semaphore, #tpu.memory_space<semaphore_mem>>)
      tpu.wait_dma2 semaphore(%run_scoped3A : memref<!tpu.dma_semaphore, #tpu.memory_space<semaphore_mem>>) src(%arg5 : memref<128x64xf32, #tpu.memory_space<hbm>>) dst(%arg10 : memref<128x64xf32, #tpu.memory_space<vmem>>)
      tpu.yield
    }) : () -> ()
    %mul3A_1 = arith.constant 640 : i32
    %mul3A_2 = arith.muli %arg1, %mul3A_1 : i32
    %add3A_3 = arith.constant 0 : i32
    %add3A_4 = arith.addi %mul3A_2, %add3A_3 : i32
    "tpu.region"() ({
      %run_scoped3A = tpu.sem_alloc : memref<!tpu.dma_semaphore, #tpu.memory_space<semaphore_mem>>
      %dma_start3A_89 = arith.constant 0 : i32
      %dma_start3A_90 = tpu.memref_slice %arg11[%add3A_4, %dma_start3A_89] : memref<10240x64xf32, #tpu.memory_space<vmem_shared>> -> memref<128x64xf32, #tpu.memory_space<vmem_shared>>
      %dma_start3A_91 = arith.constant 0 : i32
      %dma_start3A_92 = tpu.memref_slice %arg11[%add3A_4, %dma_start3A_91] : memref<10240x64xf32, #tpu.memory_space<vmem_shared>> -> memref<128x64xf32, #tpu.memory_space<vmem_shared>>
      tpu.enqueue_dma source(%arg10 : memref<128x64xf32, #tpu.memory_space<vmem>>) target(%dma_start3A_92 : memref<128x64xf32, #tpu.memory_space<vmem_shared>>) target_semaphore(%run_scoped3A : memref<!tpu.dma_semaphore, #tpu.memory_space<semaphore_mem>>)
      %dma_wait3A_93 = arith.constant 0 : i32
      %dma_wait3A_94 = tpu.memref_slice %arg11[%add3A_4, %dma_wait3A_93] : memref<10240x64xf32, #tpu.memory_space<vmem_shared>> -> memref<128x64xf32, #tpu.memory_space<vmem_shared>>
      %dma_wait3A_95 = arith.constant 0 : i32
      %dma_wait3A_96 = tpu.memref_slice %arg11[%add3A_4, %dma_wait3A_95] : memref<10240x64xf32, #tpu.memory_space<vmem_shared>> -> memref<128x64xf32, #tpu.memory_space<vmem_shared>>
      tpu.wait_dma2 semaphore(%run_scoped3A : memref<!tpu.dma_semaphore, #tpu.memory_space<semaphore_mem>>) src(%arg10 : memref<128x64xf32, #tpu.memory_space<vmem>>) dst(%dma_wait3A_96 : memref<128x64xf32, #tpu.memory_space<vmem_shared>>)
      tpu.yield
    }) : () -> ()
    %mul3A_5 = arith.constant 640 : i32
    %mul3A_6 = arith.muli %arg1, %mul3A_5 : i32
    %add3A_7 = arith.constant 128 : i32
    %add3A_8 = arith.addi %mul3A_6, %add3A_7 : i32
    "tpu.region"() ({
      %run_scoped3A = tpu.sem_alloc : memref<!tpu.dma_semaphore, #tpu.memory_space<semaphore_mem>>
      %dma_start3A_89 = arith.constant 0 : i32
      %dma_start3A_90 = tpu.memref_slice %arg11[%add3A_8, %dma_start3A_89] : memref<10240x64xf32, #tpu.memory_space<vmem_shared>> -> memref<128x64xf32, #tpu.memory_space<vmem_shared>>
      %dma_start3A_91 = arith.constant 0 : i32
      %dma_start3A_92 = tpu.memref_slice %arg11[%add3A_8, %dma_start3A_91] : memref<10240x64xf32, #tpu.memory_space<vmem_shared>> -> memref<128x64xf32, #tpu.memory_space<vmem_shared>>
      tpu.enqueue_dma source(%arg10 : memref<128x64xf32, #tpu.memory_space<vmem>>) target(%dma_start3A_92 : memref<128x64xf32, #tpu.memory_space<vmem_shared>>) target_semaphore(%run_scoped3A : memref<!tpu.dma_semaphore, #tpu.memory_space<semaphore_mem>>)
      %dma_wait3A_93 = arith.constant 0 : i32
      %dma_wait3A_94 = tpu.memref_slice %arg11[%add3A_8, %dma_wait3A_93] : memref<10240x64xf32, #tpu.memory_space<vmem_shared>> -> memref<128x64xf32, #tpu.memory_space<vmem_shared>>
      %dma_wait3A_95 = arith.constant 0 : i32
      %dma_wait3A_96 = tpu.memref_slice %arg11[%add3A_8, %dma_wait3A_95] : memref<10240x64xf32, #tpu.memory_space<vmem_shared>> -> memref<128x64xf32, #tpu.memory_space<vmem_shared>>
      tpu.wait_dma2 semaphore(%run_scoped3A : memref<!tpu.dma_semaphore, #tpu.memory_space<semaphore_mem>>) src(%arg10 : memref<128x64xf32, #tpu.memory_space<vmem>>) dst(%dma_wait3A_96 : memref<128x64xf32, #tpu.memory_space<vmem_shared>>)
      tpu.yield
    }) : () -> ()
    %mul3A_9 = arith.constant 640 : i32
    %mul3A_10 = arith.muli %arg1, %mul3A_9 : i32
    %add3A_11 = arith.constant 256 : i32
    %add3A_12 = arith.addi %mul3A_10, %add3A_11 : i32
    "tpu.region"() ({
      %run_scoped3A = tpu.sem_alloc : memref<!tpu.dma_semaphore, #tpu.memory_space<semaphore_mem>>
      %dma_start3A_89 = arith.constant 0 : i32
      %dma_start3A_90 = tpu.memref_slice %arg11[%add3A_12, %dma_start3A_89] : memref<10240x64xf32, #tpu.memory_space<vmem_shared>> -> memref<128x64xf32, #tpu.memory_space<vmem_shared>>
      %dma_start3A_91 = arith.constant 0 : i32
      %dma_start3A_92 = tpu.memref_slice %arg11[%add3A_12, %dma_start3A_91] : memref<10240x64xf32, #tpu.memory_space<vmem_shared>> -> memref<128x64xf32, #tpu.memory_space<vmem_shared>>
      tpu.enqueue_dma source(%arg10 : memref<128x64xf32, #tpu.memory_space<vmem>>) target(%dma_start3A_92 : memref<128x64xf32, #tpu.memory_space<vmem_shared>>) target_semaphore(%run_scoped3A : memref<!tpu.dma_semaphore, #tpu.memory_space<semaphore_mem>>)
      %dma_wait3A_93 = arith.constant 0 : i32
      %dma_wait3A_94 = tpu.memref_slice %arg11[%add3A_12, %dma_wait3A_93] : memref<10240x64xf32, #tpu.memory_space<vmem_shared>> -> memref<128x64xf32, #tpu.memory_space<vmem_shared>>
      %dma_wait3A_95 = arith.constant 0 : i32
      %dma_wait3A_96 = tpu.memref_slice %arg11[%add3A_12, %dma_wait3A_95] : memref<10240x64xf32, #tpu.memory_space<vmem_shared>> -> memref<128x64xf32, #tpu.memory_space<vmem_shared>>
      tpu.wait_dma2 semaphore(%run_scoped3A : memref<!tpu.dma_semaphore, #tpu.memory_space<semaphore_mem>>) src(%arg10 : memref<128x64xf32, #tpu.memory_space<vmem>>) dst(%dma_wait3A_96 : memref<128x64xf32, #tpu.memory_space<vmem_shared>>)
      tpu.yield
    }) : () -> ()
    %mul3A_13 = arith.constant 640 : i32
    %mul3A_14 = arith.muli %arg1, %mul3A_13 : i32
    %add3A_15 = arith.constant 384 : i32
    %add3A_16 = arith.addi %mul3A_14, %add3A_15 : i32
    "tpu.region"() ({
      %run_scoped3A = tpu.sem_alloc : memref<!tpu.dma_semaphore, #tpu.memory_space<semaphore_mem>>
      %dma_start3A_89 = arith.constant 0 : i32
      %dma_start3A_90 = tpu.memref_slice %arg11[%add3A_16, %dma_start3A_89] : memref<10240x64xf32, #tpu.memory_space<vmem_shared>> -> memref<128x64xf32, #tpu.memory_space<vmem_shared>>
      %dma_start3A_91 = arith.constant 0 : i32
      %dma_start3A_92 = tpu.memref_slice %arg11[%add3A_16, %dma_start3A_91] : memref<10240x64xf32, #tpu.memory_space<vmem_shared>> -> memref<128x64xf32, #tpu.memory_space<vmem_shared>>
      tpu.enqueue_dma source(%arg10 : memref<128x64xf32, #tpu.memory_space<vmem>>) target(%dma_start3A_92 : memref<128x64xf32, #tpu.memory_space<vmem_shared>>) target_semaphore(%run_scoped3A : memref<!tpu.dma_semaphore, #tpu.memory_space<semaphore_mem>>)
      %dma_wait3A_93 = arith.constant 0 : i32
      %dma_wait3A_94 = tpu.memref_slice %arg11[%add3A_16, %dma_wait3A_93] : memref<10240x64xf32, #tpu.memory_space<vmem_shared>> -> memref<128x64xf32, #tpu.memory_space<vmem_shared>>
      %dma_wait3A_95 = arith.constant 0 : i32
      %dma_wait3A_96 = tpu.memref_slice %arg11[%add3A_16, %dma_wait3A_95] : memref<10240x64xf32, #tpu.memory_space<vmem_shared>> -> memref<128x64xf32, #tpu.memory_space<vmem_shared>>
      tpu.wait_dma2 semaphore(%run_scoped3A : memref<!tpu.dma_semaphore, #tpu.memory_space<semaphore_mem>>) src(%arg10 : memref<128x64xf32, #tpu.memory_space<vmem>>) dst(%dma_wait3A_96 : memref<128x64xf32, #tpu.memory_space<vmem_shared>>)
      tpu.yield
    }) : () -> ()
    %mul3A_17 = arith.constant 640 : i32
    %mul3A_18 = arith.muli %arg1, %mul3A_17 : i32
    %add3A_19 = arith.constant 512 : i32
    %add3A_20 = arith.addi %mul3A_18, %add3A_19 : i32
    "tpu.region"() ({
      %run_scoped3A = tpu.sem_alloc : memref<!tpu.dma_semaphore, #tpu.memory_space<semaphore_mem>>
      %dma_start3A_89 = arith.constant 0 : i32
      %dma_start3A_90 = tpu.memref_slice %arg11[%add3A_20, %dma_start3A_89] : memref<10240x64xf32, #tpu.memory_space<vmem_shared>> -> memref<128x64xf32, #tpu.memory_space<vmem_shared>>
      %dma_start3A_91 = arith.constant 0 : i32
      %dma_start3A_92 = tpu.memref_slice %arg11[%add3A_20, %dma_start3A_91] : memref<10240x64xf32, #tpu.memory_space<vmem_shared>> -> memref<128x64xf32, #tpu.memory_space<vmem_shared>>
      tpu.enqueue_dma source(%arg10 : memref<128x64xf32, #tpu.memory_space<vmem>>) target(%dma_start3A_92 : memref<128x64xf32, #tpu.memory_space<vmem_shared>>) target_semaphore(%run_scoped3A : memref<!tpu.dma_semaphore, #tpu.memory_space<semaphore_mem>>)
      %dma_wait3A_93 = arith.constant 0 : i32
      %dma_wait3A_94 = tpu.memref_slice %arg11[%add3A_20, %dma_wait3A_93] : memref<10240x64xf32, #tpu.memory_space<vmem_shared>> -> memref<128x64xf32, #tpu.memory_space<vmem_shared>>
      %dma_wait3A_95 = arith.constant 0 : i32
      %dma_wait3A_96 = tpu.memref_slice %arg11[%add3A_20, %dma_wait3A_95] : memref<10240x64xf32, #tpu.memory_space<vmem_shared>> -> memref<128x64xf32, #tpu.memory_space<vmem_shared>>
      tpu.wait_dma2 semaphore(%run_scoped3A : memref<!tpu.dma_semaphore, #tpu.memory_space<semaphore_mem>>) src(%arg10 : memref<128x64xf32, #tpu.memory_space<vmem>>) dst(%dma_wait3A_96 : memref<128x64xf32, #tpu.memory_space<vmem_shared>>)
      tpu.yield
    }) : () -> ()
    %barrier3A = arith.constant 0 : index
    tpu.barrier barrier_id(%barrier3A)
    %dma_start3A = arith.constant 0 : i32
    %dma_start3A_21 = arith.constant 0 : i32
    %dma_start3A_22 = arith.constant 0 : i32
    %dma_start3A_23 = arith.constant 0 : i32
    %dma_start3A_24 = tpu.memref_slice %arg9[%dma_start3A_21, %dma_start3A_22, %dma_start3A_23] : memref<2x128x64xf32, #tpu.memory_space<vmem>> -> memref<1x128x64xf32, #tpu.memory_space<vmem>>
    %dma_start3A_25 = tpu.memref_squeeze %dma_start3A_24 : memref<1x128x64xf32, #tpu.memory_space<vmem>> -> memref<128x64xf32, #tpu.memory_space<vmem>>
    %dma_start3A_26 = arith.constant 0 : i32
    %dma_start3A_27 = tpu.memref_slice %arg7[%dma_start3A, %dma_start3A_26] : memref<79x128xi32, #tpu.memory_space<vmem>> -> memref<1x128xi32, #tpu.memory_space<vmem>>
    %dma_start3A_28 = tpu.memref_squeeze %dma_start3A_27 : memref<1x128xi32, #tpu.memory_space<vmem>> -> memref<128xi32, #tpu.memory_space<vmem>>
    %dma_start3A_29 = arith.constant 0 : i32
    %dma_start3A_30 = arith.constant 0 : i32
    %dma_start3A_31 = tpu.memref_slice %arg2[%dma_start3A_29, %dma_start3A_30] : memref<10240x64xf32, #tpu.memory_space<hbm>> -> memref<10240x64xf32, #tpu.memory_space<hbm>>
    tpu.enqueue_indirect_dma source(%dma_start3A_31 : memref<10240x64xf32, #tpu.memory_space<hbm>>) target(%dma_start3A_25 : memref<128x64xf32, #tpu.memory_space<vmem>>) offsets(%dma_start3A_28 : memref<128xi32, #tpu.memory_space<vmem>>) semaphore(%arg12 : memref<!tpu.dma_semaphore, #tpu.memory_space<semaphore_mem>>)
    %scan3A = arith.constant 0 : i32
    %scan3A_32 = arith.constant 0 : i32
    %scan3A_33 = arith.constant 79 : i32
    %scan3A_34 = arith.addi %scan3A_32, %scan3A_33 : i32
    %scan3A_35 = arith.constant 1 : i32
    scf.for %scan3A_89 = %scan3A_32 to %scan3A_34 step %scan3A_35  : i32 {
      %dma_wait3A_90 = arith.constant 0 : i32
      %dma_wait3A_91 = arith.constant 0 : i32
      %dma_wait3A_92 = arith.constant 0 : i32
      %dma_wait3A_93 = arith.constant 0 : i32
      %dma_wait3A_94 = tpu.memref_slice %arg9[%dma_wait3A_91, %dma_wait3A_92, %dma_wait3A_93] : memref<2x128x64xf32, #tpu.memory_space<vmem>> -> memref<1x128x64xf32, #tpu.memory_space<vmem>>
      %dma_wait3A_95 = tpu.memref_squeeze %dma_wait3A_94 : memref<1x128x64xf32, #tpu.memory_space<vmem>> -> memref<128x64xf32, #tpu.memory_space<vmem>>
      %dma_wait3A_96 = arith.constant 0 : i32
      %dma_wait3A_97 = tpu.memref_slice %arg7[%dma_wait3A_90, %dma_wait3A_96] : memref<79x128xi32, #tpu.memory_space<vmem>> -> memref<1x128xi32, #tpu.memory_space<vmem>>
      %dma_wait3A_98 = tpu.memref_squeeze %dma_wait3A_97 : memref<1x128xi32, #tpu.memory_space<vmem>> -> memref<128xi32, #tpu.memory_space<vmem>>
      %dma_wait3A_99 = arith.constant 0 : i32
      %dma_wait3A_100 = arith.constant 0 : i32
      %dma_wait3A_101 = tpu.memref_slice %arg2[%dma_wait3A_99, %dma_wait3A_100] : memref<10240x64xf32, #tpu.memory_space<hbm>> -> memref<10240x64xf32, #tpu.memory_space<hbm>>
      tpu.wait_indirect_dma semaphore(%arg12 : memref<!tpu.dma_semaphore, #tpu.memory_space<semaphore_mem>>) src(%dma_wait3A_101 : memref<10240x64xf32, #tpu.memory_space<hbm>>) dst(%dma_wait3A_95 : memref<128x64xf32, #tpu.memory_space<vmem>>)
      %ge3A = arith.constant 1 : i32
      %ge3A_102 = arith.cmpi sge, %scan3A_89, %ge3A : i32
      %convert_element_type3A = arith.extui %ge3A_102 : i1 to i32
      %cond3A = arith.constant 0 : i32
      %cond3A_103 = arith.cmpi ne, %convert_element_type3A, %cond3A : i32
      scf.if %cond3A_103 {
        %dma_wait3A_128 = arith.constant 0 : i32
        %dma_wait3A_129 = arith.constant 0 : i32
        %dma_wait3A_130 = arith.constant 0 : i32
        %dma_wait3A_131 = arith.constant 0 : i32
        %dma_wait3A_132 = tpu.memref_slice %arg9[%dma_wait3A_128, %dma_wait3A_130, %dma_wait3A_131] : memref<2x128x64xf32, #tpu.memory_space<vmem>> -> memref<1x128x64xf32, #tpu.memory_space<vmem>>
        %dma_wait3A_133 = tpu.memref_squeeze %dma_wait3A_132 : memref<1x128x64xf32, #tpu.memory_space<vmem>> -> memref<128x64xf32, #tpu.memory_space<vmem>>
        %dma_wait3A_134 = arith.constant 0 : i32
        %dma_wait3A_135 = tpu.memref_slice %arg8[%dma_wait3A_129, %dma_wait3A_134] : memref<79x128xi32, #tpu.memory_space<vmem>> -> memref<1x128xi32, #tpu.memory_space<vmem>>
        %dma_wait3A_136 = tpu.memref_squeeze %dma_wait3A_135 : memref<1x128xi32, #tpu.memory_space<vmem>> -> memref<128xi32, #tpu.memory_space<vmem>>
        %dma_wait3A_137 = arith.constant 0 : i32
        %dma_wait3A_138 = arith.constant 0 : i32
        %dma_wait3A_139 = tpu.memref_slice %arg11[%dma_wait3A_137, %dma_wait3A_138] : memref<10240x64xf32, #tpu.memory_space<vmem_shared>> -> memref<10240x64xf32, #tpu.memory_space<vmem_shared>>
        tpu.wait_indirect_dma semaphore(%arg13 : memref<!tpu.dma_semaphore, #tpu.memory_space<semaphore_mem>>) src(%dma_wait3A_133 : memref<128x64xf32, #tpu.memory_space<vmem>>) dst(%dma_wait3A_139 : memref<10240x64xf32, #tpu.memory_space<vmem_shared>>)
      } else {
      }
      %lt3A = arith.constant 78 : i32
      %lt3A_104 = arith.cmpi slt, %scan3A_89, %lt3A : i32
      %convert_element_type3A_105 = arith.extui %lt3A_104 : i1 to i32
      %cond3A_106 = arith.constant 0 : i32
      %cond3A_107 = arith.cmpi ne, %convert_element_type3A_105, %cond3A_106 : i32
      scf.if %cond3A_107 {
        %add3A_128 = arith.constant 1 : i32
        %add3A_129 = arith.addi %scan3A_89, %add3A_128 : i32
        %add3A_130 = arith.constant 1 : i32
        %add3A_131 = arith.addi %scan3A_89, %add3A_130 : i32
        %jit3A_132 = arith.constant 2 : i32
        %eq3A_133 = arith.constant 0 : i32
        %eq3A_134 = arith.cmpi eq, %jit3A_132, %eq3A_133 : i32
        %jit3A_135 = arith.constant 1 : i32
        %select_n3A_136 = arith.select %eq3A_134, %jit3A_135, %jit3A_132 : i32
        %rem3A_137 = arith.remsi %add3A_131, %select_n3A_136 : i32
        %ne3A_138 = arith.constant 0 : i32
        %ne3A_139 = arith.cmpi ne, %rem3A_137, %ne3A_138 : i32
        %lt3A_140 = arith.constant 0 : i32
        %lt3A_141 = arith.cmpi slt, %rem3A_137, %lt3A_140 : i32
        %lt3A_142 = arith.constant 0 : i32
        %lt3A_143 = arith.cmpi slt, %select_n3A_136, %lt3A_142 : i32
        %ne3A_144 = arith.xori %lt3A_141, %lt3A_143 : i1
        %and3A_145 = arith.andi %ne3A_144, %ne3A_139 : i1
        %add3A_146 = arith.addi %rem3A_137, %select_n3A_136 : i32
        %select_n3A_147 = arith.select %and3A_145, %add3A_146, %rem3A_137 : i32
        %dma_start3A_148 = arith.constant 0 : i32
        %dma_start3A_149 = arith.constant 0 : i32
        %dma_start3A_150 = tpu.memref_slice %arg9[%select_n3A_147, %dma_start3A_148, %dma_start3A_149] : memref<2x128x64xf32, #tpu.memory_space<vmem>> -> memref<1x128x64xf32, #tpu.memory_space<vmem>>
        %dma_start3A_151 = tpu.memref_squeeze %dma_start3A_150 : memref<1x128x64xf32, #tpu.memory_space<vmem>> -> memref<128x64xf32, #tpu.memory_space<vmem>>
        %dma_start3A_152 = arith.constant 0 : i32
        %dma_start3A_153 = tpu.memref_slice %arg7[%add3A_129, %dma_start3A_152] : memref<79x128xi32, #tpu.memory_space<vmem>> -> memref<1x128xi32, #tpu.memory_space<vmem>>
        %dma_start3A_154 = tpu.memref_squeeze %dma_start3A_153 : memref<1x128xi32, #tpu.memory_space<vmem>> -> memref<128xi32, #tpu.memory_space<vmem>>
        %dma_start3A_155 = arith.constant 0 : i32
        %dma_start3A_156 = arith.constant 0 : i32
        %dma_start3A_157 = tpu.memref_slice %arg2[%dma_start3A_155, %dma_start3A_156] : memref<10240x64xf32, #tpu.memory_space<hbm>> -> memref<10240x64xf32, #tpu.memory_space<hbm>>
        tpu.enqueue_indirect_dma source(%dma_start3A_157 : memref<10240x64xf32, #tpu.memory_space<hbm>>) target(%dma_start3A_151 : memref<128x64xf32, #tpu.memory_space<vmem>>) offsets(%dma_start3A_154 : memref<128xi32, #tpu.memory_space<vmem>>) semaphore(%arg12 : memref<!tpu.dma_semaphore, #tpu.memory_space<semaphore_mem>>)
      } else {
      }
      %jit3A = arith.constant 2 : i32
      %eq3A = arith.constant 0 : i32
      %eq3A_108 = arith.cmpi eq, %jit3A, %eq3A : i32
      %jit3A_109 = arith.constant 1 : i32
      %select_n3A = arith.select %eq3A_108, %jit3A_109, %jit3A : i32
      %rem3A = arith.remsi %scan3A_89, %select_n3A : i32
      %ne3A = arith.constant 0 : i32
      %ne3A_110 = arith.cmpi ne, %rem3A, %ne3A : i32
      %lt3A_111 = arith.constant 0 : i32
      %lt3A_112 = arith.cmpi slt, %rem3A, %lt3A_111 : i32
      %lt3A_113 = arith.constant 0 : i32
      %lt3A_114 = arith.cmpi slt, %select_n3A, %lt3A_113 : i32
      %ne3A_115 = arith.xori %lt3A_112, %lt3A_114 : i1
      %and3A = arith.andi %ne3A_115, %ne3A_110 : i1
      %add3A_116 = arith.addi %rem3A, %select_n3A : i32
      %select_n3A_117 = arith.select %and3A, %add3A_116, %rem3A : i32
      %dma_start3A_118 = arith.constant 0 : i32
      %dma_start3A_119 = arith.constant 0 : i32
      %dma_start3A_120 = tpu.memref_slice %arg9[%select_n3A_117, %dma_start3A_118, %dma_start3A_119] : memref<2x128x64xf32, #tpu.memory_space<vmem>> -> memref<1x128x64xf32, #tpu.memory_space<vmem>>
      %dma_start3A_121 = tpu.memref_squeeze %dma_start3A_120 : memref<1x128x64xf32, #tpu.memory_space<vmem>> -> memref<128x64xf32, #tpu.memory_space<vmem>>
      %dma_start3A_122 = arith.constant 0 : i32
      %dma_start3A_123 = tpu.memref_slice %arg8[%scan3A_89, %dma_start3A_122] : memref<79x128xi32, #tpu.memory_space<vmem>> -> memref<1x128xi32, #tpu.memory_space<vmem>>
      %dma_start3A_124 = tpu.memref_squeeze %dma_start3A_123 : memref<1x128xi32, #tpu.memory_space<vmem>> -> memref<128xi32, #tpu.memory_space<vmem>>
      %dma_start3A_125 = arith.constant 0 : i32
      %dma_start3A_126 = arith.constant 0 : i32
      %dma_start3A_127 = tpu.memref_slice %arg11[%dma_start3A_125, %dma_start3A_126] : memref<10240x64xf32, #tpu.memory_space<vmem_shared>> -> memref<10240x64xf32, #tpu.memory_space<vmem_shared>>
      tpu.enqueue_indirect_dma source(%dma_start3A_121 : memref<128x64xf32, #tpu.memory_space<vmem>>) target(%dma_start3A_127 : memref<10240x64xf32, #tpu.memory_space<vmem_shared>>) offsets(%dma_start3A_124 : memref<128xi32, #tpu.memory_space<vmem>>) semaphore(%arg13 : memref<!tpu.dma_semaphore, #tpu.memory_space<semaphore_mem>>) {add = true}
    }
    %scan3A_36 = arith.constant 79 : i32
    %dma_wait3A = arith.constant 0 : i32
    %dma_wait3A_37 = arith.constant 0 : i32
    %dma_wait3A_38 = arith.constant 0 : i32
    %dma_wait3A_39 = arith.constant 0 : i32
    %dma_wait3A_40 = tpu.memref_slice %arg9[%dma_wait3A, %dma_wait3A_38, %dma_wait3A_39] : memref<2x128x64xf32, #tpu.memory_space<vmem>> -> memref<1x128x64xf32, #tpu.memory_space<vmem>>
    %dma_wait3A_41 = tpu.memref_squeeze %dma_wait3A_40 : memref<1x128x64xf32, #tpu.memory_space<vmem>> -> memref<128x64xf32, #tpu.memory_space<vmem>>
    %dma_wait3A_42 = arith.constant 0 : i32
    %dma_wait3A_43 = tpu.memref_slice %arg8[%dma_wait3A_37, %dma_wait3A_42] : memref<79x128xi32, #tpu.memory_space<vmem>> -> memref<1x128xi32, #tpu.memory_space<vmem>>
    %dma_wait3A_44 = tpu.memref_squeeze %dma_wait3A_43 : memref<1x128xi32, #tpu.memory_space<vmem>> -> memref<128xi32, #tpu.memory_space<vmem>>
    %dma_wait3A_45 = arith.constant 0 : i32
    %dma_wait3A_46 = arith.constant 0 : i32
    %dma_wait3A_47 = tpu.memref_slice %arg11[%dma_wait3A_45, %dma_wait3A_46] : memref<10240x64xf32, #tpu.memory_space<vmem_shared>> -> memref<10240x64xf32, #tpu.memory_space<vmem_shared>>
    tpu.wait_indirect_dma semaphore(%arg13 : memref<!tpu.dma_semaphore, #tpu.memory_space<semaphore_mem>>) src(%dma_wait3A_41 : memref<128x64xf32, #tpu.memory_space<vmem>>) dst(%dma_wait3A_47 : memref<10240x64xf32, #tpu.memory_space<vmem_shared>>)
    %barrier3A_48 = arith.constant 0 : index
    tpu.barrier barrier_id(%barrier3A_48)
    %mul3A_49 = arith.constant 640 : i32
    %mul3A_50 = arith.muli %arg1, %mul3A_49 : i32
    %add3A_51 = arith.constant 0 : i32
    %add3A_52 = arith.addi %mul3A_50, %add3A_51 : i32
    "tpu.region"() ({
      %run_scoped3A = tpu.sem_alloc : memref<!tpu.dma_semaphore, #tpu.memory_space<semaphore_mem>>
      %dma_start3A_89 = arith.constant 0 : i32
      %dma_start3A_90 = tpu.memref_slice %arg11[%add3A_52, %dma_start3A_89] : memref<10240x64xf32, #tpu.memory_space<vmem_shared>> -> memref<128x64xf32, #tpu.memory_space<vmem_shared>>
      %dma_start3A_91 = arith.constant 0 : i32
      %dma_start3A_92 = tpu.memref_slice %arg11[%add3A_52, %dma_start3A_91] : memref<10240x64xf32, #tpu.memory_space<vmem_shared>> -> memref<128x64xf32, #tpu.memory_space<vmem_shared>>
      tpu.enqueue_dma source(%dma_start3A_92 : memref<128x64xf32, #tpu.memory_space<vmem_shared>>) target(%arg10 : memref<128x64xf32, #tpu.memory_space<vmem>>) target_semaphore(%run_scoped3A : memref<!tpu.dma_semaphore, #tpu.memory_space<semaphore_mem>>)
      %dma_wait3A_93 = arith.constant 0 : i32
      %dma_wait3A_94 = tpu.memref_slice %arg11[%add3A_52, %dma_wait3A_93] : memref<10240x64xf32, #tpu.memory_space<vmem_shared>> -> memref<128x64xf32, #tpu.memory_space<vmem_shared>>
      %dma_wait3A_95 = arith.constant 0 : i32
      %dma_wait3A_96 = tpu.memref_slice %arg11[%add3A_52, %dma_wait3A_95] : memref<10240x64xf32, #tpu.memory_space<vmem_shared>> -> memref<128x64xf32, #tpu.memory_space<vmem_shared>>
      tpu.wait_dma2 semaphore(%run_scoped3A : memref<!tpu.dma_semaphore, #tpu.memory_space<semaphore_mem>>) src(%dma_wait3A_96 : memref<128x64xf32, #tpu.memory_space<vmem_shared>>) dst(%arg10 : memref<128x64xf32, #tpu.memory_space<vmem>>)
      tpu.yield
    }) : () -> ()
    %mul3A_53 = arith.constant 640 : i32
    %mul3A_54 = arith.muli %arg1, %mul3A_53 : i32
    %add3A_55 = arith.constant 0 : i32
    %add3A_56 = arith.addi %mul3A_54, %add3A_55 : i32
    "tpu.region"() ({
      %run_scoped3A = tpu.sem_alloc : memref<!tpu.dma_semaphore, #tpu.memory_space<semaphore_mem>>
      %dma_start3A_89 = arith.constant 0 : i32
      %dma_start3A_90 = tpu.memref_slice %arg6[%arg0, %add3A_56, %dma_start3A_89] : memref<2x10240x64xf32, #tpu.memory_space<hbm>> -> memref<1x128x64xf32, #tpu.memory_space<hbm>>
      %dma_start3A_91 = tpu.memref_squeeze %dma_start3A_90 : memref<1x128x64xf32, #tpu.memory_space<hbm>> -> memref<128x64xf32, #tpu.memory_space<hbm>>
      %dma_start3A_92 = arith.constant 0 : i32
      %dma_start3A_93 = tpu.memref_slice %arg6[%arg0, %add3A_56, %dma_start3A_92] : memref<2x10240x64xf32, #tpu.memory_space<hbm>> -> memref<1x128x64xf32, #tpu.memory_space<hbm>>
      %dma_start3A_94 = tpu.memref_squeeze %dma_start3A_93 : memref<1x128x64xf32, #tpu.memory_space<hbm>> -> memref<128x64xf32, #tpu.memory_space<hbm>>
      tpu.enqueue_dma source(%arg10 : memref<128x64xf32, #tpu.memory_space<vmem>>) target(%dma_start3A_94 : memref<128x64xf32, #tpu.memory_space<hbm>>) target_semaphore(%run_scoped3A : memref<!tpu.dma_semaphore, #tpu.memory_space<semaphore_mem>>)
      %dma_wait3A_95 = arith.constant 0 : i32
      %dma_wait3A_96 = tpu.memref_slice %arg6[%arg0, %add3A_56, %dma_wait3A_95] : memref<2x10240x64xf32, #tpu.memory_space<hbm>> -> memref<1x128x64xf32, #tpu.memory_space<hbm>>
      %dma_wait3A_97 = tpu.memref_squeeze %dma_wait3A_96 : memref<1x128x64xf32, #tpu.memory_space<hbm>> -> memref<128x64xf32, #tpu.memory_space<hbm>>
      %dma_wait3A_98 = arith.constant 0 : i32
      %dma_wait3A_99 = tpu.memref_slice %arg6[%arg0, %add3A_56, %dma_wait3A_98] : memref<2x10240x64xf32, #tpu.memory_space<hbm>> -> memref<1x128x64xf32, #tpu.memory_space<hbm>>
      %dma_wait3A_100 = tpu.memref_squeeze %dma_wait3A_99 : memref<1x128x64xf32, #tpu.memory_space<hbm>> -> memref<128x64xf32, #tpu.memory_space<hbm>>
      tpu.wait_dma2 semaphore(%run_scoped3A : memref<!tpu.dma_semaphore, #tpu.memory_space<semaphore_mem>>) src(%arg10 : memref<128x64xf32, #tpu.memory_space<vmem>>) dst(%dma_wait3A_100 : memref<128x64xf32, #tpu.memory_space<hbm>>)
      tpu.yield
    }) : () -> ()
    %mul3A_57 = arith.constant 640 : i32
    %mul3A_58 = arith.muli %arg1, %mul3A_57 : i32
    %add3A_59 = arith.constant 128 : i32
    %add3A_60 = arith.addi %mul3A_58, %add3A_59 : i32
    "tpu.region"() ({
      %run_scoped3A = tpu.sem_alloc : memref<!tpu.dma_semaphore, #tpu.memory_space<semaphore_mem>>
      %dma_start3A_89 = arith.constant 0 : i32
      %dma_start3A_90 = tpu.memref_slice %arg11[%add3A_60, %dma_start3A_89] : memref<10240x64xf32, #tpu.memory_space<vmem_shared>> -> memref<128x64xf32, #tpu.memory_space<vmem_shared>>
      %dma_start3A_91 = arith.constant 0 : i32
      %dma_start3A_92 = tpu.memref_slice %arg11[%add3A_60, %dma_start3A_91] : memref<10240x64xf32, #tpu.memory_space<vmem_shared>> -> memref<128x64xf32, #tpu.memory_space<vmem_shared>>
      tpu.enqueue_dma source(%dma_start3A_92 : memref<128x64xf32, #tpu.memory_space<vmem_shared>>) target(%arg10 : memref<128x64xf32, #tpu.memory_space<vmem>>) target_semaphore(%run_scoped3A : memref<!tpu.dma_semaphore, #tpu.memory_space<semaphore_mem>>)
      %dma_wait3A_93 = arith.constant 0 : i32
      %dma_wait3A_94 = tpu.memref_slice %arg11[%add3A_60, %dma_wait3A_93] : memref<10240x64xf32, #tpu.memory_space<vmem_shared>> -> memref<128x64xf32, #tpu.memory_space<vmem_shared>>
      %dma_wait3A_95 = arith.constant 0 : i32
      %dma_wait3A_96 = tpu.memref_slice %arg11[%add3A_60, %dma_wait3A_95] : memref<10240x64xf32, #tpu.memory_space<vmem_shared>> -> memref<128x64xf32, #tpu.memory_space<vmem_shared>>
      tpu.wait_dma2 semaphore(%run_scoped3A : memref<!tpu.dma_semaphore, #tpu.memory_space<semaphore_mem>>) src(%dma_wait3A_96 : memref<128x64xf32, #tpu.memory_space<vmem_shared>>) dst(%arg10 : memref<128x64xf32, #tpu.memory_space<vmem>>)
      tpu.yield
    }) : () -> ()
    %mul3A_61 = arith.constant 640 : i32
    %mul3A_62 = arith.muli %arg1, %mul3A_61 : i32
    %add3A_63 = arith.constant 128 : i32
    %add3A_64 = arith.addi %mul3A_62, %add3A_63 : i32
    "tpu.region"() ({
      %run_scoped3A = tpu.sem_alloc : memref<!tpu.dma_semaphore, #tpu.memory_space<semaphore_mem>>
      %dma_start3A_89 = arith.constant 0 : i32
      %dma_start3A_90 = tpu.memref_slice %arg6[%arg0, %add3A_64, %dma_start3A_89] : memref<2x10240x64xf32, #tpu.memory_space<hbm>> -> memref<1x128x64xf32, #tpu.memory_space<hbm>>
      %dma_start3A_91 = tpu.memref_squeeze %dma_start3A_90 : memref<1x128x64xf32, #tpu.memory_space<hbm>> -> memref<128x64xf32, #tpu.memory_space<hbm>>
      %dma_start3A_92 = arith.constant 0 : i32
      %dma_start3A_93 = tpu.memref_slice %arg6[%arg0, %add3A_64, %dma_start3A_92] : memref<2x10240x64xf32, #tpu.memory_space<hbm>> -> memref<1x128x64xf32, #tpu.memory_space<hbm>>
      %dma_start3A_94 = tpu.memref_squeeze %dma_start3A_93 : memref<1x128x64xf32, #tpu.memory_space<hbm>> -> memref<128x64xf32, #tpu.memory_space<hbm>>
      tpu.enqueue_dma source(%arg10 : memref<128x64xf32, #tpu.memory_space<vmem>>) target(%dma_start3A_94 : memref<128x64xf32, #tpu.memory_space<hbm>>) target_semaphore(%run_scoped3A : memref<!tpu.dma_semaphore, #tpu.memory_space<semaphore_mem>>)
      %dma_wait3A_95 = arith.constant 0 : i32
      %dma_wait3A_96 = tpu.memref_slice %arg6[%arg0, %add3A_64, %dma_wait3A_95] : memref<2x10240x64xf32, #tpu.memory_space<hbm>> -> memref<1x128x64xf32, #tpu.memory_space<hbm>>
      %dma_wait3A_97 = tpu.memref_squeeze %dma_wait3A_96 : memref<1x128x64xf32, #tpu.memory_space<hbm>> -> memref<128x64xf32, #tpu.memory_space<hbm>>
      %dma_wait3A_98 = arith.constant 0 : i32
      %dma_wait3A_99 = tpu.memref_slice %arg6[%arg0, %add3A_64, %dma_wait3A_98] : memref<2x10240x64xf32, #tpu.memory_space<hbm>> -> memref<1x128x64xf32, #tpu.memory_space<hbm>>
      %dma_wait3A_100 = tpu.memref_squeeze %dma_wait3A_99 : memref<1x128x64xf32, #tpu.memory_space<hbm>> -> memref<128x64xf32, #tpu.memory_space<hbm>>
      tpu.wait_dma2 semaphore(%run_scoped3A : memref<!tpu.dma_semaphore, #tpu.memory_space<semaphore_mem>>) src(%arg10 : memref<128x64xf32, #tpu.memory_space<vmem>>) dst(%dma_wait3A_100 : memref<128x64xf32, #tpu.memory_space<hbm>>)
      tpu.yield
    }) : () -> ()
    %mul3A_65 = arith.constant 640 : i32
    %mul3A_66 = arith.muli %arg1, %mul3A_65 : i32
    %add3A_67 = arith.constant 256 : i32
    %add3A_68 = arith.addi %mul3A_66, %add3A_67 : i32
    "tpu.region"() ({
      %run_scoped3A = tpu.sem_alloc : memref<!tpu.dma_semaphore, #tpu.memory_space<semaphore_mem>>
      %dma_start3A_89 = arith.constant 0 : i32
      %dma_start3A_90 = tpu.memref_slice %arg11[%add3A_68, %dma_start3A_89] : memref<10240x64xf32, #tpu.memory_space<vmem_shared>> -> memref<128x64xf32, #tpu.memory_space<vmem_shared>>
      %dma_start3A_91 = arith.constant 0 : i32
      %dma_start3A_92 = tpu.memref_slice %arg11[%add3A_68, %dma_start3A_91] : memref<10240x64xf32, #tpu.memory_space<vmem_shared>> -> memref<128x64xf32, #tpu.memory_space<vmem_shared>>
      tpu.enqueue_dma source(%dma_start3A_92 : memref<128x64xf32, #tpu.memory_space<vmem_shared>>) target(%arg10 : memref<128x64xf32, #tpu.memory_space<vmem>>) target_semaphore(%run_scoped3A : memref<!tpu.dma_semaphore, #tpu.memory_space<semaphore_mem>>)
      %dma_wait3A_93 = arith.constant 0 : i32
      %dma_wait3A_94 = tpu.memref_slice %arg11[%add3A_68, %dma_wait3A_93] : memref<10240x64xf32, #tpu.memory_space<vmem_shared>> -> memref<128x64xf32, #tpu.memory_space<vmem_shared>>
      %dma_wait3A_95 = arith.constant 0 : i32
      %dma_wait3A_96 = tpu.memref_slice %arg11[%add3A_68, %dma_wait3A_95] : memref<10240x64xf32, #tpu.memory_space<vmem_shared>> -> memref<128x64xf32, #tpu.memory_space<vmem_shared>>
      tpu.wait_dma2 semaphore(%run_scoped3A : memref<!tpu.dma_semaphore, #tpu.memory_space<semaphore_mem>>) src(%dma_wait3A_96 : memref<128x64xf32, #tpu.memory_space<vmem_shared>>) dst(%arg10 : memref<128x64xf32, #tpu.memory_space<vmem>>)
      tpu.yield
    }) : () -> ()
    %mul3A_69 = arith.constant 640 : i32
    %mul3A_70 = arith.muli %arg1, %mul3A_69 : i32
    %add3A_71 = arith.constant 256 : i32
    %add3A_72 = arith.addi %mul3A_70, %add3A_71 : i32
    "tpu.region"() ({
      %run_scoped3A = tpu.sem_alloc : memref<!tpu.dma_semaphore, #tpu.memory_space<semaphore_mem>>
      %dma_start3A_89 = arith.constant 0 : i32
      %dma_start3A_90 = tpu.memref_slice %arg6[%arg0, %add3A_72, %dma_start3A_89] : memref<2x10240x64xf32, #tpu.memory_space<hbm>> -> memref<1x128x64xf32, #tpu.memory_space<hbm>>
      %dma_start3A_91 = tpu.memref_squeeze %dma_start3A_90 : memref<1x128x64xf32, #tpu.memory_space<hbm>> -> memref<128x64xf32, #tpu.memory_space<hbm>>
      %dma_start3A_92 = arith.constant 0 : i32
      %dma_start3A_93 = tpu.memref_slice %arg6[%arg0, %add3A_72, %dma_start3A_92] : memref<2x10240x64xf32, #tpu.memory_space<hbm>> -> memref<1x128x64xf32, #tpu.memory_space<hbm>>
      %dma_start3A_94 = tpu.memref_squeeze %dma_start3A_93 : memref<1x128x64xf32, #tpu.memory_space<hbm>> -> memref<128x64xf32, #tpu.memory_space<hbm>>
      tpu.enqueue_dma source(%arg10 : memref<128x64xf32, #tpu.memory_space<vmem>>) target(%dma_start3A_94 : memref<128x64xf32, #tpu.memory_space<hbm>>) target_semaphore(%run_scoped3A : memref<!tpu.dma_semaphore, #tpu.memory_space<semaphore_mem>>)
      %dma_wait3A_95 = arith.constant 0 : i32
      %dma_wait3A_96 = tpu.memref_slice %arg6[%arg0, %add3A_72, %dma_wait3A_95] : memref<2x10240x64xf32, #tpu.memory_space<hbm>> -> memref<1x128x64xf32, #tpu.memory_space<hbm>>
      %dma_wait3A_97 = tpu.memref_squeeze %dma_wait3A_96 : memref<1x128x64xf32, #tpu.memory_space<hbm>> -> memref<128x64xf32, #tpu.memory_space<hbm>>
      %dma_wait3A_98 = arith.constant 0 : i32
      %dma_wait3A_99 = tpu.memref_slice %arg6[%arg0, %add3A_72, %dma_wait3A_98] : memref<2x10240x64xf32, #tpu.memory_space<hbm>> -> memref<1x128x64xf32, #tpu.memory_space<hbm>>
      %dma_wait3A_100 = tpu.memref_squeeze %dma_wait3A_99 : memref<1x128x64xf32, #tpu.memory_space<hbm>> -> memref<128x64xf32, #tpu.memory_space<hbm>>
      tpu.wait_dma2 semaphore(%run_scoped3A : memref<!tpu.dma_semaphore, #tpu.memory_space<semaphore_mem>>) src(%arg10 : memref<128x64xf32, #tpu.memory_space<vmem>>) dst(%dma_wait3A_100 : memref<128x64xf32, #tpu.memory_space<hbm>>)
      tpu.yield
    }) : () -> ()
    %mul3A_73 = arith.constant 640 : i32
    %mul3A_74 = arith.muli %arg1, %mul3A_73 : i32
    %add3A_75 = arith.constant 384 : i32
    %add3A_76 = arith.addi %mul3A_74, %add3A_75 : i32
    "tpu.region"() ({
      %run_scoped3A = tpu.sem_alloc : memref<!tpu.dma_semaphore, #tpu.memory_space<semaphore_mem>>
      %dma_start3A_89 = arith.constant 0 : i32
      %dma_start3A_90 = tpu.memref_slice %arg11[%add3A_76, %dma_start3A_89] : memref<10240x64xf32, #tpu.memory_space<vmem_shared>> -> memref<128x64xf32, #tpu.memory_space<vmem_shared>>
      %dma_start3A_91 = arith.constant 0 : i32
      %dma_start3A_92 = tpu.memref_slice %arg11[%add3A_76, %dma_start3A_91] : memref<10240x64xf32, #tpu.memory_space<vmem_shared>> -> memref<128x64xf32, #tpu.memory_space<vmem_shared>>
      tpu.enqueue_dma source(%dma_start3A_92 : memref<128x64xf32, #tpu.memory_space<vmem_shared>>) target(%arg10 : memref<128x64xf32, #tpu.memory_space<vmem>>) target_semaphore(%run_scoped3A : memref<!tpu.dma_semaphore, #tpu.memory_space<semaphore_mem>>)
      %dma_wait3A_93 = arith.constant 0 : i32
      %dma_wait3A_94 = tpu.memref_slice %arg11[%add3A_76, %dma_wait3A_93] : memref<10240x64xf32, #tpu.memory_space<vmem_shared>> -> memref<128x64xf32, #tpu.memory_space<vmem_shared>>
      %dma_wait3A_95 = arith.constant 0 : i32
      %dma_wait3A_96 = tpu.memref_slice %arg11[%add3A_76, %dma_wait3A_95] : memref<10240x64xf32, #tpu.memory_space<vmem_shared>> -> memref<128x64xf32, #tpu.memory_space<vmem_shared>>
      tpu.wait_dma2 semaphore(%run_scoped3A : memref<!tpu.dma_semaphore, #tpu.memory_space<semaphore_mem>>) src(%dma_wait3A_96 : memref<128x64xf32, #tpu.memory_space<vmem_shared>>) dst(%arg10 : memref<128x64xf32, #tpu.memory_space<vmem>>)
      tpu.yield
    }) : () -> ()
    %mul3A_77 = arith.constant 640 : i32
    %mul3A_78 = arith.muli %arg1, %mul3A_77 : i32
    %add3A_79 = arith.constant 384 : i32
    %add3A_80 = arith.addi %mul3A_78, %add3A_79 : i32
    "tpu.region"() ({
      %run_scoped3A = tpu.sem_alloc : memref<!tpu.dma_semaphore, #tpu.memory_space<semaphore_mem>>
      %dma_start3A_89 = arith.constant 0 : i32
      %dma_start3A_90 = tpu.memref_slice %arg6[%arg0, %add3A_80, %dma_start3A_89] : memref<2x10240x64xf32, #tpu.memory_space<hbm>> -> memref<1x128x64xf32, #tpu.memory_space<hbm>>
      %dma_start3A_91 = tpu.memref_squeeze %dma_start3A_90 : memref<1x128x64xf32, #tpu.memory_space<hbm>> -> memref<128x64xf32, #tpu.memory_space<hbm>>
      %dma_start3A_92 = arith.constant 0 : i32
      %dma_start3A_93 = tpu.memref_slice %arg6[%arg0, %add3A_80, %dma_start3A_92] : memref<2x10240x64xf32, #tpu.memory_space<hbm>> -> memref<1x128x64xf32, #tpu.memory_space<hbm>>
      %dma_start3A_94 = tpu.memref_squeeze %dma_start3A_93 : memref<1x128x64xf32, #tpu.memory_space<hbm>> -> memref<128x64xf32, #tpu.memory_space<hbm>>
      tpu.enqueue_dma source(%arg10 : memref<128x64xf32, #tpu.memory_space<vmem>>) target(%dma_start3A_94 : memref<128x64xf32, #tpu.memory_space<hbm>>) target_semaphore(%run_scoped3A : memref<!tpu.dma_semaphore, #tpu.memory_space<semaphore_mem>>)
      %dma_wait3A_95 = arith.constant 0 : i32
      %dma_wait3A_96 = tpu.memref_slice %arg6[%arg0, %add3A_80, %dma_wait3A_95] : memref<2x10240x64xf32, #tpu.memory_space<hbm>> -> memref<1x128x64xf32, #tpu.memory_space<hbm>>
      %dma_wait3A_97 = tpu.memref_squeeze %dma_wait3A_96 : memref<1x128x64xf32, #tpu.memory_space<hbm>> -> memref<128x64xf32, #tpu.memory_space<hbm>>
      %dma_wait3A_98 = arith.constant 0 : i32
      %dma_wait3A_99 = tpu.memref_slice %arg6[%arg0, %add3A_80, %dma_wait3A_98] : memref<2x10240x64xf32, #tpu.memory_space<hbm>> -> memref<1x128x64xf32, #tpu.memory_space<hbm>>
      %dma_wait3A_100 = tpu.memref_squeeze %dma_wait3A_99 : memref<1x128x64xf32, #tpu.memory_space<hbm>> -> memref<128x64xf32, #tpu.memory_space<hbm>>
      tpu.wait_dma2 semaphore(%run_scoped3A : memref<!tpu.dma_semaphore, #tpu.memory_space<semaphore_mem>>) src(%arg10 : memref<128x64xf32, #tpu.memory_space<vmem>>) dst(%dma_wait3A_100 : memref<128x64xf32, #tpu.memory_space<hbm>>)
      tpu.yield
    }) : () -> ()
    %mul3A_81 = arith.constant 640 : i32
    %mul3A_82 = arith.muli %arg1, %mul3A_81 : i32
    %add3A_83 = arith.constant 512 : i32
    %add3A_84 = arith.addi %mul3A_82, %add3A_83 : i32
    "tpu.region"() ({
      %run_scoped3A = tpu.sem_alloc : memref<!tpu.dma_semaphore, #tpu.memory_space<semaphore_mem>>
      %dma_start3A_89 = arith.constant 0 : i32
      %dma_start3A_90 = tpu.memref_slice %arg11[%add3A_84, %dma_start3A_89] : memref<10240x64xf32, #tpu.memory_space<vmem_shared>> -> memref<128x64xf32, #tpu.memory_space<vmem_shared>>
      %dma_start3A_91 = arith.constant 0 : i32
      %dma_start3A_92 = tpu.memref_slice %arg11[%add3A_84, %dma_start3A_91] : memref<10240x64xf32, #tpu.memory_space<vmem_shared>> -> memref<128x64xf32, #tpu.memory_space<vmem_shared>>
      tpu.enqueue_dma source(%dma_start3A_92 : memref<128x64xf32, #tpu.memory_space<vmem_shared>>) target(%arg10 : memref<128x64xf32, #tpu.memory_space<vmem>>) target_semaphore(%run_scoped3A : memref<!tpu.dma_semaphore, #tpu.memory_space<semaphore_mem>>)
      %dma_wait3A_93 = arith.constant 0 : i32
      %dma_wait3A_94 = tpu.memref_slice %arg11[%add3A_84, %dma_wait3A_93] : memref<10240x64xf32, #tpu.memory_space<vmem_shared>> -> memref<128x64xf32, #tpu.memory_space<vmem_shared>>
      %dma_wait3A_95 = arith.constant 0 : i32
      %dma_wait3A_96 = tpu.memref_slice %arg11[%add3A_84, %dma_wait3A_95] : memref<10240x64xf32, #tpu.memory_space<vmem_shared>> -> memref<128x64xf32, #tpu.memory_space<vmem_shared>>
      tpu.wait_dma2 semaphore(%run_scoped3A : memref<!tpu.dma_semaphore, #tpu.memory_space<semaphore_mem>>) src(%dma_wait3A_96 : memref<128x64xf32, #tpu.memory_space<vmem_shared>>) dst(%arg10 : memref<128x64xf32, #tpu.memory_space<vmem>>)
      tpu.yield
    }) : () -> ()
    %mul3A_85 = arith.constant 640 : i32
    %mul3A_86 = arith.muli %arg1, %mul3A_85 : i32
    %add3A_87 = arith.constant 512 : i32
    %add3A_88 = arith.addi %mul3A_86, %add3A_87 : i32
    "tpu.region"() ({
      %run_scoped3A = tpu.sem_alloc : memref<!tpu.dma_semaphore, #tpu.memory_space<semaphore_mem>>
      %dma_start3A_89 = arith.constant 0 : i32
      %dma_start3A_90 = tpu.memref_slice %arg6[%arg0, %add3A_88, %dma_start3A_89] : memref<2x10240x64xf32, #tpu.memory_space<hbm>> -> memref<1x128x64xf32, #tpu.memory_space<hbm>>
      %dma_start3A_91 = tpu.memref_squeeze %dma_start3A_90 : memref<1x128x64xf32, #tpu.memory_space<hbm>> -> memref<128x64xf32, #tpu.memory_space<hbm>>
      %dma_start3A_92 = arith.constant 0 : i32
      %dma_start3A_93 = tpu.memref_slice %arg6[%arg0, %add3A_88, %dma_start3A_92] : memref<2x10240x64xf32, #tpu.memory_space<hbm>> -> memref<1x128x64xf32, #tpu.memory_space<hbm>>
      %dma_start3A_94 = tpu.memref_squeeze %dma_start3A_93 : memref<1x128x64xf32, #tpu.memory_space<hbm>> -> memref<128x64xf32, #tpu.memory_space<hbm>>
      tpu.enqueue_dma source(%arg10 : memref<128x64xf32, #tpu.memory_space<vmem>>) target(%dma_start3A_94 : memref<128x64xf32, #tpu.memory_space<hbm>>) target_semaphore(%run_scoped3A : memref<!tpu.dma_semaphore, #tpu.memory_space<semaphore_mem>>)
      %dma_wait3A_95 = arith.constant 0 : i32
      %dma_wait3A_96 = tpu.memref_slice %arg6[%arg0, %add3A_88, %dma_wait3A_95] : memref<2x10240x64xf32, #tpu.memory_space<hbm>> -> memref<1x128x64xf32, #tpu.memory_space<hbm>>
      %dma_wait3A_97 = tpu.memref_squeeze %dma_wait3A_96 : memref<1x128x64xf32, #tpu.memory_space<hbm>> -> memref<128x64xf32, #tpu.memory_space<hbm>>
      %dma_wait3A_98 = arith.constant 0 : i32
      %dma_wait3A_99 = tpu.memref_slice %arg6[%arg0, %add3A_88, %dma_wait3A_98] : memref<2x10240x64xf32, #tpu.memory_space<hbm>> -> memref<1x128x64xf32, #tpu.memory_space<hbm>>
      %dma_wait3A_100 = tpu.memref_squeeze %dma_wait3A_99 : memref<1x128x64xf32, #tpu.memory_space<hbm>> -> memref<128x64xf32, #tpu.memory_space<hbm>>
      tpu.wait_dma2 semaphore(%run_scoped3A : memref<!tpu.dma_semaphore, #tpu.memory_space<semaphore_mem>>) src(%arg10 : memref<128x64xf32, #tpu.memory_space<vmem>>) dst(%dma_wait3A_100 : memref<128x64xf32, #tpu.memory_space<hbm>>)
      tpu.yield
    }) : () -> ()
    return
  }
}

#map = affine_map<(d0, d1) -> (0, 0, 0)>
#map1 = affine_map<(d0, d1) -> (0, 0)>
module attributes {stable_mosaic.version = 14 : i64} {
  func.func @k(%arg0: i32, %arg1: i32, %arg2: memref<32x79x128xi32, #tpu.memory_space<hbm>>, %arg3: memref<128x8xf32, #tpu.memory_space<hbm>>, %arg4: memref<128x8xf32, #tpu.memory_space<hbm>>, %arg5: memref<2x10240x8xf32, #tpu.memory_space<hbm>>, %arg6: memref<79x128xi32, #tpu.memory_space<vmem>>, %arg7: memref<128x8xf32, #tpu.memory_space<vmem>>, %arg8: memref<128x8xf32, #tpu.memory_space<vmem>>, %arg9: memref<10240x8xf32, #tpu.memory_space<vmem_shared>>, %arg10: memref<!tpu.dma_semaphore, #tpu.memory_space<semaphore_mem>>) attributes {dimension_semantics = [#tpu.dimension_semantics<core_parallel>, #tpu.dimension_semantics<subcore_parallel>], iteration_bounds = array<i64: 2, 16>, scalar_prefetch = 0 : i64, scratch_operands = 5 : i64, tpu.core_type = #tpu.core_type<sc_vector_subcore>, window_params = [{transform_indices = #map}, {transform_indices = #map1}, {transform_indices = #map1}, {transform_indices = #map}]} {
    %mul3A = arith.constant 16 : i32
    %mul3A_0 = arith.muli %arg0, %mul3A : i32
    %add3A = arith.addi %mul3A_0, %arg1 : i32
    "tpu.region"() ({
      %run_scoped3A = tpu.sem_alloc : memref<!tpu.dma_semaphore, #tpu.memory_space<semaphore_mem>>
      %dma_start3A = arith.constant 0 : i32
      %dma_start3A_73 = arith.constant 0 : i32
      %dma_start3A_74 = tpu.memref_slice %arg2[%add3A, %dma_start3A, %dma_start3A_73] : memref<32x79x128xi32, #tpu.memory_space<hbm>> -> memref<1x79x128xi32, #tpu.memory_space<hbm>>
      %dma_start3A_75 = tpu.memref_squeeze %dma_start3A_74 : memref<1x79x128xi32, #tpu.memory_space<hbm>> -> memref<79x128xi32, #tpu.memory_space<hbm>>
      %dma_start3A_76 = arith.constant 0 : i32
      %dma_start3A_77 = arith.constant 0 : i32
      %dma_start3A_78 = tpu.memref_slice %arg2[%add3A, %dma_start3A_76, %dma_start3A_77] : memref<32x79x128xi32, #tpu.memory_space<hbm>> -> memref<1x79x128xi32, #tpu.memory_space<hbm>>
      %dma_start3A_79 = tpu.memref_squeeze %dma_start3A_78 : memref<1x79x128xi32, #tpu.memory_space<hbm>> -> memref<79x128xi32, #tpu.memory_space<hbm>>
      tpu.enqueue_dma source(%dma_start3A_79 : memref<79x128xi32, #tpu.memory_space<hbm>>) target(%arg6 : memref<79x128xi32, #tpu.memory_space<vmem>>) target_semaphore(%run_scoped3A : memref<!tpu.dma_semaphore, #tpu.memory_space<semaphore_mem>>)
      %dma_wait3A = arith.constant 0 : i32
      %dma_wait3A_80 = arith.constant 0 : i32
      %dma_wait3A_81 = tpu.memref_slice %arg2[%add3A, %dma_wait3A, %dma_wait3A_80] : memref<32x79x128xi32, #tpu.memory_space<hbm>> -> memref<1x79x128xi32, #tpu.memory_space<hbm>>
      %dma_wait3A_82 = tpu.memref_squeeze %dma_wait3A_81 : memref<1x79x128xi32, #tpu.memory_space<hbm>> -> memref<79x128xi32, #tpu.memory_space<hbm>>
      %dma_wait3A_83 = arith.constant 0 : i32
      %dma_wait3A_84 = arith.constant 0 : i32
      %dma_wait3A_85 = tpu.memref_slice %arg2[%add3A, %dma_wait3A_83, %dma_wait3A_84] : memref<32x79x128xi32, #tpu.memory_space<hbm>> -> memref<1x79x128xi32, #tpu.memory_space<hbm>>
      %dma_wait3A_86 = tpu.memref_squeeze %dma_wait3A_85 : memref<1x79x128xi32, #tpu.memory_space<hbm>> -> memref<79x128xi32, #tpu.memory_space<hbm>>
      tpu.wait_dma2 semaphore(%run_scoped3A : memref<!tpu.dma_semaphore, #tpu.memory_space<semaphore_mem>>) src(%dma_wait3A_86 : memref<79x128xi32, #tpu.memory_space<hbm>>) dst(%arg6 : memref<79x128xi32, #tpu.memory_space<vmem>>)
      tpu.yield
    }) : () -> ()
    "tpu.region"() ({
      %run_scoped3A = tpu.sem_alloc : memref<!tpu.dma_semaphore, #tpu.memory_space<semaphore_mem>>
      tpu.enqueue_dma source(%arg3 : memref<128x8xf32, #tpu.memory_space<hbm>>) target(%arg7 : memref<128x8xf32, #tpu.memory_space<vmem>>) target_semaphore(%run_scoped3A : memref<!tpu.dma_semaphore, #tpu.memory_space<semaphore_mem>>)
      tpu.wait_dma2 semaphore(%run_scoped3A : memref<!tpu.dma_semaphore, #tpu.memory_space<semaphore_mem>>) src(%arg3 : memref<128x8xf32, #tpu.memory_space<hbm>>) dst(%arg7 : memref<128x8xf32, #tpu.memory_space<vmem>>)
      tpu.yield
    }) : () -> ()
    "tpu.region"() ({
      %run_scoped3A = tpu.sem_alloc : memref<!tpu.dma_semaphore, #tpu.memory_space<semaphore_mem>>
      tpu.enqueue_dma source(%arg4 : memref<128x8xf32, #tpu.memory_space<hbm>>) target(%arg8 : memref<128x8xf32, #tpu.memory_space<vmem>>) target_semaphore(%run_scoped3A : memref<!tpu.dma_semaphore, #tpu.memory_space<semaphore_mem>>)
      tpu.wait_dma2 semaphore(%run_scoped3A : memref<!tpu.dma_semaphore, #tpu.memory_space<semaphore_mem>>) src(%arg4 : memref<128x8xf32, #tpu.memory_space<hbm>>) dst(%arg8 : memref<128x8xf32, #tpu.memory_space<vmem>>)
      tpu.yield
    }) : () -> ()
    %mul3A_1 = arith.constant 640 : i32
    %mul3A_2 = arith.muli %arg1, %mul3A_1 : i32
    %add3A_3 = arith.constant 0 : i32
    %add3A_4 = arith.addi %mul3A_2, %add3A_3 : i32
    "tpu.region"() ({
      %run_scoped3A = tpu.sem_alloc : memref<!tpu.dma_semaphore, #tpu.memory_space<semaphore_mem>>
      %dma_start3A = arith.constant 0 : i32
      %dma_start3A_73 = tpu.memref_slice %arg9[%add3A_4, %dma_start3A] : memref<10240x8xf32, #tpu.memory_space<vmem_shared>> -> memref<128x8xf32, #tpu.memory_space<vmem_shared>>
      %dma_start3A_74 = arith.constant 0 : i32
      %dma_start3A_75 = tpu.memref_slice %arg9[%add3A_4, %dma_start3A_74] : memref<10240x8xf32, #tpu.memory_space<vmem_shared>> -> memref<128x8xf32, #tpu.memory_space<vmem_shared>>
      tpu.enqueue_dma source(%arg8 : memref<128x8xf32, #tpu.memory_space<vmem>>) target(%dma_start3A_75 : memref<128x8xf32, #tpu.memory_space<vmem_shared>>) target_semaphore(%run_scoped3A : memref<!tpu.dma_semaphore, #tpu.memory_space<semaphore_mem>>)
      %dma_wait3A = arith.constant 0 : i32
      %dma_wait3A_76 = tpu.memref_slice %arg9[%add3A_4, %dma_wait3A] : memref<10240x8xf32, #tpu.memory_space<vmem_shared>> -> memref<128x8xf32, #tpu.memory_space<vmem_shared>>
      %dma_wait3A_77 = arith.constant 0 : i32
      %dma_wait3A_78 = tpu.memref_slice %arg9[%add3A_4, %dma_wait3A_77] : memref<10240x8xf32, #tpu.memory_space<vmem_shared>> -> memref<128x8xf32, #tpu.memory_space<vmem_shared>>
      tpu.wait_dma2 semaphore(%run_scoped3A : memref<!tpu.dma_semaphore, #tpu.memory_space<semaphore_mem>>) src(%arg8 : memref<128x8xf32, #tpu.memory_space<vmem>>) dst(%dma_wait3A_78 : memref<128x8xf32, #tpu.memory_space<vmem_shared>>)
      tpu.yield
    }) : () -> ()
    %mul3A_5 = arith.constant 640 : i32
    %mul3A_6 = arith.muli %arg1, %mul3A_5 : i32
    %add3A_7 = arith.constant 128 : i32
    %add3A_8 = arith.addi %mul3A_6, %add3A_7 : i32
    "tpu.region"() ({
      %run_scoped3A = tpu.sem_alloc : memref<!tpu.dma_semaphore, #tpu.memory_space<semaphore_mem>>
      %dma_start3A = arith.constant 0 : i32
      %dma_start3A_73 = tpu.memref_slice %arg9[%add3A_8, %dma_start3A] : memref<10240x8xf32, #tpu.memory_space<vmem_shared>> -> memref<128x8xf32, #tpu.memory_space<vmem_shared>>
      %dma_start3A_74 = arith.constant 0 : i32
      %dma_start3A_75 = tpu.memref_slice %arg9[%add3A_8, %dma_start3A_74] : memref<10240x8xf32, #tpu.memory_space<vmem_shared>> -> memref<128x8xf32, #tpu.memory_space<vmem_shared>>
      tpu.enqueue_dma source(%arg8 : memref<128x8xf32, #tpu.memory_space<vmem>>) target(%dma_start3A_75 : memref<128x8xf32, #tpu.memory_space<vmem_shared>>) target_semaphore(%run_scoped3A : memref<!tpu.dma_semaphore, #tpu.memory_space<semaphore_mem>>)
      %dma_wait3A = arith.constant 0 : i32
      %dma_wait3A_76 = tpu.memref_slice %arg9[%add3A_8, %dma_wait3A] : memref<10240x8xf32, #tpu.memory_space<vmem_shared>> -> memref<128x8xf32, #tpu.memory_space<vmem_shared>>
      %dma_wait3A_77 = arith.constant 0 : i32
      %dma_wait3A_78 = tpu.memref_slice %arg9[%add3A_8, %dma_wait3A_77] : memref<10240x8xf32, #tpu.memory_space<vmem_shared>> -> memref<128x8xf32, #tpu.memory_space<vmem_shared>>
      tpu.wait_dma2 semaphore(%run_scoped3A : memref<!tpu.dma_semaphore, #tpu.memory_space<semaphore_mem>>) src(%arg8 : memref<128x8xf32, #tpu.memory_space<vmem>>) dst(%dma_wait3A_78 : memref<128x8xf32, #tpu.memory_space<vmem_shared>>)
      tpu.yield
    }) : () -> ()
    %mul3A_9 = arith.constant 640 : i32
    %mul3A_10 = arith.muli %arg1, %mul3A_9 : i32
    %add3A_11 = arith.constant 256 : i32
    %add3A_12 = arith.addi %mul3A_10, %add3A_11 : i32
    "tpu.region"() ({
      %run_scoped3A = tpu.sem_alloc : memref<!tpu.dma_semaphore, #tpu.memory_space<semaphore_mem>>
      %dma_start3A = arith.constant 0 : i32
      %dma_start3A_73 = tpu.memref_slice %arg9[%add3A_12, %dma_start3A] : memref<10240x8xf32, #tpu.memory_space<vmem_shared>> -> memref<128x8xf32, #tpu.memory_space<vmem_shared>>
      %dma_start3A_74 = arith.constant 0 : i32
      %dma_start3A_75 = tpu.memref_slice %arg9[%add3A_12, %dma_start3A_74] : memref<10240x8xf32, #tpu.memory_space<vmem_shared>> -> memref<128x8xf32, #tpu.memory_space<vmem_shared>>
      tpu.enqueue_dma source(%arg8 : memref<128x8xf32, #tpu.memory_space<vmem>>) target(%dma_start3A_75 : memref<128x8xf32, #tpu.memory_space<vmem_shared>>) target_semaphore(%run_scoped3A : memref<!tpu.dma_semaphore, #tpu.memory_space<semaphore_mem>>)
      %dma_wait3A = arith.constant 0 : i32
      %dma_wait3A_76 = tpu.memref_slice %arg9[%add3A_12, %dma_wait3A] : memref<10240x8xf32, #tpu.memory_space<vmem_shared>> -> memref<128x8xf32, #tpu.memory_space<vmem_shared>>
      %dma_wait3A_77 = arith.constant 0 : i32
      %dma_wait3A_78 = tpu.memref_slice %arg9[%add3A_12, %dma_wait3A_77] : memref<10240x8xf32, #tpu.memory_space<vmem_shared>> -> memref<128x8xf32, #tpu.memory_space<vmem_shared>>
      tpu.wait_dma2 semaphore(%run_scoped3A : memref<!tpu.dma_semaphore, #tpu.memory_space<semaphore_mem>>) src(%arg8 : memref<128x8xf32, #tpu.memory_space<vmem>>) dst(%dma_wait3A_78 : memref<128x8xf32, #tpu.memory_space<vmem_shared>>)
      tpu.yield
    }) : () -> ()
    %mul3A_13 = arith.constant 640 : i32
    %mul3A_14 = arith.muli %arg1, %mul3A_13 : i32
    %add3A_15 = arith.constant 384 : i32
    %add3A_16 = arith.addi %mul3A_14, %add3A_15 : i32
    "tpu.region"() ({
      %run_scoped3A = tpu.sem_alloc : memref<!tpu.dma_semaphore, #tpu.memory_space<semaphore_mem>>
      %dma_start3A = arith.constant 0 : i32
      %dma_start3A_73 = tpu.memref_slice %arg9[%add3A_16, %dma_start3A] : memref<10240x8xf32, #tpu.memory_space<vmem_shared>> -> memref<128x8xf32, #tpu.memory_space<vmem_shared>>
      %dma_start3A_74 = arith.constant 0 : i32
      %dma_start3A_75 = tpu.memref_slice %arg9[%add3A_16, %dma_start3A_74] : memref<10240x8xf32, #tpu.memory_space<vmem_shared>> -> memref<128x8xf32, #tpu.memory_space<vmem_shared>>
      tpu.enqueue_dma source(%arg8 : memref<128x8xf32, #tpu.memory_space<vmem>>) target(%dma_start3A_75 : memref<128x8xf32, #tpu.memory_space<vmem_shared>>) target_semaphore(%run_scoped3A : memref<!tpu.dma_semaphore, #tpu.memory_space<semaphore_mem>>)
      %dma_wait3A = arith.constant 0 : i32
      %dma_wait3A_76 = tpu.memref_slice %arg9[%add3A_16, %dma_wait3A] : memref<10240x8xf32, #tpu.memory_space<vmem_shared>> -> memref<128x8xf32, #tpu.memory_space<vmem_shared>>
      %dma_wait3A_77 = arith.constant 0 : i32
      %dma_wait3A_78 = tpu.memref_slice %arg9[%add3A_16, %dma_wait3A_77] : memref<10240x8xf32, #tpu.memory_space<vmem_shared>> -> memref<128x8xf32, #tpu.memory_space<vmem_shared>>
      tpu.wait_dma2 semaphore(%run_scoped3A : memref<!tpu.dma_semaphore, #tpu.memory_space<semaphore_mem>>) src(%arg8 : memref<128x8xf32, #tpu.memory_space<vmem>>) dst(%dma_wait3A_78 : memref<128x8xf32, #tpu.memory_space<vmem_shared>>)
      tpu.yield
    }) : () -> ()
    %mul3A_17 = arith.constant 640 : i32
    %mul3A_18 = arith.muli %arg1, %mul3A_17 : i32
    %add3A_19 = arith.constant 512 : i32
    %add3A_20 = arith.addi %mul3A_18, %add3A_19 : i32
    "tpu.region"() ({
      %run_scoped3A = tpu.sem_alloc : memref<!tpu.dma_semaphore, #tpu.memory_space<semaphore_mem>>
      %dma_start3A = arith.constant 0 : i32
      %dma_start3A_73 = tpu.memref_slice %arg9[%add3A_20, %dma_start3A] : memref<10240x8xf32, #tpu.memory_space<vmem_shared>> -> memref<128x8xf32, #tpu.memory_space<vmem_shared>>
      %dma_start3A_74 = arith.constant 0 : i32
      %dma_start3A_75 = tpu.memref_slice %arg9[%add3A_20, %dma_start3A_74] : memref<10240x8xf32, #tpu.memory_space<vmem_shared>> -> memref<128x8xf32, #tpu.memory_space<vmem_shared>>
      tpu.enqueue_dma source(%arg8 : memref<128x8xf32, #tpu.memory_space<vmem>>) target(%dma_start3A_75 : memref<128x8xf32, #tpu.memory_space<vmem_shared>>) target_semaphore(%run_scoped3A : memref<!tpu.dma_semaphore, #tpu.memory_space<semaphore_mem>>)
      %dma_wait3A = arith.constant 0 : i32
      %dma_wait3A_76 = tpu.memref_slice %arg9[%add3A_20, %dma_wait3A] : memref<10240x8xf32, #tpu.memory_space<vmem_shared>> -> memref<128x8xf32, #tpu.memory_space<vmem_shared>>
      %dma_wait3A_77 = arith.constant 0 : i32
      %dma_wait3A_78 = tpu.memref_slice %arg9[%add3A_20, %dma_wait3A_77] : memref<10240x8xf32, #tpu.memory_space<vmem_shared>> -> memref<128x8xf32, #tpu.memory_space<vmem_shared>>
      tpu.wait_dma2 semaphore(%run_scoped3A : memref<!tpu.dma_semaphore, #tpu.memory_space<semaphore_mem>>) src(%arg8 : memref<128x8xf32, #tpu.memory_space<vmem>>) dst(%dma_wait3A_78 : memref<128x8xf32, #tpu.memory_space<vmem_shared>>)
      tpu.yield
    }) : () -> ()
    %barrier3A = arith.constant 0 : index
    tpu.barrier barrier_id(%barrier3A)
    %scan3A = arith.constant 0 : i32
    %scan3A_21 = arith.constant 0 : i32
    %scan3A_22 = arith.constant 79 : i32
    %scan3A_23 = arith.addi %scan3A_21, %scan3A_22 : i32
    %scan3A_24 = arith.constant 1 : i32
    scf.for %scan3A_73 = %scan3A_21 to %scan3A_23 step %scan3A_24  : i32 {
      %dma_start3A = arith.constant 0 : i32
      %dma_start3A_74 = tpu.memref_slice %arg6[%scan3A_73, %dma_start3A] : memref<79x128xi32, #tpu.memory_space<vmem>> -> memref<1x128xi32, #tpu.memory_space<vmem>>
      %dma_start3A_75 = tpu.memref_squeeze %dma_start3A_74 : memref<1x128xi32, #tpu.memory_space<vmem>> -> memref<128xi32, #tpu.memory_space<vmem>>
      %dma_start3A_76 = arith.constant 0 : i32
      %dma_start3A_77 = arith.constant 0 : i32
      %dma_start3A_78 = tpu.memref_slice %arg9[%dma_start3A_76, %dma_start3A_77] : memref<10240x8xf32, #tpu.memory_space<vmem_shared>> -> memref<10240x8xf32, #tpu.memory_space<vmem_shared>>
      tpu.enqueue_indirect_dma source(%arg7 : memref<128x8xf32, #tpu.memory_space<vmem>>) target(%dma_start3A_78 : memref<10240x8xf32, #tpu.memory_space<vmem_shared>>) offsets(%dma_start3A_75 : memref<128xi32, #tpu.memory_space<vmem>>) semaphore(%arg10 : memref<!tpu.dma_semaphore, #tpu.memory_space<semaphore_mem>>) {add = true}
    }
    %scan3A_25 = arith.constant 79 : i32
    %scan3A_26 = arith.constant 0 : i32
    %scan3A_27 = arith.constant 0 : i32
    %scan3A_28 = arith.constant 79 : i32
    %scan3A_29 = arith.addi %scan3A_27, %scan3A_28 : i32
    %scan3A_30 = arith.constant 1 : i32
    scf.for %scan3A_73 = %scan3A_27 to %scan3A_29 step %scan3A_30  : i32 {
      %dma_wait3A = arith.constant 0 : i32
      %dma_wait3A_74 = arith.constant 0 : i32
      %dma_wait3A_75 = tpu.memref_slice %arg6[%dma_wait3A, %dma_wait3A_74] : memref<79x128xi32, #tpu.memory_space<vmem>> -> memref<1x128xi32, #tpu.memory_space<vmem>>
      %dma_wait3A_76 = tpu.memref_squeeze %dma_wait3A_75 : memref<1x128xi32, #tpu.memory_space<vmem>> -> memref<128xi32, #tpu.memory_space<vmem>>
      %dma_wait3A_77 = arith.constant 0 : i32
      %dma_wait3A_78 = arith.constant 0 : i32
      %dma_wait3A_79 = tpu.memref_slice %arg9[%dma_wait3A_77, %dma_wait3A_78] : memref<10240x8xf32, #tpu.memory_space<vmem_shared>> -> memref<10240x8xf32, #tpu.memory_space<vmem_shared>>
      tpu.wait_indirect_dma semaphore(%arg10 : memref<!tpu.dma_semaphore, #tpu.memory_space<semaphore_mem>>) src(%arg7 : memref<128x8xf32, #tpu.memory_space<vmem>>) dst(%dma_wait3A_79 : memref<10240x8xf32, #tpu.memory_space<vmem_shared>>)
    }
    %scan3A_31 = arith.constant 79 : i32
    %barrier3A_32 = arith.constant 0 : index
    tpu.barrier barrier_id(%barrier3A_32)
    %mul3A_33 = arith.constant 640 : i32
    %mul3A_34 = arith.muli %arg1, %mul3A_33 : i32
    %add3A_35 = arith.constant 0 : i32
    %add3A_36 = arith.addi %mul3A_34, %add3A_35 : i32
    "tpu.region"() ({
      %run_scoped3A = tpu.sem_alloc : memref<!tpu.dma_semaphore, #tpu.memory_space<semaphore_mem>>
      %dma_start3A = arith.constant 0 : i32
      %dma_start3A_73 = tpu.memref_slice %arg9[%add3A_36, %dma_start3A] : memref<10240x8xf32, #tpu.memory_space<vmem_shared>> -> memref<128x8xf32, #tpu.memory_space<vmem_shared>>
      %dma_start3A_74 = arith.constant 0 : i32
      %dma_start3A_75 = tpu.memref_slice %arg9[%add3A_36, %dma_start3A_74] : memref<10240x8xf32, #tpu.memory_space<vmem_shared>> -> memref<128x8xf32, #tpu.memory_space<vmem_shared>>
      tpu.enqueue_dma source(%dma_start3A_75 : memref<128x8xf32, #tpu.memory_space<vmem_shared>>) target(%arg8 : memref<128x8xf32, #tpu.memory_space<vmem>>) target_semaphore(%run_scoped3A : memref<!tpu.dma_semaphore, #tpu.memory_space<semaphore_mem>>)
      %dma_wait3A = arith.constant 0 : i32
      %dma_wait3A_76 = tpu.memref_slice %arg9[%add3A_36, %dma_wait3A] : memref<10240x8xf32, #tpu.memory_space<vmem_shared>> -> memref<128x8xf32, #tpu.memory_space<vmem_shared>>
      %dma_wait3A_77 = arith.constant 0 : i32
      %dma_wait3A_78 = tpu.memref_slice %arg9[%add3A_36, %dma_wait3A_77] : memref<10240x8xf32, #tpu.memory_space<vmem_shared>> -> memref<128x8xf32, #tpu.memory_space<vmem_shared>>
      tpu.wait_dma2 semaphore(%run_scoped3A : memref<!tpu.dma_semaphore, #tpu.memory_space<semaphore_mem>>) src(%dma_wait3A_78 : memref<128x8xf32, #tpu.memory_space<vmem_shared>>) dst(%arg8 : memref<128x8xf32, #tpu.memory_space<vmem>>)
      tpu.yield
    }) : () -> ()
    %mul3A_37 = arith.constant 640 : i32
    %mul3A_38 = arith.muli %arg1, %mul3A_37 : i32
    %add3A_39 = arith.constant 0 : i32
    %add3A_40 = arith.addi %mul3A_38, %add3A_39 : i32
    "tpu.region"() ({
      %run_scoped3A = tpu.sem_alloc : memref<!tpu.dma_semaphore, #tpu.memory_space<semaphore_mem>>
      %dma_start3A = arith.constant 0 : i32
      %dma_start3A_73 = tpu.memref_slice %arg5[%arg0, %add3A_40, %dma_start3A] : memref<2x10240x8xf32, #tpu.memory_space<hbm>> -> memref<1x128x8xf32, #tpu.memory_space<hbm>>
      %dma_start3A_74 = tpu.memref_squeeze %dma_start3A_73 : memref<1x128x8xf32, #tpu.memory_space<hbm>> -> memref<128x8xf32, #tpu.memory_space<hbm>>
      %dma_start3A_75 = arith.constant 0 : i32
      %dma_start3A_76 = tpu.memref_slice %arg5[%arg0, %add3A_40, %dma_start3A_75] : memref<2x10240x8xf32, #tpu.memory_space<hbm>> -> memref<1x128x8xf32, #tpu.memory_space<hbm>>
      %dma_start3A_77 = tpu.memref_squeeze %dma_start3A_76 : memref<1x128x8xf32, #tpu.memory_space<hbm>> -> memref<128x8xf32, #tpu.memory_space<hbm>>
      tpu.enqueue_dma source(%arg8 : memref<128x8xf32, #tpu.memory_space<vmem>>) target(%dma_start3A_77 : memref<128x8xf32, #tpu.memory_space<hbm>>) target_semaphore(%run_scoped3A : memref<!tpu.dma_semaphore, #tpu.memory_space<semaphore_mem>>)
      %dma_wait3A = arith.constant 0 : i32
      %dma_wait3A_78 = tpu.memref_slice %arg5[%arg0, %add3A_40, %dma_wait3A] : memref<2x10240x8xf32, #tpu.memory_space<hbm>> -> memref<1x128x8xf32, #tpu.memory_space<hbm>>
      %dma_wait3A_79 = tpu.memref_squeeze %dma_wait3A_78 : memref<1x128x8xf32, #tpu.memory_space<hbm>> -> memref<128x8xf32, #tpu.memory_space<hbm>>
      %dma_wait3A_80 = arith.constant 0 : i32
      %dma_wait3A_81 = tpu.memref_slice %arg5[%arg0, %add3A_40, %dma_wait3A_80] : memref<2x10240x8xf32, #tpu.memory_space<hbm>> -> memref<1x128x8xf32, #tpu.memory_space<hbm>>
      %dma_wait3A_82 = tpu.memref_squeeze %dma_wait3A_81 : memref<1x128x8xf32, #tpu.memory_space<hbm>> -> memref<128x8xf32, #tpu.memory_space<hbm>>
      tpu.wait_dma2 semaphore(%run_scoped3A : memref<!tpu.dma_semaphore, #tpu.memory_space<semaphore_mem>>) src(%arg8 : memref<128x8xf32, #tpu.memory_space<vmem>>) dst(%dma_wait3A_82 : memref<128x8xf32, #tpu.memory_space<hbm>>)
      tpu.yield
    }) : () -> ()
    %mul3A_41 = arith.constant 640 : i32
    %mul3A_42 = arith.muli %arg1, %mul3A_41 : i32
    %add3A_43 = arith.constant 128 : i32
    %add3A_44 = arith.addi %mul3A_42, %add3A_43 : i32
    "tpu.region"() ({
      %run_scoped3A = tpu.sem_alloc : memref<!tpu.dma_semaphore, #tpu.memory_space<semaphore_mem>>
      %dma_start3A = arith.constant 0 : i32
      %dma_start3A_73 = tpu.memref_slice %arg9[%add3A_44, %dma_start3A] : memref<10240x8xf32, #tpu.memory_space<vmem_shared>> -> memref<128x8xf32, #tpu.memory_space<vmem_shared>>
      %dma_start3A_74 = arith.constant 0 : i32
      %dma_start3A_75 = tpu.memref_slice %arg9[%add3A_44, %dma_start3A_74] : memref<10240x8xf32, #tpu.memory_space<vmem_shared>> -> memref<128x8xf32, #tpu.memory_space<vmem_shared>>
      tpu.enqueue_dma source(%dma_start3A_75 : memref<128x8xf32, #tpu.memory_space<vmem_shared>>) target(%arg8 : memref<128x8xf32, #tpu.memory_space<vmem>>) target_semaphore(%run_scoped3A : memref<!tpu.dma_semaphore, #tpu.memory_space<semaphore_mem>>)
      %dma_wait3A = arith.constant 0 : i32
      %dma_wait3A_76 = tpu.memref_slice %arg9[%add3A_44, %dma_wait3A] : memref<10240x8xf32, #tpu.memory_space<vmem_shared>> -> memref<128x8xf32, #tpu.memory_space<vmem_shared>>
      %dma_wait3A_77 = arith.constant 0 : i32
      %dma_wait3A_78 = tpu.memref_slice %arg9[%add3A_44, %dma_wait3A_77] : memref<10240x8xf32, #tpu.memory_space<vmem_shared>> -> memref<128x8xf32, #tpu.memory_space<vmem_shared>>
      tpu.wait_dma2 semaphore(%run_scoped3A : memref<!tpu.dma_semaphore, #tpu.memory_space<semaphore_mem>>) src(%dma_wait3A_78 : memref<128x8xf32, #tpu.memory_space<vmem_shared>>) dst(%arg8 : memref<128x8xf32, #tpu.memory_space<vmem>>)
      tpu.yield
    }) : () -> ()
    %mul3A_45 = arith.constant 640 : i32
    %mul3A_46 = arith.muli %arg1, %mul3A_45 : i32
    %add3A_47 = arith.constant 128 : i32
    %add3A_48 = arith.addi %mul3A_46, %add3A_47 : i32
    "tpu.region"() ({
      %run_scoped3A = tpu.sem_alloc : memref<!tpu.dma_semaphore, #tpu.memory_space<semaphore_mem>>
      %dma_start3A = arith.constant 0 : i32
      %dma_start3A_73 = tpu.memref_slice %arg5[%arg0, %add3A_48, %dma_start3A] : memref<2x10240x8xf32, #tpu.memory_space<hbm>> -> memref<1x128x8xf32, #tpu.memory_space<hbm>>
      %dma_start3A_74 = tpu.memref_squeeze %dma_start3A_73 : memref<1x128x8xf32, #tpu.memory_space<hbm>> -> memref<128x8xf32, #tpu.memory_space<hbm>>
      %dma_start3A_75 = arith.constant 0 : i32
      %dma_start3A_76 = tpu.memref_slice %arg5[%arg0, %add3A_48, %dma_start3A_75] : memref<2x10240x8xf32, #tpu.memory_space<hbm>> -> memref<1x128x8xf32, #tpu.memory_space<hbm>>
      %dma_start3A_77 = tpu.memref_squeeze %dma_start3A_76 : memref<1x128x8xf32, #tpu.memory_space<hbm>> -> memref<128x8xf32, #tpu.memory_space<hbm>>
      tpu.enqueue_dma source(%arg8 : memref<128x8xf32, #tpu.memory_space<vmem>>) target(%dma_start3A_77 : memref<128x8xf32, #tpu.memory_space<hbm>>) target_semaphore(%run_scoped3A : memref<!tpu.dma_semaphore, #tpu.memory_space<semaphore_mem>>)
      %dma_wait3A = arith.constant 0 : i32
      %dma_wait3A_78 = tpu.memref_slice %arg5[%arg0, %add3A_48, %dma_wait3A] : memref<2x10240x8xf32, #tpu.memory_space<hbm>> -> memref<1x128x8xf32, #tpu.memory_space<hbm>>
      %dma_wait3A_79 = tpu.memref_squeeze %dma_wait3A_78 : memref<1x128x8xf32, #tpu.memory_space<hbm>> -> memref<128x8xf32, #tpu.memory_space<hbm>>
      %dma_wait3A_80 = arith.constant 0 : i32
      %dma_wait3A_81 = tpu.memref_slice %arg5[%arg0, %add3A_48, %dma_wait3A_80] : memref<2x10240x8xf32, #tpu.memory_space<hbm>> -> memref<1x128x8xf32, #tpu.memory_space<hbm>>
      %dma_wait3A_82 = tpu.memref_squeeze %dma_wait3A_81 : memref<1x128x8xf32, #tpu.memory_space<hbm>> -> memref<128x8xf32, #tpu.memory_space<hbm>>
      tpu.wait_dma2 semaphore(%run_scoped3A : memref<!tpu.dma_semaphore, #tpu.memory_space<semaphore_mem>>) src(%arg8 : memref<128x8xf32, #tpu.memory_space<vmem>>) dst(%dma_wait3A_82 : memref<128x8xf32, #tpu.memory_space<hbm>>)
      tpu.yield
    }) : () -> ()
    %mul3A_49 = arith.constant 640 : i32
    %mul3A_50 = arith.muli %arg1, %mul3A_49 : i32
    %add3A_51 = arith.constant 256 : i32
    %add3A_52 = arith.addi %mul3A_50, %add3A_51 : i32
    "tpu.region"() ({
      %run_scoped3A = tpu.sem_alloc : memref<!tpu.dma_semaphore, #tpu.memory_space<semaphore_mem>>
      %dma_start3A = arith.constant 0 : i32
      %dma_start3A_73 = tpu.memref_slice %arg9[%add3A_52, %dma_start3A] : memref<10240x8xf32, #tpu.memory_space<vmem_shared>> -> memref<128x8xf32, #tpu.memory_space<vmem_shared>>
      %dma_start3A_74 = arith.constant 0 : i32
      %dma_start3A_75 = tpu.memref_slice %arg9[%add3A_52, %dma_start3A_74] : memref<10240x8xf32, #tpu.memory_space<vmem_shared>> -> memref<128x8xf32, #tpu.memory_space<vmem_shared>>
      tpu.enqueue_dma source(%dma_start3A_75 : memref<128x8xf32, #tpu.memory_space<vmem_shared>>) target(%arg8 : memref<128x8xf32, #tpu.memory_space<vmem>>) target_semaphore(%run_scoped3A : memref<!tpu.dma_semaphore, #tpu.memory_space<semaphore_mem>>)
      %dma_wait3A = arith.constant 0 : i32
      %dma_wait3A_76 = tpu.memref_slice %arg9[%add3A_52, %dma_wait3A] : memref<10240x8xf32, #tpu.memory_space<vmem_shared>> -> memref<128x8xf32, #tpu.memory_space<vmem_shared>>
      %dma_wait3A_77 = arith.constant 0 : i32
      %dma_wait3A_78 = tpu.memref_slice %arg9[%add3A_52, %dma_wait3A_77] : memref<10240x8xf32, #tpu.memory_space<vmem_shared>> -> memref<128x8xf32, #tpu.memory_space<vmem_shared>>
      tpu.wait_dma2 semaphore(%run_scoped3A : memref<!tpu.dma_semaphore, #tpu.memory_space<semaphore_mem>>) src(%dma_wait3A_78 : memref<128x8xf32, #tpu.memory_space<vmem_shared>>) dst(%arg8 : memref<128x8xf32, #tpu.memory_space<vmem>>)
      tpu.yield
    }) : () -> ()
    %mul3A_53 = arith.constant 640 : i32
    %mul3A_54 = arith.muli %arg1, %mul3A_53 : i32
    %add3A_55 = arith.constant 256 : i32
    %add3A_56 = arith.addi %mul3A_54, %add3A_55 : i32
    "tpu.region"() ({
      %run_scoped3A = tpu.sem_alloc : memref<!tpu.dma_semaphore, #tpu.memory_space<semaphore_mem>>
      %dma_start3A = arith.constant 0 : i32
      %dma_start3A_73 = tpu.memref_slice %arg5[%arg0, %add3A_56, %dma_start3A] : memref<2x10240x8xf32, #tpu.memory_space<hbm>> -> memref<1x128x8xf32, #tpu.memory_space<hbm>>
      %dma_start3A_74 = tpu.memref_squeeze %dma_start3A_73 : memref<1x128x8xf32, #tpu.memory_space<hbm>> -> memref<128x8xf32, #tpu.memory_space<hbm>>
      %dma_start3A_75 = arith.constant 0 : i32
      %dma_start3A_76 = tpu.memref_slice %arg5[%arg0, %add3A_56, %dma_start3A_75] : memref<2x10240x8xf32, #tpu.memory_space<hbm>> -> memref<1x128x8xf32, #tpu.memory_space<hbm>>
      %dma_start3A_77 = tpu.memref_squeeze %dma_start3A_76 : memref<1x128x8xf32, #tpu.memory_space<hbm>> -> memref<128x8xf32, #tpu.memory_space<hbm>>
      tpu.enqueue_dma source(%arg8 : memref<128x8xf32, #tpu.memory_space<vmem>>) target(%dma_start3A_77 : memref<128x8xf32, #tpu.memory_space<hbm>>) target_semaphore(%run_scoped3A : memref<!tpu.dma_semaphore, #tpu.memory_space<semaphore_mem>>)
      %dma_wait3A = arith.constant 0 : i32
      %dma_wait3A_78 = tpu.memref_slice %arg5[%arg0, %add3A_56, %dma_wait3A] : memref<2x10240x8xf32, #tpu.memory_space<hbm>> -> memref<1x128x8xf32, #tpu.memory_space<hbm>>
      %dma_wait3A_79 = tpu.memref_squeeze %dma_wait3A_78 : memref<1x128x8xf32, #tpu.memory_space<hbm>> -> memref<128x8xf32, #tpu.memory_space<hbm>>
      %dma_wait3A_80 = arith.constant 0 : i32
      %dma_wait3A_81 = tpu.memref_slice %arg5[%arg0, %add3A_56, %dma_wait3A_80] : memref<2x10240x8xf32, #tpu.memory_space<hbm>> -> memref<1x128x8xf32, #tpu.memory_space<hbm>>
      %dma_wait3A_82 = tpu.memref_squeeze %dma_wait3A_81 : memref<1x128x8xf32, #tpu.memory_space<hbm>> -> memref<128x8xf32, #tpu.memory_space<hbm>>
      tpu.wait_dma2 semaphore(%run_scoped3A : memref<!tpu.dma_semaphore, #tpu.memory_space<semaphore_mem>>) src(%arg8 : memref<128x8xf32, #tpu.memory_space<vmem>>) dst(%dma_wait3A_82 : memref<128x8xf32, #tpu.memory_space<hbm>>)
      tpu.yield
    }) : () -> ()
    %mul3A_57 = arith.constant 640 : i32
    %mul3A_58 = arith.muli %arg1, %mul3A_57 : i32
    %add3A_59 = arith.constant 384 : i32
    %add3A_60 = arith.addi %mul3A_58, %add3A_59 : i32
    "tpu.region"() ({
      %run_scoped3A = tpu.sem_alloc : memref<!tpu.dma_semaphore, #tpu.memory_space<semaphore_mem>>
      %dma_start3A = arith.constant 0 : i32
      %dma_start3A_73 = tpu.memref_slice %arg9[%add3A_60, %dma_start3A] : memref<10240x8xf32, #tpu.memory_space<vmem_shared>> -> memref<128x8xf32, #tpu.memory_space<vmem_shared>>
      %dma_start3A_74 = arith.constant 0 : i32
      %dma_start3A_75 = tpu.memref_slice %arg9[%add3A_60, %dma_start3A_74] : memref<10240x8xf32, #tpu.memory_space<vmem_shared>> -> memref<128x8xf32, #tpu.memory_space<vmem_shared>>
      tpu.enqueue_dma source(%dma_start3A_75 : memref<128x8xf32, #tpu.memory_space<vmem_shared>>) target(%arg8 : memref<128x8xf32, #tpu.memory_space<vmem>>) target_semaphore(%run_scoped3A : memref<!tpu.dma_semaphore, #tpu.memory_space<semaphore_mem>>)
      %dma_wait3A = arith.constant 0 : i32
      %dma_wait3A_76 = tpu.memref_slice %arg9[%add3A_60, %dma_wait3A] : memref<10240x8xf32, #tpu.memory_space<vmem_shared>> -> memref<128x8xf32, #tpu.memory_space<vmem_shared>>
      %dma_wait3A_77 = arith.constant 0 : i32
      %dma_wait3A_78 = tpu.memref_slice %arg9[%add3A_60, %dma_wait3A_77] : memref<10240x8xf32, #tpu.memory_space<vmem_shared>> -> memref<128x8xf32, #tpu.memory_space<vmem_shared>>
      tpu.wait_dma2 semaphore(%run_scoped3A : memref<!tpu.dma_semaphore, #tpu.memory_space<semaphore_mem>>) src(%dma_wait3A_78 : memref<128x8xf32, #tpu.memory_space<vmem_shared>>) dst(%arg8 : memref<128x8xf32, #tpu.memory_space<vmem>>)
      tpu.yield
    }) : () -> ()
    %mul3A_61 = arith.constant 640 : i32
    %mul3A_62 = arith.muli %arg1, %mul3A_61 : i32
    %add3A_63 = arith.constant 384 : i32
    %add3A_64 = arith.addi %mul3A_62, %add3A_63 : i32
    "tpu.region"() ({
      %run_scoped3A = tpu.sem_alloc : memref<!tpu.dma_semaphore, #tpu.memory_space<semaphore_mem>>
      %dma_start3A = arith.constant 0 : i32
      %dma_start3A_73 = tpu.memref_slice %arg5[%arg0, %add3A_64, %dma_start3A] : memref<2x10240x8xf32, #tpu.memory_space<hbm>> -> memref<1x128x8xf32, #tpu.memory_space<hbm>>
      %dma_start3A_74 = tpu.memref_squeeze %dma_start3A_73 : memref<1x128x8xf32, #tpu.memory_space<hbm>> -> memref<128x8xf32, #tpu.memory_space<hbm>>
      %dma_start3A_75 = arith.constant 0 : i32
      %dma_start3A_76 = tpu.memref_slice %arg5[%arg0, %add3A_64, %dma_start3A_75] : memref<2x10240x8xf32, #tpu.memory_space<hbm>> -> memref<1x128x8xf32, #tpu.memory_space<hbm>>
      %dma_start3A_77 = tpu.memref_squeeze %dma_start3A_76 : memref<1x128x8xf32, #tpu.memory_space<hbm>> -> memref<128x8xf32, #tpu.memory_space<hbm>>
      tpu.enqueue_dma source(%arg8 : memref<128x8xf32, #tpu.memory_space<vmem>>) target(%dma_start3A_77 : memref<128x8xf32, #tpu.memory_space<hbm>>) target_semaphore(%run_scoped3A : memref<!tpu.dma_semaphore, #tpu.memory_space<semaphore_mem>>)
      %dma_wait3A = arith.constant 0 : i32
      %dma_wait3A_78 = tpu.memref_slice %arg5[%arg0, %add3A_64, %dma_wait3A] : memref<2x10240x8xf32, #tpu.memory_space<hbm>> -> memref<1x128x8xf32, #tpu.memory_space<hbm>>
      %dma_wait3A_79 = tpu.memref_squeeze %dma_wait3A_78 : memref<1x128x8xf32, #tpu.memory_space<hbm>> -> memref<128x8xf32, #tpu.memory_space<hbm>>
      %dma_wait3A_80 = arith.constant 0 : i32
      %dma_wait3A_81 = tpu.memref_slice %arg5[%arg0, %add3A_64, %dma_wait3A_80] : memref<2x10240x8xf32, #tpu.memory_space<hbm>> -> memref<1x128x8xf32, #tpu.memory_space<hbm>>
      %dma_wait3A_82 = tpu.memref_squeeze %dma_wait3A_81 : memref<1x128x8xf32, #tpu.memory_space<hbm>> -> memref<128x8xf32, #tpu.memory_space<hbm>>
      tpu.wait_dma2 semaphore(%run_scoped3A : memref<!tpu.dma_semaphore, #tpu.memory_space<semaphore_mem>>) src(%arg8 : memref<128x8xf32, #tpu.memory_space<vmem>>) dst(%dma_wait3A_82 : memref<128x8xf32, #tpu.memory_space<hbm>>)
      tpu.yield
    }) : () -> ()
    %mul3A_65 = arith.constant 640 : i32
    %mul3A_66 = arith.muli %arg1, %mul3A_65 : i32
    %add3A_67 = arith.constant 512 : i32
    %add3A_68 = arith.addi %mul3A_66, %add3A_67 : i32
    "tpu.region"() ({
      %run_scoped3A = tpu.sem_alloc : memref<!tpu.dma_semaphore, #tpu.memory_space<semaphore_mem>>
      %dma_start3A = arith.constant 0 : i32
      %dma_start3A_73 = tpu.memref_slice %arg9[%add3A_68, %dma_start3A] : memref<10240x8xf32, #tpu.memory_space<vmem_shared>> -> memref<128x8xf32, #tpu.memory_space<vmem_shared>>
      %dma_start3A_74 = arith.constant 0 : i32
      %dma_start3A_75 = tpu.memref_slice %arg9[%add3A_68, %dma_start3A_74] : memref<10240x8xf32, #tpu.memory_space<vmem_shared>> -> memref<128x8xf32, #tpu.memory_space<vmem_shared>>
      tpu.enqueue_dma source(%dma_start3A_75 : memref<128x8xf32, #tpu.memory_space<vmem_shared>>) target(%arg8 : memref<128x8xf32, #tpu.memory_space<vmem>>) target_semaphore(%run_scoped3A : memref<!tpu.dma_semaphore, #tpu.memory_space<semaphore_mem>>)
      %dma_wait3A = arith.constant 0 : i32
      %dma_wait3A_76 = tpu.memref_slice %arg9[%add3A_68, %dma_wait3A] : memref<10240x8xf32, #tpu.memory_space<vmem_shared>> -> memref<128x8xf32, #tpu.memory_space<vmem_shared>>
      %dma_wait3A_77 = arith.constant 0 : i32
      %dma_wait3A_78 = tpu.memref_slice %arg9[%add3A_68, %dma_wait3A_77] : memref<10240x8xf32, #tpu.memory_space<vmem_shared>> -> memref<128x8xf32, #tpu.memory_space<vmem_shared>>
      tpu.wait_dma2 semaphore(%run_scoped3A : memref<!tpu.dma_semaphore, #tpu.memory_space<semaphore_mem>>) src(%dma_wait3A_78 : memref<128x8xf32, #tpu.memory_space<vmem_shared>>) dst(%arg8 : memref<128x8xf32, #tpu.memory_space<vmem>>)
      tpu.yield
    }) : () -> ()
    %mul3A_69 = arith.constant 640 : i32
    %mul3A_70 = arith.muli %arg1, %mul3A_69 : i32
    %add3A_71 = arith.constant 512 : i32
    %add3A_72 = arith.addi %mul3A_70, %add3A_71 : i32
    "tpu.region"() ({
      %run_scoped3A = tpu.sem_alloc : memref<!tpu.dma_semaphore, #tpu.memory_space<semaphore_mem>>
      %dma_start3A = arith.constant 0 : i32
      %dma_start3A_73 = tpu.memref_slice %arg5[%arg0, %add3A_72, %dma_start3A] : memref<2x10240x8xf32, #tpu.memory_space<hbm>> -> memref<1x128x8xf32, #tpu.memory_space<hbm>>
      %dma_start3A_74 = tpu.memref_squeeze %dma_start3A_73 : memref<1x128x8xf32, #tpu.memory_space<hbm>> -> memref<128x8xf32, #tpu.memory_space<hbm>>
      %dma_start3A_75 = arith.constant 0 : i32
      %dma_start3A_76 = tpu.memref_slice %arg5[%arg0, %add3A_72, %dma_start3A_75] : memref<2x10240x8xf32, #tpu.memory_space<hbm>> -> memref<1x128x8xf32, #tpu.memory_space<hbm>>
      %dma_start3A_77 = tpu.memref_squeeze %dma_start3A_76 : memref<1x128x8xf32, #tpu.memory_space<hbm>> -> memref<128x8xf32, #tpu.memory_space<hbm>>
      tpu.enqueue_dma source(%arg8 : memref<128x8xf32, #tpu.memory_space<vmem>>) target(%dma_start3A_77 : memref<128x8xf32, #tpu.memory_space<hbm>>) target_semaphore(%run_scoped3A : memref<!tpu.dma_semaphore, #tpu.memory_space<semaphore_mem>>)
      %dma_wait3A = arith.constant 0 : i32
      %dma_wait3A_78 = tpu.memref_slice %arg5[%arg0, %add3A_72, %dma_wait3A] : memref<2x10240x8xf32, #tpu.memory_space<hbm>> -> memref<1x128x8xf32, #tpu.memory_space<hbm>>
      %dma_wait3A_79 = tpu.memref_squeeze %dma_wait3A_78 : memref<1x128x8xf32, #tpu.memory_space<hbm>> -> memref<128x8xf32, #tpu.memory_space<hbm>>
      %dma_wait3A_80 = arith.constant 0 : i32
      %dma_wait3A_81 = tpu.memref_slice %arg5[%arg0, %add3A_72, %dma_wait3A_80] : memref<2x10240x8xf32, #tpu.memory_space<hbm>> -> memref<1x128x8xf32, #tpu.memory_space<hbm>>
      %dma_wait3A_82 = tpu.memref_squeeze %dma_wait3A_81 : memref<1x128x8xf32, #tpu.memory_space<hbm>> -> memref<128x8xf32, #tpu.memory_space<hbm>>
      tpu.wait_dma2 semaphore(%run_scoped3A : memref<!tpu.dma_semaphore, #tpu.memory_space<semaphore_mem>>) src(%arg8 : memref<128x8xf32, #tpu.memory_space<vmem>>) dst(%dma_wait3A_82 : memref<128x8xf32, #tpu.memory_space<hbm>>)
      tpu.yield
    }) : () -> ()
    return
  }
}

#map = affine_map<(d0, d1) -> (0, 0)>
#map1 = affine_map<(d0, d1) -> (0, 0, 0)>
module attributes {stable_mosaic.version = 14 : i64} {
  func.func @k(%arg0: i32, %arg1: i32, %arg2: memref<10240x32xf32, #tpu.memory_space<hbm>>, %arg3: memref<32x79x128xi32, #tpu.memory_space<hbm>>, %arg4: memref<32x79x128xi32, #tpu.memory_space<hbm>>, %arg5: memref<128x32xf32, #tpu.memory_space<hbm>>, %arg6: memref<2x10240x32xf32, #tpu.memory_space<hbm>>, %arg7: memref<79x128xi32, #tpu.memory_space<vmem>>, %arg8: memref<79x128xi32, #tpu.memory_space<vmem>>, %arg9: memref<2x128x32xf32, #tpu.memory_space<vmem>>, %arg10: memref<128x32xf32, #tpu.memory_space<vmem>>, %arg11: memref<10240x32xf32, #tpu.memory_space<vmem_shared>>, %arg12: memref<!tpu.dma_semaphore, #tpu.memory_space<semaphore_mem>>, %arg13: memref<!tpu.dma_semaphore, #tpu.memory_space<semaphore_mem>>) attributes {dimension_semantics = [#tpu.dimension_semantics<core_parallel>, #tpu.dimension_semantics<subcore_parallel>], iteration_bounds = array<i64: 2, 16>, scalar_prefetch = 0 : i64, scratch_operands = 7 : i64, tpu.core_type = #tpu.core_type<sc_vector_subcore>, window_params = [{transform_indices = #map}, {transform_indices = #map1}, {transform_indices = #map1}, {transform_indices = #map}, {transform_indices = #map1}]} {
    %mul3A = arith.constant 16 : i32
    %mul3A_0 = arith.muli %arg0, %mul3A : i32
    %add3A = arith.addi %mul3A_0, %arg1 : i32
    "tpu.region"() ({
      %run_scoped3A = tpu.sem_alloc : memref<!tpu.dma_semaphore, #tpu.memory_space<semaphore_mem>>
      %dma_start3A_89 = arith.constant 0 : i32
      %dma_start3A_90 = arith.constant 0 : i32
      %dma_start3A_91 = tpu.memref_slice %arg3[%add3A, %dma_start3A_89, %dma_start3A_90] : memref<32x79x128xi32, #tpu.memory_space<hbm>> -> memref<1x79x128xi32, #tpu.memory_space<hbm>>
      %dma_start3A_92 = tpu.memref_squeeze %dma_start3A_91 : memref<1x79x128xi32, #tpu.memory_space<hbm>> -> memref<79x128xi32, #tpu.memory_space<hbm>>
      %dma_start3A_93 = arith.constant 0 : i32
      %dma_start3A_94 = arith.constant 0 : i32
      %dma_start3A_95 = tpu.memref_slice %arg3[%add3A, %dma_start3A_93, %dma_start3A_94] : memref<32x79x128xi32, #tpu.memory_space<hbm>> -> memref<1x79x128xi32, #tpu.memory_space<hbm>>
      %dma_start3A_96 = tpu.memref_squeeze %dma_start3A_95 : memref<1x79x128xi32, #tpu.memory_space<hbm>> -> memref<79x128xi32, #tpu.memory_space<hbm>>
      tpu.enqueue_dma source(%dma_start3A_96 : memref<79x128xi32, #tpu.memory_space<hbm>>) target(%arg7 : memref<79x128xi32, #tpu.memory_space<vmem>>) target_semaphore(%run_scoped3A : memref<!tpu.dma_semaphore, #tpu.memory_space<semaphore_mem>>)
      %dma_wait3A_97 = arith.constant 0 : i32
      %dma_wait3A_98 = arith.constant 0 : i32
      %dma_wait3A_99 = tpu.memref_slice %arg3[%add3A, %dma_wait3A_97, %dma_wait3A_98] : memref<32x79x128xi32, #tpu.memory_space<hbm>> -> memref<1x79x128xi32, #tpu.memory_space<hbm>>
      %dma_wait3A_100 = tpu.memref_squeeze %dma_wait3A_99 : memref<1x79x128xi32, #tpu.memory_space<hbm>> -> memref<79x128xi32, #tpu.memory_space<hbm>>
      %dma_wait3A_101 = arith.constant 0 : i32
      %dma_wait3A_102 = arith.constant 0 : i32
      %dma_wait3A_103 = tpu.memref_slice %arg3[%add3A, %dma_wait3A_101, %dma_wait3A_102] : memref<32x79x128xi32, #tpu.memory_space<hbm>> -> memref<1x79x128xi32, #tpu.memory_space<hbm>>
      %dma_wait3A_104 = tpu.memref_squeeze %dma_wait3A_103 : memref<1x79x128xi32, #tpu.memory_space<hbm>> -> memref<79x128xi32, #tpu.memory_space<hbm>>
      tpu.wait_dma2 semaphore(%run_scoped3A : memref<!tpu.dma_semaphore, #tpu.memory_space<semaphore_mem>>) src(%dma_wait3A_104 : memref<79x128xi32, #tpu.memory_space<hbm>>) dst(%arg7 : memref<79x128xi32, #tpu.memory_space<vmem>>)
      tpu.yield
    }) : () -> ()
    "tpu.region"() ({
      %run_scoped3A = tpu.sem_alloc : memref<!tpu.dma_semaphore, #tpu.memory_space<semaphore_mem>>
      %dma_start3A_89 = arith.constant 0 : i32
      %dma_start3A_90 = arith.constant 0 : i32
      %dma_start3A_91 = tpu.memref_slice %arg4[%add3A, %dma_start3A_89, %dma_start3A_90] : memref<32x79x128xi32, #tpu.memory_space<hbm>> -> memref<1x79x128xi32, #tpu.memory_space<hbm>>
      %dma_start3A_92 = tpu.memref_squeeze %dma_start3A_91 : memref<1x79x128xi32, #tpu.memory_space<hbm>> -> memref<79x128xi32, #tpu.memory_space<hbm>>
      %dma_start3A_93 = arith.constant 0 : i32
      %dma_start3A_94 = arith.constant 0 : i32
      %dma_start3A_95 = tpu.memref_slice %arg4[%add3A, %dma_start3A_93, %dma_start3A_94] : memref<32x79x128xi32, #tpu.memory_space<hbm>> -> memref<1x79x128xi32, #tpu.memory_space<hbm>>
      %dma_start3A_96 = tpu.memref_squeeze %dma_start3A_95 : memref<1x79x128xi32, #tpu.memory_space<hbm>> -> memref<79x128xi32, #tpu.memory_space<hbm>>
      tpu.enqueue_dma source(%dma_start3A_96 : memref<79x128xi32, #tpu.memory_space<hbm>>) target(%arg8 : memref<79x128xi32, #tpu.memory_space<vmem>>) target_semaphore(%run_scoped3A : memref<!tpu.dma_semaphore, #tpu.memory_space<semaphore_mem>>)
      %dma_wait3A_97 = arith.constant 0 : i32
      %dma_wait3A_98 = arith.constant 0 : i32
      %dma_wait3A_99 = tpu.memref_slice %arg4[%add3A, %dma_wait3A_97, %dma_wait3A_98] : memref<32x79x128xi32, #tpu.memory_space<hbm>> -> memref<1x79x128xi32, #tpu.memory_space<hbm>>
      %dma_wait3A_100 = tpu.memref_squeeze %dma_wait3A_99 : memref<1x79x128xi32, #tpu.memory_space<hbm>> -> memref<79x128xi32, #tpu.memory_space<hbm>>
      %dma_wait3A_101 = arith.constant 0 : i32
      %dma_wait3A_102 = arith.constant 0 : i32
      %dma_wait3A_103 = tpu.memref_slice %arg4[%add3A, %dma_wait3A_101, %dma_wait3A_102] : memref<32x79x128xi32, #tpu.memory_space<hbm>> -> memref<1x79x128xi32, #tpu.memory_space<hbm>>
      %dma_wait3A_104 = tpu.memref_squeeze %dma_wait3A_103 : memref<1x79x128xi32, #tpu.memory_space<hbm>> -> memref<79x128xi32, #tpu.memory_space<hbm>>
      tpu.wait_dma2 semaphore(%run_scoped3A : memref<!tpu.dma_semaphore, #tpu.memory_space<semaphore_mem>>) src(%dma_wait3A_104 : memref<79x128xi32, #tpu.memory_space<hbm>>) dst(%arg8 : memref<79x128xi32, #tpu.memory_space<vmem>>)
      tpu.yield
    }) : () -> ()
    "tpu.region"() ({
      %run_scoped3A = tpu.sem_alloc : memref<!tpu.dma_semaphore, #tpu.memory_space<semaphore_mem>>
      tpu.enqueue_dma source(%arg5 : memref<128x32xf32, #tpu.memory_space<hbm>>) target(%arg10 : memref<128x32xf32, #tpu.memory_space<vmem>>) target_semaphore(%run_scoped3A : memref<!tpu.dma_semaphore, #tpu.memory_space<semaphore_mem>>)
      tpu.wait_dma2 semaphore(%run_scoped3A : memref<!tpu.dma_semaphore, #tpu.memory_space<semaphore_mem>>) src(%arg5 : memref<128x32xf32, #tpu.memory_space<hbm>>) dst(%arg10 : memref<128x32xf32, #tpu.memory_space<vmem>>)
      tpu.yield
    }) : () -> ()
    %mul3A_1 = arith.constant 640 : i32
    %mul3A_2 = arith.muli %arg1, %mul3A_1 : i32
    %add3A_3 = arith.constant 0 : i32
    %add3A_4 = arith.addi %mul3A_2, %add3A_3 : i32
    "tpu.region"() ({
      %run_scoped3A = tpu.sem_alloc : memref<!tpu.dma_semaphore, #tpu.memory_space<semaphore_mem>>
      %dma_start3A_89 = arith.constant 0 : i32
      %dma_start3A_90 = tpu.memref_slice %arg11[%add3A_4, %dma_start3A_89] : memref<10240x32xf32, #tpu.memory_space<vmem_shared>> -> memref<128x32xf32, #tpu.memory_space<vmem_shared>>
      %dma_start3A_91 = arith.constant 0 : i32
      %dma_start3A_92 = tpu.memref_slice %arg11[%add3A_4, %dma_start3A_91] : memref<10240x32xf32, #tpu.memory_space<vmem_shared>> -> memref<128x32xf32, #tpu.memory_space<vmem_shared>>
      tpu.enqueue_dma source(%arg10 : memref<128x32xf32, #tpu.memory_space<vmem>>) target(%dma_start3A_92 : memref<128x32xf32, #tpu.memory_space<vmem_shared>>) target_semaphore(%run_scoped3A : memref<!tpu.dma_semaphore, #tpu.memory_space<semaphore_mem>>)
      %dma_wait3A_93 = arith.constant 0 : i32
      %dma_wait3A_94 = tpu.memref_slice %arg11[%add3A_4, %dma_wait3A_93] : memref<10240x32xf32, #tpu.memory_space<vmem_shared>> -> memref<128x32xf32, #tpu.memory_space<vmem_shared>>
      %dma_wait3A_95 = arith.constant 0 : i32
      %dma_wait3A_96 = tpu.memref_slice %arg11[%add3A_4, %dma_wait3A_95] : memref<10240x32xf32, #tpu.memory_space<vmem_shared>> -> memref<128x32xf32, #tpu.memory_space<vmem_shared>>
      tpu.wait_dma2 semaphore(%run_scoped3A : memref<!tpu.dma_semaphore, #tpu.memory_space<semaphore_mem>>) src(%arg10 : memref<128x32xf32, #tpu.memory_space<vmem>>) dst(%dma_wait3A_96 : memref<128x32xf32, #tpu.memory_space<vmem_shared>>)
      tpu.yield
    }) : () -> ()
    %mul3A_5 = arith.constant 640 : i32
    %mul3A_6 = arith.muli %arg1, %mul3A_5 : i32
    %add3A_7 = arith.constant 128 : i32
    %add3A_8 = arith.addi %mul3A_6, %add3A_7 : i32
    "tpu.region"() ({
      %run_scoped3A = tpu.sem_alloc : memref<!tpu.dma_semaphore, #tpu.memory_space<semaphore_mem>>
      %dma_start3A_89 = arith.constant 0 : i32
      %dma_start3A_90 = tpu.memref_slice %arg11[%add3A_8, %dma_start3A_89] : memref<10240x32xf32, #tpu.memory_space<vmem_shared>> -> memref<128x32xf32, #tpu.memory_space<vmem_shared>>
      %dma_start3A_91 = arith.constant 0 : i32
      %dma_start3A_92 = tpu.memref_slice %arg11[%add3A_8, %dma_start3A_91] : memref<10240x32xf32, #tpu.memory_space<vmem_shared>> -> memref<128x32xf32, #tpu.memory_space<vmem_shared>>
      tpu.enqueue_dma source(%arg10 : memref<128x32xf32, #tpu.memory_space<vmem>>) target(%dma_start3A_92 : memref<128x32xf32, #tpu.memory_space<vmem_shared>>) target_semaphore(%run_scoped3A : memref<!tpu.dma_semaphore, #tpu.memory_space<semaphore_mem>>)
      %dma_wait3A_93 = arith.constant 0 : i32
      %dma_wait3A_94 = tpu.memref_slice %arg11[%add3A_8, %dma_wait3A_93] : memref<10240x32xf32, #tpu.memory_space<vmem_shared>> -> memref<128x32xf32, #tpu.memory_space<vmem_shared>>
      %dma_wait3A_95 = arith.constant 0 : i32
      %dma_wait3A_96 = tpu.memref_slice %arg11[%add3A_8, %dma_wait3A_95] : memref<10240x32xf32, #tpu.memory_space<vmem_shared>> -> memref<128x32xf32, #tpu.memory_space<vmem_shared>>
      tpu.wait_dma2 semaphore(%run_scoped3A : memref<!tpu.dma_semaphore, #tpu.memory_space<semaphore_mem>>) src(%arg10 : memref<128x32xf32, #tpu.memory_space<vmem>>) dst(%dma_wait3A_96 : memref<128x32xf32, #tpu.memory_space<vmem_shared>>)
      tpu.yield
    }) : () -> ()
    %mul3A_9 = arith.constant 640 : i32
    %mul3A_10 = arith.muli %arg1, %mul3A_9 : i32
    %add3A_11 = arith.constant 256 : i32
    %add3A_12 = arith.addi %mul3A_10, %add3A_11 : i32
    "tpu.region"() ({
      %run_scoped3A = tpu.sem_alloc : memref<!tpu.dma_semaphore, #tpu.memory_space<semaphore_mem>>
      %dma_start3A_89 = arith.constant 0 : i32
      %dma_start3A_90 = tpu.memref_slice %arg11[%add3A_12, %dma_start3A_89] : memref<10240x32xf32, #tpu.memory_space<vmem_shared>> -> memref<128x32xf32, #tpu.memory_space<vmem_shared>>
      %dma_start3A_91 = arith.constant 0 : i32
      %dma_start3A_92 = tpu.memref_slice %arg11[%add3A_12, %dma_start3A_91] : memref<10240x32xf32, #tpu.memory_space<vmem_shared>> -> memref<128x32xf32, #tpu.memory_space<vmem_shared>>
      tpu.enqueue_dma source(%arg10 : memref<128x32xf32, #tpu.memory_space<vmem>>) target(%dma_start3A_92 : memref<128x32xf32, #tpu.memory_space<vmem_shared>>) target_semaphore(%run_scoped3A : memref<!tpu.dma_semaphore, #tpu.memory_space<semaphore_mem>>)
      %dma_wait3A_93 = arith.constant 0 : i32
      %dma_wait3A_94 = tpu.memref_slice %arg11[%add3A_12, %dma_wait3A_93] : memref<10240x32xf32, #tpu.memory_space<vmem_shared>> -> memref<128x32xf32, #tpu.memory_space<vmem_shared>>
      %dma_wait3A_95 = arith.constant 0 : i32
      %dma_wait3A_96 = tpu.memref_slice %arg11[%add3A_12, %dma_wait3A_95] : memref<10240x32xf32, #tpu.memory_space<vmem_shared>> -> memref<128x32xf32, #tpu.memory_space<vmem_shared>>
      tpu.wait_dma2 semaphore(%run_scoped3A : memref<!tpu.dma_semaphore, #tpu.memory_space<semaphore_mem>>) src(%arg10 : memref<128x32xf32, #tpu.memory_space<vmem>>) dst(%dma_wait3A_96 : memref<128x32xf32, #tpu.memory_space<vmem_shared>>)
      tpu.yield
    }) : () -> ()
    %mul3A_13 = arith.constant 640 : i32
    %mul3A_14 = arith.muli %arg1, %mul3A_13 : i32
    %add3A_15 = arith.constant 384 : i32
    %add3A_16 = arith.addi %mul3A_14, %add3A_15 : i32
    "tpu.region"() ({
      %run_scoped3A = tpu.sem_alloc : memref<!tpu.dma_semaphore, #tpu.memory_space<semaphore_mem>>
      %dma_start3A_89 = arith.constant 0 : i32
      %dma_start3A_90 = tpu.memref_slice %arg11[%add3A_16, %dma_start3A_89] : memref<10240x32xf32, #tpu.memory_space<vmem_shared>> -> memref<128x32xf32, #tpu.memory_space<vmem_shared>>
      %dma_start3A_91 = arith.constant 0 : i32
      %dma_start3A_92 = tpu.memref_slice %arg11[%add3A_16, %dma_start3A_91] : memref<10240x32xf32, #tpu.memory_space<vmem_shared>> -> memref<128x32xf32, #tpu.memory_space<vmem_shared>>
      tpu.enqueue_dma source(%arg10 : memref<128x32xf32, #tpu.memory_space<vmem>>) target(%dma_start3A_92 : memref<128x32xf32, #tpu.memory_space<vmem_shared>>) target_semaphore(%run_scoped3A : memref<!tpu.dma_semaphore, #tpu.memory_space<semaphore_mem>>)
      %dma_wait3A_93 = arith.constant 0 : i32
      %dma_wait3A_94 = tpu.memref_slice %arg11[%add3A_16, %dma_wait3A_93] : memref<10240x32xf32, #tpu.memory_space<vmem_shared>> -> memref<128x32xf32, #tpu.memory_space<vmem_shared>>
      %dma_wait3A_95 = arith.constant 0 : i32
      %dma_wait3A_96 = tpu.memref_slice %arg11[%add3A_16, %dma_wait3A_95] : memref<10240x32xf32, #tpu.memory_space<vmem_shared>> -> memref<128x32xf32, #tpu.memory_space<vmem_shared>>
      tpu.wait_dma2 semaphore(%run_scoped3A : memref<!tpu.dma_semaphore, #tpu.memory_space<semaphore_mem>>) src(%arg10 : memref<128x32xf32, #tpu.memory_space<vmem>>) dst(%dma_wait3A_96 : memref<128x32xf32, #tpu.memory_space<vmem_shared>>)
      tpu.yield
    }) : () -> ()
    %mul3A_17 = arith.constant 640 : i32
    %mul3A_18 = arith.muli %arg1, %mul3A_17 : i32
    %add3A_19 = arith.constant 512 : i32
    %add3A_20 = arith.addi %mul3A_18, %add3A_19 : i32
    "tpu.region"() ({
      %run_scoped3A = tpu.sem_alloc : memref<!tpu.dma_semaphore, #tpu.memory_space<semaphore_mem>>
      %dma_start3A_89 = arith.constant 0 : i32
      %dma_start3A_90 = tpu.memref_slice %arg11[%add3A_20, %dma_start3A_89] : memref<10240x32xf32, #tpu.memory_space<vmem_shared>> -> memref<128x32xf32, #tpu.memory_space<vmem_shared>>
      %dma_start3A_91 = arith.constant 0 : i32
      %dma_start3A_92 = tpu.memref_slice %arg11[%add3A_20, %dma_start3A_91] : memref<10240x32xf32, #tpu.memory_space<vmem_shared>> -> memref<128x32xf32, #tpu.memory_space<vmem_shared>>
      tpu.enqueue_dma source(%arg10 : memref<128x32xf32, #tpu.memory_space<vmem>>) target(%dma_start3A_92 : memref<128x32xf32, #tpu.memory_space<vmem_shared>>) target_semaphore(%run_scoped3A : memref<!tpu.dma_semaphore, #tpu.memory_space<semaphore_mem>>)
      %dma_wait3A_93 = arith.constant 0 : i32
      %dma_wait3A_94 = tpu.memref_slice %arg11[%add3A_20, %dma_wait3A_93] : memref<10240x32xf32, #tpu.memory_space<vmem_shared>> -> memref<128x32xf32, #tpu.memory_space<vmem_shared>>
      %dma_wait3A_95 = arith.constant 0 : i32
      %dma_wait3A_96 = tpu.memref_slice %arg11[%add3A_20, %dma_wait3A_95] : memref<10240x32xf32, #tpu.memory_space<vmem_shared>> -> memref<128x32xf32, #tpu.memory_space<vmem_shared>>
      tpu.wait_dma2 semaphore(%run_scoped3A : memref<!tpu.dma_semaphore, #tpu.memory_space<semaphore_mem>>) src(%arg10 : memref<128x32xf32, #tpu.memory_space<vmem>>) dst(%dma_wait3A_96 : memref<128x32xf32, #tpu.memory_space<vmem_shared>>)
      tpu.yield
    }) : () -> ()
    %barrier3A = arith.constant 0 : index
    tpu.barrier barrier_id(%barrier3A)
    %dma_start3A = arith.constant 0 : i32
    %dma_start3A_21 = arith.constant 0 : i32
    %dma_start3A_22 = arith.constant 0 : i32
    %dma_start3A_23 = arith.constant 0 : i32
    %dma_start3A_24 = tpu.memref_slice %arg9[%dma_start3A_21, %dma_start3A_22, %dma_start3A_23] : memref<2x128x32xf32, #tpu.memory_space<vmem>> -> memref<1x128x32xf32, #tpu.memory_space<vmem>>
    %dma_start3A_25 = tpu.memref_squeeze %dma_start3A_24 : memref<1x128x32xf32, #tpu.memory_space<vmem>> -> memref<128x32xf32, #tpu.memory_space<vmem>>
    %dma_start3A_26 = arith.constant 0 : i32
    %dma_start3A_27 = tpu.memref_slice %arg7[%dma_start3A, %dma_start3A_26] : memref<79x128xi32, #tpu.memory_space<vmem>> -> memref<1x128xi32, #tpu.memory_space<vmem>>
    %dma_start3A_28 = tpu.memref_squeeze %dma_start3A_27 : memref<1x128xi32, #tpu.memory_space<vmem>> -> memref<128xi32, #tpu.memory_space<vmem>>
    %dma_start3A_29 = arith.constant 0 : i32
    %dma_start3A_30 = arith.constant 0 : i32
    %dma_start3A_31 = tpu.memref_slice %arg2[%dma_start3A_29, %dma_start3A_30] : memref<10240x32xf32, #tpu.memory_space<hbm>> -> memref<10240x32xf32, #tpu.memory_space<hbm>>
    tpu.enqueue_indirect_dma source(%dma_start3A_31 : memref<10240x32xf32, #tpu.memory_space<hbm>>) target(%dma_start3A_25 : memref<128x32xf32, #tpu.memory_space<vmem>>) offsets(%dma_start3A_28 : memref<128xi32, #tpu.memory_space<vmem>>) semaphore(%arg12 : memref<!tpu.dma_semaphore, #tpu.memory_space<semaphore_mem>>)
    %scan3A = arith.constant 0 : i32
    %scan3A_32 = arith.constant 0 : i32
    %scan3A_33 = arith.constant 79 : i32
    %scan3A_34 = arith.addi %scan3A_32, %scan3A_33 : i32
    %scan3A_35 = arith.constant 1 : i32
    scf.for %scan3A_89 = %scan3A_32 to %scan3A_34 step %scan3A_35  : i32 {
      %dma_wait3A_90 = arith.constant 0 : i32
      %dma_wait3A_91 = arith.constant 0 : i32
      %dma_wait3A_92 = arith.constant 0 : i32
      %dma_wait3A_93 = arith.constant 0 : i32
      %dma_wait3A_94 = tpu.memref_slice %arg9[%dma_wait3A_91, %dma_wait3A_92, %dma_wait3A_93] : memref<2x128x32xf32, #tpu.memory_space<vmem>> -> memref<1x128x32xf32, #tpu.memory_space<vmem>>
      %dma_wait3A_95 = tpu.memref_squeeze %dma_wait3A_94 : memref<1x128x32xf32, #tpu.memory_space<vmem>> -> memref<128x32xf32, #tpu.memory_space<vmem>>
      %dma_wait3A_96 = arith.constant 0 : i32
      %dma_wait3A_97 = tpu.memref_slice %arg7[%dma_wait3A_90, %dma_wait3A_96] : memref<79x128xi32, #tpu.memory_space<vmem>> -> memref<1x128xi32, #tpu.memory_space<vmem>>
      %dma_wait3A_98 = tpu.memref_squeeze %dma_wait3A_97 : memref<1x128xi32, #tpu.memory_space<vmem>> -> memref<128xi32, #tpu.memory_space<vmem>>
      %dma_wait3A_99 = arith.constant 0 : i32
      %dma_wait3A_100 = arith.constant 0 : i32
      %dma_wait3A_101 = tpu.memref_slice %arg2[%dma_wait3A_99, %dma_wait3A_100] : memref<10240x32xf32, #tpu.memory_space<hbm>> -> memref<10240x32xf32, #tpu.memory_space<hbm>>
      tpu.wait_indirect_dma semaphore(%arg12 : memref<!tpu.dma_semaphore, #tpu.memory_space<semaphore_mem>>) src(%dma_wait3A_101 : memref<10240x32xf32, #tpu.memory_space<hbm>>) dst(%dma_wait3A_95 : memref<128x32xf32, #tpu.memory_space<vmem>>)
      %ge3A = arith.constant 1 : i32
      %ge3A_102 = arith.cmpi sge, %scan3A_89, %ge3A : i32
      %convert_element_type3A = arith.extui %ge3A_102 : i1 to i32
      %cond3A = arith.constant 0 : i32
      %cond3A_103 = arith.cmpi ne, %convert_element_type3A, %cond3A : i32
      scf.if %cond3A_103 {
        %dma_wait3A_128 = arith.constant 0 : i32
        %dma_wait3A_129 = arith.constant 0 : i32
        %dma_wait3A_130 = arith.constant 0 : i32
        %dma_wait3A_131 = arith.constant 0 : i32
        %dma_wait3A_132 = tpu.memref_slice %arg9[%dma_wait3A_128, %dma_wait3A_130, %dma_wait3A_131] : memref<2x128x32xf32, #tpu.memory_space<vmem>> -> memref<1x128x32xf32, #tpu.memory_space<vmem>>
        %dma_wait3A_133 = tpu.memref_squeeze %dma_wait3A_132 : memref<1x128x32xf32, #tpu.memory_space<vmem>> -> memref<128x32xf32, #tpu.memory_space<vmem>>
        %dma_wait3A_134 = arith.constant 0 : i32
        %dma_wait3A_135 = tpu.memref_slice %arg8[%dma_wait3A_129, %dma_wait3A_134] : memref<79x128xi32, #tpu.memory_space<vmem>> -> memref<1x128xi32, #tpu.memory_space<vmem>>
        %dma_wait3A_136 = tpu.memref_squeeze %dma_wait3A_135 : memref<1x128xi32, #tpu.memory_space<vmem>> -> memref<128xi32, #tpu.memory_space<vmem>>
        %dma_wait3A_137 = arith.constant 0 : i32
        %dma_wait3A_138 = arith.constant 0 : i32
        %dma_wait3A_139 = tpu.memref_slice %arg11[%dma_wait3A_137, %dma_wait3A_138] : memref<10240x32xf32, #tpu.memory_space<vmem_shared>> -> memref<10240x32xf32, #tpu.memory_space<vmem_shared>>
        tpu.wait_indirect_dma semaphore(%arg13 : memref<!tpu.dma_semaphore, #tpu.memory_space<semaphore_mem>>) src(%dma_wait3A_133 : memref<128x32xf32, #tpu.memory_space<vmem>>) dst(%dma_wait3A_139 : memref<10240x32xf32, #tpu.memory_space<vmem_shared>>)
      } else {
      }
      %lt3A = arith.constant 78 : i32
      %lt3A_104 = arith.cmpi slt, %scan3A_89, %lt3A : i32
      %convert_element_type3A_105 = arith.extui %lt3A_104 : i1 to i32
      %cond3A_106 = arith.constant 0 : i32
      %cond3A_107 = arith.cmpi ne, %convert_element_type3A_105, %cond3A_106 : i32
      scf.if %cond3A_107 {
        %add3A_128 = arith.constant 1 : i32
        %add3A_129 = arith.addi %scan3A_89, %add3A_128 : i32
        %add3A_130 = arith.constant 1 : i32
        %add3A_131 = arith.addi %scan3A_89, %add3A_130 : i32
        %jit3A_132 = arith.constant 2 : i32
        %eq3A_133 = arith.constant 0 : i32
        %eq3A_134 = arith.cmpi eq, %jit3A_132, %eq3A_133 : i32
        %jit3A_135 = arith.constant 1 : i32
        %select_n3A_136 = arith.select %eq3A_134, %jit3A_135, %jit3A_132 : i32
        %rem3A_137 = arith.remsi %add3A_131, %select_n3A_136 : i32
        %ne3A_138 = arith.constant 0 : i32
        %ne3A_139 = arith.cmpi ne, %rem3A_137, %ne3A_138 : i32
        %lt3A_140 = arith.constant 0 : i32
        %lt3A_141 = arith.cmpi slt, %rem3A_137, %lt3A_140 : i32
        %lt3A_142 = arith.constant 0 : i32
        %lt3A_143 = arith.cmpi slt, %select_n3A_136, %lt3A_142 : i32
        %ne3A_144 = arith.xori %lt3A_141, %lt3A_143 : i1
        %and3A_145 = arith.andi %ne3A_144, %ne3A_139 : i1
        %add3A_146 = arith.addi %rem3A_137, %select_n3A_136 : i32
        %select_n3A_147 = arith.select %and3A_145, %add3A_146, %rem3A_137 : i32
        %dma_start3A_148 = arith.constant 0 : i32
        %dma_start3A_149 = arith.constant 0 : i32
        %dma_start3A_150 = tpu.memref_slice %arg9[%select_n3A_147, %dma_start3A_148, %dma_start3A_149] : memref<2x128x32xf32, #tpu.memory_space<vmem>> -> memref<1x128x32xf32, #tpu.memory_space<vmem>>
        %dma_start3A_151 = tpu.memref_squeeze %dma_start3A_150 : memref<1x128x32xf32, #tpu.memory_space<vmem>> -> memref<128x32xf32, #tpu.memory_space<vmem>>
        %dma_start3A_152 = arith.constant 0 : i32
        %dma_start3A_153 = tpu.memref_slice %arg7[%add3A_129, %dma_start3A_152] : memref<79x128xi32, #tpu.memory_space<vmem>> -> memref<1x128xi32, #tpu.memory_space<vmem>>
        %dma_start3A_154 = tpu.memref_squeeze %dma_start3A_153 : memref<1x128xi32, #tpu.memory_space<vmem>> -> memref<128xi32, #tpu.memory_space<vmem>>
        %dma_start3A_155 = arith.constant 0 : i32
        %dma_start3A_156 = arith.constant 0 : i32
        %dma_start3A_157 = tpu.memref_slice %arg2[%dma_start3A_155, %dma_start3A_156] : memref<10240x32xf32, #tpu.memory_space<hbm>> -> memref<10240x32xf32, #tpu.memory_space<hbm>>
        tpu.enqueue_indirect_dma source(%dma_start3A_157 : memref<10240x32xf32, #tpu.memory_space<hbm>>) target(%dma_start3A_151 : memref<128x32xf32, #tpu.memory_space<vmem>>) offsets(%dma_start3A_154 : memref<128xi32, #tpu.memory_space<vmem>>) semaphore(%arg12 : memref<!tpu.dma_semaphore, #tpu.memory_space<semaphore_mem>>)
      } else {
      }
      %jit3A = arith.constant 2 : i32
      %eq3A = arith.constant 0 : i32
      %eq3A_108 = arith.cmpi eq, %jit3A, %eq3A : i32
      %jit3A_109 = arith.constant 1 : i32
      %select_n3A = arith.select %eq3A_108, %jit3A_109, %jit3A : i32
      %rem3A = arith.remsi %scan3A_89, %select_n3A : i32
      %ne3A = arith.constant 0 : i32
      %ne3A_110 = arith.cmpi ne, %rem3A, %ne3A : i32
      %lt3A_111 = arith.constant 0 : i32
      %lt3A_112 = arith.cmpi slt, %rem3A, %lt3A_111 : i32
      %lt3A_113 = arith.constant 0 : i32
      %lt3A_114 = arith.cmpi slt, %select_n3A, %lt3A_113 : i32
      %ne3A_115 = arith.xori %lt3A_112, %lt3A_114 : i1
      %and3A = arith.andi %ne3A_115, %ne3A_110 : i1
      %add3A_116 = arith.addi %rem3A, %select_n3A : i32
      %select_n3A_117 = arith.select %and3A, %add3A_116, %rem3A : i32
      %dma_start3A_118 = arith.constant 0 : i32
      %dma_start3A_119 = arith.constant 0 : i32
      %dma_start3A_120 = tpu.memref_slice %arg9[%select_n3A_117, %dma_start3A_118, %dma_start3A_119] : memref<2x128x32xf32, #tpu.memory_space<vmem>> -> memref<1x128x32xf32, #tpu.memory_space<vmem>>
      %dma_start3A_121 = tpu.memref_squeeze %dma_start3A_120 : memref<1x128x32xf32, #tpu.memory_space<vmem>> -> memref<128x32xf32, #tpu.memory_space<vmem>>
      %dma_start3A_122 = arith.constant 0 : i32
      %dma_start3A_123 = tpu.memref_slice %arg8[%scan3A_89, %dma_start3A_122] : memref<79x128xi32, #tpu.memory_space<vmem>> -> memref<1x128xi32, #tpu.memory_space<vmem>>
      %dma_start3A_124 = tpu.memref_squeeze %dma_start3A_123 : memref<1x128xi32, #tpu.memory_space<vmem>> -> memref<128xi32, #tpu.memory_space<vmem>>
      %dma_start3A_125 = arith.constant 0 : i32
      %dma_start3A_126 = arith.constant 0 : i32
      %dma_start3A_127 = tpu.memref_slice %arg11[%dma_start3A_125, %dma_start3A_126] : memref<10240x32xf32, #tpu.memory_space<vmem_shared>> -> memref<10240x32xf32, #tpu.memory_space<vmem_shared>>
      tpu.enqueue_indirect_dma source(%dma_start3A_121 : memref<128x32xf32, #tpu.memory_space<vmem>>) target(%dma_start3A_127 : memref<10240x32xf32, #tpu.memory_space<vmem_shared>>) offsets(%dma_start3A_124 : memref<128xi32, #tpu.memory_space<vmem>>) semaphore(%arg13 : memref<!tpu.dma_semaphore, #tpu.memory_space<semaphore_mem>>) {add = true}
    }
    %scan3A_36 = arith.constant 79 : i32
    %dma_wait3A = arith.constant 0 : i32
    %dma_wait3A_37 = arith.constant 0 : i32
    %dma_wait3A_38 = arith.constant 0 : i32
    %dma_wait3A_39 = arith.constant 0 : i32
    %dma_wait3A_40 = tpu.memref_slice %arg9[%dma_wait3A, %dma_wait3A_38, %dma_wait3A_39] : memref<2x128x32xf32, #tpu.memory_space<vmem>> -> memref<1x128x32xf32, #tpu.memory_space<vmem>>
    %dma_wait3A_41 = tpu.memref_squeeze %dma_wait3A_40 : memref<1x128x32xf32, #tpu.memory_space<vmem>> -> memref<128x32xf32, #tpu.memory_space<vmem>>
    %dma_wait3A_42 = arith.constant 0 : i32
    %dma_wait3A_43 = tpu.memref_slice %arg8[%dma_wait3A_37, %dma_wait3A_42] : memref<79x128xi32, #tpu.memory_space<vmem>> -> memref<1x128xi32, #tpu.memory_space<vmem>>
    %dma_wait3A_44 = tpu.memref_squeeze %dma_wait3A_43 : memref<1x128xi32, #tpu.memory_space<vmem>> -> memref<128xi32, #tpu.memory_space<vmem>>
    %dma_wait3A_45 = arith.constant 0 : i32
    %dma_wait3A_46 = arith.constant 0 : i32
    %dma_wait3A_47 = tpu.memref_slice %arg11[%dma_wait3A_45, %dma_wait3A_46] : memref<10240x32xf32, #tpu.memory_space<vmem_shared>> -> memref<10240x32xf32, #tpu.memory_space<vmem_shared>>
    tpu.wait_indirect_dma semaphore(%arg13 : memref<!tpu.dma_semaphore, #tpu.memory_space<semaphore_mem>>) src(%dma_wait3A_41 : memref<128x32xf32, #tpu.memory_space<vmem>>) dst(%dma_wait3A_47 : memref<10240x32xf32, #tpu.memory_space<vmem_shared>>)
    %barrier3A_48 = arith.constant 0 : index
    tpu.barrier barrier_id(%barrier3A_48)
    %mul3A_49 = arith.constant 640 : i32
    %mul3A_50 = arith.muli %arg1, %mul3A_49 : i32
    %add3A_51 = arith.constant 0 : i32
    %add3A_52 = arith.addi %mul3A_50, %add3A_51 : i32
    "tpu.region"() ({
      %run_scoped3A = tpu.sem_alloc : memref<!tpu.dma_semaphore, #tpu.memory_space<semaphore_mem>>
      %dma_start3A_89 = arith.constant 0 : i32
      %dma_start3A_90 = tpu.memref_slice %arg11[%add3A_52, %dma_start3A_89] : memref<10240x32xf32, #tpu.memory_space<vmem_shared>> -> memref<128x32xf32, #tpu.memory_space<vmem_shared>>
      %dma_start3A_91 = arith.constant 0 : i32
      %dma_start3A_92 = tpu.memref_slice %arg11[%add3A_52, %dma_start3A_91] : memref<10240x32xf32, #tpu.memory_space<vmem_shared>> -> memref<128x32xf32, #tpu.memory_space<vmem_shared>>
      tpu.enqueue_dma source(%dma_start3A_92 : memref<128x32xf32, #tpu.memory_space<vmem_shared>>) target(%arg10 : memref<128x32xf32, #tpu.memory_space<vmem>>) target_semaphore(%run_scoped3A : memref<!tpu.dma_semaphore, #tpu.memory_space<semaphore_mem>>)
      %dma_wait3A_93 = arith.constant 0 : i32
      %dma_wait3A_94 = tpu.memref_slice %arg11[%add3A_52, %dma_wait3A_93] : memref<10240x32xf32, #tpu.memory_space<vmem_shared>> -> memref<128x32xf32, #tpu.memory_space<vmem_shared>>
      %dma_wait3A_95 = arith.constant 0 : i32
      %dma_wait3A_96 = tpu.memref_slice %arg11[%add3A_52, %dma_wait3A_95] : memref<10240x32xf32, #tpu.memory_space<vmem_shared>> -> memref<128x32xf32, #tpu.memory_space<vmem_shared>>
      tpu.wait_dma2 semaphore(%run_scoped3A : memref<!tpu.dma_semaphore, #tpu.memory_space<semaphore_mem>>) src(%dma_wait3A_96 : memref<128x32xf32, #tpu.memory_space<vmem_shared>>) dst(%arg10 : memref<128x32xf32, #tpu.memory_space<vmem>>)
      tpu.yield
    }) : () -> ()
    %mul3A_53 = arith.constant 640 : i32
    %mul3A_54 = arith.muli %arg1, %mul3A_53 : i32
    %add3A_55 = arith.constant 0 : i32
    %add3A_56 = arith.addi %mul3A_54, %add3A_55 : i32
    "tpu.region"() ({
      %run_scoped3A = tpu.sem_alloc : memref<!tpu.dma_semaphore, #tpu.memory_space<semaphore_mem>>
      %dma_start3A_89 = arith.constant 0 : i32
      %dma_start3A_90 = tpu.memref_slice %arg6[%arg0, %add3A_56, %dma_start3A_89] : memref<2x10240x32xf32, #tpu.memory_space<hbm>> -> memref<1x128x32xf32, #tpu.memory_space<hbm>>
      %dma_start3A_91 = tpu.memref_squeeze %dma_start3A_90 : memref<1x128x32xf32, #tpu.memory_space<hbm>> -> memref<128x32xf32, #tpu.memory_space<hbm>>
      %dma_start3A_92 = arith.constant 0 : i32
      %dma_start3A_93 = tpu.memref_slice %arg6[%arg0, %add3A_56, %dma_start3A_92] : memref<2x10240x32xf32, #tpu.memory_space<hbm>> -> memref<1x128x32xf32, #tpu.memory_space<hbm>>
      %dma_start3A_94 = tpu.memref_squeeze %dma_start3A_93 : memref<1x128x32xf32, #tpu.memory_space<hbm>> -> memref<128x32xf32, #tpu.memory_space<hbm>>
      tpu.enqueue_dma source(%arg10 : memref<128x32xf32, #tpu.memory_space<vmem>>) target(%dma_start3A_94 : memref<128x32xf32, #tpu.memory_space<hbm>>) target_semaphore(%run_scoped3A : memref<!tpu.dma_semaphore, #tpu.memory_space<semaphore_mem>>)
      %dma_wait3A_95 = arith.constant 0 : i32
      %dma_wait3A_96 = tpu.memref_slice %arg6[%arg0, %add3A_56, %dma_wait3A_95] : memref<2x10240x32xf32, #tpu.memory_space<hbm>> -> memref<1x128x32xf32, #tpu.memory_space<hbm>>
      %dma_wait3A_97 = tpu.memref_squeeze %dma_wait3A_96 : memref<1x128x32xf32, #tpu.memory_space<hbm>> -> memref<128x32xf32, #tpu.memory_space<hbm>>
      %dma_wait3A_98 = arith.constant 0 : i32
      %dma_wait3A_99 = tpu.memref_slice %arg6[%arg0, %add3A_56, %dma_wait3A_98] : memref<2x10240x32xf32, #tpu.memory_space<hbm>> -> memref<1x128x32xf32, #tpu.memory_space<hbm>>
      %dma_wait3A_100 = tpu.memref_squeeze %dma_wait3A_99 : memref<1x128x32xf32, #tpu.memory_space<hbm>> -> memref<128x32xf32, #tpu.memory_space<hbm>>
      tpu.wait_dma2 semaphore(%run_scoped3A : memref<!tpu.dma_semaphore, #tpu.memory_space<semaphore_mem>>) src(%arg10 : memref<128x32xf32, #tpu.memory_space<vmem>>) dst(%dma_wait3A_100 : memref<128x32xf32, #tpu.memory_space<hbm>>)
      tpu.yield
    }) : () -> ()
    %mul3A_57 = arith.constant 640 : i32
    %mul3A_58 = arith.muli %arg1, %mul3A_57 : i32
    %add3A_59 = arith.constant 128 : i32
    %add3A_60 = arith.addi %mul3A_58, %add3A_59 : i32
    "tpu.region"() ({
      %run_scoped3A = tpu.sem_alloc : memref<!tpu.dma_semaphore, #tpu.memory_space<semaphore_mem>>
      %dma_start3A_89 = arith.constant 0 : i32
      %dma_start3A_90 = tpu.memref_slice %arg11[%add3A_60, %dma_start3A_89] : memref<10240x32xf32, #tpu.memory_space<vmem_shared>> -> memref<128x32xf32, #tpu.memory_space<vmem_shared>>
      %dma_start3A_91 = arith.constant 0 : i32
      %dma_start3A_92 = tpu.memref_slice %arg11[%add3A_60, %dma_start3A_91] : memref<10240x32xf32, #tpu.memory_space<vmem_shared>> -> memref<128x32xf32, #tpu.memory_space<vmem_shared>>
      tpu.enqueue_dma source(%dma_start3A_92 : memref<128x32xf32, #tpu.memory_space<vmem_shared>>) target(%arg10 : memref<128x32xf32, #tpu.memory_space<vmem>>) target_semaphore(%run_scoped3A : memref<!tpu.dma_semaphore, #tpu.memory_space<semaphore_mem>>)
      %dma_wait3A_93 = arith.constant 0 : i32
      %dma_wait3A_94 = tpu.memref_slice %arg11[%add3A_60, %dma_wait3A_93] : memref<10240x32xf32, #tpu.memory_space<vmem_shared>> -> memref<128x32xf32, #tpu.memory_space<vmem_shared>>
      %dma_wait3A_95 = arith.constant 0 : i32
      %dma_wait3A_96 = tpu.memref_slice %arg11[%add3A_60, %dma_wait3A_95] : memref<10240x32xf32, #tpu.memory_space<vmem_shared>> -> memref<128x32xf32, #tpu.memory_space<vmem_shared>>
      tpu.wait_dma2 semaphore(%run_scoped3A : memref<!tpu.dma_semaphore, #tpu.memory_space<semaphore_mem>>) src(%dma_wait3A_96 : memref<128x32xf32, #tpu.memory_space<vmem_shared>>) dst(%arg10 : memref<128x32xf32, #tpu.memory_space<vmem>>)
      tpu.yield
    }) : () -> ()
    %mul3A_61 = arith.constant 640 : i32
    %mul3A_62 = arith.muli %arg1, %mul3A_61 : i32
    %add3A_63 = arith.constant 128 : i32
    %add3A_64 = arith.addi %mul3A_62, %add3A_63 : i32
    "tpu.region"() ({
      %run_scoped3A = tpu.sem_alloc : memref<!tpu.dma_semaphore, #tpu.memory_space<semaphore_mem>>
      %dma_start3A_89 = arith.constant 0 : i32
      %dma_start3A_90 = tpu.memref_slice %arg6[%arg0, %add3A_64, %dma_start3A_89] : memref<2x10240x32xf32, #tpu.memory_space<hbm>> -> memref<1x128x32xf32, #tpu.memory_space<hbm>>
      %dma_start3A_91 = tpu.memref_squeeze %dma_start3A_90 : memref<1x128x32xf32, #tpu.memory_space<hbm>> -> memref<128x32xf32, #tpu.memory_space<hbm>>
      %dma_start3A_92 = arith.constant 0 : i32
      %dma_start3A_93 = tpu.memref_slice %arg6[%arg0, %add3A_64, %dma_start3A_92] : memref<2x10240x32xf32, #tpu.memory_space<hbm>> -> memref<1x128x32xf32, #tpu.memory_space<hbm>>
      %dma_start3A_94 = tpu.memref_squeeze %dma_start3A_93 : memref<1x128x32xf32, #tpu.memory_space<hbm>> -> memref<128x32xf32, #tpu.memory_space<hbm>>
      tpu.enqueue_dma source(%arg10 : memref<128x32xf32, #tpu.memory_space<vmem>>) target(%dma_start3A_94 : memref<128x32xf32, #tpu.memory_space<hbm>>) target_semaphore(%run_scoped3A : memref<!tpu.dma_semaphore, #tpu.memory_space<semaphore_mem>>)
      %dma_wait3A_95 = arith.constant 0 : i32
      %dma_wait3A_96 = tpu.memref_slice %arg6[%arg0, %add3A_64, %dma_wait3A_95] : memref<2x10240x32xf32, #tpu.memory_space<hbm>> -> memref<1x128x32xf32, #tpu.memory_space<hbm>>
      %dma_wait3A_97 = tpu.memref_squeeze %dma_wait3A_96 : memref<1x128x32xf32, #tpu.memory_space<hbm>> -> memref<128x32xf32, #tpu.memory_space<hbm>>
      %dma_wait3A_98 = arith.constant 0 : i32
      %dma_wait3A_99 = tpu.memref_slice %arg6[%arg0, %add3A_64, %dma_wait3A_98] : memref<2x10240x32xf32, #tpu.memory_space<hbm>> -> memref<1x128x32xf32, #tpu.memory_space<hbm>>
      %dma_wait3A_100 = tpu.memref_squeeze %dma_wait3A_99 : memref<1x128x32xf32, #tpu.memory_space<hbm>> -> memref<128x32xf32, #tpu.memory_space<hbm>>
      tpu.wait_dma2 semaphore(%run_scoped3A : memref<!tpu.dma_semaphore, #tpu.memory_space<semaphore_mem>>) src(%arg10 : memref<128x32xf32, #tpu.memory_space<vmem>>) dst(%dma_wait3A_100 : memref<128x32xf32, #tpu.memory_space<hbm>>)
      tpu.yield
    }) : () -> ()
    %mul3A_65 = arith.constant 640 : i32
    %mul3A_66 = arith.muli %arg1, %mul3A_65 : i32
    %add3A_67 = arith.constant 256 : i32
    %add3A_68 = arith.addi %mul3A_66, %add3A_67 : i32
    "tpu.region"() ({
      %run_scoped3A = tpu.sem_alloc : memref<!tpu.dma_semaphore, #tpu.memory_space<semaphore_mem>>
      %dma_start3A_89 = arith.constant 0 : i32
      %dma_start3A_90 = tpu.memref_slice %arg11[%add3A_68, %dma_start3A_89] : memref<10240x32xf32, #tpu.memory_space<vmem_shared>> -> memref<128x32xf32, #tpu.memory_space<vmem_shared>>
      %dma_start3A_91 = arith.constant 0 : i32
      %dma_start3A_92 = tpu.memref_slice %arg11[%add3A_68, %dma_start3A_91] : memref<10240x32xf32, #tpu.memory_space<vmem_shared>> -> memref<128x32xf32, #tpu.memory_space<vmem_shared>>
      tpu.enqueue_dma source(%dma_start3A_92 : memref<128x32xf32, #tpu.memory_space<vmem_shared>>) target(%arg10 : memref<128x32xf32, #tpu.memory_space<vmem>>) target_semaphore(%run_scoped3A : memref<!tpu.dma_semaphore, #tpu.memory_space<semaphore_mem>>)
      %dma_wait3A_93 = arith.constant 0 : i32
      %dma_wait3A_94 = tpu.memref_slice %arg11[%add3A_68, %dma_wait3A_93] : memref<10240x32xf32, #tpu.memory_space<vmem_shared>> -> memref<128x32xf32, #tpu.memory_space<vmem_shared>>
      %dma_wait3A_95 = arith.constant 0 : i32
      %dma_wait3A_96 = tpu.memref_slice %arg11[%add3A_68, %dma_wait3A_95] : memref<10240x32xf32, #tpu.memory_space<vmem_shared>> -> memref<128x32xf32, #tpu.memory_space<vmem_shared>>
      tpu.wait_dma2 semaphore(%run_scoped3A : memref<!tpu.dma_semaphore, #tpu.memory_space<semaphore_mem>>) src(%dma_wait3A_96 : memref<128x32xf32, #tpu.memory_space<vmem_shared>>) dst(%arg10 : memref<128x32xf32, #tpu.memory_space<vmem>>)
      tpu.yield
    }) : () -> ()
    %mul3A_69 = arith.constant 640 : i32
    %mul3A_70 = arith.muli %arg1, %mul3A_69 : i32
    %add3A_71 = arith.constant 256 : i32
    %add3A_72 = arith.addi %mul3A_70, %add3A_71 : i32
    "tpu.region"() ({
      %run_scoped3A = tpu.sem_alloc : memref<!tpu.dma_semaphore, #tpu.memory_space<semaphore_mem>>
      %dma_start3A_89 = arith.constant 0 : i32
      %dma_start3A_90 = tpu.memref_slice %arg6[%arg0, %add3A_72, %dma_start3A_89] : memref<2x10240x32xf32, #tpu.memory_space<hbm>> -> memref<1x128x32xf32, #tpu.memory_space<hbm>>
      %dma_start3A_91 = tpu.memref_squeeze %dma_start3A_90 : memref<1x128x32xf32, #tpu.memory_space<hbm>> -> memref<128x32xf32, #tpu.memory_space<hbm>>
      %dma_start3A_92 = arith.constant 0 : i32
      %dma_start3A_93 = tpu.memref_slice %arg6[%arg0, %add3A_72, %dma_start3A_92] : memref<2x10240x32xf32, #tpu.memory_space<hbm>> -> memref<1x128x32xf32, #tpu.memory_space<hbm>>
      %dma_start3A_94 = tpu.memref_squeeze %dma_start3A_93 : memref<1x128x32xf32, #tpu.memory_space<hbm>> -> memref<128x32xf32, #tpu.memory_space<hbm>>
      tpu.enqueue_dma source(%arg10 : memref<128x32xf32, #tpu.memory_space<vmem>>) target(%dma_start3A_94 : memref<128x32xf32, #tpu.memory_space<hbm>>) target_semaphore(%run_scoped3A : memref<!tpu.dma_semaphore, #tpu.memory_space<semaphore_mem>>)
      %dma_wait3A_95 = arith.constant 0 : i32
      %dma_wait3A_96 = tpu.memref_slice %arg6[%arg0, %add3A_72, %dma_wait3A_95] : memref<2x10240x32xf32, #tpu.memory_space<hbm>> -> memref<1x128x32xf32, #tpu.memory_space<hbm>>
      %dma_wait3A_97 = tpu.memref_squeeze %dma_wait3A_96 : memref<1x128x32xf32, #tpu.memory_space<hbm>> -> memref<128x32xf32, #tpu.memory_space<hbm>>
      %dma_wait3A_98 = arith.constant 0 : i32
      %dma_wait3A_99 = tpu.memref_slice %arg6[%arg0, %add3A_72, %dma_wait3A_98] : memref<2x10240x32xf32, #tpu.memory_space<hbm>> -> memref<1x128x32xf32, #tpu.memory_space<hbm>>
      %dma_wait3A_100 = tpu.memref_squeeze %dma_wait3A_99 : memref<1x128x32xf32, #tpu.memory_space<hbm>> -> memref<128x32xf32, #tpu.memory_space<hbm>>
      tpu.wait_dma2 semaphore(%run_scoped3A : memref<!tpu.dma_semaphore, #tpu.memory_space<semaphore_mem>>) src(%arg10 : memref<128x32xf32, #tpu.memory_space<vmem>>) dst(%dma_wait3A_100 : memref<128x32xf32, #tpu.memory_space<hbm>>)
      tpu.yield
    }) : () -> ()
    %mul3A_73 = arith.constant 640 : i32
    %mul3A_74 = arith.muli %arg1, %mul3A_73 : i32
    %add3A_75 = arith.constant 384 : i32
    %add3A_76 = arith.addi %mul3A_74, %add3A_75 : i32
    "tpu.region"() ({
      %run_scoped3A = tpu.sem_alloc : memref<!tpu.dma_semaphore, #tpu.memory_space<semaphore_mem>>
      %dma_start3A_89 = arith.constant 0 : i32
      %dma_start3A_90 = tpu.memref_slice %arg11[%add3A_76, %dma_start3A_89] : memref<10240x32xf32, #tpu.memory_space<vmem_shared>> -> memref<128x32xf32, #tpu.memory_space<vmem_shared>>
      %dma_start3A_91 = arith.constant 0 : i32
      %dma_start3A_92 = tpu.memref_slice %arg11[%add3A_76, %dma_start3A_91] : memref<10240x32xf32, #tpu.memory_space<vmem_shared>> -> memref<128x32xf32, #tpu.memory_space<vmem_shared>>
      tpu.enqueue_dma source(%dma_start3A_92 : memref<128x32xf32, #tpu.memory_space<vmem_shared>>) target(%arg10 : memref<128x32xf32, #tpu.memory_space<vmem>>) target_semaphore(%run_scoped3A : memref<!tpu.dma_semaphore, #tpu.memory_space<semaphore_mem>>)
      %dma_wait3A_93 = arith.constant 0 : i32
      %dma_wait3A_94 = tpu.memref_slice %arg11[%add3A_76, %dma_wait3A_93] : memref<10240x32xf32, #tpu.memory_space<vmem_shared>> -> memref<128x32xf32, #tpu.memory_space<vmem_shared>>
      %dma_wait3A_95 = arith.constant 0 : i32
      %dma_wait3A_96 = tpu.memref_slice %arg11[%add3A_76, %dma_wait3A_95] : memref<10240x32xf32, #tpu.memory_space<vmem_shared>> -> memref<128x32xf32, #tpu.memory_space<vmem_shared>>
      tpu.wait_dma2 semaphore(%run_scoped3A : memref<!tpu.dma_semaphore, #tpu.memory_space<semaphore_mem>>) src(%dma_wait3A_96 : memref<128x32xf32, #tpu.memory_space<vmem_shared>>) dst(%arg10 : memref<128x32xf32, #tpu.memory_space<vmem>>)
      tpu.yield
    }) : () -> ()
    %mul3A_77 = arith.constant 640 : i32
    %mul3A_78 = arith.muli %arg1, %mul3A_77 : i32
    %add3A_79 = arith.constant 384 : i32
    %add3A_80 = arith.addi %mul3A_78, %add3A_79 : i32
    "tpu.region"() ({
      %run_scoped3A = tpu.sem_alloc : memref<!tpu.dma_semaphore, #tpu.memory_space<semaphore_mem>>
      %dma_start3A_89 = arith.constant 0 : i32
      %dma_start3A_90 = tpu.memref_slice %arg6[%arg0, %add3A_80, %dma_start3A_89] : memref<2x10240x32xf32, #tpu.memory_space<hbm>> -> memref<1x128x32xf32, #tpu.memory_space<hbm>>
      %dma_start3A_91 = tpu.memref_squeeze %dma_start3A_90 : memref<1x128x32xf32, #tpu.memory_space<hbm>> -> memref<128x32xf32, #tpu.memory_space<hbm>>
      %dma_start3A_92 = arith.constant 0 : i32
      %dma_start3A_93 = tpu.memref_slice %arg6[%arg0, %add3A_80, %dma_start3A_92] : memref<2x10240x32xf32, #tpu.memory_space<hbm>> -> memref<1x128x32xf32, #tpu.memory_space<hbm>>
      %dma_start3A_94 = tpu.memref_squeeze %dma_start3A_93 : memref<1x128x32xf32, #tpu.memory_space<hbm>> -> memref<128x32xf32, #tpu.memory_space<hbm>>
      tpu.enqueue_dma source(%arg10 : memref<128x32xf32, #tpu.memory_space<vmem>>) target(%dma_start3A_94 : memref<128x32xf32, #tpu.memory_space<hbm>>) target_semaphore(%run_scoped3A : memref<!tpu.dma_semaphore, #tpu.memory_space<semaphore_mem>>)
      %dma_wait3A_95 = arith.constant 0 : i32
      %dma_wait3A_96 = tpu.memref_slice %arg6[%arg0, %add3A_80, %dma_wait3A_95] : memref<2x10240x32xf32, #tpu.memory_space<hbm>> -> memref<1x128x32xf32, #tpu.memory_space<hbm>>
      %dma_wait3A_97 = tpu.memref_squeeze %dma_wait3A_96 : memref<1x128x32xf32, #tpu.memory_space<hbm>> -> memref<128x32xf32, #tpu.memory_space<hbm>>
      %dma_wait3A_98 = arith.constant 0 : i32
      %dma_wait3A_99 = tpu.memref_slice %arg6[%arg0, %add3A_80, %dma_wait3A_98] : memref<2x10240x32xf32, #tpu.memory_space<hbm>> -> memref<1x128x32xf32, #tpu.memory_space<hbm>>
      %dma_wait3A_100 = tpu.memref_squeeze %dma_wait3A_99 : memref<1x128x32xf32, #tpu.memory_space<hbm>> -> memref<128x32xf32, #tpu.memory_space<hbm>>
      tpu.wait_dma2 semaphore(%run_scoped3A : memref<!tpu.dma_semaphore, #tpu.memory_space<semaphore_mem>>) src(%arg10 : memref<128x32xf32, #tpu.memory_space<vmem>>) dst(%dma_wait3A_100 : memref<128x32xf32, #tpu.memory_space<hbm>>)
      tpu.yield
    }) : () -> ()
    %mul3A_81 = arith.constant 640 : i32
    %mul3A_82 = arith.muli %arg1, %mul3A_81 : i32
    %add3A_83 = arith.constant 512 : i32
    %add3A_84 = arith.addi %mul3A_82, %add3A_83 : i32
    "tpu.region"() ({
      %run_scoped3A = tpu.sem_alloc : memref<!tpu.dma_semaphore, #tpu.memory_space<semaphore_mem>>
      %dma_start3A_89 = arith.constant 0 : i32
      %dma_start3A_90 = tpu.memref_slice %arg11[%add3A_84, %dma_start3A_89] : memref<10240x32xf32, #tpu.memory_space<vmem_shared>> -> memref<128x32xf32, #tpu.memory_space<vmem_shared>>
      %dma_start3A_91 = arith.constant 0 : i32
      %dma_start3A_92 = tpu.memref_slice %arg11[%add3A_84, %dma_start3A_91] : memref<10240x32xf32, #tpu.memory_space<vmem_shared>> -> memref<128x32xf32, #tpu.memory_space<vmem_shared>>
      tpu.enqueue_dma source(%dma_start3A_92 : memref<128x32xf32, #tpu.memory_space<vmem_shared>>) target(%arg10 : memref<128x32xf32, #tpu.memory_space<vmem>>) target_semaphore(%run_scoped3A : memref<!tpu.dma_semaphore, #tpu.memory_space<semaphore_mem>>)
      %dma_wait3A_93 = arith.constant 0 : i32
      %dma_wait3A_94 = tpu.memref_slice %arg11[%add3A_84, %dma_wait3A_93] : memref<10240x32xf32, #tpu.memory_space<vmem_shared>> -> memref<128x32xf32, #tpu.memory_space<vmem_shared>>
      %dma_wait3A_95 = arith.constant 0 : i32
      %dma_wait3A_96 = tpu.memref_slice %arg11[%add3A_84, %dma_wait3A_95] : memref<10240x32xf32, #tpu.memory_space<vmem_shared>> -> memref<128x32xf32, #tpu.memory_space<vmem_shared>>
      tpu.wait_dma2 semaphore(%run_scoped3A : memref<!tpu.dma_semaphore, #tpu.memory_space<semaphore_mem>>) src(%dma_wait3A_96 : memref<128x32xf32, #tpu.memory_space<vmem_shared>>) dst(%arg10 : memref<128x32xf32, #tpu.memory_space<vmem>>)
      tpu.yield
    }) : () -> ()
    %mul3A_85 = arith.constant 640 : i32
    %mul3A_86 = arith.muli %arg1, %mul3A_85 : i32
    %add3A_87 = arith.constant 512 : i32
    %add3A_88 = arith.addi %mul3A_86, %add3A_87 : i32
    "tpu.region"() ({
      %run_scoped3A = tpu.sem_alloc : memref<!tpu.dma_semaphore, #tpu.memory_space<semaphore_mem>>
      %dma_start3A_89 = arith.constant 0 : i32
      %dma_start3A_90 = tpu.memref_slice %arg6[%arg0, %add3A_88, %dma_start3A_89] : memref<2x10240x32xf32, #tpu.memory_space<hbm>> -> memref<1x128x32xf32, #tpu.memory_space<hbm>>
      %dma_start3A_91 = tpu.memref_squeeze %dma_start3A_90 : memref<1x128x32xf32, #tpu.memory_space<hbm>> -> memref<128x32xf32, #tpu.memory_space<hbm>>
      %dma_start3A_92 = arith.constant 0 : i32
      %dma_start3A_93 = tpu.memref_slice %arg6[%arg0, %add3A_88, %dma_start3A_92] : memref<2x10240x32xf32, #tpu.memory_space<hbm>> -> memref<1x128x32xf32, #tpu.memory_space<hbm>>
      %dma_start3A_94 = tpu.memref_squeeze %dma_start3A_93 : memref<1x128x32xf32, #tpu.memory_space<hbm>> -> memref<128x32xf32, #tpu.memory_space<hbm>>
      tpu.enqueue_dma source(%arg10 : memref<128x32xf32, #tpu.memory_space<vmem>>) target(%dma_start3A_94 : memref<128x32xf32, #tpu.memory_space<hbm>>) target_semaphore(%run_scoped3A : memref<!tpu.dma_semaphore, #tpu.memory_space<semaphore_mem>>)
      %dma_wait3A_95 = arith.constant 0 : i32
      %dma_wait3A_96 = tpu.memref_slice %arg6[%arg0, %add3A_88, %dma_wait3A_95] : memref<2x10240x32xf32, #tpu.memory_space<hbm>> -> memref<1x128x32xf32, #tpu.memory_space<hbm>>
      %dma_wait3A_97 = tpu.memref_squeeze %dma_wait3A_96 : memref<1x128x32xf32, #tpu.memory_space<hbm>> -> memref<128x32xf32, #tpu.memory_space<hbm>>
      %dma_wait3A_98 = arith.constant 0 : i32
      %dma_wait3A_99 = tpu.memref_slice %arg6[%arg0, %add3A_88, %dma_wait3A_98] : memref<2x10240x32xf32, #tpu.memory_space<hbm>> -> memref<1x128x32xf32, #tpu.memory_space<hbm>>
      %dma_wait3A_100 = tpu.memref_squeeze %dma_wait3A_99 : memref<1x128x32xf32, #tpu.memory_space<hbm>> -> memref<128x32xf32, #tpu.memory_space<hbm>>
      tpu.wait_dma2 semaphore(%run_scoped3A : memref<!tpu.dma_semaphore, #tpu.memory_space<semaphore_mem>>) src(%arg10 : memref<128x32xf32, #tpu.memory_space<vmem>>) dst(%dma_wait3A_100 : memref<128x32xf32, #tpu.memory_space<hbm>>)
      tpu.yield
    }) : () -> ()
    return
  }
}

#map = affine_map<(d0, d1) -> (0, 0)>
#map1 = affine_map<(d0, d1) -> (0, 0, 0)>
module attributes {stable_mosaic.version = 14 : i64} {
  func.func @k(%arg0: i32, %arg1: i32, %arg2: memref<10240x16xf32, #tpu.memory_space<hbm>>, %arg3: memref<32x79x128xi32, #tpu.memory_space<hbm>>, %arg4: memref<32x79x128xi32, #tpu.memory_space<hbm>>, %arg5: memref<128x16xf32, #tpu.memory_space<hbm>>, %arg6: memref<2x10240x16xf32, #tpu.memory_space<hbm>>, %arg7: memref<79x128xi32, #tpu.memory_space<vmem>>, %arg8: memref<79x128xi32, #tpu.memory_space<vmem>>, %arg9: memref<2x128x16xf32, #tpu.memory_space<vmem>>, %arg10: memref<128x16xf32, #tpu.memory_space<vmem>>, %arg11: memref<10240x16xf32, #tpu.memory_space<vmem_shared>>, %arg12: memref<!tpu.dma_semaphore, #tpu.memory_space<semaphore_mem>>, %arg13: memref<!tpu.dma_semaphore, #tpu.memory_space<semaphore_mem>>) attributes {dimension_semantics = [#tpu.dimension_semantics<core_parallel>, #tpu.dimension_semantics<subcore_parallel>], iteration_bounds = array<i64: 2, 16>, scalar_prefetch = 0 : i64, scratch_operands = 7 : i64, tpu.core_type = #tpu.core_type<sc_vector_subcore>, window_params = [{transform_indices = #map}, {transform_indices = #map1}, {transform_indices = #map1}, {transform_indices = #map}, {transform_indices = #map1}]} {
    %mul3A = arith.constant 16 : i32
    %mul3A_0 = arith.muli %arg0, %mul3A : i32
    %add3A = arith.addi %mul3A_0, %arg1 : i32
    "tpu.region"() ({
      %run_scoped3A = tpu.sem_alloc : memref<!tpu.dma_semaphore, #tpu.memory_space<semaphore_mem>>
      %dma_start3A_89 = arith.constant 0 : i32
      %dma_start3A_90 = arith.constant 0 : i32
      %dma_start3A_91 = tpu.memref_slice %arg3[%add3A, %dma_start3A_89, %dma_start3A_90] : memref<32x79x128xi32, #tpu.memory_space<hbm>> -> memref<1x79x128xi32, #tpu.memory_space<hbm>>
      %dma_start3A_92 = tpu.memref_squeeze %dma_start3A_91 : memref<1x79x128xi32, #tpu.memory_space<hbm>> -> memref<79x128xi32, #tpu.memory_space<hbm>>
      %dma_start3A_93 = arith.constant 0 : i32
      %dma_start3A_94 = arith.constant 0 : i32
      %dma_start3A_95 = tpu.memref_slice %arg3[%add3A, %dma_start3A_93, %dma_start3A_94] : memref<32x79x128xi32, #tpu.memory_space<hbm>> -> memref<1x79x128xi32, #tpu.memory_space<hbm>>
      %dma_start3A_96 = tpu.memref_squeeze %dma_start3A_95 : memref<1x79x128xi32, #tpu.memory_space<hbm>> -> memref<79x128xi32, #tpu.memory_space<hbm>>
      tpu.enqueue_dma source(%dma_start3A_96 : memref<79x128xi32, #tpu.memory_space<hbm>>) target(%arg7 : memref<79x128xi32, #tpu.memory_space<vmem>>) target_semaphore(%run_scoped3A : memref<!tpu.dma_semaphore, #tpu.memory_space<semaphore_mem>>)
      %dma_wait3A_97 = arith.constant 0 : i32
      %dma_wait3A_98 = arith.constant 0 : i32
      %dma_wait3A_99 = tpu.memref_slice %arg3[%add3A, %dma_wait3A_97, %dma_wait3A_98] : memref<32x79x128xi32, #tpu.memory_space<hbm>> -> memref<1x79x128xi32, #tpu.memory_space<hbm>>
      %dma_wait3A_100 = tpu.memref_squeeze %dma_wait3A_99 : memref<1x79x128xi32, #tpu.memory_space<hbm>> -> memref<79x128xi32, #tpu.memory_space<hbm>>
      %dma_wait3A_101 = arith.constant 0 : i32
      %dma_wait3A_102 = arith.constant 0 : i32
      %dma_wait3A_103 = tpu.memref_slice %arg3[%add3A, %dma_wait3A_101, %dma_wait3A_102] : memref<32x79x128xi32, #tpu.memory_space<hbm>> -> memref<1x79x128xi32, #tpu.memory_space<hbm>>
      %dma_wait3A_104 = tpu.memref_squeeze %dma_wait3A_103 : memref<1x79x128xi32, #tpu.memory_space<hbm>> -> memref<79x128xi32, #tpu.memory_space<hbm>>
      tpu.wait_dma2 semaphore(%run_scoped3A : memref<!tpu.dma_semaphore, #tpu.memory_space<semaphore_mem>>) src(%dma_wait3A_104 : memref<79x128xi32, #tpu.memory_space<hbm>>) dst(%arg7 : memref<79x128xi32, #tpu.memory_space<vmem>>)
      tpu.yield
    }) : () -> ()
    "tpu.region"() ({
      %run_scoped3A = tpu.sem_alloc : memref<!tpu.dma_semaphore, #tpu.memory_space<semaphore_mem>>
      %dma_start3A_89 = arith.constant 0 : i32
      %dma_start3A_90 = arith.constant 0 : i32
      %dma_start3A_91 = tpu.memref_slice %arg4[%add3A, %dma_start3A_89, %dma_start3A_90] : memref<32x79x128xi32, #tpu.memory_space<hbm>> -> memref<1x79x128xi32, #tpu.memory_space<hbm>>
      %dma_start3A_92 = tpu.memref_squeeze %dma_start3A_91 : memref<1x79x128xi32, #tpu.memory_space<hbm>> -> memref<79x128xi32, #tpu.memory_space<hbm>>
      %dma_start3A_93 = arith.constant 0 : i32
      %dma_start3A_94 = arith.constant 0 : i32
      %dma_start3A_95 = tpu.memref_slice %arg4[%add3A, %dma_start3A_93, %dma_start3A_94] : memref<32x79x128xi32, #tpu.memory_space<hbm>> -> memref<1x79x128xi32, #tpu.memory_space<hbm>>
      %dma_start3A_96 = tpu.memref_squeeze %dma_start3A_95 : memref<1x79x128xi32, #tpu.memory_space<hbm>> -> memref<79x128xi32, #tpu.memory_space<hbm>>
      tpu.enqueue_dma source(%dma_start3A_96 : memref<79x128xi32, #tpu.memory_space<hbm>>) target(%arg8 : memref<79x128xi32, #tpu.memory_space<vmem>>) target_semaphore(%run_scoped3A : memref<!tpu.dma_semaphore, #tpu.memory_space<semaphore_mem>>)
      %dma_wait3A_97 = arith.constant 0 : i32
      %dma_wait3A_98 = arith.constant 0 : i32
      %dma_wait3A_99 = tpu.memref_slice %arg4[%add3A, %dma_wait3A_97, %dma_wait3A_98] : memref<32x79x128xi32, #tpu.memory_space<hbm>> -> memref<1x79x128xi32, #tpu.memory_space<hbm>>
      %dma_wait3A_100 = tpu.memref_squeeze %dma_wait3A_99 : memref<1x79x128xi32, #tpu.memory_space<hbm>> -> memref<79x128xi32, #tpu.memory_space<hbm>>
      %dma_wait3A_101 = arith.constant 0 : i32
      %dma_wait3A_102 = arith.constant 0 : i32
      %dma_wait3A_103 = tpu.memref_slice %arg4[%add3A, %dma_wait3A_101, %dma_wait3A_102] : memref<32x79x128xi32, #tpu.memory_space<hbm>> -> memref<1x79x128xi32, #tpu.memory_space<hbm>>
      %dma_wait3A_104 = tpu.memref_squeeze %dma_wait3A_103 : memref<1x79x128xi32, #tpu.memory_space<hbm>> -> memref<79x128xi32, #tpu.memory_space<hbm>>
      tpu.wait_dma2 semaphore(%run_scoped3A : memref<!tpu.dma_semaphore, #tpu.memory_space<semaphore_mem>>) src(%dma_wait3A_104 : memref<79x128xi32, #tpu.memory_space<hbm>>) dst(%arg8 : memref<79x128xi32, #tpu.memory_space<vmem>>)
      tpu.yield
    }) : () -> ()
    "tpu.region"() ({
      %run_scoped3A = tpu.sem_alloc : memref<!tpu.dma_semaphore, #tpu.memory_space<semaphore_mem>>
      tpu.enqueue_dma source(%arg5 : memref<128x16xf32, #tpu.memory_space<hbm>>) target(%arg10 : memref<128x16xf32, #tpu.memory_space<vmem>>) target_semaphore(%run_scoped3A : memref<!tpu.dma_semaphore, #tpu.memory_space<semaphore_mem>>)
      tpu.wait_dma2 semaphore(%run_scoped3A : memref<!tpu.dma_semaphore, #tpu.memory_space<semaphore_mem>>) src(%arg5 : memref<128x16xf32, #tpu.memory_space<hbm>>) dst(%arg10 : memref<128x16xf32, #tpu.memory_space<vmem>>)
      tpu.yield
    }) : () -> ()
    %mul3A_1 = arith.constant 640 : i32
    %mul3A_2 = arith.muli %arg1, %mul3A_1 : i32
    %add3A_3 = arith.constant 0 : i32
    %add3A_4 = arith.addi %mul3A_2, %add3A_3 : i32
    "tpu.region"() ({
      %run_scoped3A = tpu.sem_alloc : memref<!tpu.dma_semaphore, #tpu.memory_space<semaphore_mem>>
      %dma_start3A_89 = arith.constant 0 : i32
      %dma_start3A_90 = tpu.memref_slice %arg11[%add3A_4, %dma_start3A_89] : memref<10240x16xf32, #tpu.memory_space<vmem_shared>> -> memref<128x16xf32, #tpu.memory_space<vmem_shared>>
      %dma_start3A_91 = arith.constant 0 : i32
      %dma_start3A_92 = tpu.memref_slice %arg11[%add3A_4, %dma_start3A_91] : memref<10240x16xf32, #tpu.memory_space<vmem_shared>> -> memref<128x16xf32, #tpu.memory_space<vmem_shared>>
      tpu.enqueue_dma source(%arg10 : memref<128x16xf32, #tpu.memory_space<vmem>>) target(%dma_start3A_92 : memref<128x16xf32, #tpu.memory_space<vmem_shared>>) target_semaphore(%run_scoped3A : memref<!tpu.dma_semaphore, #tpu.memory_space<semaphore_mem>>)
      %dma_wait3A_93 = arith.constant 0 : i32
      %dma_wait3A_94 = tpu.memref_slice %arg11[%add3A_4, %dma_wait3A_93] : memref<10240x16xf32, #tpu.memory_space<vmem_shared>> -> memref<128x16xf32, #tpu.memory_space<vmem_shared>>
      %dma_wait3A_95 = arith.constant 0 : i32
      %dma_wait3A_96 = tpu.memref_slice %arg11[%add3A_4, %dma_wait3A_95] : memref<10240x16xf32, #tpu.memory_space<vmem_shared>> -> memref<128x16xf32, #tpu.memory_space<vmem_shared>>
      tpu.wait_dma2 semaphore(%run_scoped3A : memref<!tpu.dma_semaphore, #tpu.memory_space<semaphore_mem>>) src(%arg10 : memref<128x16xf32, #tpu.memory_space<vmem>>) dst(%dma_wait3A_96 : memref<128x16xf32, #tpu.memory_space<vmem_shared>>)
      tpu.yield
    }) : () -> ()
    %mul3A_5 = arith.constant 640 : i32
    %mul3A_6 = arith.muli %arg1, %mul3A_5 : i32
    %add3A_7 = arith.constant 128 : i32
    %add3A_8 = arith.addi %mul3A_6, %add3A_7 : i32
    "tpu.region"() ({
      %run_scoped3A = tpu.sem_alloc : memref<!tpu.dma_semaphore, #tpu.memory_space<semaphore_mem>>
      %dma_start3A_89 = arith.constant 0 : i32
      %dma_start3A_90 = tpu.memref_slice %arg11[%add3A_8, %dma_start3A_89] : memref<10240x16xf32, #tpu.memory_space<vmem_shared>> -> memref<128x16xf32, #tpu.memory_space<vmem_shared>>
      %dma_start3A_91 = arith.constant 0 : i32
      %dma_start3A_92 = tpu.memref_slice %arg11[%add3A_8, %dma_start3A_91] : memref<10240x16xf32, #tpu.memory_space<vmem_shared>> -> memref<128x16xf32, #tpu.memory_space<vmem_shared>>
      tpu.enqueue_dma source(%arg10 : memref<128x16xf32, #tpu.memory_space<vmem>>) target(%dma_start3A_92 : memref<128x16xf32, #tpu.memory_space<vmem_shared>>) target_semaphore(%run_scoped3A : memref<!tpu.dma_semaphore, #tpu.memory_space<semaphore_mem>>)
      %dma_wait3A_93 = arith.constant 0 : i32
      %dma_wait3A_94 = tpu.memref_slice %arg11[%add3A_8, %dma_wait3A_93] : memref<10240x16xf32, #tpu.memory_space<vmem_shared>> -> memref<128x16xf32, #tpu.memory_space<vmem_shared>>
      %dma_wait3A_95 = arith.constant 0 : i32
      %dma_wait3A_96 = tpu.memref_slice %arg11[%add3A_8, %dma_wait3A_95] : memref<10240x16xf32, #tpu.memory_space<vmem_shared>> -> memref<128x16xf32, #tpu.memory_space<vmem_shared>>
      tpu.wait_dma2 semaphore(%run_scoped3A : memref<!tpu.dma_semaphore, #tpu.memory_space<semaphore_mem>>) src(%arg10 : memref<128x16xf32, #tpu.memory_space<vmem>>) dst(%dma_wait3A_96 : memref<128x16xf32, #tpu.memory_space<vmem_shared>>)
      tpu.yield
    }) : () -> ()
    %mul3A_9 = arith.constant 640 : i32
    %mul3A_10 = arith.muli %arg1, %mul3A_9 : i32
    %add3A_11 = arith.constant 256 : i32
    %add3A_12 = arith.addi %mul3A_10, %add3A_11 : i32
    "tpu.region"() ({
      %run_scoped3A = tpu.sem_alloc : memref<!tpu.dma_semaphore, #tpu.memory_space<semaphore_mem>>
      %dma_start3A_89 = arith.constant 0 : i32
      %dma_start3A_90 = tpu.memref_slice %arg11[%add3A_12, %dma_start3A_89] : memref<10240x16xf32, #tpu.memory_space<vmem_shared>> -> memref<128x16xf32, #tpu.memory_space<vmem_shared>>
      %dma_start3A_91 = arith.constant 0 : i32
      %dma_start3A_92 = tpu.memref_slice %arg11[%add3A_12, %dma_start3A_91] : memref<10240x16xf32, #tpu.memory_space<vmem_shared>> -> memref<128x16xf32, #tpu.memory_space<vmem_shared>>
      tpu.enqueue_dma source(%arg10 : memref<128x16xf32, #tpu.memory_space<vmem>>) target(%dma_start3A_92 : memref<128x16xf32, #tpu.memory_space<vmem_shared>>) target_semaphore(%run_scoped3A : memref<!tpu.dma_semaphore, #tpu.memory_space<semaphore_mem>>)
      %dma_wait3A_93 = arith.constant 0 : i32
      %dma_wait3A_94 = tpu.memref_slice %arg11[%add3A_12, %dma_wait3A_93] : memref<10240x16xf32, #tpu.memory_space<vmem_shared>> -> memref<128x16xf32, #tpu.memory_space<vmem_shared>>
      %dma_wait3A_95 = arith.constant 0 : i32
      %dma_wait3A_96 = tpu.memref_slice %arg11[%add3A_12, %dma_wait3A_95] : memref<10240x16xf32, #tpu.memory_space<vmem_shared>> -> memref<128x16xf32, #tpu.memory_space<vmem_shared>>
      tpu.wait_dma2 semaphore(%run_scoped3A : memref<!tpu.dma_semaphore, #tpu.memory_space<semaphore_mem>>) src(%arg10 : memref<128x16xf32, #tpu.memory_space<vmem>>) dst(%dma_wait3A_96 : memref<128x16xf32, #tpu.memory_space<vmem_shared>>)
      tpu.yield
    }) : () -> ()
    %mul3A_13 = arith.constant 640 : i32
    %mul3A_14 = arith.muli %arg1, %mul3A_13 : i32
    %add3A_15 = arith.constant 384 : i32
    %add3A_16 = arith.addi %mul3A_14, %add3A_15 : i32
    "tpu.region"() ({
      %run_scoped3A = tpu.sem_alloc : memref<!tpu.dma_semaphore, #tpu.memory_space<semaphore_mem>>
      %dma_start3A_89 = arith.constant 0 : i32
      %dma_start3A_90 = tpu.memref_slice %arg11[%add3A_16, %dma_start3A_89] : memref<10240x16xf32, #tpu.memory_space<vmem_shared>> -> memref<128x16xf32, #tpu.memory_space<vmem_shared>>
      %dma_start3A_91 = arith.constant 0 : i32
      %dma_start3A_92 = tpu.memref_slice %arg11[%add3A_16, %dma_start3A_91] : memref<10240x16xf32, #tpu.memory_space<vmem_shared>> -> memref<128x16xf32, #tpu.memory_space<vmem_shared>>
      tpu.enqueue_dma source(%arg10 : memref<128x16xf32, #tpu.memory_space<vmem>>) target(%dma_start3A_92 : memref<128x16xf32, #tpu.memory_space<vmem_shared>>) target_semaphore(%run_scoped3A : memref<!tpu.dma_semaphore, #tpu.memory_space<semaphore_mem>>)
      %dma_wait3A_93 = arith.constant 0 : i32
      %dma_wait3A_94 = tpu.memref_slice %arg11[%add3A_16, %dma_wait3A_93] : memref<10240x16xf32, #tpu.memory_space<vmem_shared>> -> memref<128x16xf32, #tpu.memory_space<vmem_shared>>
      %dma_wait3A_95 = arith.constant 0 : i32
      %dma_wait3A_96 = tpu.memref_slice %arg11[%add3A_16, %dma_wait3A_95] : memref<10240x16xf32, #tpu.memory_space<vmem_shared>> -> memref<128x16xf32, #tpu.memory_space<vmem_shared>>
      tpu.wait_dma2 semaphore(%run_scoped3A : memref<!tpu.dma_semaphore, #tpu.memory_space<semaphore_mem>>) src(%arg10 : memref<128x16xf32, #tpu.memory_space<vmem>>) dst(%dma_wait3A_96 : memref<128x16xf32, #tpu.memory_space<vmem_shared>>)
      tpu.yield
    }) : () -> ()
    %mul3A_17 = arith.constant 640 : i32
    %mul3A_18 = arith.muli %arg1, %mul3A_17 : i32
    %add3A_19 = arith.constant 512 : i32
    %add3A_20 = arith.addi %mul3A_18, %add3A_19 : i32
    "tpu.region"() ({
      %run_scoped3A = tpu.sem_alloc : memref<!tpu.dma_semaphore, #tpu.memory_space<semaphore_mem>>
      %dma_start3A_89 = arith.constant 0 : i32
      %dma_start3A_90 = tpu.memref_slice %arg11[%add3A_20, %dma_start3A_89] : memref<10240x16xf32, #tpu.memory_space<vmem_shared>> -> memref<128x16xf32, #tpu.memory_space<vmem_shared>>
      %dma_start3A_91 = arith.constant 0 : i32
      %dma_start3A_92 = tpu.memref_slice %arg11[%add3A_20, %dma_start3A_91] : memref<10240x16xf32, #tpu.memory_space<vmem_shared>> -> memref<128x16xf32, #tpu.memory_space<vmem_shared>>
      tpu.enqueue_dma source(%arg10 : memref<128x16xf32, #tpu.memory_space<vmem>>) target(%dma_start3A_92 : memref<128x16xf32, #tpu.memory_space<vmem_shared>>) target_semaphore(%run_scoped3A : memref<!tpu.dma_semaphore, #tpu.memory_space<semaphore_mem>>)
      %dma_wait3A_93 = arith.constant 0 : i32
      %dma_wait3A_94 = tpu.memref_slice %arg11[%add3A_20, %dma_wait3A_93] : memref<10240x16xf32, #tpu.memory_space<vmem_shared>> -> memref<128x16xf32, #tpu.memory_space<vmem_shared>>
      %dma_wait3A_95 = arith.constant 0 : i32
      %dma_wait3A_96 = tpu.memref_slice %arg11[%add3A_20, %dma_wait3A_95] : memref<10240x16xf32, #tpu.memory_space<vmem_shared>> -> memref<128x16xf32, #tpu.memory_space<vmem_shared>>
      tpu.wait_dma2 semaphore(%run_scoped3A : memref<!tpu.dma_semaphore, #tpu.memory_space<semaphore_mem>>) src(%arg10 : memref<128x16xf32, #tpu.memory_space<vmem>>) dst(%dma_wait3A_96 : memref<128x16xf32, #tpu.memory_space<vmem_shared>>)
      tpu.yield
    }) : () -> ()
    %barrier3A = arith.constant 0 : index
    tpu.barrier barrier_id(%barrier3A)
    %dma_start3A = arith.constant 0 : i32
    %dma_start3A_21 = arith.constant 0 : i32
    %dma_start3A_22 = arith.constant 0 : i32
    %dma_start3A_23 = arith.constant 0 : i32
    %dma_start3A_24 = tpu.memref_slice %arg9[%dma_start3A_21, %dma_start3A_22, %dma_start3A_23] : memref<2x128x16xf32, #tpu.memory_space<vmem>> -> memref<1x128x16xf32, #tpu.memory_space<vmem>>
    %dma_start3A_25 = tpu.memref_squeeze %dma_start3A_24 : memref<1x128x16xf32, #tpu.memory_space<vmem>> -> memref<128x16xf32, #tpu.memory_space<vmem>>
    %dma_start3A_26 = arith.constant 0 : i32
    %dma_start3A_27 = tpu.memref_slice %arg7[%dma_start3A, %dma_start3A_26] : memref<79x128xi32, #tpu.memory_space<vmem>> -> memref<1x128xi32, #tpu.memory_space<vmem>>
    %dma_start3A_28 = tpu.memref_squeeze %dma_start3A_27 : memref<1x128xi32, #tpu.memory_space<vmem>> -> memref<128xi32, #tpu.memory_space<vmem>>
    %dma_start3A_29 = arith.constant 0 : i32
    %dma_start3A_30 = arith.constant 0 : i32
    %dma_start3A_31 = tpu.memref_slice %arg2[%dma_start3A_29, %dma_start3A_30] : memref<10240x16xf32, #tpu.memory_space<hbm>> -> memref<10240x16xf32, #tpu.memory_space<hbm>>
    tpu.enqueue_indirect_dma source(%dma_start3A_31 : memref<10240x16xf32, #tpu.memory_space<hbm>>) target(%dma_start3A_25 : memref<128x16xf32, #tpu.memory_space<vmem>>) offsets(%dma_start3A_28 : memref<128xi32, #tpu.memory_space<vmem>>) semaphore(%arg12 : memref<!tpu.dma_semaphore, #tpu.memory_space<semaphore_mem>>)
    %scan3A = arith.constant 0 : i32
    %scan3A_32 = arith.constant 0 : i32
    %scan3A_33 = arith.constant 79 : i32
    %scan3A_34 = arith.addi %scan3A_32, %scan3A_33 : i32
    %scan3A_35 = arith.constant 1 : i32
    scf.for %scan3A_89 = %scan3A_32 to %scan3A_34 step %scan3A_35  : i32 {
      %dma_wait3A_90 = arith.constant 0 : i32
      %dma_wait3A_91 = arith.constant 0 : i32
      %dma_wait3A_92 = arith.constant 0 : i32
      %dma_wait3A_93 = arith.constant 0 : i32
      %dma_wait3A_94 = tpu.memref_slice %arg9[%dma_wait3A_91, %dma_wait3A_92, %dma_wait3A_93] : memref<2x128x16xf32, #tpu.memory_space<vmem>> -> memref<1x128x16xf32, #tpu.memory_space<vmem>>
      %dma_wait3A_95 = tpu.memref_squeeze %dma_wait3A_94 : memref<1x128x16xf32, #tpu.memory_space<vmem>> -> memref<128x16xf32, #tpu.memory_space<vmem>>
      %dma_wait3A_96 = arith.constant 0 : i32
      %dma_wait3A_97 = tpu.memref_slice %arg7[%dma_wait3A_90, %dma_wait3A_96] : memref<79x128xi32, #tpu.memory_space<vmem>> -> memref<1x128xi32, #tpu.memory_space<vmem>>
      %dma_wait3A_98 = tpu.memref_squeeze %dma_wait3A_97 : memref<1x128xi32, #tpu.memory_space<vmem>> -> memref<128xi32, #tpu.memory_space<vmem>>
      %dma_wait3A_99 = arith.constant 0 : i32
      %dma_wait3A_100 = arith.constant 0 : i32
      %dma_wait3A_101 = tpu.memref_slice %arg2[%dma_wait3A_99, %dma_wait3A_100] : memref<10240x16xf32, #tpu.memory_space<hbm>> -> memref<10240x16xf32, #tpu.memory_space<hbm>>
      tpu.wait_indirect_dma semaphore(%arg12 : memref<!tpu.dma_semaphore, #tpu.memory_space<semaphore_mem>>) src(%dma_wait3A_101 : memref<10240x16xf32, #tpu.memory_space<hbm>>) dst(%dma_wait3A_95 : memref<128x16xf32, #tpu.memory_space<vmem>>)
      %ge3A = arith.constant 1 : i32
      %ge3A_102 = arith.cmpi sge, %scan3A_89, %ge3A : i32
      %convert_element_type3A = arith.extui %ge3A_102 : i1 to i32
      %cond3A = arith.constant 0 : i32
      %cond3A_103 = arith.cmpi ne, %convert_element_type3A, %cond3A : i32
      scf.if %cond3A_103 {
        %dma_wait3A_128 = arith.constant 0 : i32
        %dma_wait3A_129 = arith.constant 0 : i32
        %dma_wait3A_130 = arith.constant 0 : i32
        %dma_wait3A_131 = arith.constant 0 : i32
        %dma_wait3A_132 = tpu.memref_slice %arg9[%dma_wait3A_128, %dma_wait3A_130, %dma_wait3A_131] : memref<2x128x16xf32, #tpu.memory_space<vmem>> -> memref<1x128x16xf32, #tpu.memory_space<vmem>>
        %dma_wait3A_133 = tpu.memref_squeeze %dma_wait3A_132 : memref<1x128x16xf32, #tpu.memory_space<vmem>> -> memref<128x16xf32, #tpu.memory_space<vmem>>
        %dma_wait3A_134 = arith.constant 0 : i32
        %dma_wait3A_135 = tpu.memref_slice %arg8[%dma_wait3A_129, %dma_wait3A_134] : memref<79x128xi32, #tpu.memory_space<vmem>> -> memref<1x128xi32, #tpu.memory_space<vmem>>
        %dma_wait3A_136 = tpu.memref_squeeze %dma_wait3A_135 : memref<1x128xi32, #tpu.memory_space<vmem>> -> memref<128xi32, #tpu.memory_space<vmem>>
        %dma_wait3A_137 = arith.constant 0 : i32
        %dma_wait3A_138 = arith.constant 0 : i32
        %dma_wait3A_139 = tpu.memref_slice %arg11[%dma_wait3A_137, %dma_wait3A_138] : memref<10240x16xf32, #tpu.memory_space<vmem_shared>> -> memref<10240x16xf32, #tpu.memory_space<vmem_shared>>
        tpu.wait_indirect_dma semaphore(%arg13 : memref<!tpu.dma_semaphore, #tpu.memory_space<semaphore_mem>>) src(%dma_wait3A_133 : memref<128x16xf32, #tpu.memory_space<vmem>>) dst(%dma_wait3A_139 : memref<10240x16xf32, #tpu.memory_space<vmem_shared>>)
      } else {
      }
      %lt3A = arith.constant 78 : i32
      %lt3A_104 = arith.cmpi slt, %scan3A_89, %lt3A : i32
      %convert_element_type3A_105 = arith.extui %lt3A_104 : i1 to i32
      %cond3A_106 = arith.constant 0 : i32
      %cond3A_107 = arith.cmpi ne, %convert_element_type3A_105, %cond3A_106 : i32
      scf.if %cond3A_107 {
        %add3A_128 = arith.constant 1 : i32
        %add3A_129 = arith.addi %scan3A_89, %add3A_128 : i32
        %add3A_130 = arith.constant 1 : i32
        %add3A_131 = arith.addi %scan3A_89, %add3A_130 : i32
        %jit3A_132 = arith.constant 2 : i32
        %eq3A_133 = arith.constant 0 : i32
        %eq3A_134 = arith.cmpi eq, %jit3A_132, %eq3A_133 : i32
        %jit3A_135 = arith.constant 1 : i32
        %select_n3A_136 = arith.select %eq3A_134, %jit3A_135, %jit3A_132 : i32
        %rem3A_137 = arith.remsi %add3A_131, %select_n3A_136 : i32
        %ne3A_138 = arith.constant 0 : i32
        %ne3A_139 = arith.cmpi ne, %rem3A_137, %ne3A_138 : i32
        %lt3A_140 = arith.constant 0 : i32
        %lt3A_141 = arith.cmpi slt, %rem3A_137, %lt3A_140 : i32
        %lt3A_142 = arith.constant 0 : i32
        %lt3A_143 = arith.cmpi slt, %select_n3A_136, %lt3A_142 : i32
        %ne3A_144 = arith.xori %lt3A_141, %lt3A_143 : i1
        %and3A_145 = arith.andi %ne3A_144, %ne3A_139 : i1
        %add3A_146 = arith.addi %rem3A_137, %select_n3A_136 : i32
        %select_n3A_147 = arith.select %and3A_145, %add3A_146, %rem3A_137 : i32
        %dma_start3A_148 = arith.constant 0 : i32
        %dma_start3A_149 = arith.constant 0 : i32
        %dma_start3A_150 = tpu.memref_slice %arg9[%select_n3A_147, %dma_start3A_148, %dma_start3A_149] : memref<2x128x16xf32, #tpu.memory_space<vmem>> -> memref<1x128x16xf32, #tpu.memory_space<vmem>>
        %dma_start3A_151 = tpu.memref_squeeze %dma_start3A_150 : memref<1x128x16xf32, #tpu.memory_space<vmem>> -> memref<128x16xf32, #tpu.memory_space<vmem>>
        %dma_start3A_152 = arith.constant 0 : i32
        %dma_start3A_153 = tpu.memref_slice %arg7[%add3A_129, %dma_start3A_152] : memref<79x128xi32, #tpu.memory_space<vmem>> -> memref<1x128xi32, #tpu.memory_space<vmem>>
        %dma_start3A_154 = tpu.memref_squeeze %dma_start3A_153 : memref<1x128xi32, #tpu.memory_space<vmem>> -> memref<128xi32, #tpu.memory_space<vmem>>
        %dma_start3A_155 = arith.constant 0 : i32
        %dma_start3A_156 = arith.constant 0 : i32
        %dma_start3A_157 = tpu.memref_slice %arg2[%dma_start3A_155, %dma_start3A_156] : memref<10240x16xf32, #tpu.memory_space<hbm>> -> memref<10240x16xf32, #tpu.memory_space<hbm>>
        tpu.enqueue_indirect_dma source(%dma_start3A_157 : memref<10240x16xf32, #tpu.memory_space<hbm>>) target(%dma_start3A_151 : memref<128x16xf32, #tpu.memory_space<vmem>>) offsets(%dma_start3A_154 : memref<128xi32, #tpu.memory_space<vmem>>) semaphore(%arg12 : memref<!tpu.dma_semaphore, #tpu.memory_space<semaphore_mem>>)
      } else {
      }
      %jit3A = arith.constant 2 : i32
      %eq3A = arith.constant 0 : i32
      %eq3A_108 = arith.cmpi eq, %jit3A, %eq3A : i32
      %jit3A_109 = arith.constant 1 : i32
      %select_n3A = arith.select %eq3A_108, %jit3A_109, %jit3A : i32
      %rem3A = arith.remsi %scan3A_89, %select_n3A : i32
      %ne3A = arith.constant 0 : i32
      %ne3A_110 = arith.cmpi ne, %rem3A, %ne3A : i32
      %lt3A_111 = arith.constant 0 : i32
      %lt3A_112 = arith.cmpi slt, %rem3A, %lt3A_111 : i32
      %lt3A_113 = arith.constant 0 : i32
      %lt3A_114 = arith.cmpi slt, %select_n3A, %lt3A_113 : i32
      %ne3A_115 = arith.xori %lt3A_112, %lt3A_114 : i1
      %and3A = arith.andi %ne3A_115, %ne3A_110 : i1
      %add3A_116 = arith.addi %rem3A, %select_n3A : i32
      %select_n3A_117 = arith.select %and3A, %add3A_116, %rem3A : i32
      %dma_start3A_118 = arith.constant 0 : i32
      %dma_start3A_119 = arith.constant 0 : i32
      %dma_start3A_120 = tpu.memref_slice %arg9[%select_n3A_117, %dma_start3A_118, %dma_start3A_119] : memref<2x128x16xf32, #tpu.memory_space<vmem>> -> memref<1x128x16xf32, #tpu.memory_space<vmem>>
      %dma_start3A_121 = tpu.memref_squeeze %dma_start3A_120 : memref<1x128x16xf32, #tpu.memory_space<vmem>> -> memref<128x16xf32, #tpu.memory_space<vmem>>
      %dma_start3A_122 = arith.constant 0 : i32
      %dma_start3A_123 = tpu.memref_slice %arg8[%scan3A_89, %dma_start3A_122] : memref<79x128xi32, #tpu.memory_space<vmem>> -> memref<1x128xi32, #tpu.memory_space<vmem>>
      %dma_start3A_124 = tpu.memref_squeeze %dma_start3A_123 : memref<1x128xi32, #tpu.memory_space<vmem>> -> memref<128xi32, #tpu.memory_space<vmem>>
      %dma_start3A_125 = arith.constant 0 : i32
      %dma_start3A_126 = arith.constant 0 : i32
      %dma_start3A_127 = tpu.memref_slice %arg11[%dma_start3A_125, %dma_start3A_126] : memref<10240x16xf32, #tpu.memory_space<vmem_shared>> -> memref<10240x16xf32, #tpu.memory_space<vmem_shared>>
      tpu.enqueue_indirect_dma source(%dma_start3A_121 : memref<128x16xf32, #tpu.memory_space<vmem>>) target(%dma_start3A_127 : memref<10240x16xf32, #tpu.memory_space<vmem_shared>>) offsets(%dma_start3A_124 : memref<128xi32, #tpu.memory_space<vmem>>) semaphore(%arg13 : memref<!tpu.dma_semaphore, #tpu.memory_space<semaphore_mem>>) {add = true}
    }
    %scan3A_36 = arith.constant 79 : i32
    %dma_wait3A = arith.constant 0 : i32
    %dma_wait3A_37 = arith.constant 0 : i32
    %dma_wait3A_38 = arith.constant 0 : i32
    %dma_wait3A_39 = arith.constant 0 : i32
    %dma_wait3A_40 = tpu.memref_slice %arg9[%dma_wait3A, %dma_wait3A_38, %dma_wait3A_39] : memref<2x128x16xf32, #tpu.memory_space<vmem>> -> memref<1x128x16xf32, #tpu.memory_space<vmem>>
    %dma_wait3A_41 = tpu.memref_squeeze %dma_wait3A_40 : memref<1x128x16xf32, #tpu.memory_space<vmem>> -> memref<128x16xf32, #tpu.memory_space<vmem>>
    %dma_wait3A_42 = arith.constant 0 : i32
    %dma_wait3A_43 = tpu.memref_slice %arg8[%dma_wait3A_37, %dma_wait3A_42] : memref<79x128xi32, #tpu.memory_space<vmem>> -> memref<1x128xi32, #tpu.memory_space<vmem>>
    %dma_wait3A_44 = tpu.memref_squeeze %dma_wait3A_43 : memref<1x128xi32, #tpu.memory_space<vmem>> -> memref<128xi32, #tpu.memory_space<vmem>>
    %dma_wait3A_45 = arith.constant 0 : i32
    %dma_wait3A_46 = arith.constant 0 : i32
    %dma_wait3A_47 = tpu.memref_slice %arg11[%dma_wait3A_45, %dma_wait3A_46] : memref<10240x16xf32, #tpu.memory_space<vmem_shared>> -> memref<10240x16xf32, #tpu.memory_space<vmem_shared>>
    tpu.wait_indirect_dma semaphore(%arg13 : memref<!tpu.dma_semaphore, #tpu.memory_space<semaphore_mem>>) src(%dma_wait3A_41 : memref<128x16xf32, #tpu.memory_space<vmem>>) dst(%dma_wait3A_47 : memref<10240x16xf32, #tpu.memory_space<vmem_shared>>)
    %barrier3A_48 = arith.constant 0 : index
    tpu.barrier barrier_id(%barrier3A_48)
    %mul3A_49 = arith.constant 640 : i32
    %mul3A_50 = arith.muli %arg1, %mul3A_49 : i32
    %add3A_51 = arith.constant 0 : i32
    %add3A_52 = arith.addi %mul3A_50, %add3A_51 : i32
    "tpu.region"() ({
      %run_scoped3A = tpu.sem_alloc : memref<!tpu.dma_semaphore, #tpu.memory_space<semaphore_mem>>
      %dma_start3A_89 = arith.constant 0 : i32
      %dma_start3A_90 = tpu.memref_slice %arg11[%add3A_52, %dma_start3A_89] : memref<10240x16xf32, #tpu.memory_space<vmem_shared>> -> memref<128x16xf32, #tpu.memory_space<vmem_shared>>
      %dma_start3A_91 = arith.constant 0 : i32
      %dma_start3A_92 = tpu.memref_slice %arg11[%add3A_52, %dma_start3A_91] : memref<10240x16xf32, #tpu.memory_space<vmem_shared>> -> memref<128x16xf32, #tpu.memory_space<vmem_shared>>
      tpu.enqueue_dma source(%dma_start3A_92 : memref<128x16xf32, #tpu.memory_space<vmem_shared>>) target(%arg10 : memref<128x16xf32, #tpu.memory_space<vmem>>) target_semaphore(%run_scoped3A : memref<!tpu.dma_semaphore, #tpu.memory_space<semaphore_mem>>)
      %dma_wait3A_93 = arith.constant 0 : i32
      %dma_wait3A_94 = tpu.memref_slice %arg11[%add3A_52, %dma_wait3A_93] : memref<10240x16xf32, #tpu.memory_space<vmem_shared>> -> memref<128x16xf32, #tpu.memory_space<vmem_shared>>
      %dma_wait3A_95 = arith.constant 0 : i32
      %dma_wait3A_96 = tpu.memref_slice %arg11[%add3A_52, %dma_wait3A_95] : memref<10240x16xf32, #tpu.memory_space<vmem_shared>> -> memref<128x16xf32, #tpu.memory_space<vmem_shared>>
      tpu.wait_dma2 semaphore(%run_scoped3A : memref<!tpu.dma_semaphore, #tpu.memory_space<semaphore_mem>>) src(%dma_wait3A_96 : memref<128x16xf32, #tpu.memory_space<vmem_shared>>) dst(%arg10 : memref<128x16xf32, #tpu.memory_space<vmem>>)
      tpu.yield
    }) : () -> ()
    %mul3A_53 = arith.constant 640 : i32
    %mul3A_54 = arith.muli %arg1, %mul3A_53 : i32
    %add3A_55 = arith.constant 0 : i32
    %add3A_56 = arith.addi %mul3A_54, %add3A_55 : i32
    "tpu.region"() ({
      %run_scoped3A = tpu.sem_alloc : memref<!tpu.dma_semaphore, #tpu.memory_space<semaphore_mem>>
      %dma_start3A_89 = arith.constant 0 : i32
      %dma_start3A_90 = tpu.memref_slice %arg6[%arg0, %add3A_56, %dma_start3A_89] : memref<2x10240x16xf32, #tpu.memory_space<hbm>> -> memref<1x128x16xf32, #tpu.memory_space<hbm>>
      %dma_start3A_91 = tpu.memref_squeeze %dma_start3A_90 : memref<1x128x16xf32, #tpu.memory_space<hbm>> -> memref<128x16xf32, #tpu.memory_space<hbm>>
      %dma_start3A_92 = arith.constant 0 : i32
      %dma_start3A_93 = tpu.memref_slice %arg6[%arg0, %add3A_56, %dma_start3A_92] : memref<2x10240x16xf32, #tpu.memory_space<hbm>> -> memref<1x128x16xf32, #tpu.memory_space<hbm>>
      %dma_start3A_94 = tpu.memref_squeeze %dma_start3A_93 : memref<1x128x16xf32, #tpu.memory_space<hbm>> -> memref<128x16xf32, #tpu.memory_space<hbm>>
      tpu.enqueue_dma source(%arg10 : memref<128x16xf32, #tpu.memory_space<vmem>>) target(%dma_start3A_94 : memref<128x16xf32, #tpu.memory_space<hbm>>) target_semaphore(%run_scoped3A : memref<!tpu.dma_semaphore, #tpu.memory_space<semaphore_mem>>)
      %dma_wait3A_95 = arith.constant 0 : i32
      %dma_wait3A_96 = tpu.memref_slice %arg6[%arg0, %add3A_56, %dma_wait3A_95] : memref<2x10240x16xf32, #tpu.memory_space<hbm>> -> memref<1x128x16xf32, #tpu.memory_space<hbm>>
      %dma_wait3A_97 = tpu.memref_squeeze %dma_wait3A_96 : memref<1x128x16xf32, #tpu.memory_space<hbm>> -> memref<128x16xf32, #tpu.memory_space<hbm>>
      %dma_wait3A_98 = arith.constant 0 : i32
      %dma_wait3A_99 = tpu.memref_slice %arg6[%arg0, %add3A_56, %dma_wait3A_98] : memref<2x10240x16xf32, #tpu.memory_space<hbm>> -> memref<1x128x16xf32, #tpu.memory_space<hbm>>
      %dma_wait3A_100 = tpu.memref_squeeze %dma_wait3A_99 : memref<1x128x16xf32, #tpu.memory_space<hbm>> -> memref<128x16xf32, #tpu.memory_space<hbm>>
      tpu.wait_dma2 semaphore(%run_scoped3A : memref<!tpu.dma_semaphore, #tpu.memory_space<semaphore_mem>>) src(%arg10 : memref<128x16xf32, #tpu.memory_space<vmem>>) dst(%dma_wait3A_100 : memref<128x16xf32, #tpu.memory_space<hbm>>)
      tpu.yield
    }) : () -> ()
    %mul3A_57 = arith.constant 640 : i32
    %mul3A_58 = arith.muli %arg1, %mul3A_57 : i32
    %add3A_59 = arith.constant 128 : i32
    %add3A_60 = arith.addi %mul3A_58, %add3A_59 : i32
    "tpu.region"() ({
      %run_scoped3A = tpu.sem_alloc : memref<!tpu.dma_semaphore, #tpu.memory_space<semaphore_mem>>
      %dma_start3A_89 = arith.constant 0 : i32
      %dma_start3A_90 = tpu.memref_slice %arg11[%add3A_60, %dma_start3A_89] : memref<10240x16xf32, #tpu.memory_space<vmem_shared>> -> memref<128x16xf32, #tpu.memory_space<vmem_shared>>
      %dma_start3A_91 = arith.constant 0 : i32
      %dma_start3A_92 = tpu.memref_slice %arg11[%add3A_60, %dma_start3A_91] : memref<10240x16xf32, #tpu.memory_space<vmem_shared>> -> memref<128x16xf32, #tpu.memory_space<vmem_shared>>
      tpu.enqueue_dma source(%dma_start3A_92 : memref<128x16xf32, #tpu.memory_space<vmem_shared>>) target(%arg10 : memref<128x16xf32, #tpu.memory_space<vmem>>) target_semaphore(%run_scoped3A : memref<!tpu.dma_semaphore, #tpu.memory_space<semaphore_mem>>)
      %dma_wait3A_93 = arith.constant 0 : i32
      %dma_wait3A_94 = tpu.memref_slice %arg11[%add3A_60, %dma_wait3A_93] : memref<10240x16xf32, #tpu.memory_space<vmem_shared>> -> memref<128x16xf32, #tpu.memory_space<vmem_shared>>
      %dma_wait3A_95 = arith.constant 0 : i32
      %dma_wait3A_96 = tpu.memref_slice %arg11[%add3A_60, %dma_wait3A_95] : memref<10240x16xf32, #tpu.memory_space<vmem_shared>> -> memref<128x16xf32, #tpu.memory_space<vmem_shared>>
      tpu.wait_dma2 semaphore(%run_scoped3A : memref<!tpu.dma_semaphore, #tpu.memory_space<semaphore_mem>>) src(%dma_wait3A_96 : memref<128x16xf32, #tpu.memory_space<vmem_shared>>) dst(%arg10 : memref<128x16xf32, #tpu.memory_space<vmem>>)
      tpu.yield
    }) : () -> ()
    %mul3A_61 = arith.constant 640 : i32
    %mul3A_62 = arith.muli %arg1, %mul3A_61 : i32
    %add3A_63 = arith.constant 128 : i32
    %add3A_64 = arith.addi %mul3A_62, %add3A_63 : i32
    "tpu.region"() ({
      %run_scoped3A = tpu.sem_alloc : memref<!tpu.dma_semaphore, #tpu.memory_space<semaphore_mem>>
      %dma_start3A_89 = arith.constant 0 : i32
      %dma_start3A_90 = tpu.memref_slice %arg6[%arg0, %add3A_64, %dma_start3A_89] : memref<2x10240x16xf32, #tpu.memory_space<hbm>> -> memref<1x128x16xf32, #tpu.memory_space<hbm>>
      %dma_start3A_91 = tpu.memref_squeeze %dma_start3A_90 : memref<1x128x16xf32, #tpu.memory_space<hbm>> -> memref<128x16xf32, #tpu.memory_space<hbm>>
      %dma_start3A_92 = arith.constant 0 : i32
      %dma_start3A_93 = tpu.memref_slice %arg6[%arg0, %add3A_64, %dma_start3A_92] : memref<2x10240x16xf32, #tpu.memory_space<hbm>> -> memref<1x128x16xf32, #tpu.memory_space<hbm>>
      %dma_start3A_94 = tpu.memref_squeeze %dma_start3A_93 : memref<1x128x16xf32, #tpu.memory_space<hbm>> -> memref<128x16xf32, #tpu.memory_space<hbm>>
      tpu.enqueue_dma source(%arg10 : memref<128x16xf32, #tpu.memory_space<vmem>>) target(%dma_start3A_94 : memref<128x16xf32, #tpu.memory_space<hbm>>) target_semaphore(%run_scoped3A : memref<!tpu.dma_semaphore, #tpu.memory_space<semaphore_mem>>)
      %dma_wait3A_95 = arith.constant 0 : i32
      %dma_wait3A_96 = tpu.memref_slice %arg6[%arg0, %add3A_64, %dma_wait3A_95] : memref<2x10240x16xf32, #tpu.memory_space<hbm>> -> memref<1x128x16xf32, #tpu.memory_space<hbm>>
      %dma_wait3A_97 = tpu.memref_squeeze %dma_wait3A_96 : memref<1x128x16xf32, #tpu.memory_space<hbm>> -> memref<128x16xf32, #tpu.memory_space<hbm>>
      %dma_wait3A_98 = arith.constant 0 : i32
      %dma_wait3A_99 = tpu.memref_slice %arg6[%arg0, %add3A_64, %dma_wait3A_98] : memref<2x10240x16xf32, #tpu.memory_space<hbm>> -> memref<1x128x16xf32, #tpu.memory_space<hbm>>
      %dma_wait3A_100 = tpu.memref_squeeze %dma_wait3A_99 : memref<1x128x16xf32, #tpu.memory_space<hbm>> -> memref<128x16xf32, #tpu.memory_space<hbm>>
      tpu.wait_dma2 semaphore(%run_scoped3A : memref<!tpu.dma_semaphore, #tpu.memory_space<semaphore_mem>>) src(%arg10 : memref<128x16xf32, #tpu.memory_space<vmem>>) dst(%dma_wait3A_100 : memref<128x16xf32, #tpu.memory_space<hbm>>)
      tpu.yield
    }) : () -> ()
    %mul3A_65 = arith.constant 640 : i32
    %mul3A_66 = arith.muli %arg1, %mul3A_65 : i32
    %add3A_67 = arith.constant 256 : i32
    %add3A_68 = arith.addi %mul3A_66, %add3A_67 : i32
    "tpu.region"() ({
      %run_scoped3A = tpu.sem_alloc : memref<!tpu.dma_semaphore, #tpu.memory_space<semaphore_mem>>
      %dma_start3A_89 = arith.constant 0 : i32
      %dma_start3A_90 = tpu.memref_slice %arg11[%add3A_68, %dma_start3A_89] : memref<10240x16xf32, #tpu.memory_space<vmem_shared>> -> memref<128x16xf32, #tpu.memory_space<vmem_shared>>
      %dma_start3A_91 = arith.constant 0 : i32
      %dma_start3A_92 = tpu.memref_slice %arg11[%add3A_68, %dma_start3A_91] : memref<10240x16xf32, #tpu.memory_space<vmem_shared>> -> memref<128x16xf32, #tpu.memory_space<vmem_shared>>
      tpu.enqueue_dma source(%dma_start3A_92 : memref<128x16xf32, #tpu.memory_space<vmem_shared>>) target(%arg10 : memref<128x16xf32, #tpu.memory_space<vmem>>) target_semaphore(%run_scoped3A : memref<!tpu.dma_semaphore, #tpu.memory_space<semaphore_mem>>)
      %dma_wait3A_93 = arith.constant 0 : i32
      %dma_wait3A_94 = tpu.memref_slice %arg11[%add3A_68, %dma_wait3A_93] : memref<10240x16xf32, #tpu.memory_space<vmem_shared>> -> memref<128x16xf32, #tpu.memory_space<vmem_shared>>
      %dma_wait3A_95 = arith.constant 0 : i32
      %dma_wait3A_96 = tpu.memref_slice %arg11[%add3A_68, %dma_wait3A_95] : memref<10240x16xf32, #tpu.memory_space<vmem_shared>> -> memref<128x16xf32, #tpu.memory_space<vmem_shared>>
      tpu.wait_dma2 semaphore(%run_scoped3A : memref<!tpu.dma_semaphore, #tpu.memory_space<semaphore_mem>>) src(%dma_wait3A_96 : memref<128x16xf32, #tpu.memory_space<vmem_shared>>) dst(%arg10 : memref<128x16xf32, #tpu.memory_space<vmem>>)
      tpu.yield
    }) : () -> ()
    %mul3A_69 = arith.constant 640 : i32
    %mul3A_70 = arith.muli %arg1, %mul3A_69 : i32
    %add3A_71 = arith.constant 256 : i32
    %add3A_72 = arith.addi %mul3A_70, %add3A_71 : i32
    "tpu.region"() ({
      %run_scoped3A = tpu.sem_alloc : memref<!tpu.dma_semaphore, #tpu.memory_space<semaphore_mem>>
      %dma_start3A_89 = arith.constant 0 : i32
      %dma_start3A_90 = tpu.memref_slice %arg6[%arg0, %add3A_72, %dma_start3A_89] : memref<2x10240x16xf32, #tpu.memory_space<hbm>> -> memref<1x128x16xf32, #tpu.memory_space<hbm>>
      %dma_start3A_91 = tpu.memref_squeeze %dma_start3A_90 : memref<1x128x16xf32, #tpu.memory_space<hbm>> -> memref<128x16xf32, #tpu.memory_space<hbm>>
      %dma_start3A_92 = arith.constant 0 : i32
      %dma_start3A_93 = tpu.memref_slice %arg6[%arg0, %add3A_72, %dma_start3A_92] : memref<2x10240x16xf32, #tpu.memory_space<hbm>> -> memref<1x128x16xf32, #tpu.memory_space<hbm>>
      %dma_start3A_94 = tpu.memref_squeeze %dma_start3A_93 : memref<1x128x16xf32, #tpu.memory_space<hbm>> -> memref<128x16xf32, #tpu.memory_space<hbm>>
      tpu.enqueue_dma source(%arg10 : memref<128x16xf32, #tpu.memory_space<vmem>>) target(%dma_start3A_94 : memref<128x16xf32, #tpu.memory_space<hbm>>) target_semaphore(%run_scoped3A : memref<!tpu.dma_semaphore, #tpu.memory_space<semaphore_mem>>)
      %dma_wait3A_95 = arith.constant 0 : i32
      %dma_wait3A_96 = tpu.memref_slice %arg6[%arg0, %add3A_72, %dma_wait3A_95] : memref<2x10240x16xf32, #tpu.memory_space<hbm>> -> memref<1x128x16xf32, #tpu.memory_space<hbm>>
      %dma_wait3A_97 = tpu.memref_squeeze %dma_wait3A_96 : memref<1x128x16xf32, #tpu.memory_space<hbm>> -> memref<128x16xf32, #tpu.memory_space<hbm>>
      %dma_wait3A_98 = arith.constant 0 : i32
      %dma_wait3A_99 = tpu.memref_slice %arg6[%arg0, %add3A_72, %dma_wait3A_98] : memref<2x10240x16xf32, #tpu.memory_space<hbm>> -> memref<1x128x16xf32, #tpu.memory_space<hbm>>
      %dma_wait3A_100 = tpu.memref_squeeze %dma_wait3A_99 : memref<1x128x16xf32, #tpu.memory_space<hbm>> -> memref<128x16xf32, #tpu.memory_space<hbm>>
      tpu.wait_dma2 semaphore(%run_scoped3A : memref<!tpu.dma_semaphore, #tpu.memory_space<semaphore_mem>>) src(%arg10 : memref<128x16xf32, #tpu.memory_space<vmem>>) dst(%dma_wait3A_100 : memref<128x16xf32, #tpu.memory_space<hbm>>)
      tpu.yield
    }) : () -> ()
    %mul3A_73 = arith.constant 640 : i32
    %mul3A_74 = arith.muli %arg1, %mul3A_73 : i32
    %add3A_75 = arith.constant 384 : i32
    %add3A_76 = arith.addi %mul3A_74, %add3A_75 : i32
    "tpu.region"() ({
      %run_scoped3A = tpu.sem_alloc : memref<!tpu.dma_semaphore, #tpu.memory_space<semaphore_mem>>
      %dma_start3A_89 = arith.constant 0 : i32
      %dma_start3A_90 = tpu.memref_slice %arg11[%add3A_76, %dma_start3A_89] : memref<10240x16xf32, #tpu.memory_space<vmem_shared>> -> memref<128x16xf32, #tpu.memory_space<vmem_shared>>
      %dma_start3A_91 = arith.constant 0 : i32
      %dma_start3A_92 = tpu.memref_slice %arg11[%add3A_76, %dma_start3A_91] : memref<10240x16xf32, #tpu.memory_space<vmem_shared>> -> memref<128x16xf32, #tpu.memory_space<vmem_shared>>
      tpu.enqueue_dma source(%dma_start3A_92 : memref<128x16xf32, #tpu.memory_space<vmem_shared>>) target(%arg10 : memref<128x16xf32, #tpu.memory_space<vmem>>) target_semaphore(%run_scoped3A : memref<!tpu.dma_semaphore, #tpu.memory_space<semaphore_mem>>)
      %dma_wait3A_93 = arith.constant 0 : i32
      %dma_wait3A_94 = tpu.memref_slice %arg11[%add3A_76, %dma_wait3A_93] : memref<10240x16xf32, #tpu.memory_space<vmem_shared>> -> memref<128x16xf32, #tpu.memory_space<vmem_shared>>
      %dma_wait3A_95 = arith.constant 0 : i32
      %dma_wait3A_96 = tpu.memref_slice %arg11[%add3A_76, %dma_wait3A_95] : memref<10240x16xf32, #tpu.memory_space<vmem_shared>> -> memref<128x16xf32, #tpu.memory_space<vmem_shared>>
      tpu.wait_dma2 semaphore(%run_scoped3A : memref<!tpu.dma_semaphore, #tpu.memory_space<semaphore_mem>>) src(%dma_wait3A_96 : memref<128x16xf32, #tpu.memory_space<vmem_shared>>) dst(%arg10 : memref<128x16xf32, #tpu.memory_space<vmem>>)
      tpu.yield
    }) : () -> ()
    %mul3A_77 = arith.constant 640 : i32
    %mul3A_78 = arith.muli %arg1, %mul3A_77 : i32
    %add3A_79 = arith.constant 384 : i32
    %add3A_80 = arith.addi %mul3A_78, %add3A_79 : i32
    "tpu.region"() ({
      %run_scoped3A = tpu.sem_alloc : memref<!tpu.dma_semaphore, #tpu.memory_space<semaphore_mem>>
      %dma_start3A_89 = arith.constant 0 : i32
      %dma_start3A_90 = tpu.memref_slice %arg6[%arg0, %add3A_80, %dma_start3A_89] : memref<2x10240x16xf32, #tpu.memory_space<hbm>> -> memref<1x128x16xf32, #tpu.memory_space<hbm>>
      %dma_start3A_91 = tpu.memref_squeeze %dma_start3A_90 : memref<1x128x16xf32, #tpu.memory_space<hbm>> -> memref<128x16xf32, #tpu.memory_space<hbm>>
      %dma_start3A_92 = arith.constant 0 : i32
      %dma_start3A_93 = tpu.memref_slice %arg6[%arg0, %add3A_80, %dma_start3A_92] : memref<2x10240x16xf32, #tpu.memory_space<hbm>> -> memref<1x128x16xf32, #tpu.memory_space<hbm>>
      %dma_start3A_94 = tpu.memref_squeeze %dma_start3A_93 : memref<1x128x16xf32, #tpu.memory_space<hbm>> -> memref<128x16xf32, #tpu.memory_space<hbm>>
      tpu.enqueue_dma source(%arg10 : memref<128x16xf32, #tpu.memory_space<vmem>>) target(%dma_start3A_94 : memref<128x16xf32, #tpu.memory_space<hbm>>) target_semaphore(%run_scoped3A : memref<!tpu.dma_semaphore, #tpu.memory_space<semaphore_mem>>)
      %dma_wait3A_95 = arith.constant 0 : i32
      %dma_wait3A_96 = tpu.memref_slice %arg6[%arg0, %add3A_80, %dma_wait3A_95] : memref<2x10240x16xf32, #tpu.memory_space<hbm>> -> memref<1x128x16xf32, #tpu.memory_space<hbm>>
      %dma_wait3A_97 = tpu.memref_squeeze %dma_wait3A_96 : memref<1x128x16xf32, #tpu.memory_space<hbm>> -> memref<128x16xf32, #tpu.memory_space<hbm>>
      %dma_wait3A_98 = arith.constant 0 : i32
      %dma_wait3A_99 = tpu.memref_slice %arg6[%arg0, %add3A_80, %dma_wait3A_98] : memref<2x10240x16xf32, #tpu.memory_space<hbm>> -> memref<1x128x16xf32, #tpu.memory_space<hbm>>
      %dma_wait3A_100 = tpu.memref_squeeze %dma_wait3A_99 : memref<1x128x16xf32, #tpu.memory_space<hbm>> -> memref<128x16xf32, #tpu.memory_space<hbm>>
      tpu.wait_dma2 semaphore(%run_scoped3A : memref<!tpu.dma_semaphore, #tpu.memory_space<semaphore_mem>>) src(%arg10 : memref<128x16xf32, #tpu.memory_space<vmem>>) dst(%dma_wait3A_100 : memref<128x16xf32, #tpu.memory_space<hbm>>)
      tpu.yield
    }) : () -> ()
    %mul3A_81 = arith.constant 640 : i32
    %mul3A_82 = arith.muli %arg1, %mul3A_81 : i32
    %add3A_83 = arith.constant 512 : i32
    %add3A_84 = arith.addi %mul3A_82, %add3A_83 : i32
    "tpu.region"() ({
      %run_scoped3A = tpu.sem_alloc : memref<!tpu.dma_semaphore, #tpu.memory_space<semaphore_mem>>
      %dma_start3A_89 = arith.constant 0 : i32
      %dma_start3A_90 = tpu.memref_slice %arg11[%add3A_84, %dma_start3A_89] : memref<10240x16xf32, #tpu.memory_space<vmem_shared>> -> memref<128x16xf32, #tpu.memory_space<vmem_shared>>
      %dma_start3A_91 = arith.constant 0 : i32
      %dma_start3A_92 = tpu.memref_slice %arg11[%add3A_84, %dma_start3A_91] : memref<10240x16xf32, #tpu.memory_space<vmem_shared>> -> memref<128x16xf32, #tpu.memory_space<vmem_shared>>
      tpu.enqueue_dma source(%dma_start3A_92 : memref<128x16xf32, #tpu.memory_space<vmem_shared>>) target(%arg10 : memref<128x16xf32, #tpu.memory_space<vmem>>) target_semaphore(%run_scoped3A : memref<!tpu.dma_semaphore, #tpu.memory_space<semaphore_mem>>)
      %dma_wait3A_93 = arith.constant 0 : i32
      %dma_wait3A_94 = tpu.memref_slice %arg11[%add3A_84, %dma_wait3A_93] : memref<10240x16xf32, #tpu.memory_space<vmem_shared>> -> memref<128x16xf32, #tpu.memory_space<vmem_shared>>
      %dma_wait3A_95 = arith.constant 0 : i32
      %dma_wait3A_96 = tpu.memref_slice %arg11[%add3A_84, %dma_wait3A_95] : memref<10240x16xf32, #tpu.memory_space<vmem_shared>> -> memref<128x16xf32, #tpu.memory_space<vmem_shared>>
      tpu.wait_dma2 semaphore(%run_scoped3A : memref<!tpu.dma_semaphore, #tpu.memory_space<semaphore_mem>>) src(%dma_wait3A_96 : memref<128x16xf32, #tpu.memory_space<vmem_shared>>) dst(%arg10 : memref<128x16xf32, #tpu.memory_space<vmem>>)
      tpu.yield
    }) : () -> ()
    %mul3A_85 = arith.constant 640 : i32
    %mul3A_86 = arith.muli %arg1, %mul3A_85 : i32
    %add3A_87 = arith.constant 512 : i32
    %add3A_88 = arith.addi %mul3A_86, %add3A_87 : i32
    "tpu.region"() ({
      %run_scoped3A = tpu.sem_alloc : memref<!tpu.dma_semaphore, #tpu.memory_space<semaphore_mem>>
      %dma_start3A_89 = arith.constant 0 : i32
      %dma_start3A_90 = tpu.memref_slice %arg6[%arg0, %add3A_88, %dma_start3A_89] : memref<2x10240x16xf32, #tpu.memory_space<hbm>> -> memref<1x128x16xf32, #tpu.memory_space<hbm>>
      %dma_start3A_91 = tpu.memref_squeeze %dma_start3A_90 : memref<1x128x16xf32, #tpu.memory_space<hbm>> -> memref<128x16xf32, #tpu.memory_space<hbm>>
      %dma_start3A_92 = arith.constant 0 : i32
      %dma_start3A_93 = tpu.memref_slice %arg6[%arg0, %add3A_88, %dma_start3A_92] : memref<2x10240x16xf32, #tpu.memory_space<hbm>> -> memref<1x128x16xf32, #tpu.memory_space<hbm>>
      %dma_start3A_94 = tpu.memref_squeeze %dma_start3A_93 : memref<1x128x16xf32, #tpu.memory_space<hbm>> -> memref<128x16xf32, #tpu.memory_space<hbm>>
      tpu.enqueue_dma source(%arg10 : memref<128x16xf32, #tpu.memory_space<vmem>>) target(%dma_start3A_94 : memref<128x16xf32, #tpu.memory_space<hbm>>) target_semaphore(%run_scoped3A : memref<!tpu.dma_semaphore, #tpu.memory_space<semaphore_mem>>)
      %dma_wait3A_95 = arith.constant 0 : i32
      %dma_wait3A_96 = tpu.memref_slice %arg6[%arg0, %add3A_88, %dma_wait3A_95] : memref<2x10240x16xf32, #tpu.memory_space<hbm>> -> memref<1x128x16xf32, #tpu.memory_space<hbm>>
      %dma_wait3A_97 = tpu.memref_squeeze %dma_wait3A_96 : memref<1x128x16xf32, #tpu.memory_space<hbm>> -> memref<128x16xf32, #tpu.memory_space<hbm>>
      %dma_wait3A_98 = arith.constant 0 : i32
      %dma_wait3A_99 = tpu.memref_slice %arg6[%arg0, %add3A_88, %dma_wait3A_98] : memref<2x10240x16xf32, #tpu.memory_space<hbm>> -> memref<1x128x16xf32, #tpu.memory_space<hbm>>
      %dma_wait3A_100 = tpu.memref_squeeze %dma_wait3A_99 : memref<1x128x16xf32, #tpu.memory_space<hbm>> -> memref<128x16xf32, #tpu.memory_space<hbm>>
      tpu.wait_dma2 semaphore(%run_scoped3A : memref<!tpu.dma_semaphore, #tpu.memory_space<semaphore_mem>>) src(%arg10 : memref<128x16xf32, #tpu.memory_space<vmem>>) dst(%dma_wait3A_100 : memref<128x16xf32, #tpu.memory_space<hbm>>)
      tpu.yield
    }) : () -> ()
    return
  }
}

#map = affine_map<(d0, d1) -> (0, 0)>
#map1 = affine_map<(d0, d1) -> (0, 0, 0)>
module attributes {stable_mosaic.version = 14 : i64} {
  func.func @k(%arg0: i32, %arg1: i32, %arg2: memref<10240x8xf32, #tpu.memory_space<hbm>>, %arg3: memref<32x79x128xi32, #tpu.memory_space<hbm>>, %arg4: memref<32x79x128xi32, #tpu.memory_space<hbm>>, %arg5: memref<128x8xf32, #tpu.memory_space<hbm>>, %arg6: memref<2x10240x8xf32, #tpu.memory_space<hbm>>, %arg7: memref<79x128xi32, #tpu.memory_space<vmem>>, %arg8: memref<79x128xi32, #tpu.memory_space<vmem>>, %arg9: memref<2x128x8xf32, #tpu.memory_space<vmem>>, %arg10: memref<128x8xf32, #tpu.memory_space<vmem>>, %arg11: memref<10240x8xf32, #tpu.memory_space<vmem_shared>>, %arg12: memref<!tpu.dma_semaphore, #tpu.memory_space<semaphore_mem>>, %arg13: memref<!tpu.dma_semaphore, #tpu.memory_space<semaphore_mem>>) attributes {dimension_semantics = [#tpu.dimension_semantics<core_parallel>, #tpu.dimension_semantics<subcore_parallel>], iteration_bounds = array<i64: 2, 16>, scalar_prefetch = 0 : i64, scratch_operands = 7 : i64, tpu.core_type = #tpu.core_type<sc_vector_subcore>, window_params = [{transform_indices = #map}, {transform_indices = #map1}, {transform_indices = #map1}, {transform_indices = #map}, {transform_indices = #map1}]} {
    %mul3A = arith.constant 16 : i32
    %mul3A_0 = arith.muli %arg0, %mul3A : i32
    %add3A = arith.addi %mul3A_0, %arg1 : i32
    "tpu.region"() ({
      %run_scoped3A = tpu.sem_alloc : memref<!tpu.dma_semaphore, #tpu.memory_space<semaphore_mem>>
      %dma_start3A_89 = arith.constant 0 : i32
      %dma_start3A_90 = arith.constant 0 : i32
      %dma_start3A_91 = tpu.memref_slice %arg3[%add3A, %dma_start3A_89, %dma_start3A_90] : memref<32x79x128xi32, #tpu.memory_space<hbm>> -> memref<1x79x128xi32, #tpu.memory_space<hbm>>
      %dma_start3A_92 = tpu.memref_squeeze %dma_start3A_91 : memref<1x79x128xi32, #tpu.memory_space<hbm>> -> memref<79x128xi32, #tpu.memory_space<hbm>>
      %dma_start3A_93 = arith.constant 0 : i32
      %dma_start3A_94 = arith.constant 0 : i32
      %dma_start3A_95 = tpu.memref_slice %arg3[%add3A, %dma_start3A_93, %dma_start3A_94] : memref<32x79x128xi32, #tpu.memory_space<hbm>> -> memref<1x79x128xi32, #tpu.memory_space<hbm>>
      %dma_start3A_96 = tpu.memref_squeeze %dma_start3A_95 : memref<1x79x128xi32, #tpu.memory_space<hbm>> -> memref<79x128xi32, #tpu.memory_space<hbm>>
      tpu.enqueue_dma source(%dma_start3A_96 : memref<79x128xi32, #tpu.memory_space<hbm>>) target(%arg7 : memref<79x128xi32, #tpu.memory_space<vmem>>) target_semaphore(%run_scoped3A : memref<!tpu.dma_semaphore, #tpu.memory_space<semaphore_mem>>)
      %dma_wait3A_97 = arith.constant 0 : i32
      %dma_wait3A_98 = arith.constant 0 : i32
      %dma_wait3A_99 = tpu.memref_slice %arg3[%add3A, %dma_wait3A_97, %dma_wait3A_98] : memref<32x79x128xi32, #tpu.memory_space<hbm>> -> memref<1x79x128xi32, #tpu.memory_space<hbm>>
      %dma_wait3A_100 = tpu.memref_squeeze %dma_wait3A_99 : memref<1x79x128xi32, #tpu.memory_space<hbm>> -> memref<79x128xi32, #tpu.memory_space<hbm>>
      %dma_wait3A_101 = arith.constant 0 : i32
      %dma_wait3A_102 = arith.constant 0 : i32
      %dma_wait3A_103 = tpu.memref_slice %arg3[%add3A, %dma_wait3A_101, %dma_wait3A_102] : memref<32x79x128xi32, #tpu.memory_space<hbm>> -> memref<1x79x128xi32, #tpu.memory_space<hbm>>
      %dma_wait3A_104 = tpu.memref_squeeze %dma_wait3A_103 : memref<1x79x128xi32, #tpu.memory_space<hbm>> -> memref<79x128xi32, #tpu.memory_space<hbm>>
      tpu.wait_dma2 semaphore(%run_scoped3A : memref<!tpu.dma_semaphore, #tpu.memory_space<semaphore_mem>>) src(%dma_wait3A_104 : memref<79x128xi32, #tpu.memory_space<hbm>>) dst(%arg7 : memref<79x128xi32, #tpu.memory_space<vmem>>)
      tpu.yield
    }) : () -> ()
    "tpu.region"() ({
      %run_scoped3A = tpu.sem_alloc : memref<!tpu.dma_semaphore, #tpu.memory_space<semaphore_mem>>
      %dma_start3A_89 = arith.constant 0 : i32
      %dma_start3A_90 = arith.constant 0 : i32
      %dma_start3A_91 = tpu.memref_slice %arg4[%add3A, %dma_start3A_89, %dma_start3A_90] : memref<32x79x128xi32, #tpu.memory_space<hbm>> -> memref<1x79x128xi32, #tpu.memory_space<hbm>>
      %dma_start3A_92 = tpu.memref_squeeze %dma_start3A_91 : memref<1x79x128xi32, #tpu.memory_space<hbm>> -> memref<79x128xi32, #tpu.memory_space<hbm>>
      %dma_start3A_93 = arith.constant 0 : i32
      %dma_start3A_94 = arith.constant 0 : i32
      %dma_start3A_95 = tpu.memref_slice %arg4[%add3A, %dma_start3A_93, %dma_start3A_94] : memref<32x79x128xi32, #tpu.memory_space<hbm>> -> memref<1x79x128xi32, #tpu.memory_space<hbm>>
      %dma_start3A_96 = tpu.memref_squeeze %dma_start3A_95 : memref<1x79x128xi32, #tpu.memory_space<hbm>> -> memref<79x128xi32, #tpu.memory_space<hbm>>
      tpu.enqueue_dma source(%dma_start3A_96 : memref<79x128xi32, #tpu.memory_space<hbm>>) target(%arg8 : memref<79x128xi32, #tpu.memory_space<vmem>>) target_semaphore(%run_scoped3A : memref<!tpu.dma_semaphore, #tpu.memory_space<semaphore_mem>>)
      %dma_wait3A_97 = arith.constant 0 : i32
      %dma_wait3A_98 = arith.constant 0 : i32
      %dma_wait3A_99 = tpu.memref_slice %arg4[%add3A, %dma_wait3A_97, %dma_wait3A_98] : memref<32x79x128xi32, #tpu.memory_space<hbm>> -> memref<1x79x128xi32, #tpu.memory_space<hbm>>
      %dma_wait3A_100 = tpu.memref_squeeze %dma_wait3A_99 : memref<1x79x128xi32, #tpu.memory_space<hbm>> -> memref<79x128xi32, #tpu.memory_space<hbm>>
      %dma_wait3A_101 = arith.constant 0 : i32
      %dma_wait3A_102 = arith.constant 0 : i32
      %dma_wait3A_103 = tpu.memref_slice %arg4[%add3A, %dma_wait3A_101, %dma_wait3A_102] : memref<32x79x128xi32, #tpu.memory_space<hbm>> -> memref<1x79x128xi32, #tpu.memory_space<hbm>>
      %dma_wait3A_104 = tpu.memref_squeeze %dma_wait3A_103 : memref<1x79x128xi32, #tpu.memory_space<hbm>> -> memref<79x128xi32, #tpu.memory_space<hbm>>
      tpu.wait_dma2 semaphore(%run_scoped3A : memref<!tpu.dma_semaphore, #tpu.memory_space<semaphore_mem>>) src(%dma_wait3A_104 : memref<79x128xi32, #tpu.memory_space<hbm>>) dst(%arg8 : memref<79x128xi32, #tpu.memory_space<vmem>>)
      tpu.yield
    }) : () -> ()
    "tpu.region"() ({
      %run_scoped3A = tpu.sem_alloc : memref<!tpu.dma_semaphore, #tpu.memory_space<semaphore_mem>>
      tpu.enqueue_dma source(%arg5 : memref<128x8xf32, #tpu.memory_space<hbm>>) target(%arg10 : memref<128x8xf32, #tpu.memory_space<vmem>>) target_semaphore(%run_scoped3A : memref<!tpu.dma_semaphore, #tpu.memory_space<semaphore_mem>>)
      tpu.wait_dma2 semaphore(%run_scoped3A : memref<!tpu.dma_semaphore, #tpu.memory_space<semaphore_mem>>) src(%arg5 : memref<128x8xf32, #tpu.memory_space<hbm>>) dst(%arg10 : memref<128x8xf32, #tpu.memory_space<vmem>>)
      tpu.yield
    }) : () -> ()
    %mul3A_1 = arith.constant 640 : i32
    %mul3A_2 = arith.muli %arg1, %mul3A_1 : i32
    %add3A_3 = arith.constant 0 : i32
    %add3A_4 = arith.addi %mul3A_2, %add3A_3 : i32
    "tpu.region"() ({
      %run_scoped3A = tpu.sem_alloc : memref<!tpu.dma_semaphore, #tpu.memory_space<semaphore_mem>>
      %dma_start3A_89 = arith.constant 0 : i32
      %dma_start3A_90 = tpu.memref_slice %arg11[%add3A_4, %dma_start3A_89] : memref<10240x8xf32, #tpu.memory_space<vmem_shared>> -> memref<128x8xf32, #tpu.memory_space<vmem_shared>>
      %dma_start3A_91 = arith.constant 0 : i32
      %dma_start3A_92 = tpu.memref_slice %arg11[%add3A_4, %dma_start3A_91] : memref<10240x8xf32, #tpu.memory_space<vmem_shared>> -> memref<128x8xf32, #tpu.memory_space<vmem_shared>>
      tpu.enqueue_dma source(%arg10 : memref<128x8xf32, #tpu.memory_space<vmem>>) target(%dma_start3A_92 : memref<128x8xf32, #tpu.memory_space<vmem_shared>>) target_semaphore(%run_scoped3A : memref<!tpu.dma_semaphore, #tpu.memory_space<semaphore_mem>>)
      %dma_wait3A_93 = arith.constant 0 : i32
      %dma_wait3A_94 = tpu.memref_slice %arg11[%add3A_4, %dma_wait3A_93] : memref<10240x8xf32, #tpu.memory_space<vmem_shared>> -> memref<128x8xf32, #tpu.memory_space<vmem_shared>>
      %dma_wait3A_95 = arith.constant 0 : i32
      %dma_wait3A_96 = tpu.memref_slice %arg11[%add3A_4, %dma_wait3A_95] : memref<10240x8xf32, #tpu.memory_space<vmem_shared>> -> memref<128x8xf32, #tpu.memory_space<vmem_shared>>
      tpu.wait_dma2 semaphore(%run_scoped3A : memref<!tpu.dma_semaphore, #tpu.memory_space<semaphore_mem>>) src(%arg10 : memref<128x8xf32, #tpu.memory_space<vmem>>) dst(%dma_wait3A_96 : memref<128x8xf32, #tpu.memory_space<vmem_shared>>)
      tpu.yield
    }) : () -> ()
    %mul3A_5 = arith.constant 640 : i32
    %mul3A_6 = arith.muli %arg1, %mul3A_5 : i32
    %add3A_7 = arith.constant 128 : i32
    %add3A_8 = arith.addi %mul3A_6, %add3A_7 : i32
    "tpu.region"() ({
      %run_scoped3A = tpu.sem_alloc : memref<!tpu.dma_semaphore, #tpu.memory_space<semaphore_mem>>
      %dma_start3A_89 = arith.constant 0 : i32
      %dma_start3A_90 = tpu.memref_slice %arg11[%add3A_8, %dma_start3A_89] : memref<10240x8xf32, #tpu.memory_space<vmem_shared>> -> memref<128x8xf32, #tpu.memory_space<vmem_shared>>
      %dma_start3A_91 = arith.constant 0 : i32
      %dma_start3A_92 = tpu.memref_slice %arg11[%add3A_8, %dma_start3A_91] : memref<10240x8xf32, #tpu.memory_space<vmem_shared>> -> memref<128x8xf32, #tpu.memory_space<vmem_shared>>
      tpu.enqueue_dma source(%arg10 : memref<128x8xf32, #tpu.memory_space<vmem>>) target(%dma_start3A_92 : memref<128x8xf32, #tpu.memory_space<vmem_shared>>) target_semaphore(%run_scoped3A : memref<!tpu.dma_semaphore, #tpu.memory_space<semaphore_mem>>)
      %dma_wait3A_93 = arith.constant 0 : i32
      %dma_wait3A_94 = tpu.memref_slice %arg11[%add3A_8, %dma_wait3A_93] : memref<10240x8xf32, #tpu.memory_space<vmem_shared>> -> memref<128x8xf32, #tpu.memory_space<vmem_shared>>
      %dma_wait3A_95 = arith.constant 0 : i32
      %dma_wait3A_96 = tpu.memref_slice %arg11[%add3A_8, %dma_wait3A_95] : memref<10240x8xf32, #tpu.memory_space<vmem_shared>> -> memref<128x8xf32, #tpu.memory_space<vmem_shared>>
      tpu.wait_dma2 semaphore(%run_scoped3A : memref<!tpu.dma_semaphore, #tpu.memory_space<semaphore_mem>>) src(%arg10 : memref<128x8xf32, #tpu.memory_space<vmem>>) dst(%dma_wait3A_96 : memref<128x8xf32, #tpu.memory_space<vmem_shared>>)
      tpu.yield
    }) : () -> ()
    %mul3A_9 = arith.constant 640 : i32
    %mul3A_10 = arith.muli %arg1, %mul3A_9 : i32
    %add3A_11 = arith.constant 256 : i32
    %add3A_12 = arith.addi %mul3A_10, %add3A_11 : i32
    "tpu.region"() ({
      %run_scoped3A = tpu.sem_alloc : memref<!tpu.dma_semaphore, #tpu.memory_space<semaphore_mem>>
      %dma_start3A_89 = arith.constant 0 : i32
      %dma_start3A_90 = tpu.memref_slice %arg11[%add3A_12, %dma_start3A_89] : memref<10240x8xf32, #tpu.memory_space<vmem_shared>> -> memref<128x8xf32, #tpu.memory_space<vmem_shared>>
      %dma_start3A_91 = arith.constant 0 : i32
      %dma_start3A_92 = tpu.memref_slice %arg11[%add3A_12, %dma_start3A_91] : memref<10240x8xf32, #tpu.memory_space<vmem_shared>> -> memref<128x8xf32, #tpu.memory_space<vmem_shared>>
      tpu.enqueue_dma source(%arg10 : memref<128x8xf32, #tpu.memory_space<vmem>>) target(%dma_start3A_92 : memref<128x8xf32, #tpu.memory_space<vmem_shared>>) target_semaphore(%run_scoped3A : memref<!tpu.dma_semaphore, #tpu.memory_space<semaphore_mem>>)
      %dma_wait3A_93 = arith.constant 0 : i32
      %dma_wait3A_94 = tpu.memref_slice %arg11[%add3A_12, %dma_wait3A_93] : memref<10240x8xf32, #tpu.memory_space<vmem_shared>> -> memref<128x8xf32, #tpu.memory_space<vmem_shared>>
      %dma_wait3A_95 = arith.constant 0 : i32
      %dma_wait3A_96 = tpu.memref_slice %arg11[%add3A_12, %dma_wait3A_95] : memref<10240x8xf32, #tpu.memory_space<vmem_shared>> -> memref<128x8xf32, #tpu.memory_space<vmem_shared>>
      tpu.wait_dma2 semaphore(%run_scoped3A : memref<!tpu.dma_semaphore, #tpu.memory_space<semaphore_mem>>) src(%arg10 : memref<128x8xf32, #tpu.memory_space<vmem>>) dst(%dma_wait3A_96 : memref<128x8xf32, #tpu.memory_space<vmem_shared>>)
      tpu.yield
    }) : () -> ()
    %mul3A_13 = arith.constant 640 : i32
    %mul3A_14 = arith.muli %arg1, %mul3A_13 : i32
    %add3A_15 = arith.constant 384 : i32
    %add3A_16 = arith.addi %mul3A_14, %add3A_15 : i32
    "tpu.region"() ({
      %run_scoped3A = tpu.sem_alloc : memref<!tpu.dma_semaphore, #tpu.memory_space<semaphore_mem>>
      %dma_start3A_89 = arith.constant 0 : i32
      %dma_start3A_90 = tpu.memref_slice %arg11[%add3A_16, %dma_start3A_89] : memref<10240x8xf32, #tpu.memory_space<vmem_shared>> -> memref<128x8xf32, #tpu.memory_space<vmem_shared>>
      %dma_start3A_91 = arith.constant 0 : i32
      %dma_start3A_92 = tpu.memref_slice %arg11[%add3A_16, %dma_start3A_91] : memref<10240x8xf32, #tpu.memory_space<vmem_shared>> -> memref<128x8xf32, #tpu.memory_space<vmem_shared>>
      tpu.enqueue_dma source(%arg10 : memref<128x8xf32, #tpu.memory_space<vmem>>) target(%dma_start3A_92 : memref<128x8xf32, #tpu.memory_space<vmem_shared>>) target_semaphore(%run_scoped3A : memref<!tpu.dma_semaphore, #tpu.memory_space<semaphore_mem>>)
      %dma_wait3A_93 = arith.constant 0 : i32
      %dma_wait3A_94 = tpu.memref_slice %arg11[%add3A_16, %dma_wait3A_93] : memref<10240x8xf32, #tpu.memory_space<vmem_shared>> -> memref<128x8xf32, #tpu.memory_space<vmem_shared>>
      %dma_wait3A_95 = arith.constant 0 : i32
      %dma_wait3A_96 = tpu.memref_slice %arg11[%add3A_16, %dma_wait3A_95] : memref<10240x8xf32, #tpu.memory_space<vmem_shared>> -> memref<128x8xf32, #tpu.memory_space<vmem_shared>>
      tpu.wait_dma2 semaphore(%run_scoped3A : memref<!tpu.dma_semaphore, #tpu.memory_space<semaphore_mem>>) src(%arg10 : memref<128x8xf32, #tpu.memory_space<vmem>>) dst(%dma_wait3A_96 : memref<128x8xf32, #tpu.memory_space<vmem_shared>>)
      tpu.yield
    }) : () -> ()
    %mul3A_17 = arith.constant 640 : i32
    %mul3A_18 = arith.muli %arg1, %mul3A_17 : i32
    %add3A_19 = arith.constant 512 : i32
    %add3A_20 = arith.addi %mul3A_18, %add3A_19 : i32
    "tpu.region"() ({
      %run_scoped3A = tpu.sem_alloc : memref<!tpu.dma_semaphore, #tpu.memory_space<semaphore_mem>>
      %dma_start3A_89 = arith.constant 0 : i32
      %dma_start3A_90 = tpu.memref_slice %arg11[%add3A_20, %dma_start3A_89] : memref<10240x8xf32, #tpu.memory_space<vmem_shared>> -> memref<128x8xf32, #tpu.memory_space<vmem_shared>>
      %dma_start3A_91 = arith.constant 0 : i32
      %dma_start3A_92 = tpu.memref_slice %arg11[%add3A_20, %dma_start3A_91] : memref<10240x8xf32, #tpu.memory_space<vmem_shared>> -> memref<128x8xf32, #tpu.memory_space<vmem_shared>>
      tpu.enqueue_dma source(%arg10 : memref<128x8xf32, #tpu.memory_space<vmem>>) target(%dma_start3A_92 : memref<128x8xf32, #tpu.memory_space<vmem_shared>>) target_semaphore(%run_scoped3A : memref<!tpu.dma_semaphore, #tpu.memory_space<semaphore_mem>>)
      %dma_wait3A_93 = arith.constant 0 : i32
      %dma_wait3A_94 = tpu.memref_slice %arg11[%add3A_20, %dma_wait3A_93] : memref<10240x8xf32, #tpu.memory_space<vmem_shared>> -> memref<128x8xf32, #tpu.memory_space<vmem_shared>>
      %dma_wait3A_95 = arith.constant 0 : i32
      %dma_wait3A_96 = tpu.memref_slice %arg11[%add3A_20, %dma_wait3A_95] : memref<10240x8xf32, #tpu.memory_space<vmem_shared>> -> memref<128x8xf32, #tpu.memory_space<vmem_shared>>
      tpu.wait_dma2 semaphore(%run_scoped3A : memref<!tpu.dma_semaphore, #tpu.memory_space<semaphore_mem>>) src(%arg10 : memref<128x8xf32, #tpu.memory_space<vmem>>) dst(%dma_wait3A_96 : memref<128x8xf32, #tpu.memory_space<vmem_shared>>)
      tpu.yield
    }) : () -> ()
    %barrier3A = arith.constant 0 : index
    tpu.barrier barrier_id(%barrier3A)
    %dma_start3A = arith.constant 0 : i32
    %dma_start3A_21 = arith.constant 0 : i32
    %dma_start3A_22 = arith.constant 0 : i32
    %dma_start3A_23 = arith.constant 0 : i32
    %dma_start3A_24 = tpu.memref_slice %arg9[%dma_start3A_21, %dma_start3A_22, %dma_start3A_23] : memref<2x128x8xf32, #tpu.memory_space<vmem>> -> memref<1x128x8xf32, #tpu.memory_space<vmem>>
    %dma_start3A_25 = tpu.memref_squeeze %dma_start3A_24 : memref<1x128x8xf32, #tpu.memory_space<vmem>> -> memref<128x8xf32, #tpu.memory_space<vmem>>
    %dma_start3A_26 = arith.constant 0 : i32
    %dma_start3A_27 = tpu.memref_slice %arg7[%dma_start3A, %dma_start3A_26] : memref<79x128xi32, #tpu.memory_space<vmem>> -> memref<1x128xi32, #tpu.memory_space<vmem>>
    %dma_start3A_28 = tpu.memref_squeeze %dma_start3A_27 : memref<1x128xi32, #tpu.memory_space<vmem>> -> memref<128xi32, #tpu.memory_space<vmem>>
    %dma_start3A_29 = arith.constant 0 : i32
    %dma_start3A_30 = arith.constant 0 : i32
    %dma_start3A_31 = tpu.memref_slice %arg2[%dma_start3A_29, %dma_start3A_30] : memref<10240x8xf32, #tpu.memory_space<hbm>> -> memref<10240x8xf32, #tpu.memory_space<hbm>>
    tpu.enqueue_indirect_dma source(%dma_start3A_31 : memref<10240x8xf32, #tpu.memory_space<hbm>>) target(%dma_start3A_25 : memref<128x8xf32, #tpu.memory_space<vmem>>) offsets(%dma_start3A_28 : memref<128xi32, #tpu.memory_space<vmem>>) semaphore(%arg12 : memref<!tpu.dma_semaphore, #tpu.memory_space<semaphore_mem>>)
    %scan3A = arith.constant 0 : i32
    %scan3A_32 = arith.constant 0 : i32
    %scan3A_33 = arith.constant 79 : i32
    %scan3A_34 = arith.addi %scan3A_32, %scan3A_33 : i32
    %scan3A_35 = arith.constant 1 : i32
    scf.for %scan3A_89 = %scan3A_32 to %scan3A_34 step %scan3A_35  : i32 {
      %dma_wait3A_90 = arith.constant 0 : i32
      %dma_wait3A_91 = arith.constant 0 : i32
      %dma_wait3A_92 = arith.constant 0 : i32
      %dma_wait3A_93 = arith.constant 0 : i32
      %dma_wait3A_94 = tpu.memref_slice %arg9[%dma_wait3A_91, %dma_wait3A_92, %dma_wait3A_93] : memref<2x128x8xf32, #tpu.memory_space<vmem>> -> memref<1x128x8xf32, #tpu.memory_space<vmem>>
      %dma_wait3A_95 = tpu.memref_squeeze %dma_wait3A_94 : memref<1x128x8xf32, #tpu.memory_space<vmem>> -> memref<128x8xf32, #tpu.memory_space<vmem>>
      %dma_wait3A_96 = arith.constant 0 : i32
      %dma_wait3A_97 = tpu.memref_slice %arg7[%dma_wait3A_90, %dma_wait3A_96] : memref<79x128xi32, #tpu.memory_space<vmem>> -> memref<1x128xi32, #tpu.memory_space<vmem>>
      %dma_wait3A_98 = tpu.memref_squeeze %dma_wait3A_97 : memref<1x128xi32, #tpu.memory_space<vmem>> -> memref<128xi32, #tpu.memory_space<vmem>>
      %dma_wait3A_99 = arith.constant 0 : i32
      %dma_wait3A_100 = arith.constant 0 : i32
      %dma_wait3A_101 = tpu.memref_slice %arg2[%dma_wait3A_99, %dma_wait3A_100] : memref<10240x8xf32, #tpu.memory_space<hbm>> -> memref<10240x8xf32, #tpu.memory_space<hbm>>
      tpu.wait_indirect_dma semaphore(%arg12 : memref<!tpu.dma_semaphore, #tpu.memory_space<semaphore_mem>>) src(%dma_wait3A_101 : memref<10240x8xf32, #tpu.memory_space<hbm>>) dst(%dma_wait3A_95 : memref<128x8xf32, #tpu.memory_space<vmem>>)
      %ge3A = arith.constant 1 : i32
      %ge3A_102 = arith.cmpi sge, %scan3A_89, %ge3A : i32
      %convert_element_type3A = arith.extui %ge3A_102 : i1 to i32
      %cond3A = arith.constant 0 : i32
      %cond3A_103 = arith.cmpi ne, %convert_element_type3A, %cond3A : i32
      scf.if %cond3A_103 {
        %dma_wait3A_128 = arith.constant 0 : i32
        %dma_wait3A_129 = arith.constant 0 : i32
        %dma_wait3A_130 = arith.constant 0 : i32
        %dma_wait3A_131 = arith.constant 0 : i32
        %dma_wait3A_132 = tpu.memref_slice %arg9[%dma_wait3A_128, %dma_wait3A_130, %dma_wait3A_131] : memref<2x128x8xf32, #tpu.memory_space<vmem>> -> memref<1x128x8xf32, #tpu.memory_space<vmem>>
        %dma_wait3A_133 = tpu.memref_squeeze %dma_wait3A_132 : memref<1x128x8xf32, #tpu.memory_space<vmem>> -> memref<128x8xf32, #tpu.memory_space<vmem>>
        %dma_wait3A_134 = arith.constant 0 : i32
        %dma_wait3A_135 = tpu.memref_slice %arg8[%dma_wait3A_129, %dma_wait3A_134] : memref<79x128xi32, #tpu.memory_space<vmem>> -> memref<1x128xi32, #tpu.memory_space<vmem>>
        %dma_wait3A_136 = tpu.memref_squeeze %dma_wait3A_135 : memref<1x128xi32, #tpu.memory_space<vmem>> -> memref<128xi32, #tpu.memory_space<vmem>>
        %dma_wait3A_137 = arith.constant 0 : i32
        %dma_wait3A_138 = arith.constant 0 : i32
        %dma_wait3A_139 = tpu.memref_slice %arg11[%dma_wait3A_137, %dma_wait3A_138] : memref<10240x8xf32, #tpu.memory_space<vmem_shared>> -> memref<10240x8xf32, #tpu.memory_space<vmem_shared>>
        tpu.wait_indirect_dma semaphore(%arg13 : memref<!tpu.dma_semaphore, #tpu.memory_space<semaphore_mem>>) src(%dma_wait3A_133 : memref<128x8xf32, #tpu.memory_space<vmem>>) dst(%dma_wait3A_139 : memref<10240x8xf32, #tpu.memory_space<vmem_shared>>)
      } else {
      }
      %lt3A = arith.constant 78 : i32
      %lt3A_104 = arith.cmpi slt, %scan3A_89, %lt3A : i32
      %convert_element_type3A_105 = arith.extui %lt3A_104 : i1 to i32
      %cond3A_106 = arith.constant 0 : i32
      %cond3A_107 = arith.cmpi ne, %convert_element_type3A_105, %cond3A_106 : i32
      scf.if %cond3A_107 {
        %add3A_128 = arith.constant 1 : i32
        %add3A_129 = arith.addi %scan3A_89, %add3A_128 : i32
        %add3A_130 = arith.constant 1 : i32
        %add3A_131 = arith.addi %scan3A_89, %add3A_130 : i32
        %jit3A_132 = arith.constant 2 : i32
        %eq3A_133 = arith.constant 0 : i32
        %eq3A_134 = arith.cmpi eq, %jit3A_132, %eq3A_133 : i32
        %jit3A_135 = arith.constant 1 : i32
        %select_n3A_136 = arith.select %eq3A_134, %jit3A_135, %jit3A_132 : i32
        %rem3A_137 = arith.remsi %add3A_131, %select_n3A_136 : i32
        %ne3A_138 = arith.constant 0 : i32
        %ne3A_139 = arith.cmpi ne, %rem3A_137, %ne3A_138 : i32
        %lt3A_140 = arith.constant 0 : i32
        %lt3A_141 = arith.cmpi slt, %rem3A_137, %lt3A_140 : i32
        %lt3A_142 = arith.constant 0 : i32
        %lt3A_143 = arith.cmpi slt, %select_n3A_136, %lt3A_142 : i32
        %ne3A_144 = arith.xori %lt3A_141, %lt3A_143 : i1
        %and3A_145 = arith.andi %ne3A_144, %ne3A_139 : i1
        %add3A_146 = arith.addi %rem3A_137, %select_n3A_136 : i32
        %select_n3A_147 = arith.select %and3A_145, %add3A_146, %rem3A_137 : i32
        %dma_start3A_148 = arith.constant 0 : i32
        %dma_start3A_149 = arith.constant 0 : i32
        %dma_start3A_150 = tpu.memref_slice %arg9[%select_n3A_147, %dma_start3A_148, %dma_start3A_149] : memref<2x128x8xf32, #tpu.memory_space<vmem>> -> memref<1x128x8xf32, #tpu.memory_space<vmem>>
        %dma_start3A_151 = tpu.memref_squeeze %dma_start3A_150 : memref<1x128x8xf32, #tpu.memory_space<vmem>> -> memref<128x8xf32, #tpu.memory_space<vmem>>
        %dma_start3A_152 = arith.constant 0 : i32
        %dma_start3A_153 = tpu.memref_slice %arg7[%add3A_129, %dma_start3A_152] : memref<79x128xi32, #tpu.memory_space<vmem>> -> memref<1x128xi32, #tpu.memory_space<vmem>>
        %dma_start3A_154 = tpu.memref_squeeze %dma_start3A_153 : memref<1x128xi32, #tpu.memory_space<vmem>> -> memref<128xi32, #tpu.memory_space<vmem>>
        %dma_start3A_155 = arith.constant 0 : i32
        %dma_start3A_156 = arith.constant 0 : i32
        %dma_start3A_157 = tpu.memref_slice %arg2[%dma_start3A_155, %dma_start3A_156] : memref<10240x8xf32, #tpu.memory_space<hbm>> -> memref<10240x8xf32, #tpu.memory_space<hbm>>
        tpu.enqueue_indirect_dma source(%dma_start3A_157 : memref<10240x8xf32, #tpu.memory_space<hbm>>) target(%dma_start3A_151 : memref<128x8xf32, #tpu.memory_space<vmem>>) offsets(%dma_start3A_154 : memref<128xi32, #tpu.memory_space<vmem>>) semaphore(%arg12 : memref<!tpu.dma_semaphore, #tpu.memory_space<semaphore_mem>>)
      } else {
      }
      %jit3A = arith.constant 2 : i32
      %eq3A = arith.constant 0 : i32
      %eq3A_108 = arith.cmpi eq, %jit3A, %eq3A : i32
      %jit3A_109 = arith.constant 1 : i32
      %select_n3A = arith.select %eq3A_108, %jit3A_109, %jit3A : i32
      %rem3A = arith.remsi %scan3A_89, %select_n3A : i32
      %ne3A = arith.constant 0 : i32
      %ne3A_110 = arith.cmpi ne, %rem3A, %ne3A : i32
      %lt3A_111 = arith.constant 0 : i32
      %lt3A_112 = arith.cmpi slt, %rem3A, %lt3A_111 : i32
      %lt3A_113 = arith.constant 0 : i32
      %lt3A_114 = arith.cmpi slt, %select_n3A, %lt3A_113 : i32
      %ne3A_115 = arith.xori %lt3A_112, %lt3A_114 : i1
      %and3A = arith.andi %ne3A_115, %ne3A_110 : i1
      %add3A_116 = arith.addi %rem3A, %select_n3A : i32
      %select_n3A_117 = arith.select %and3A, %add3A_116, %rem3A : i32
      %dma_start3A_118 = arith.constant 0 : i32
      %dma_start3A_119 = arith.constant 0 : i32
      %dma_start3A_120 = tpu.memref_slice %arg9[%select_n3A_117, %dma_start3A_118, %dma_start3A_119] : memref<2x128x8xf32, #tpu.memory_space<vmem>> -> memref<1x128x8xf32, #tpu.memory_space<vmem>>
      %dma_start3A_121 = tpu.memref_squeeze %dma_start3A_120 : memref<1x128x8xf32, #tpu.memory_space<vmem>> -> memref<128x8xf32, #tpu.memory_space<vmem>>
      %dma_start3A_122 = arith.constant 0 : i32
      %dma_start3A_123 = tpu.memref_slice %arg8[%scan3A_89, %dma_start3A_122] : memref<79x128xi32, #tpu.memory_space<vmem>> -> memref<1x128xi32, #tpu.memory_space<vmem>>
      %dma_start3A_124 = tpu.memref_squeeze %dma_start3A_123 : memref<1x128xi32, #tpu.memory_space<vmem>> -> memref<128xi32, #tpu.memory_space<vmem>>
      %dma_start3A_125 = arith.constant 0 : i32
      %dma_start3A_126 = arith.constant 0 : i32
      %dma_start3A_127 = tpu.memref_slice %arg11[%dma_start3A_125, %dma_start3A_126] : memref<10240x8xf32, #tpu.memory_space<vmem_shared>> -> memref<10240x8xf32, #tpu.memory_space<vmem_shared>>
      tpu.enqueue_indirect_dma source(%dma_start3A_121 : memref<128x8xf32, #tpu.memory_space<vmem>>) target(%dma_start3A_127 : memref<10240x8xf32, #tpu.memory_space<vmem_shared>>) offsets(%dma_start3A_124 : memref<128xi32, #tpu.memory_space<vmem>>) semaphore(%arg13 : memref<!tpu.dma_semaphore, #tpu.memory_space<semaphore_mem>>) {add = true}
    }
    %scan3A_36 = arith.constant 79 : i32
    %dma_wait3A = arith.constant 0 : i32
    %dma_wait3A_37 = arith.constant 0 : i32
    %dma_wait3A_38 = arith.constant 0 : i32
    %dma_wait3A_39 = arith.constant 0 : i32
    %dma_wait3A_40 = tpu.memref_slice %arg9[%dma_wait3A, %dma_wait3A_38, %dma_wait3A_39] : memref<2x128x8xf32, #tpu.memory_space<vmem>> -> memref<1x128x8xf32, #tpu.memory_space<vmem>>
    %dma_wait3A_41 = tpu.memref_squeeze %dma_wait3A_40 : memref<1x128x8xf32, #tpu.memory_space<vmem>> -> memref<128x8xf32, #tpu.memory_space<vmem>>
    %dma_wait3A_42 = arith.constant 0 : i32
    %dma_wait3A_43 = tpu.memref_slice %arg8[%dma_wait3A_37, %dma_wait3A_42] : memref<79x128xi32, #tpu.memory_space<vmem>> -> memref<1x128xi32, #tpu.memory_space<vmem>>
    %dma_wait3A_44 = tpu.memref_squeeze %dma_wait3A_43 : memref<1x128xi32, #tpu.memory_space<vmem>> -> memref<128xi32, #tpu.memory_space<vmem>>
    %dma_wait3A_45 = arith.constant 0 : i32
    %dma_wait3A_46 = arith.constant 0 : i32
    %dma_wait3A_47 = tpu.memref_slice %arg11[%dma_wait3A_45, %dma_wait3A_46] : memref<10240x8xf32, #tpu.memory_space<vmem_shared>> -> memref<10240x8xf32, #tpu.memory_space<vmem_shared>>
    tpu.wait_indirect_dma semaphore(%arg13 : memref<!tpu.dma_semaphore, #tpu.memory_space<semaphore_mem>>) src(%dma_wait3A_41 : memref<128x8xf32, #tpu.memory_space<vmem>>) dst(%dma_wait3A_47 : memref<10240x8xf32, #tpu.memory_space<vmem_shared>>)
    %barrier3A_48 = arith.constant 0 : index
    tpu.barrier barrier_id(%barrier3A_48)
    %mul3A_49 = arith.constant 640 : i32
    %mul3A_50 = arith.muli %arg1, %mul3A_49 : i32
    %add3A_51 = arith.constant 0 : i32
    %add3A_52 = arith.addi %mul3A_50, %add3A_51 : i32
    "tpu.region"() ({
      %run_scoped3A = tpu.sem_alloc : memref<!tpu.dma_semaphore, #tpu.memory_space<semaphore_mem>>
      %dma_start3A_89 = arith.constant 0 : i32
      %dma_start3A_90 = tpu.memref_slice %arg11[%add3A_52, %dma_start3A_89] : memref<10240x8xf32, #tpu.memory_space<vmem_shared>> -> memref<128x8xf32, #tpu.memory_space<vmem_shared>>
      %dma_start3A_91 = arith.constant 0 : i32
      %dma_start3A_92 = tpu.memref_slice %arg11[%add3A_52, %dma_start3A_91] : memref<10240x8xf32, #tpu.memory_space<vmem_shared>> -> memref<128x8xf32, #tpu.memory_space<vmem_shared>>
      tpu.enqueue_dma source(%dma_start3A_92 : memref<128x8xf32, #tpu.memory_space<vmem_shared>>) target(%arg10 : memref<128x8xf32, #tpu.memory_space<vmem>>) target_semaphore(%run_scoped3A : memref<!tpu.dma_semaphore, #tpu.memory_space<semaphore_mem>>)
      %dma_wait3A_93 = arith.constant 0 : i32
      %dma_wait3A_94 = tpu.memref_slice %arg11[%add3A_52, %dma_wait3A_93] : memref<10240x8xf32, #tpu.memory_space<vmem_shared>> -> memref<128x8xf32, #tpu.memory_space<vmem_shared>>
      %dma_wait3A_95 = arith.constant 0 : i32
      %dma_wait3A_96 = tpu.memref_slice %arg11[%add3A_52, %dma_wait3A_95] : memref<10240x8xf32, #tpu.memory_space<vmem_shared>> -> memref<128x8xf32, #tpu.memory_space<vmem_shared>>
      tpu.wait_dma2 semaphore(%run_scoped3A : memref<!tpu.dma_semaphore, #tpu.memory_space<semaphore_mem>>) src(%dma_wait3A_96 : memref<128x8xf32, #tpu.memory_space<vmem_shared>>) dst(%arg10 : memref<128x8xf32, #tpu.memory_space<vmem>>)
      tpu.yield
    }) : () -> ()
    %mul3A_53 = arith.constant 640 : i32
    %mul3A_54 = arith.muli %arg1, %mul3A_53 : i32
    %add3A_55 = arith.constant 0 : i32
    %add3A_56 = arith.addi %mul3A_54, %add3A_55 : i32
    "tpu.region"() ({
      %run_scoped3A = tpu.sem_alloc : memref<!tpu.dma_semaphore, #tpu.memory_space<semaphore_mem>>
      %dma_start3A_89 = arith.constant 0 : i32
      %dma_start3A_90 = tpu.memref_slice %arg6[%arg0, %add3A_56, %dma_start3A_89] : memref<2x10240x8xf32, #tpu.memory_space<hbm>> -> memref<1x128x8xf32, #tpu.memory_space<hbm>>
      %dma_start3A_91 = tpu.memref_squeeze %dma_start3A_90 : memref<1x128x8xf32, #tpu.memory_space<hbm>> -> memref<128x8xf32, #tpu.memory_space<hbm>>
      %dma_start3A_92 = arith.constant 0 : i32
      %dma_start3A_93 = tpu.memref_slice %arg6[%arg0, %add3A_56, %dma_start3A_92] : memref<2x10240x8xf32, #tpu.memory_space<hbm>> -> memref<1x128x8xf32, #tpu.memory_space<hbm>>
      %dma_start3A_94 = tpu.memref_squeeze %dma_start3A_93 : memref<1x128x8xf32, #tpu.memory_space<hbm>> -> memref<128x8xf32, #tpu.memory_space<hbm>>
      tpu.enqueue_dma source(%arg10 : memref<128x8xf32, #tpu.memory_space<vmem>>) target(%dma_start3A_94 : memref<128x8xf32, #tpu.memory_space<hbm>>) target_semaphore(%run_scoped3A : memref<!tpu.dma_semaphore, #tpu.memory_space<semaphore_mem>>)
      %dma_wait3A_95 = arith.constant 0 : i32
      %dma_wait3A_96 = tpu.memref_slice %arg6[%arg0, %add3A_56, %dma_wait3A_95] : memref<2x10240x8xf32, #tpu.memory_space<hbm>> -> memref<1x128x8xf32, #tpu.memory_space<hbm>>
      %dma_wait3A_97 = tpu.memref_squeeze %dma_wait3A_96 : memref<1x128x8xf32, #tpu.memory_space<hbm>> -> memref<128x8xf32, #tpu.memory_space<hbm>>
      %dma_wait3A_98 = arith.constant 0 : i32
      %dma_wait3A_99 = tpu.memref_slice %arg6[%arg0, %add3A_56, %dma_wait3A_98] : memref<2x10240x8xf32, #tpu.memory_space<hbm>> -> memref<1x128x8xf32, #tpu.memory_space<hbm>>
      %dma_wait3A_100 = tpu.memref_squeeze %dma_wait3A_99 : memref<1x128x8xf32, #tpu.memory_space<hbm>> -> memref<128x8xf32, #tpu.memory_space<hbm>>
      tpu.wait_dma2 semaphore(%run_scoped3A : memref<!tpu.dma_semaphore, #tpu.memory_space<semaphore_mem>>) src(%arg10 : memref<128x8xf32, #tpu.memory_space<vmem>>) dst(%dma_wait3A_100 : memref<128x8xf32, #tpu.memory_space<hbm>>)
      tpu.yield
    }) : () -> ()
    %mul3A_57 = arith.constant 640 : i32
    %mul3A_58 = arith.muli %arg1, %mul3A_57 : i32
    %add3A_59 = arith.constant 128 : i32
    %add3A_60 = arith.addi %mul3A_58, %add3A_59 : i32
    "tpu.region"() ({
      %run_scoped3A = tpu.sem_alloc : memref<!tpu.dma_semaphore, #tpu.memory_space<semaphore_mem>>
      %dma_start3A_89 = arith.constant 0 : i32
      %dma_start3A_90 = tpu.memref_slice %arg11[%add3A_60, %dma_start3A_89] : memref<10240x8xf32, #tpu.memory_space<vmem_shared>> -> memref<128x8xf32, #tpu.memory_space<vmem_shared>>
      %dma_start3A_91 = arith.constant 0 : i32
      %dma_start3A_92 = tpu.memref_slice %arg11[%add3A_60, %dma_start3A_91] : memref<10240x8xf32, #tpu.memory_space<vmem_shared>> -> memref<128x8xf32, #tpu.memory_space<vmem_shared>>
      tpu.enqueue_dma source(%dma_start3A_92 : memref<128x8xf32, #tpu.memory_space<vmem_shared>>) target(%arg10 : memref<128x8xf32, #tpu.memory_space<vmem>>) target_semaphore(%run_scoped3A : memref<!tpu.dma_semaphore, #tpu.memory_space<semaphore_mem>>)
      %dma_wait3A_93 = arith.constant 0 : i32
      %dma_wait3A_94 = tpu.memref_slice %arg11[%add3A_60, %dma_wait3A_93] : memref<10240x8xf32, #tpu.memory_space<vmem_shared>> -> memref<128x8xf32, #tpu.memory_space<vmem_shared>>
      %dma_wait3A_95 = arith.constant 0 : i32
      %dma_wait3A_96 = tpu.memref_slice %arg11[%add3A_60, %dma_wait3A_95] : memref<10240x8xf32, #tpu.memory_space<vmem_shared>> -> memref<128x8xf32, #tpu.memory_space<vmem_shared>>
      tpu.wait_dma2 semaphore(%run_scoped3A : memref<!tpu.dma_semaphore, #tpu.memory_space<semaphore_mem>>) src(%dma_wait3A_96 : memref<128x8xf32, #tpu.memory_space<vmem_shared>>) dst(%arg10 : memref<128x8xf32, #tpu.memory_space<vmem>>)
      tpu.yield
    }) : () -> ()
    %mul3A_61 = arith.constant 640 : i32
    %mul3A_62 = arith.muli %arg1, %mul3A_61 : i32
    %add3A_63 = arith.constant 128 : i32
    %add3A_64 = arith.addi %mul3A_62, %add3A_63 : i32
    "tpu.region"() ({
      %run_scoped3A = tpu.sem_alloc : memref<!tpu.dma_semaphore, #tpu.memory_space<semaphore_mem>>
      %dma_start3A_89 = arith.constant 0 : i32
      %dma_start3A_90 = tpu.memref_slice %arg6[%arg0, %add3A_64, %dma_start3A_89] : memref<2x10240x8xf32, #tpu.memory_space<hbm>> -> memref<1x128x8xf32, #tpu.memory_space<hbm>>
      %dma_start3A_91 = tpu.memref_squeeze %dma_start3A_90 : memref<1x128x8xf32, #tpu.memory_space<hbm>> -> memref<128x8xf32, #tpu.memory_space<hbm>>
      %dma_start3A_92 = arith.constant 0 : i32
      %dma_start3A_93 = tpu.memref_slice %arg6[%arg0, %add3A_64, %dma_start3A_92] : memref<2x10240x8xf32, #tpu.memory_space<hbm>> -> memref<1x128x8xf32, #tpu.memory_space<hbm>>
      %dma_start3A_94 = tpu.memref_squeeze %dma_start3A_93 : memref<1x128x8xf32, #tpu.memory_space<hbm>> -> memref<128x8xf32, #tpu.memory_space<hbm>>
      tpu.enqueue_dma source(%arg10 : memref<128x8xf32, #tpu.memory_space<vmem>>) target(%dma_start3A_94 : memref<128x8xf32, #tpu.memory_space<hbm>>) target_semaphore(%run_scoped3A : memref<!tpu.dma_semaphore, #tpu.memory_space<semaphore_mem>>)
      %dma_wait3A_95 = arith.constant 0 : i32
      %dma_wait3A_96 = tpu.memref_slice %arg6[%arg0, %add3A_64, %dma_wait3A_95] : memref<2x10240x8xf32, #tpu.memory_space<hbm>> -> memref<1x128x8xf32, #tpu.memory_space<hbm>>
      %dma_wait3A_97 = tpu.memref_squeeze %dma_wait3A_96 : memref<1x128x8xf32, #tpu.memory_space<hbm>> -> memref<128x8xf32, #tpu.memory_space<hbm>>
      %dma_wait3A_98 = arith.constant 0 : i32
      %dma_wait3A_99 = tpu.memref_slice %arg6[%arg0, %add3A_64, %dma_wait3A_98] : memref<2x10240x8xf32, #tpu.memory_space<hbm>> -> memref<1x128x8xf32, #tpu.memory_space<hbm>>
      %dma_wait3A_100 = tpu.memref_squeeze %dma_wait3A_99 : memref<1x128x8xf32, #tpu.memory_space<hbm>> -> memref<128x8xf32, #tpu.memory_space<hbm>>
      tpu.wait_dma2 semaphore(%run_scoped3A : memref<!tpu.dma_semaphore, #tpu.memory_space<semaphore_mem>>) src(%arg10 : memref<128x8xf32, #tpu.memory_space<vmem>>) dst(%dma_wait3A_100 : memref<128x8xf32, #tpu.memory_space<hbm>>)
      tpu.yield
    }) : () -> ()
    %mul3A_65 = arith.constant 640 : i32
    %mul3A_66 = arith.muli %arg1, %mul3A_65 : i32
    %add3A_67 = arith.constant 256 : i32
    %add3A_68 = arith.addi %mul3A_66, %add3A_67 : i32
    "tpu.region"() ({
      %run_scoped3A = tpu.sem_alloc : memref<!tpu.dma_semaphore, #tpu.memory_space<semaphore_mem>>
      %dma_start3A_89 = arith.constant 0 : i32
      %dma_start3A_90 = tpu.memref_slice %arg11[%add3A_68, %dma_start3A_89] : memref<10240x8xf32, #tpu.memory_space<vmem_shared>> -> memref<128x8xf32, #tpu.memory_space<vmem_shared>>
      %dma_start3A_91 = arith.constant 0 : i32
      %dma_start3A_92 = tpu.memref_slice %arg11[%add3A_68, %dma_start3A_91] : memref<10240x8xf32, #tpu.memory_space<vmem_shared>> -> memref<128x8xf32, #tpu.memory_space<vmem_shared>>
      tpu.enqueue_dma source(%dma_start3A_92 : memref<128x8xf32, #tpu.memory_space<vmem_shared>>) target(%arg10 : memref<128x8xf32, #tpu.memory_space<vmem>>) target_semaphore(%run_scoped3A : memref<!tpu.dma_semaphore, #tpu.memory_space<semaphore_mem>>)
      %dma_wait3A_93 = arith.constant 0 : i32
      %dma_wait3A_94 = tpu.memref_slice %arg11[%add3A_68, %dma_wait3A_93] : memref<10240x8xf32, #tpu.memory_space<vmem_shared>> -> memref<128x8xf32, #tpu.memory_space<vmem_shared>>
      %dma_wait3A_95 = arith.constant 0 : i32
      %dma_wait3A_96 = tpu.memref_slice %arg11[%add3A_68, %dma_wait3A_95] : memref<10240x8xf32, #tpu.memory_space<vmem_shared>> -> memref<128x8xf32, #tpu.memory_space<vmem_shared>>
      tpu.wait_dma2 semaphore(%run_scoped3A : memref<!tpu.dma_semaphore, #tpu.memory_space<semaphore_mem>>) src(%dma_wait3A_96 : memref<128x8xf32, #tpu.memory_space<vmem_shared>>) dst(%arg10 : memref<128x8xf32, #tpu.memory_space<vmem>>)
      tpu.yield
    }) : () -> ()
    %mul3A_69 = arith.constant 640 : i32
    %mul3A_70 = arith.muli %arg1, %mul3A_69 : i32
    %add3A_71 = arith.constant 256 : i32
    %add3A_72 = arith.addi %mul3A_70, %add3A_71 : i32
    "tpu.region"() ({
      %run_scoped3A = tpu.sem_alloc : memref<!tpu.dma_semaphore, #tpu.memory_space<semaphore_mem>>
      %dma_start3A_89 = arith.constant 0 : i32
      %dma_start3A_90 = tpu.memref_slice %arg6[%arg0, %add3A_72, %dma_start3A_89] : memref<2x10240x8xf32, #tpu.memory_space<hbm>> -> memref<1x128x8xf32, #tpu.memory_space<hbm>>
      %dma_start3A_91 = tpu.memref_squeeze %dma_start3A_90 : memref<1x128x8xf32, #tpu.memory_space<hbm>> -> memref<128x8xf32, #tpu.memory_space<hbm>>
      %dma_start3A_92 = arith.constant 0 : i32
      %dma_start3A_93 = tpu.memref_slice %arg6[%arg0, %add3A_72, %dma_start3A_92] : memref<2x10240x8xf32, #tpu.memory_space<hbm>> -> memref<1x128x8xf32, #tpu.memory_space<hbm>>
      %dma_start3A_94 = tpu.memref_squeeze %dma_start3A_93 : memref<1x128x8xf32, #tpu.memory_space<hbm>> -> memref<128x8xf32, #tpu.memory_space<hbm>>
      tpu.enqueue_dma source(%arg10 : memref<128x8xf32, #tpu.memory_space<vmem>>) target(%dma_start3A_94 : memref<128x8xf32, #tpu.memory_space<hbm>>) target_semaphore(%run_scoped3A : memref<!tpu.dma_semaphore, #tpu.memory_space<semaphore_mem>>)
      %dma_wait3A_95 = arith.constant 0 : i32
      %dma_wait3A_96 = tpu.memref_slice %arg6[%arg0, %add3A_72, %dma_wait3A_95] : memref<2x10240x8xf32, #tpu.memory_space<hbm>> -> memref<1x128x8xf32, #tpu.memory_space<hbm>>
      %dma_wait3A_97 = tpu.memref_squeeze %dma_wait3A_96 : memref<1x128x8xf32, #tpu.memory_space<hbm>> -> memref<128x8xf32, #tpu.memory_space<hbm>>
      %dma_wait3A_98 = arith.constant 0 : i32
      %dma_wait3A_99 = tpu.memref_slice %arg6[%arg0, %add3A_72, %dma_wait3A_98] : memref<2x10240x8xf32, #tpu.memory_space<hbm>> -> memref<1x128x8xf32, #tpu.memory_space<hbm>>
      %dma_wait3A_100 = tpu.memref_squeeze %dma_wait3A_99 : memref<1x128x8xf32, #tpu.memory_space<hbm>> -> memref<128x8xf32, #tpu.memory_space<hbm>>
      tpu.wait_dma2 semaphore(%run_scoped3A : memref<!tpu.dma_semaphore, #tpu.memory_space<semaphore_mem>>) src(%arg10 : memref<128x8xf32, #tpu.memory_space<vmem>>) dst(%dma_wait3A_100 : memref<128x8xf32, #tpu.memory_space<hbm>>)
      tpu.yield
    }) : () -> ()
    %mul3A_73 = arith.constant 640 : i32
    %mul3A_74 = arith.muli %arg1, %mul3A_73 : i32
    %add3A_75 = arith.constant 384 : i32
    %add3A_76 = arith.addi %mul3A_74, %add3A_75 : i32
    "tpu.region"() ({
      %run_scoped3A = tpu.sem_alloc : memref<!tpu.dma_semaphore, #tpu.memory_space<semaphore_mem>>
      %dma_start3A_89 = arith.constant 0 : i32
      %dma_start3A_90 = tpu.memref_slice %arg11[%add3A_76, %dma_start3A_89] : memref<10240x8xf32, #tpu.memory_space<vmem_shared>> -> memref<128x8xf32, #tpu.memory_space<vmem_shared>>
      %dma_start3A_91 = arith.constant 0 : i32
      %dma_start3A_92 = tpu.memref_slice %arg11[%add3A_76, %dma_start3A_91] : memref<10240x8xf32, #tpu.memory_space<vmem_shared>> -> memref<128x8xf32, #tpu.memory_space<vmem_shared>>
      tpu.enqueue_dma source(%dma_start3A_92 : memref<128x8xf32, #tpu.memory_space<vmem_shared>>) target(%arg10 : memref<128x8xf32, #tpu.memory_space<vmem>>) target_semaphore(%run_scoped3A : memref<!tpu.dma_semaphore, #tpu.memory_space<semaphore_mem>>)
      %dma_wait3A_93 = arith.constant 0 : i32
      %dma_wait3A_94 = tpu.memref_slice %arg11[%add3A_76, %dma_wait3A_93] : memref<10240x8xf32, #tpu.memory_space<vmem_shared>> -> memref<128x8xf32, #tpu.memory_space<vmem_shared>>
      %dma_wait3A_95 = arith.constant 0 : i32
      %dma_wait3A_96 = tpu.memref_slice %arg11[%add3A_76, %dma_wait3A_95] : memref<10240x8xf32, #tpu.memory_space<vmem_shared>> -> memref<128x8xf32, #tpu.memory_space<vmem_shared>>
      tpu.wait_dma2 semaphore(%run_scoped3A : memref<!tpu.dma_semaphore, #tpu.memory_space<semaphore_mem>>) src(%dma_wait3A_96 : memref<128x8xf32, #tpu.memory_space<vmem_shared>>) dst(%arg10 : memref<128x8xf32, #tpu.memory_space<vmem>>)
      tpu.yield
    }) : () -> ()
    %mul3A_77 = arith.constant 640 : i32
    %mul3A_78 = arith.muli %arg1, %mul3A_77 : i32
    %add3A_79 = arith.constant 384 : i32
    %add3A_80 = arith.addi %mul3A_78, %add3A_79 : i32
    "tpu.region"() ({
      %run_scoped3A = tpu.sem_alloc : memref<!tpu.dma_semaphore, #tpu.memory_space<semaphore_mem>>
      %dma_start3A_89 = arith.constant 0 : i32
      %dma_start3A_90 = tpu.memref_slice %arg6[%arg0, %add3A_80, %dma_start3A_89] : memref<2x10240x8xf32, #tpu.memory_space<hbm>> -> memref<1x128x8xf32, #tpu.memory_space<hbm>>
      %dma_start3A_91 = tpu.memref_squeeze %dma_start3A_90 : memref<1x128x8xf32, #tpu.memory_space<hbm>> -> memref<128x8xf32, #tpu.memory_space<hbm>>
      %dma_start3A_92 = arith.constant 0 : i32
      %dma_start3A_93 = tpu.memref_slice %arg6[%arg0, %add3A_80, %dma_start3A_92] : memref<2x10240x8xf32, #tpu.memory_space<hbm>> -> memref<1x128x8xf32, #tpu.memory_space<hbm>>
      %dma_start3A_94 = tpu.memref_squeeze %dma_start3A_93 : memref<1x128x8xf32, #tpu.memory_space<hbm>> -> memref<128x8xf32, #tpu.memory_space<hbm>>
      tpu.enqueue_dma source(%arg10 : memref<128x8xf32, #tpu.memory_space<vmem>>) target(%dma_start3A_94 : memref<128x8xf32, #tpu.memory_space<hbm>>) target_semaphore(%run_scoped3A : memref<!tpu.dma_semaphore, #tpu.memory_space<semaphore_mem>>)
      %dma_wait3A_95 = arith.constant 0 : i32
      %dma_wait3A_96 = tpu.memref_slice %arg6[%arg0, %add3A_80, %dma_wait3A_95] : memref<2x10240x8xf32, #tpu.memory_space<hbm>> -> memref<1x128x8xf32, #tpu.memory_space<hbm>>
      %dma_wait3A_97 = tpu.memref_squeeze %dma_wait3A_96 : memref<1x128x8xf32, #tpu.memory_space<hbm>> -> memref<128x8xf32, #tpu.memory_space<hbm>>
      %dma_wait3A_98 = arith.constant 0 : i32
      %dma_wait3A_99 = tpu.memref_slice %arg6[%arg0, %add3A_80, %dma_wait3A_98] : memref<2x10240x8xf32, #tpu.memory_space<hbm>> -> memref<1x128x8xf32, #tpu.memory_space<hbm>>
      %dma_wait3A_100 = tpu.memref_squeeze %dma_wait3A_99 : memref<1x128x8xf32, #tpu.memory_space<hbm>> -> memref<128x8xf32, #tpu.memory_space<hbm>>
      tpu.wait_dma2 semaphore(%run_scoped3A : memref<!tpu.dma_semaphore, #tpu.memory_space<semaphore_mem>>) src(%arg10 : memref<128x8xf32, #tpu.memory_space<vmem>>) dst(%dma_wait3A_100 : memref<128x8xf32, #tpu.memory_space<hbm>>)
      tpu.yield
    }) : () -> ()
    %mul3A_81 = arith.constant 640 : i32
    %mul3A_82 = arith.muli %arg1, %mul3A_81 : i32
    %add3A_83 = arith.constant 512 : i32
    %add3A_84 = arith.addi %mul3A_82, %add3A_83 : i32
    "tpu.region"() ({
      %run_scoped3A = tpu.sem_alloc : memref<!tpu.dma_semaphore, #tpu.memory_space<semaphore_mem>>
      %dma_start3A_89 = arith.constant 0 : i32
      %dma_start3A_90 = tpu.memref_slice %arg11[%add3A_84, %dma_start3A_89] : memref<10240x8xf32, #tpu.memory_space<vmem_shared>> -> memref<128x8xf32, #tpu.memory_space<vmem_shared>>
      %dma_start3A_91 = arith.constant 0 : i32
      %dma_start3A_92 = tpu.memref_slice %arg11[%add3A_84, %dma_start3A_91] : memref<10240x8xf32, #tpu.memory_space<vmem_shared>> -> memref<128x8xf32, #tpu.memory_space<vmem_shared>>
      tpu.enqueue_dma source(%dma_start3A_92 : memref<128x8xf32, #tpu.memory_space<vmem_shared>>) target(%arg10 : memref<128x8xf32, #tpu.memory_space<vmem>>) target_semaphore(%run_scoped3A : memref<!tpu.dma_semaphore, #tpu.memory_space<semaphore_mem>>)
      %dma_wait3A_93 = arith.constant 0 : i32
      %dma_wait3A_94 = tpu.memref_slice %arg11[%add3A_84, %dma_wait3A_93] : memref<10240x8xf32, #tpu.memory_space<vmem_shared>> -> memref<128x8xf32, #tpu.memory_space<vmem_shared>>
      %dma_wait3A_95 = arith.constant 0 : i32
      %dma_wait3A_96 = tpu.memref_slice %arg11[%add3A_84, %dma_wait3A_95] : memref<10240x8xf32, #tpu.memory_space<vmem_shared>> -> memref<128x8xf32, #tpu.memory_space<vmem_shared>>
      tpu.wait_dma2 semaphore(%run_scoped3A : memref<!tpu.dma_semaphore, #tpu.memory_space<semaphore_mem>>) src(%dma_wait3A_96 : memref<128x8xf32, #tpu.memory_space<vmem_shared>>) dst(%arg10 : memref<128x8xf32, #tpu.memory_space<vmem>>)
      tpu.yield
    }) : () -> ()
    %mul3A_85 = arith.constant 640 : i32
    %mul3A_86 = arith.muli %arg1, %mul3A_85 : i32
    %add3A_87 = arith.constant 512 : i32
    %add3A_88 = arith.addi %mul3A_86, %add3A_87 : i32
    "tpu.region"() ({
      %run_scoped3A = tpu.sem_alloc : memref<!tpu.dma_semaphore, #tpu.memory_space<semaphore_mem>>
      %dma_start3A_89 = arith.constant 0 : i32
      %dma_start3A_90 = tpu.memref_slice %arg6[%arg0, %add3A_88, %dma_start3A_89] : memref<2x10240x8xf32, #tpu.memory_space<hbm>> -> memref<1x128x8xf32, #tpu.memory_space<hbm>>
      %dma_start3A_91 = tpu.memref_squeeze %dma_start3A_90 : memref<1x128x8xf32, #tpu.memory_space<hbm>> -> memref<128x8xf32, #tpu.memory_space<hbm>>
      %dma_start3A_92 = arith.constant 0 : i32
      %dma_start3A_93 = tpu.memref_slice %arg6[%arg0, %add3A_88, %dma_start3A_92] : memref<2x10240x8xf32, #tpu.memory_space<hbm>> -> memref<1x128x8xf32, #tpu.memory_space<hbm>>
      %dma_start3A_94 = tpu.memref_squeeze %dma_start3A_93 : memref<1x128x8xf32, #tpu.memory_space<hbm>> -> memref<128x8xf32, #tpu.memory_space<hbm>>
      tpu.enqueue_dma source(%arg10 : memref<128x8xf32, #tpu.memory_space<vmem>>) target(%dma_start3A_94 : memref<128x8xf32, #tpu.memory_space<hbm>>) target_semaphore(%run_scoped3A : memref<!tpu.dma_semaphore, #tpu.memory_space<semaphore_mem>>)
      %dma_wait3A_95 = arith.constant 0 : i32
      %dma_wait3A_96 = tpu.memref_slice %arg6[%arg0, %add3A_88, %dma_wait3A_95] : memref<2x10240x8xf32, #tpu.memory_space<hbm>> -> memref<1x128x8xf32, #tpu.memory_space<hbm>>
      %dma_wait3A_97 = tpu.memref_squeeze %dma_wait3A_96 : memref<1x128x8xf32, #tpu.memory_space<hbm>> -> memref<128x8xf32, #tpu.memory_space<hbm>>
      %dma_wait3A_98 = arith.constant 0 : i32
      %dma_wait3A_99 = tpu.memref_slice %arg6[%arg0, %add3A_88, %dma_wait3A_98] : memref<2x10240x8xf32, #tpu.memory_space<hbm>> -> memref<1x128x8xf32, #tpu.memory_space<hbm>>
      %dma_wait3A_100 = tpu.memref_squeeze %dma_wait3A_99 : memref<1x128x8xf32, #tpu.memory_space<hbm>> -> memref<128x8xf32, #tpu.memory_space<hbm>>
      tpu.wait_dma2 semaphore(%run_scoped3A : memref<!tpu.dma_semaphore, #tpu.memory_space<semaphore_mem>>) src(%arg10 : memref<128x8xf32, #tpu.memory_space<vmem>>) dst(%dma_wait3A_100 : memref<128x8xf32, #tpu.memory_space<hbm>>)
      tpu.yield
    }) : () -> ()
    return
  }
}

module attributes {stable_mosaic.version = 14 : i64} {
  func.func @body(%arg0: i32, %arg1: memref<1024x128xf32, #tpu.memory_space<vmem>>, %arg2: memref<128x64xf32, #tpu.memory_space<vmem>>, %arg3: memref<2x1024x8xf32, #tpu.memory_space<vmem>>, %arg4: memref<1024x64xf32, #tpu.memory_space<vmem>>, %arg5: memref<1024x8xf32, #tpu.memory_space<vmem>>) attributes {dimension_semantics = [#tpu.dimension_semantics<arbitrary>], iteration_bounds = array<i64: 10>, scalar_prefetch = 0 : i64, scratch_operands = 0 : i64, tpu.core_type = #tpu.core_type<tc>, window_params = [{transform_indices = @transform_0, window_bounds = array<i64: 1024, 128>}, {pipeline_mode = #tpu.pipeline_mode<synchronous>, transform_indices = @transform_1, window_bounds = array<i64: 128, 64>}, {transform_indices = @transform_2, window_bounds = array<i64: 2, 1024, 8>}, {transform_indices = @transform_3, window_bounds = array<i64: 1024, 64>}, {transform_indices = @transform_4, window_bounds = array<i64: 1024, 8>}]} {
    %get3A = arith.constant 0 : index
    %get3A_0 = arith.constant 0 : index
    %get3A_1 = arith.constant 0 : index
    %get3A_2 = vector.load %arg3[%get3A, %get3A_0, %get3A_1] : memref<2x1024x8xf32, #tpu.memory_space<vmem>>, vector<1x1024x1xf32>
    %get3A_3 = vector.shape_cast %get3A_2 : vector<1x1024x1xf32> to vector<1024x1xf32>
    %get3A_4 = arith.constant 1 : index
    %get3A_5 = arith.constant 0 : index
    %get3A_6 = arith.constant 0 : index
    %get3A_7 = vector.load %arg3[%get3A_4, %get3A_5, %get3A_6] : memref<2x1024x8xf32, #tpu.memory_space<vmem>>, vector<1x1024x1xf32>
    %get3A_8 = vector.shape_cast %get3A_7 : vector<1x1024x1xf32> to vector<1024x1xf32>
    %add3A = arith.addf %get3A_3, %get3A_8 : vector<1024x1xf32>
    %add3A_9 = arith.constant 1.000000e+00 : f32
    %add3A_10 = vector.broadcast %add3A_9 : f32 to vector<1024x1xf32>
    %add3A_11 = arith.addf %add3A, %add3A_10 : vector<1024x1xf32>
    %iota3A = tpu.iota {dimensions = array<i32: 0>} : vector<1024x1xi32>
    %mul3A = arith.constant 1024 : i32
    %mul3A_12 = arith.muli %arg0, %mul3A : i32
    %add3A_13 = vector.broadcast %mul3A_12 : i32 to vector<1024x1xi32>
    %add3A_14 = arith.addi %iota3A, %add3A_13 : vector<1024x1xi32>
    %lt3A = arith.constant 10000 : i32
    %lt3A_15 = vector.broadcast %lt3A : i32 to vector<1024x1xi32>
    %lt3A_16 = arith.cmpi slt, %add3A_14, %lt3A_15 : vector<1024x1xi32>
    %convert_element_type3A = arith.extui %lt3A_16 : vector<1024x1xi1> to vector<1024x1xi32>
    %convert_element_type3A_17 = arith.sitofp %convert_element_type3A : vector<1024x1xi32> to vector<1024x1xf32>
    %rsqrt3A = math.rsqrt %add3A_11 : vector<1024x1xf32>
    %mul3A_18 = arith.mulf %rsqrt3A, %convert_element_type3A_17 : vector<1024x1xf32>
    %get3A_19 = arith.constant 0 : index
    %get3A_20 = arith.constant 0 : index
    %get3A_21 = vector.load %arg1[%get3A_19, %get3A_20] : memref<1024x128xf32, #tpu.memory_space<vmem>>, vector<1024x128xf32>
    %get3A_22 = arith.constant 0 : index
    %get3A_23 = arith.constant 0 : index
    %get3A_24 = vector.load %arg2[%get3A_22, %get3A_23] : memref<128x64xf32, #tpu.memory_space<vmem>>, vector<128x64xf32>
    %dot_general3A = arith.constant dense<0.000000e+00> : vector<1024x64xf32>
    %dot_general3A_25 = tpu.matmul %get3A_21, %get3A_24, %dot_general3A {dimension_numbers = #tpu.dot_dimension_numbers<[1], [0], [0], [1], [0, 0, 1, 1], [], []>, transpose_lhs_hint = false} : vector<1024x128xf32>, vector<128x64xf32>, vector<1024x64xf32> -> vector<1024x64xf32>
    %mul3A_26 = vector.broadcast %mul3A_18 : vector<1024x1xf32> to vector<1024x64xf32>
    %mul3A_27 = arith.mulf %dot_general3A_25, %mul3A_26 : vector<1024x64xf32>
    %swap3A = arith.constant 0 : index
    %swap3A_28 = arith.constant 0 : index
    %swap3A_29 = vector.load %arg4[%swap3A, %swap3A_28] : memref<1024x64xf32, #tpu.memory_space<vmem>>, vector<1024x64xf32>
    tpu.vector_store %arg4[%swap3A, %swap3A_28], %mul3A_27 {strides = array<i32>} : memref<1024x64xf32, #tpu.memory_space<vmem>>, vector<1024x64xf32>,
    %broadcast_in_dim3A = vector.shape_cast %mul3A_18 : vector<1024x1xf32> to vector<1024x1xf32>
    %broadcast_in_dim3A_30 = vector.broadcast %broadcast_in_dim3A : vector<1024x1xf32> to vector<1024x8xf32>
    %swap3A_31 = arith.constant 0 : index
    %swap3A_32 = arith.constant 0 : index
    %swap3A_33 = vector.load %arg5[%swap3A_31, %swap3A_32] : memref<1024x8xf32, #tpu.memory_space<vmem>>, vector<1024x8xf32>
    tpu.vector_store %arg5[%swap3A_31, %swap3A_32], %broadcast_in_dim3A_30 {strides = array<i32>} : memref<1024x8xf32, #tpu.memory_space<vmem>>, vector<1024x8xf32>,
    return
  }
  func.func @transform_0(%arg0: i32) -> (i32, i32) {
    %c0_i32 = arith.constant 0 : i32
    %c0_i32_0 = arith.constant 0 : i32
    return %arg0, %c0_i32 : i32, i32
  }
  func.func @transform_1(%arg0: i32) -> (i32, i32) {
    %c0_i32 = arith.constant 0 : i32
    %c0_i32_0 = arith.constant 0 : i32
    %c0_i32_1 = arith.constant 0 : i32
    return %c0_i32, %c0_i32_0 : i32, i32
  }
  func.func @transform_2(%arg0: i32) -> (i32, i32, i32) {
    %c0_i32 = arith.constant 0 : i32
    %c0_i32_0 = arith.constant 0 : i32
    %c0_i32_1 = arith.constant 0 : i32
    return %c0_i32, %arg0, %c0_i32_0 : i32, i32, i32
  }
  func.func @transform_3(%arg0: i32) -> (i32, i32) {
    %c0_i32 = arith.constant 0 : i32
    %c0_i32_0 = arith.constant 0 : i32
    return %arg0, %c0_i32 : i32, i32
  }
  func.func @transform_4(%arg0: i32) -> (i32, i32) {
    %c0_i32 = arith.constant 0 : i32
    %c0_i32_0 = arith.constant 0 : i32
    return %arg0, %c0_i32 : i32, i32
  }
}

module attributes {stable_mosaic.version = 14 : i64} {
  func.func @body(%arg0: i32, %arg1: memref<2x1024x64xf32, #tpu.memory_space<vmem>>, %arg2: memref<1024x64xf32, #tpu.memory_space<vmem>>, %arg3: memref<1024x8xf32, #tpu.memory_space<vmem>>, %arg4: memref<1x64xf32, #tpu.memory_space<vmem>>, %arg5: memref<64x32xf32, #tpu.memory_space<vmem>>, %arg6: memref<1024x32xf32, #tpu.memory_space<vmem>>) attributes {dimension_semantics = [#tpu.dimension_semantics<arbitrary>], iteration_bounds = array<i64: 10>, scalar_prefetch = 0 : i64, scratch_operands = 0 : i64, tpu.core_type = #tpu.core_type<tc>, window_params = [{transform_indices = @transform_0, window_bounds = array<i64: 2, 1024, 64>}, {transform_indices = @transform_1, window_bounds = array<i64: 1024, 64>}, {transform_indices = @transform_2, window_bounds = array<i64: 1024, 8>}, {pipeline_mode = #tpu.pipeline_mode<synchronous>, transform_indices = @transform_3, window_bounds = array<i64: 1, 64>}, {pipeline_mode = #tpu.pipeline_mode<synchronous>, transform_indices = @transform_4, window_bounds = array<i64: 64, 32>}, {transform_indices = @transform_5, window_bounds = array<i64: 1024, 32>}]} {
    %get3A = arith.constant 0 : index
    %get3A_0 = arith.constant 0 : index
    %get3A_1 = vector.load %arg3[%get3A, %get3A_0] : memref<1024x8xf32, #tpu.memory_space<vmem>>, vector<1024x1xf32>
    %get3A_2 = arith.constant 0 : index
    %get3A_3 = arith.constant 0 : index
    %get3A_4 = arith.constant 0 : index
    %get3A_5 = vector.load %arg1[%get3A_2, %get3A_3, %get3A_4] : memref<2x1024x64xf32, #tpu.memory_space<vmem>>, vector<1x1024x64xf32>
    %get3A_6 = vector.shape_cast %get3A_5 : vector<1x1024x64xf32> to vector<1024x64xf32>
    %get3A_7 = arith.constant 1 : index
    %get3A_8 = arith.constant 0 : index
    %get3A_9 = arith.constant 0 : index
    %get3A_10 = vector.load %arg1[%get3A_7, %get3A_8, %get3A_9] : memref<2x1024x64xf32, #tpu.memory_space<vmem>>, vector<1x1024x64xf32>
    %get3A_11 = vector.shape_cast %get3A_10 : vector<1x1024x64xf32> to vector<1024x64xf32>
    %add3A = arith.addf %get3A_6, %get3A_11 : vector<1024x64xf32>
    %get3A_12 = arith.constant 0 : index
    %get3A_13 = arith.constant 0 : index
    %get3A_14 = vector.load %arg2[%get3A_12, %get3A_13] : memref<1024x64xf32, #tpu.memory_space<vmem>>, vector<1024x64xf32>
    %add3A_15 = arith.addf %add3A, %get3A_14 : vector<1024x64xf32>
    %mul3A = vector.broadcast %get3A_1 : vector<1024x1xf32> to vector<1024x64xf32>
    %mul3A_16 = arith.mulf %mul3A, %add3A_15 : vector<1024x64xf32>
    %get3A_17 = arith.constant 0 : index
    %get3A_18 = arith.constant 0 : index
    %get3A_19 = vector.load %arg4[%get3A_17, %get3A_18] : memref<1x64xf32, #tpu.memory_space<vmem>>, vector<1x64xf32>
    %add3A_20 = vector.broadcast %get3A_19 : vector<1x64xf32> to vector<1024x64xf32>
    %add3A_21 = arith.addf %mul3A_16, %add3A_20 : vector<1024x64xf32>
    %max3A = arith.constant 0.000000e+00 : f32
    %max3A_22 = vector.broadcast %max3A : f32 to vector<1024x64xf32>
    %max3A_23 = arith.maximumf %add3A_21, %max3A_22 : vector<1024x64xf32>
    %get3A_24 = arith.constant 0 : index
    %get3A_25 = arith.constant 0 : index
    %get3A_26 = vector.load %arg5[%get3A_24, %get3A_25] : memref<64x32xf32, #tpu.memory_space<vmem>>, vector<64x32xf32>
    %dot_general3A = arith.constant dense<0.000000e+00> : vector<1024x32xf32>
    %dot_general3A_27 = tpu.matmul %max3A_23, %get3A_26, %dot_general3A {dimension_numbers = #tpu.dot_dimension_numbers<[1], [0], [0], [1], [0, 0, 1, 1], [], []>, transpose_lhs_hint = false} : vector<1024x64xf32>, vector<64x32xf32>, vector<1024x32xf32> -> vector<1024x32xf32>
    %mul3A_28 = vector.broadcast %get3A_1 : vector<1024x1xf32> to vector<1024x32xf32>
    %mul3A_29 = arith.mulf %dot_general3A_27, %mul3A_28 : vector<1024x32xf32>
    %swap3A = arith.constant 0 : index
    %swap3A_30 = arith.constant 0 : index
    %swap3A_31 = vector.load %arg6[%swap3A, %swap3A_30] : memref<1024x32xf32, #tpu.memory_space<vmem>>, vector<1024x32xf32>
    tpu.vector_store %arg6[%swap3A, %swap3A_30], %mul3A_29 {strides = array<i32>} : memref<1024x32xf32, #tpu.memory_space<vmem>>, vector<1024x32xf32>,
    return
  }
  func.func @transform_0(%arg0: i32) -> (i32, i32, i32) {
    %c0_i32 = arith.constant 0 : i32
    %c0_i32_0 = arith.constant 0 : i32
    %c0_i32_1 = arith.constant 0 : i32
    return %c0_i32, %arg0, %c0_i32_0 : i32, i32, i32
  }
  func.func @transform_1(%arg0: i32) -> (i32, i32) {
    %c0_i32 = arith.constant 0 : i32
    %c0_i32_0 = arith.constant 0 : i32
    return %arg0, %c0_i32 : i32, i32
  }
  func.func @transform_2(%arg0: i32) -> (i32, i32) {
    %c0_i32 = arith.constant 0 : i32
    %c0_i32_0 = arith.constant 0 : i32
    return %arg0, %c0_i32 : i32, i32
  }
  func.func @transform_3(%arg0: i32) -> (i32, i32) {
    %c0_i32 = arith.constant 0 : i32
    %c0_i32_0 = arith.constant 0 : i32
    %c0_i32_1 = arith.constant 0 : i32
    return %c0_i32, %c0_i32_0 : i32, i32
  }
  func.func @transform_4(%arg0: i32) -> (i32, i32) {
    %c0_i32 = arith.constant 0 : i32
    %c0_i32_0 = arith.constant 0 : i32
    %c0_i32_1 = arith.constant 0 : i32
    return %c0_i32, %c0_i32_0 : i32, i32
  }
  func.func @transform_5(%arg0: i32) -> (i32, i32) {
    %c0_i32 = arith.constant 0 : i32
    %c0_i32_0 = arith.constant 0 : i32
    return %arg0, %c0_i32 : i32, i32
  }
}

module attributes {stable_mosaic.version = 14 : i64} {
  func.func @body(%arg0: i32, %arg1: memref<2x1024x32xf32, #tpu.memory_space<vmem>>, %arg2: memref<1024x32xf32, #tpu.memory_space<vmem>>, %arg3: memref<1024x8xf32, #tpu.memory_space<vmem>>, %arg4: memref<1x32xf32, #tpu.memory_space<vmem>>, %arg5: memref<32x16xf32, #tpu.memory_space<vmem>>, %arg6: memref<1024x16xf32, #tpu.memory_space<vmem>>) attributes {dimension_semantics = [#tpu.dimension_semantics<arbitrary>], iteration_bounds = array<i64: 10>, scalar_prefetch = 0 : i64, scratch_operands = 0 : i64, tpu.core_type = #tpu.core_type<tc>, window_params = [{transform_indices = @transform_0, window_bounds = array<i64: 2, 1024, 32>}, {transform_indices = @transform_1, window_bounds = array<i64: 1024, 32>}, {transform_indices = @transform_2, window_bounds = array<i64: 1024, 8>}, {pipeline_mode = #tpu.pipeline_mode<synchronous>, transform_indices = @transform_3, window_bounds = array<i64: 1, 32>}, {pipeline_mode = #tpu.pipeline_mode<synchronous>, transform_indices = @transform_4, window_bounds = array<i64: 32, 16>}, {transform_indices = @transform_5, window_bounds = array<i64: 1024, 16>}]} {
    %get3A = arith.constant 0 : index
    %get3A_0 = arith.constant 0 : index
    %get3A_1 = vector.load %arg3[%get3A, %get3A_0] : memref<1024x8xf32, #tpu.memory_space<vmem>>, vector<1024x1xf32>
    %get3A_2 = arith.constant 0 : index
    %get3A_3 = arith.constant 0 : index
    %get3A_4 = arith.constant 0 : index
    %get3A_5 = vector.load %arg1[%get3A_2, %get3A_3, %get3A_4] : memref<2x1024x32xf32, #tpu.memory_space<vmem>>, vector<1x1024x32xf32>
    %get3A_6 = vector.shape_cast %get3A_5 : vector<1x1024x32xf32> to vector<1024x32xf32>
    %get3A_7 = arith.constant 1 : index
    %get3A_8 = arith.constant 0 : index
    %get3A_9 = arith.constant 0 : index
    %get3A_10 = vector.load %arg1[%get3A_7, %get3A_8, %get3A_9] : memref<2x1024x32xf32, #tpu.memory_space<vmem>>, vector<1x1024x32xf32>
    %get3A_11 = vector.shape_cast %get3A_10 : vector<1x1024x32xf32> to vector<1024x32xf32>
    %add3A = arith.addf %get3A_6, %get3A_11 : vector<1024x32xf32>
    %get3A_12 = arith.constant 0 : index
    %get3A_13 = arith.constant 0 : index
    %get3A_14 = vector.load %arg2[%get3A_12, %get3A_13] : memref<1024x32xf32, #tpu.memory_space<vmem>>, vector<1024x32xf32>
    %add3A_15 = arith.addf %add3A, %get3A_14 : vector<1024x32xf32>
    %mul3A = vector.broadcast %get3A_1 : vector<1024x1xf32> to vector<1024x32xf32>
    %mul3A_16 = arith.mulf %mul3A, %add3A_15 : vector<1024x32xf32>
    %get3A_17 = arith.constant 0 : index
    %get3A_18 = arith.constant 0 : index
    %get3A_19 = vector.load %arg4[%get3A_17, %get3A_18] : memref<1x32xf32, #tpu.memory_space<vmem>>, vector<1x32xf32>
    %add3A_20 = vector.broadcast %get3A_19 : vector<1x32xf32> to vector<1024x32xf32>
    %add3A_21 = arith.addf %mul3A_16, %add3A_20 : vector<1024x32xf32>
    %max3A = arith.constant 0.000000e+00 : f32
    %max3A_22 = vector.broadcast %max3A : f32 to vector<1024x32xf32>
    %max3A_23 = arith.maximumf %add3A_21, %max3A_22 : vector<1024x32xf32>
    %get3A_24 = arith.constant 0 : index
    %get3A_25 = arith.constant 0 : index
    %get3A_26 = vector.load %arg5[%get3A_24, %get3A_25] : memref<32x16xf32, #tpu.memory_space<vmem>>, vector<32x16xf32>
    %dot_general3A = arith.constant dense<0.000000e+00> : vector<1024x16xf32>
    %dot_general3A_27 = tpu.matmul %max3A_23, %get3A_26, %dot_general3A {dimension_numbers = #tpu.dot_dimension_numbers<[1], [0], [0], [1], [0, 0, 1, 1], [], []>, transpose_lhs_hint = false} : vector<1024x32xf32>, vector<32x16xf32>, vector<1024x16xf32> -> vector<1024x16xf32>
    %mul3A_28 = vector.broadcast %get3A_1 : vector<1024x1xf32> to vector<1024x16xf32>
    %mul3A_29 = arith.mulf %dot_general3A_27, %mul3A_28 : vector<1024x16xf32>
    %swap3A = arith.constant 0 : index
    %swap3A_30 = arith.constant 0 : index
    %swap3A_31 = vector.load %arg6[%swap3A, %swap3A_30] : memref<1024x16xf32, #tpu.memory_space<vmem>>, vector<1024x16xf32>
    tpu.vector_store %arg6[%swap3A, %swap3A_30], %mul3A_29 {strides = array<i32>} : memref<1024x16xf32, #tpu.memory_space<vmem>>, vector<1024x16xf32>,
    return
  }
  func.func @transform_0(%arg0: i32) -> (i32, i32, i32) {
    %c0_i32 = arith.constant 0 : i32
    %c0_i32_0 = arith.constant 0 : i32
    %c0_i32_1 = arith.constant 0 : i32
    return %c0_i32, %arg0, %c0_i32_0 : i32, i32, i32
  }
  func.func @transform_1(%arg0: i32) -> (i32, i32) {
    %c0_i32 = arith.constant 0 : i32
    %c0_i32_0 = arith.constant 0 : i32
    return %arg0, %c0_i32 : i32, i32
  }
  func.func @transform_2(%arg0: i32) -> (i32, i32) {
    %c0_i32 = arith.constant 0 : i32
    %c0_i32_0 = arith.constant 0 : i32
    return %arg0, %c0_i32 : i32, i32
  }
  func.func @transform_3(%arg0: i32) -> (i32, i32) {
    %c0_i32 = arith.constant 0 : i32
    %c0_i32_0 = arith.constant 0 : i32
    %c0_i32_1 = arith.constant 0 : i32
    return %c0_i32, %c0_i32_0 : i32, i32
  }
  func.func @transform_4(%arg0: i32) -> (i32, i32) {
    %c0_i32 = arith.constant 0 : i32
    %c0_i32_0 = arith.constant 0 : i32
    %c0_i32_1 = arith.constant 0 : i32
    return %c0_i32, %c0_i32_0 : i32, i32
  }
  func.func @transform_5(%arg0: i32) -> (i32, i32) {
    %c0_i32 = arith.constant 0 : i32
    %c0_i32_0 = arith.constant 0 : i32
    return %arg0, %c0_i32 : i32, i32
  }
}

module attributes {stable_mosaic.version = 14 : i64} {
  func.func @body(%arg0: i32, %arg1: memref<2x1024x16xf32, #tpu.memory_space<vmem>>, %arg2: memref<1024x16xf32, #tpu.memory_space<vmem>>, %arg3: memref<1024x8xf32, #tpu.memory_space<vmem>>, %arg4: memref<1x16xf32, #tpu.memory_space<vmem>>, %arg5: memref<16x8xf32, #tpu.memory_space<vmem>>, %arg6: memref<1024x8xf32, #tpu.memory_space<vmem>>) attributes {dimension_semantics = [#tpu.dimension_semantics<arbitrary>], iteration_bounds = array<i64: 10>, scalar_prefetch = 0 : i64, scratch_operands = 0 : i64, tpu.core_type = #tpu.core_type<tc>, window_params = [{transform_indices = @transform_0, window_bounds = array<i64: 2, 1024, 16>}, {transform_indices = @transform_1, window_bounds = array<i64: 1024, 16>}, {transform_indices = @transform_2, window_bounds = array<i64: 1024, 8>}, {pipeline_mode = #tpu.pipeline_mode<synchronous>, transform_indices = @transform_3, window_bounds = array<i64: 1, 16>}, {pipeline_mode = #tpu.pipeline_mode<synchronous>, transform_indices = @transform_4, window_bounds = array<i64: 16, 8>}, {transform_indices = @transform_5, window_bounds = array<i64: 1024, 8>}]} {
    %get3A = arith.constant 0 : index
    %get3A_0 = arith.constant 0 : index
    %get3A_1 = vector.load %arg3[%get3A, %get3A_0] : memref<1024x8xf32, #tpu.memory_space<vmem>>, vector<1024x1xf32>
    %get3A_2 = arith.constant 0 : index
    %get3A_3 = arith.constant 0 : index
    %get3A_4 = arith.constant 0 : index
    %get3A_5 = vector.load %arg1[%get3A_2, %get3A_3, %get3A_4] : memref<2x1024x16xf32, #tpu.memory_space<vmem>>, vector<1x1024x16xf32>
    %get3A_6 = vector.shape_cast %get3A_5 : vector<1x1024x16xf32> to vector<1024x16xf32>
    %get3A_7 = arith.constant 1 : index
    %get3A_8 = arith.constant 0 : index
    %get3A_9 = arith.constant 0 : index
    %get3A_10 = vector.load %arg1[%get3A_7, %get3A_8, %get3A_9] : memref<2x1024x16xf32, #tpu.memory_space<vmem>>, vector<1x1024x16xf32>
    %get3A_11 = vector.shape_cast %get3A_10 : vector<1x1024x16xf32> to vector<1024x16xf32>
    %add3A = arith.addf %get3A_6, %get3A_11 : vector<1024x16xf32>
    %get3A_12 = arith.constant 0 : index
    %get3A_13 = arith.constant 0 : index
    %get3A_14 = vector.load %arg2[%get3A_12, %get3A_13] : memref<1024x16xf32, #tpu.memory_space<vmem>>, vector<1024x16xf32>
    %add3A_15 = arith.addf %add3A, %get3A_14 : vector<1024x16xf32>
    %mul3A = vector.broadcast %get3A_1 : vector<1024x1xf32> to vector<1024x16xf32>
    %mul3A_16 = arith.mulf %mul3A, %add3A_15 : vector<1024x16xf32>
    %get3A_17 = arith.constant 0 : index
    %get3A_18 = arith.constant 0 : index
    %get3A_19 = vector.load %arg4[%get3A_17, %get3A_18] : memref<1x16xf32, #tpu.memory_space<vmem>>, vector<1x16xf32>
    %add3A_20 = vector.broadcast %get3A_19 : vector<1x16xf32> to vector<1024x16xf32>
    %add3A_21 = arith.addf %mul3A_16, %add3A_20 : vector<1024x16xf32>
    %max3A = arith.constant 0.000000e+00 : f32
    %max3A_22 = vector.broadcast %max3A : f32 to vector<1024x16xf32>
    %max3A_23 = arith.maximumf %add3A_21, %max3A_22 : vector<1024x16xf32>
    %get3A_24 = arith.constant 0 : index
    %get3A_25 = arith.constant 0 : index
    %get3A_26 = vector.load %arg5[%get3A_24, %get3A_25] : memref<16x8xf32, #tpu.memory_space<vmem>>, vector<16x8xf32>
    %dot_general3A = arith.constant dense<0.000000e+00> : vector<1024x8xf32>
    %dot_general3A_27 = tpu.matmul %max3A_23, %get3A_26, %dot_general3A {dimension_numbers = #tpu.dot_dimension_numbers<[1], [0], [0], [1], [0, 0, 1, 1], [], []>, transpose_lhs_hint = false} : vector<1024x16xf32>, vector<16x8xf32>, vector<1024x8xf32> -> vector<1024x8xf32>
    %mul3A_28 = vector.broadcast %get3A_1 : vector<1024x1xf32> to vector<1024x8xf32>
    %mul3A_29 = arith.mulf %dot_general3A_27, %mul3A_28 : vector<1024x8xf32>
    %swap3A = arith.constant 0 : index
    %swap3A_30 = arith.constant 0 : index
    %swap3A_31 = vector.load %arg6[%swap3A, %swap3A_30] : memref<1024x8xf32, #tpu.memory_space<vmem>>, vector<1024x8xf32>
    tpu.vector_store %arg6[%swap3A, %swap3A_30], %mul3A_29 {strides = array<i32>} : memref<1024x8xf32, #tpu.memory_space<vmem>>, vector<1024x8xf32>,
    return
  }
  func.func @transform_0(%arg0: i32) -> (i32, i32, i32) {
    %c0_i32 = arith.constant 0 : i32
    %c0_i32_0 = arith.constant 0 : i32
    %c0_i32_1 = arith.constant 0 : i32
    return %c0_i32, %arg0, %c0_i32_0 : i32, i32, i32
  }
  func.func @transform_1(%arg0: i32) -> (i32, i32) {
    %c0_i32 = arith.constant 0 : i32
    %c0_i32_0 = arith.constant 0 : i32
    return %arg0, %c0_i32 : i32, i32
  }
  func.func @transform_2(%arg0: i32) -> (i32, i32) {
    %c0_i32 = arith.constant 0 : i32
    %c0_i32_0 = arith.constant 0 : i32
    return %arg0, %c0_i32 : i32, i32
  }
  func.func @transform_3(%arg0: i32) -> (i32, i32) {
    %c0_i32 = arith.constant 0 : i32
    %c0_i32_0 = arith.constant 0 : i32
    %c0_i32_1 = arith.constant 0 : i32
    return %c0_i32, %c0_i32_0 : i32, i32
  }
  func.func @transform_4(%arg0: i32) -> (i32, i32) {
    %c0_i32 = arith.constant 0 : i32
    %c0_i32_0 = arith.constant 0 : i32
    %c0_i32_1 = arith.constant 0 : i32
    return %c0_i32, %c0_i32_0 : i32, i32
  }
  func.func @transform_5(%arg0: i32) -> (i32, i32) {
    %c0_i32 = arith.constant 0 : i32
    %c0_i32_0 = arith.constant 0 : i32
    return %arg0, %c0_i32 : i32, i32
  }
}

module attributes {stable_mosaic.version = 14 : i64} {
  func.func @body(%arg0: memref<2x10240x8xf32, #tpu.memory_space<vmem>>, %arg1: memref<10240x8xf32, #tpu.memory_space<vmem>>, %arg2: memref<10240x8xf32, #tpu.memory_space<vmem>>, %arg3: memref<1x8xf32, #tpu.memory_space<vmem>>, %arg4: memref<1x10000xi32, #tpu.memory_space<vmem>>, %arg5: memref<8x1xf32, #tpu.memory_space<vmem>>, %arg6: memref<1x1xf32, #tpu.memory_space<vmem>>, %arg7: memref<64x1xf32, #tpu.memory_space<vmem>>) attributes {dimension_semantics = [], scalar_prefetch = 0 : i64, scratch_operands = 0 : i64, tpu.core_type = #tpu.core_type<tc>} {
    %get3A = arith.constant 0 : index
    %get3A_0 = arith.constant 0 : index
    %get3A_1 = vector.load %arg2[%get3A, %get3A_0] : memref<10240x8xf32, #tpu.memory_space<vmem>>, vector<10000x1xf32>
    %get3A_2 = arith.constant 0 : index
    %get3A_3 = arith.constant 0 : index
    %get3A_4 = arith.constant 0 : index
    %get3A_5 = vector.load %arg0[%get3A_2, %get3A_3, %get3A_4] : memref<2x10240x8xf32, #tpu.memory_space<vmem>>, vector<1x10000x8xf32>
    %get3A_6 = vector.shape_cast %get3A_5 : vector<1x10000x8xf32> to vector<10000x8xf32>
    %get3A_7 = arith.constant 1 : index
    %get3A_8 = arith.constant 0 : index
    %get3A_9 = arith.constant 0 : index
    %get3A_10 = vector.load %arg0[%get3A_7, %get3A_8, %get3A_9] : memref<2x10240x8xf32, #tpu.memory_space<vmem>>, vector<1x10000x8xf32>
    %get3A_11 = vector.shape_cast %get3A_10 : vector<1x10000x8xf32> to vector<10000x8xf32>
    %add3A = arith.addf %get3A_6, %get3A_11 : vector<10000x8xf32>
    %get3A_12 = arith.constant 0 : index
    %get3A_13 = arith.constant 0 : index
    %get3A_14 = vector.load %arg1[%get3A_12, %get3A_13] : memref<10240x8xf32, #tpu.memory_space<vmem>>, vector<10000x8xf32>
    %add3A_15 = arith.addf %add3A, %get3A_14 : vector<10000x8xf32>
    %mul3A = vector.broadcast %get3A_1 : vector<10000x1xf32> to vector<10000x8xf32>
    %mul3A_16 = arith.mulf %mul3A, %add3A_15 : vector<10000x8xf32>
    %get3A_17 = arith.constant 0 : index
    %get3A_18 = arith.constant 0 : index
    %get3A_19 = vector.load %arg3[%get3A_17, %get3A_18] : memref<1x8xf32, #tpu.memory_space<vmem>>, vector<1x8xf32>
    %add3A_20 = vector.broadcast %get3A_19 : vector<1x8xf32> to vector<10000x8xf32>
    %add3A_21 = arith.addf %mul3A_16, %add3A_20 : vector<10000x8xf32>
    %max3A = arith.constant 0.000000e+00 : f32
    %max3A_22 = vector.broadcast %max3A : f32 to vector<10000x8xf32>
    %max3A_23 = arith.maximumf %add3A_21, %max3A_22 : vector<10000x8xf32>
    %iota3A = tpu.iota {dimensions = array<i32: 0>} : vector<64x10000xi32>
    %get3A_24 = arith.constant 0 : index
    %get3A_25 = arith.constant 0 : index
    %get3A_26 = vector.load %arg4[%get3A_24, %get3A_25] : memref<1x10000xi32, #tpu.memory_space<vmem>>, vector<1x10000xi32>
    %eq3A = vector.broadcast %get3A_26 : vector<1x10000xi32> to vector<64x10000xi32>
    %eq3A_27 = arith.cmpi eq, %iota3A, %eq3A : vector<64x10000xi32>
    %convert_element_type3A = arith.extui %eq3A_27 : vector<64x10000xi1> to vector<64x10000xi32>
    %convert_element_type3A_28 = arith.sitofp %convert_element_type3A : vector<64x10000xi32> to vector<64x10000xf32>
    %dot_general3A = arith.constant dense<0.000000e+00> : vector<64x8xf32>
    %dot_general3A_29 = tpu.matmul %convert_element_type3A_28, %max3A_23, %dot_general3A {dimension_numbers = #tpu.dot_dimension_numbers<[1], [0], [0], [1], [0, 0, 1, 1], [], []>, transpose_lhs_hint = false} : vector<64x10000xf32>, vector<10000x8xf32>, vector<64x8xf32> -> vector<64x8xf32>
    %reduce_sum3A = arith.constant dense<0.000000e+00> : vector<64xf32>
    %reduce_sum3A_30 = vector.multi_reduction <add>, %convert_element_type3A_28, %reduce_sum3A [1] : vector<64x10000xf32> to vector<64xf32>
    %broadcast_in_dim3A = vector.shape_cast %reduce_sum3A_30 : vector<64xf32> to vector<64x1xf32>
    %max3A_31 = arith.constant 1.000000e+00 : f32
    %max3A_32 = vector.broadcast %max3A_31 : f32 to vector<64x1xf32>
    %max3A_33 = arith.maximumf %broadcast_in_dim3A, %max3A_32 : vector<64x1xf32>
    %div3A = vector.broadcast %max3A_33 : vector<64x1xf32> to vector<64x8xf32>
    %div3A_34 = arith.divf %dot_general3A_29, %div3A : vector<64x8xf32>
    %get3A_35 = arith.constant 0 : index
    %get3A_36 = arith.constant 0 : index
    %get3A_37 = vector.load %arg5[%get3A_35, %get3A_36] : memref<8x1xf32, #tpu.memory_space<vmem>>, vector<8x1xf32>
    %dot_general3A_38 = arith.constant dense<0.000000e+00> : vector<64x1xf32>
    %dot_general3A_39 = tpu.matmul %div3A_34, %get3A_37, %dot_general3A_38 {dimension_numbers = #tpu.dot_dimension_numbers<[1], [0], [0], [1], [0, 0, 1, 1], [], []>, transpose_lhs_hint = false} : vector<64x8xf32>, vector<8x1xf32>, vector<64x1xf32> -> vector<64x1xf32>
    %get3A_40 = arith.constant 0 : index
    %get3A_41 = arith.constant 0 : index
    %get3A_42 = vector.load %arg6[%get3A_40, %get3A_41] : memref<1x1xf32, #tpu.memory_space<vmem>>, vector<1x1xf32>
    %add3A_43 = vector.broadcast %get3A_42 : vector<1x1xf32> to vector<64x1xf32>
    %add3A_44 = arith.addf %dot_general3A_39, %add3A_43 : vector<64x1xf32>
    %swap3A = arith.constant 0 : index
    %swap3A_45 = arith.constant 0 : index
    %swap3A_46 = vector.load %arg7[%swap3A, %swap3A_45] : memref<64x1xf32, #tpu.memory_space<vmem>>, vector<64x1xf32>
    tpu.vector_store %arg7[%swap3A, %swap3A_45], %add3A_44 {strides = array<i32>} : memref<64x1xf32, #tpu.memory_space<vmem>>, vector<64x1xf32>,
    return
  }
}

</mosaic_0001>

<sc_bundles>
// kernel: kernel.12.cloned.1.call-start
scs
__scs_entry_jumppad:
0x0: {  	(pc) =	sbr.rel $0x88, $3  }
0x1: {  	(tag) =	ssettag $0x0;
	lr =	simm.s32 $0x1  }
0x2: {  	[smem:$0x3F94] =	sst lr;
	_ =	strace $0xD0000000  }
0x3: {  	_ = 	snop  }
0x4: {  	_ = 	snop  }
0x5: {  	_ = 	snop  }
0x6: {  	_ = 	snop  }
0x7: {  	_ = 	snop  }
__scs_overlays_trampoline_lowered:
0x8: {  	[smem:$0x3FA3] =	sst s0  }
0x9: {  	[smem:$0x3FA4] =	sst s1  }
0xa: {  	[smem:$0x3FA5] =	sst s2  }
0xb: {  	[smem:$0x3FA6] =	sst s3  }
0xc: {  	[smem:$0x3FA7] =	sst s4  }
0xd: {  	[smem:$0x3FA8] =	sst s5  }
0xe: {  	[smem:$0x3FA9] =	sst s6  }
0xf: {  	[smem:$0x3FAA] =	sst s7  }
0x10: {  	[smem:$0x3FAB] =	sst s8  }
0x11: {  	[smem:$0x3FAC] =	sst s9;
	s0 =	simm.s32 @!p0 $0x0  }
0x12: {  	s1 =	sld [smem:$0x3F92];
	s0 =	simm.s32 @p0 $0x1  }
0x13: {  	[smem:$0x3FAD] =	sst s0;
	s0 =	simm.s32 @!p1 $0x0  }
0x14: {  	s2 =	sld [smem:$0x3F91];
	s0 =	simm.s32 @p1 $0x1  }
0x15: {  	[smem:$0x3FAE] =	sst s0;
	s0 =	simm.s32 @!p2 $0x0  }
0x16: {  	s3 =	sld [smem:$0x3FDB];
	s0 =	simm.s32 @p2 $0x1  }
0x17: {  	s4 =	simm.s32 $0x1BF5;
	[smem:$0x3FB0] =	sst s0  }
0x18: {  	s0 =	sld [smem:$0x3F93];
	_ =	swait.ge [sflag:s4], $0x0  }
0x19: {  	s7 =	sld [smem:$0x3F94]  }
0x1a: {  	s8 =	sadd.s32 $0xFFFFE003, lr  }
0x1b: {  	s9 =	sadd.s32 $0xFFFFFEF7, lr;
	s5 =	simm.s32 $0xFFFFFFFF;
	p2 =	slt.u32 s8, $0xFFFFF086  }
0x1c: {  	p1 =	slt.u32 s9, $0xF7A;
	s5 =	simm.s32 @!p2 $0x0  }
0x1d: {  	s5 =	simm.s32 @p1 $0x1;
	p0 =	seq.s32 s7, s2  }
0x1e: {  	s7 =	smul.u32 @!p0 $0xF7A, s2;
	p2 =	seq.s32 @!p0 s5, $0x0  }
0x1f: {  	s9 =	smul.u32 $0xF7A, s1;
	s8 =	simm.s32 @!p0 $0x1BF5;
	p2 =	por !p2, p0  }
0x20: {  	[sflag:s8] =	ssyncset.s32 @!p0 $0xFFFFF086;
	s6 =	sadd.s32 @!p0 s3, s7;
	s7 =	simm.s32 @!p0 $0x108  }
0x21: {  	s3 =	sadd.s32 s3, s9;
	s6 =	sadd.s32 @!p0 $0x88, s6;
	s7 =	simm.s32 @p2 $0x1082  }
0x22: {  	[simem:s7], [sflag:s8] =	dma.local @!p0 [hbm:s6], $0xF7A  }
0x23: {  	s9 =	sor.u32 $0xD0000000, s2;
	s6 =	simm.s32 $0x108;
	_ =	swait.ge @!p0 [sflag:s8], $0x0  }
0x24: {  	s3 =	sadd.s32 $0x88, s3;
	s6 =	simm.s32 @!p1 $0x1082;
	[sflag:s4] =	ssyncset.s32 $0xFFFFF086  }
0x25: {  	[simem:s6], [sflag:s4] =	dma.local [hbm:s3], $0xF7A  }
0x26: {  	[smem:$0x3F94] =	sst s1;
	(tag) =	ssettag s2;
	_ =	strace s9  }
0x27: {  	s1 =	sld [smem:$0x3FA4]  }
0x28: {  	s2 =	sld [smem:$0x3FA5]  }
0x29: {  	s4 =	sld [smem:$0x3FA7]  }
0x2a: {  	p0 =	seq.s32 s5, $0x0;
	s5 =	sld [smem:$0x3FA8]  }
0x2b: {  	s6 =	sld [smem:$0x3FA9]  }
0x2c: {  	s7 =	sld [smem:$0x3FAA]  }
0x2d: {  	s3 =	simm.s32 $0x108;
	s8 =	sld [smem:$0x3FAB]  }
0x2e: {  	s3 =	simm.s32 @!p0 $0x1082;
	s9 =	sld [smem:$0x3FAC]  }
0x2f: {  	lr =	sadd.s32 s0, s3;
	s0 =	sld [smem:$0x3FA3]  }
0x30: {  	s3 =	sld [smem:$0x3FA6]  }
0x31: {  	[smem:$0x3FAF] =	sst s10  }
0x32: {  	s10 =	sld [smem:$0x3FAD];
	_ =	sdelay $0x3  }
0x33: {  	p0 =	seq.s32 s10, $0x1;
	s10 =	sld [smem:$0x3FAF];
	_ =	sdelay $0x3  }
0x34: {  	[smem:$0x3FAF] =	sst s10  }
0x35: {  	s10 =	sld [smem:$0x3FAE];
	_ =	sdelay $0x3  }
0x36: {  	p1 =	seq.s32 s10, $0x1;
	s10 =	sld [smem:$0x3FAF];
	_ =	sdelay $0x3  }
0x37: {  	[smem:$0x3FAF] =	sst s10  }
0x38: {  	s10 =	sld [smem:$0x3FB0]  }
0x39: {  	_ = 	snop;
	(pc) =	sbr.ind lr, $3  }
0x3a: {  	_ = 	snop  }
0x3b: {  	_ = 	snop  }
0x3c: {  	p2 =	seq.s32 s10, $0x1;
	s10 =	sld [smem:$0x3FAF]  }
0x3d: {  	_ =	shalt  }
0x3e: {  	_ =	shalt  }
0x3f: {  	_ =	shalt  }
0x40: {  	_ =	shalt  }
0x41: {  	_ =	shalt  }
0x42: {  	_ =	shalt  }
0x43: {  	_ =	shalt  }
0x44: {  	_ =	shalt  }
0x45: {  	_ =	shalt  }
0x46: {  	_ =	shalt  }
0x47: {  	_ =	shalt  }
0x48: {  	_ =	shalt  }
0x49: {  	_ =	shalt  }
0x4a: {  	_ =	shalt  }
0x4b: {  	_ =	shalt  }
0x4c: {  	_ =	shalt  }
0x4d: {  	_ =	shalt  }
0x4e: {  	_ =	shalt  }
0x4f: {  	_ =	shalt  }
0x50: {  	_ =	shalt  }
0x51: {  	_ =	shalt  }
0x52: {  	_ =	shalt  }
0x53: {  	_ =	shalt  }
0x54: {  	_ =	shalt  }
0x55: {  	_ =	shalt  }
0x56: {  	_ =	shalt  }
0x57: {  	_ =	shalt  }
0x58: {  	_ =	shalt  }
0x59: {  	_ =	shalt  }
0x5a: {  	_ =	shalt  }
0x5b: {  	_ =	shalt  }
0x5c: {  	_ =	shalt  }
0x5d: {  	_ =	shalt  }
0x5e: {  	_ =	shalt  }
0x5f: {  	_ =	shalt  }
0x60: {  	_ =	shalt  }
0x61: {  	_ =	shalt  }
0x62: {  	_ =	shalt  }
0x63: {  	_ =	shalt  }
0x64: {  	_ =	shalt  }
0x65: {  	_ =	shalt  }
0x66: {  	_ =	shalt  }
0x67: {  	_ =	shalt  }
0x68: {  	_ =	shalt  }
0x69: {  	_ =	shalt  }
0x6a: {  	_ =	shalt  }
0x6b: {  	_ =	shalt  }
0x6c: {  	_ =	shalt  }
0x6d: {  	_ =	shalt  }
0x6e: {  	_ =	shalt  }
0x6f: {  	_ =	shalt  }
0x70: {  	_ =	shalt  }
0x71: {  	_ =	shalt  }
0x72: {  	_ =	shalt  }
0x73: {  	_ =	shalt  }
0x74: {  	_ =	shalt  }
0x75: {  	_ =	shalt  }
0x76: {  	_ =	shalt  }
0x77: {  	_ =	shalt  }
0x78: {  	_ =	shalt  }
0x79: {  	_ =	shalt  }
0x7a: {  	_ =	shalt  }
0x7b: {  	_ =	shalt  }
0x7c: {  	_ =	shalt  }
0x7d: {  	_ =	shalt  }
0x7e: {  	_ =	shalt  }
0x7f: {  	_ =	shalt  }
0x80: {  	_ =	shalt  }
0x81: {  	_ =	shalt  }
0x82: {  	_ =	shalt  }
0x83: {  	_ =	shalt  }
0x84: {  	_ =	shalt  }
0x85: {  	_ =	shalt  }
0x86: {  	_ =	shalt  }
0x87: {  	_ =	shalt  }
.Lfunc_end0:
.L_simem_size_0:
called_computation_lowered:
.L_overlay_start_0:
0x88: {  	s2 =	sld [smem:$0x3FD9]  }
0x89: {  	s3 =	sld [smem:$0x3FFE];
	_ =	sdelay $0x1  }
0x8a: {  	s1 =	srdreg.scid  }
0x8b: {  	s0 =	sand.u32 $0x1, s1  }
0x8c: {  	s16 =	sshll.u32 s0, $0xA;
	s2 =	sadd.s32 s3, s2  }
0x8d: {  	s2 =	sadd.s32 s2, s16  }
0x8e: {  	[smem:$0x3FBB] =	sst s2  }
0x8f: {  	_ = 	snop  }
0x90: {  	(tm) =	ssettm $0x1  }
0x91: {  	s17 =	sld [smem:$0x3FFB];
	_ =	sdelay $0x3  }
0x92: {  	_ =	strace s17  }
0x93: {  	s2 =	sld [smem:$0x3FFC];
	_ =	sdelay $0x3  }
0x94: {  	_ =	strace s2  }
0x95: {  	s2 =	sld [smem:$0x3FFD];
	_ =	sdelay $0x3  }
0x96: {  	_ =	strace s2  }
0x97: {  	_ =	strace $0x8FFFFFFF  }
0x98: {  	s18 =	sld [smem:$0x3FDB];
	_ =	sdelay $0x1  }
0x99: {  	s19 =	simm.s32 $_scs_section_size  }
0x9a: {  	s4 =	simm.s32 $_size__tile_overlayer_lowered;
	s5 =	simm.s32 $_tile_overlayer_lowered  }
0x9b: {  	s22 =	simm.s32 $0x1BFF;
	s21 =	sshll.u32 s5, $0x1;
	s2 =	sadd.s32 s19, s18  }
0x9c: {  	s6 =	simm.s32 $0x0;
	s20 =	sshll.u32 s4, $0x1;
	s4 =	sadd.s32 s21, s2  }
0x9d: {  	[timem:s6], [sflag:s22] =	dma.local [hbm:s4], s20  }
0x9e: {  	_ =	swait.ge [sflag:s22], s20  }
0x9f: {  	s3 =	ssub.s32 $0x0, s20;
	[sflag:s22] =	ssyncset.done $0x0  }
0xa0: {  	[sflag:s22] =	ssyncadd.s32 s3;
	_ =	sdelay $0x1  }
0xa1: {  	s23 =	simm.s32 $0x1B8B  }
0xa2: {  	_ =	swait.ge [sflag:s23], $0x1  }
0xa3: {  	[sflag:s23] =	ssyncset.done $0x0  }
0xa4: {  	s25 =	simm.s32 $0x1B8E;
	s24 =	sld [smem:$0x3FFE];
	[sflag:s23] =	ssyncadd.s32 $0xFFFFFFFF  }
0xa5: {  	s26 =	simm.s32 $execute0_lowered;
	[smem:$0x3FD2] =	sst s25  }
0xa6: {  	s4 =	sshll.u32 s26, $0x1;
	_ =	strace $0x80000046;
	[dreg:$0x1] =	wrdreg $0xFFFFFFFF  }
0xa7: {  	s28 =	simm.s32 $_size_execute0_lowered;
	s2 =	sadd.s32 s2, s4;
	[dreg:$0x0] =	wrdreg $0x0  }
0xa8: {  	s4 =	sshll.u32 s28, $0x1;
	[dreg:$0x2] =	wrdreg s2  }
0xa9: {  	[dreg:$0x3] =	wrdreg s4  }
0xaa: {  	[dreg:$0x4] =	wrdreg $0xC0  }
0xab: {  	_ =	task [dreg:s6], $0x5FFFF  }
0xac: {  	[dreg:$0x1] =	wrdreg $0xFFFFFFFF  }
0xad: {  	[dreg:$0x0] =	wrdreg $0x60  }
0xae: {  	[dreg:$0x2] =	wrdreg s24  }
0xaf: {  	[dreg:$0x3] =	wrdreg $0x2F800  }
0xb0: {  	[dreg:$0x4] =	wrdreg $0x9  }
0xb1: {  	_ =	task.clear_ibuf [dreg:s6], $0x5FFFF;
	_ =	strace $0x90000046  }
0xb2: {  	s29 =	simm.s32 $0x9;
	_ =	strace $0x80000048  }
0xb3: {  	_ =	swait.ge [sflag:s29], $0x1  }
0xb4: {  	[sflag:s29] =	ssyncadd.s32 $0xFFFFFFFF  }
0xb5: {  	_ =	strace $0x90000048  }
0xb6: {  	_ =	sfence  }
0xb7: {  	s30 =	sld [smem:$0x0];
	_ =	sdelay $0x2  }
0xb8: {  	s31 =	sshll.u32 s1, $0xD;
	s1 =	sshrl.u32 s1, $0x2  }
0xb9: {  	s3 =	sand.u32 $0x4000, s31;
	s1 =	sadd.s32 s1, s30  }
0xba: {  	s0 =	sor.u32 s3, s0;
	s1 =	sshll.u32 s1, $0x11  }
0xbb: {  	s0 =	sor.u32 s1, s0  }
0xbc: {  	s0 =	sadd.s32 $0x8F2B, s0  }
0xbd: {  	[sflag:s0] =	ssyncadd.remote.s32 $0x1  }
0xbe: {  	_ =	sfence.sel $0xFFFF  }
0xbf: {  	[dreg:$0x0] =	wrdreg $0xFFFFFFFF;
	(pc) =	sbr.abs _section_cstart, $3  }
0xc0: {  	[dreg:$0x1] =	wrdreg $0xFFFFFFFF  }
0xc1: {  	_ =	task.clear_ibuf [dreg:s6], $0x2FFFF;
	_ =	strace $0x9FFFFFFF  }
0xc2: {  	(tm) =	ssettm $0x7FFFFFFF  }
0xc3: {  	_ =	shalt  }
tec
execute0_lowered:
.L_overlay_start_1:
0x0: {  	(tag) =	ssettag $0x1  }
0x1: {  	s0 =	srdreg.scid;
	s6 =	rddreg [dreg:$0x0]  }
0x2: {  	s2 =	rddreg [dreg:$0x1];
	s3 =	simm.s32 $0x0;
	s21 =	simm.s32 $0x80  }
0x3: {  	s22 =	simm.s32 $0x1;
	s23 =	simm.s32 $0x0;
	s8 =	sand.u32 $0x1, s0  }
0x4: {  	s0 =	stileid.u32;
	[smem:$0x7FF] =	sst s3;
	s5 =	sadd.s32 $0xC200, s6  }
0x5: {  	s16 =	sadd.s32 $0xC600, s6;
	s1 =	sshll.u32 s8, $0x4;
	s11 =	smul.u32 $0x1400, s0  }
0x6: {  	s9 =	ssub.s32 $0x2, s8;
	s18 =	smul.u32 $0x14000, s8;
	s4 =	sor.u32 s0, s1  }
0x7: {  	s1 =	rddreg [dreg:$0x2];
	_ =	strace $0x80000047;
	s10 =	sshrl.u32 s9, $0x1  }
0x8: {  	s4 =	smul.u32 $0x4F0, s4;
	s17 =	ssub.s32 s9, s10;
	s12 =	sadd.s32 $0x400, s11  }
0x9: {  	s14 =	sadd.s32 $0x800, s11;
	s15 =	sadd.s32 $0xC00, s11;
	s19 =	sadd.s32 $0x1000, s11  }
0xa: {  	s13 =	sadd.s32 s11, s18;
	s8 =	sadd.s32 s12, s2;
	s9 =	sadd.s32 s14, s2  }
0xb: {  	s10 =	sadd.s32 s15, s2;
	s12 =	sadd.s32 s18, s12;
	s13 =	sshrl.u32 s13, $0x3  }
0xc: {  	s14 =	sadd.s32 s18, s14;
	s15 =	sadd.s32 s18, s15;
	s18 =	sadd.s32 s18, s19  }
0xd: {  	s17 =	smax.u32 s17, $0x1;
	s7 =	sadd.s32 s4, s6;
	s4 =	sadd.s32 $0xC400, s6  }
0xe: {  	s20 =	sshrl.u32 s12, $0x3;
	s12 =	sadd.s32 s16, s13;
	s14 =	sshrl.u32 s14, $0x3  }
0xf: {  	s15 =	sshrl.u32 s15, $0x3;
	s18 =	sshrl.u32 s18, $0x3;
	s6 =	sadd.s32 $0x2400, s7  }
0x10: {  	s7 =	sadd.s32 s11, s2;
	s11 =	sadd.s32 s19, s2;
	s13 =	sadd.s32 s16, s20  }
0x11: {  	s14 =	sadd.s32 s16, s14;
	s15 =	sadd.s32 s16, s15;
	s16 =	sadd.s32 s16, s18  }
0x12: {  	s18 =	simm.s32 $0x2;
	s19 =	simm.s32 $0x2780;
	s20 =	simm.s32 $0x2B80  }
.LBB2_1:
0x13: {  	[tilespmem:s3], [sflag:$0x2] =	stream.linear.gather [hbm4b:s6+s3], $0x2780, $0x38;
	[tilespmem:$0x4380] =	vst v63  }
0x14: {  	_ =	swait.ge [sflag:s18], $0x2780  }
0x15: {  	[sflag:s18] =	ssyncset.done $0x0  }
0x16: {  	[sflag:s18] =	ssyncadd.s32 $0xFFFFD880  }
0x17: {  	[tilespmem:s19], [sflag:$0x2] =	stream.linear.gather [hbm4b:s4+s3], $0x400, $0x38;
	[tilespmem:$0x4380] =	vst v63  }
0x18: {  	_ =	swait.ge [sflag:s18], $0x400  }
0x19: {  	[sflag:s18] =	ssyncset.done $0x0  }
0x1a: {  	[sflag:s18] =	ssyncadd.s32 $0xFFFFFC00  }
0x1b: {  	[tilespmem:s20], [sflag:$0x2] =	stream.linear.gather [hbm4b:s5+s3], $0x400, $0x38;
	[tilespmem:$0x4380] =	vst v63  }
0x1c: {  	_ =	swait.ge [sflag:s18], $0x400  }
0x1d: {  	[sflag:s18] =	ssyncset.done $0x0  }
0x1e: {  	[sflag:s18] =	ssyncadd.s32 $0xFFFFFC00  }
0x1f: {  	[spmem:s7] =	stream.linear.scatter [tilespmem:s20], [sflag:$0x2], $0x400, $0x38;
	[tilespmem:$0x4380] =	vst v63  }
0x20: {  	_ =	swait.ge [sflag:s18], $0x400  }
0x21: {  	[sflag:s18] =	ssyncset.done $0x0  }
0x22: {  	[sflag:s18] =	ssyncadd.s32 $0xFFFFFC00  }
0x23: {  	[spmem:s8] =	stream.linear.scatter [tilespmem:s20], [sflag:$0x2], $0x400, $0x38;
	[tilespmem:$0x4380] =	vst v63  }
0x24: {  	_ =	swait.ge [sflag:s18], $0x400  }
0x25: {  	[sflag:s18] =	ssyncset.done $0x0  }
0x26: {  	[sflag:s18] =	ssyncadd.s32 $0xFFFFFC00  }
0x27: {  	[spmem:s9] =	stream.linear.scatter [tilespmem:s20], [sflag:$0x2], $0x400, $0x38;
	[tilespmem:$0x4380] =	vst v63  }
0x28: {  	_ =	swait.ge [sflag:s18], $0x400  }
0x29: {  	[sflag:s18] =	ssyncset.done $0x0  }
0x2a: {  	[sflag:s18] =	ssyncadd.s32 $0xFFFFFC00  }
0x2b: {  	[spmem:s10] =	stream.linear.scatter [tilespmem:s20], [sflag:$0x2], $0x400, $0x38;
	[tilespmem:$0x4380] =	vst v63  }
0x2c: {  	_ =	swait.ge [sflag:s18], $0x400  }
0x2d: {  	[sflag:s18] =	ssyncset.done $0x0  }
0x2e: {  	[sflag:s18] =	ssyncadd.s32 $0xFFFFFC00  }
0x2f: {  	[spmem:s11] =	stream.linear.scatter [tilespmem:s20], [sflag:$0x2], $0x400, $0x38;
	[tilespmem:$0x4380] =	vst v63  }
0x30: {  	_ =	swait.ge [sflag:s18], $0x400  }
0x31: {  	[sflag:s18] =	ssyncset.done $0x0  }
0x32: {  	[sflag:s18] =	ssyncadd.s32 $0xFFFFFC00  }
0x33: {  	s24 =	simm.s32 $0x0;
	[bflag:$0x0] =	sbarrier.arrive $0xFFFF  }
.LBB2_2:
0x34: {  	p0 =	sne.s32 s24, $0x9C00  }
.Ltmp0:
0x35: {  	_ = 	snop;
	(pc) =	sbr.rel @p0 .LBB2_2-.Ltmp0, $3  }
0x36: {  	_ =	sdelay $0x1  }
0x37: {  	s25 =	sshra.s32 s24, $0x2;
	s24 =	sadd.s32 $0x200, s24  }
0x38: {  	[spmem:s2] =	stream.indirect.scatter.add.f32 [tilespmem:s19], [sflag:$0x1], $0x8, s25, s21, $0xb8;
	[tilespmem:$0x4380] =	vst v63  }
0x39: {  	_ =	swait.ge [sflag:s22], $0x400  }
0x3a: {  	s24 =	simm.s32 $0x4E;
	[sflag:s22] =	ssyncset.done $0x0  }
.LBB2_4:
0x3b: {  	p0 =	sne.s32 s24, $0x1;
	s24 =	sadd.s32 $0xFFFFFFFF, s24;
	[sflag:s22] =	ssyncadd.s32 $0xFFFFFC00  }
.Ltmp1:
0x3c: {  	(pc) =	sbr.rel @p0 .LBB2_4-.Ltmp1, $3  }
0x3d: {  	_ =	sdelay $0x1  }
0x3e: {  	_ =	swait.ge [sflag:s22], $0x400  }
0x3f: {  	[sflag:s22] =	ssyncset.done $0x0  }
0x40: {  	[sflag:s22] =	ssyncadd.s32 $0xFFFFFC00  }
0x41: {  	[bflag:$0x0] =	sbarrier.arrive $0xFFFF  }
0x42: {  	[tilespmem:s20], [sflag:$0x2] =	stream.linear.gather [spmem:s7], $0x400, $0x38;
	[tilespmem:$0x4380] =	vst v63  }
0x43: {  	_ =	swait.ge [sflag:s18], $0x400  }
0x44: {  	[sflag:s18] =	ssyncset.done $0x0  }
0x45: {  	[sflag:s18] =	ssyncadd.s32 $0xFFFFFC00  }
0x46: {  	[hbm4b:s12+s3] =	stream.linear.scatter [tilespmem:s20], [sflag:$0x2], $0x400, $0x38;
	[tilespmem:$0x4380] =	vst v63  }
0x47: {  	_ =	swait.ge [sflag:s18], $0x400  }
0x48: {  	[sflag:s18] =	ssyncset.done $0x0  }
0x49: {  	[sflag:s18] =	ssyncadd.s32 $0xFFFFFC00  }
0x4a: {  	[tilespmem:s20], [sflag:$0x2] =	stream.linear.gather [spmem:s8], $0x400, $0x38;
	[tilespmem:$0x4380] =	vst v63  }
0x4b: {  	_ =	swait.ge [sflag:s18], $0x400  }
0x4c: {  	[sflag:s18] =	ssyncset.done $0x0  }
0x4d: {  	[sflag:s18] =	ssyncadd.s32 $0xFFFFFC00  }
0x4e: {  	[hbm4b:s13+s3] =	stream.linear.scatter [tilespmem:s20], [sflag:$0x2], $0x400, $0x38;
	[tilespmem:$0x4380] =	vst v63  }
0x4f: {  	_ =	swait.ge [sflag:s18], $0x400  }
0x50: {  	[sflag:s18] =	ssyncset.done $0x0  }
0x51: {  	[sflag:s18] =	ssyncadd.s32 $0xFFFFFC00  }
0x52: {  	[tilespmem:s20], [sflag:$0x2] =	stream.linear.gather [spmem:s9], $0x400, $0x38;
	[tilespmem:$0x4380] =	vst v63  }
0x53: {  	_ =	swait.ge [sflag:s18], $0x400  }
0x54: {  	[sflag:s18] =	ssyncset.done $0x0  }
0x55: {  	[sflag:s18] =	ssyncadd.s32 $0xFFFFFC00  }
0x56: {  	[hbm4b:s14+s3] =	stream.linear.scatter [tilespmem:s20], [sflag:$0x2], $0x400, $0x38;
	[tilespmem:$0x4380] =	vst v63  }
0x57: {  	_ =	swait.ge [sflag:s18], $0x400  }
0x58: {  	[sflag:s18] =	ssyncset.done $0x0  }
0x59: {  	[sflag:s18] =	ssyncadd.s32 $0xFFFFFC00  }
0x5a: {  	[tilespmem:s20], [sflag:$0x2] =	stream.linear.gather [spmem:s10], $0x400, $0x38;
	[tilespmem:$0x4380] =	vst v63  }
0x5b: {  	_ =	swait.ge [sflag:s18], $0x400  }
0x5c: {  	[sflag:s18] =	ssyncset.done $0x0  }
0x5d: {  	[sflag:s18] =	ssyncadd.s32 $0xFFFFFC00  }
0x5e: {  	[hbm4b:s15+s3] =	stream.linear.scatter [tilespmem:s20], [sflag:$0x2], $0x400, $0x38;
	[tilespmem:$0x4380] =	vst v63  }
0x5f: {  	_ =	swait.ge [sflag:s18], $0x400  }
0x60: {  	[sflag:s18] =	ssyncset.done $0x0  }
0x61: {  	[sflag:s18] =	ssyncadd.s32 $0xFFFFFC00  }
0x62: {  	[tilespmem:s20], [sflag:$0x2] =	stream.linear.gather [spmem:s11], $0x400, $0x38;
	[tilespmem:$0x4380] =	vst v63  }
0x63: {  	s23 =	sadd.s32 $0x1, s23;
	_ =	swait.ge [sflag:s18], $0x400  }
0x64: {  	p0 =	sne.s32 s23, s17;
	[sflag:s18] =	ssyncset.done $0x0  }
.Ltmp2:
0x65: {  	[sflag:s18] =	ssyncadd.s32 $0xFFFFFC00;
	(pc) =	sbr.rel @p0 .LBB2_1-.Ltmp2, $4  }
0x66: {  	[hbm4b:s16+s3] =	stream.linear.scatter [tilespmem:s20], [sflag:$0x2], $0x400, $0x38;
	[tilespmem:$0x4380] =	vst v63  }
0x67: {  	_ =	swait.ge [sflag:s18], $0x400  }
0x68: {  	[sflag:s18] =	ssyncset.done $0x0  }
0x69: {  	[sflag:s18] =	ssyncadd.s32 $0xFFFFFC00  }
0x6a: {  	_ =	sfence.sel $0x180000  }
0x6b: {  	[bflag:$0x0] =	sbarrier.arrive $0xFFFF  }
0x6c: {  	p0 =	sne.s32 s0, $0x0;
	_ =	strace $0x90000047  }
0x6d: {  	s0 =	sadd.s32 @!p0 $0x100000, s1;
	[bflag:$0x2] =	sbarrier.arrive $0xFFFF  }
0x6e: {  	[sflag:s0] =	ssyncadd.tile.s32 @!p0 $0x1;
	_ =	shalt  }
.Lfunc_end2:
_tile_overlayer_lowered:
.L_overlay_start_2:
0x6f: {  	(tag) =	ssettag $0x2  }
0x70: {  	s0 =	rddreg [dreg:$0x0];
	s2 =	stileid.u32  }
0x71: {  	s1 =	rddreg [dreg:$0x1];
	p0 =	sne.s32 s2, $0x0  }
0x72: {  	s3 =	rddreg [dreg:$0x2];
	[bflag:$0x3] =	sbarrier.arrive $0xFFFF;
	s2 =	simm.s32 @!p0 $0x1C02  }
0x73: {  	[timem:s3], [sflag:s2] =	dma.local @!p0 [hbm:s0], s1  }
0x74: {  	s0 =	simm.s32 @!p0 $0x2  }
0x75: {  	_ =	swait.ge @!p0 [sflag:s0], s1  }
0x76: {  	s1 =	ssub.s32 @!p0 $0x0, s1;
	[sflag:s0] =	ssyncset.done @!p0 $0x0  }
0x77: {  	[sflag:s0] =	ssyncadd.s32 @!p0 s1  }
0x78: {  	[bflag:$0x3] =	sbarrier.arrive $0xFFFF  }
0x79: {  	_ =	shalt  }

// kernel: kernel.15.cloned.1.call-start
scs
__scs_entry_jumppad:
0x0: {  	(pc) =	sbr.rel $0x88, $3  }
0x1: {  	(tag) =	ssettag $0x0;
	lr =	simm.s32 $0x1  }
0x2: {  	[smem:$0x3F94] =	sst lr;
	_ =	strace $0xD0000000  }
0x3: {  	_ = 	snop  }
0x4: {  	_ = 	snop  }
0x5: {  	_ = 	snop  }
0x6: {  	_ = 	snop  }
0x7: {  	_ = 	snop  }
__scs_overlays_trampoline_lowered:
0x8: {  	[smem:$0x3FA3] =	sst s0  }
0x9: {  	[smem:$0x3FA4] =	sst s1  }
0xa: {  	[smem:$0x3FA5] =	sst s2  }
0xb: {  	[smem:$0x3FA6] =	sst s3  }
0xc: {  	[smem:$0x3FA7] =	sst s4  }
0xd: {  	[smem:$0x3FA8] =	sst s5  }
0xe: {  	[smem:$0x3FA9] =	sst s6  }
0xf: {  	[smem:$0x3FAA] =	sst s7  }
0x10: {  	[smem:$0x3FAB] =	sst s8  }
0x11: {  	[smem:$0x3FAC] =	sst s9;
	s0 =	simm.s32 @!p0 $0x0  }
0x12: {  	s1 =	sld [smem:$0x3F92];
	s0 =	simm.s32 @p0 $0x1  }
0x13: {  	[smem:$0x3FAD] =	sst s0;
	s0 =	simm.s32 @!p1 $0x0  }
0x14: {  	s2 =	sld [smem:$0x3F91];
	s0 =	simm.s32 @p1 $0x1  }
0x15: {  	[smem:$0x3FAE] =	sst s0;
	s0 =	simm.s32 @!p2 $0x0  }
0x16: {  	s3 =	sld [smem:$0x3FDB];
	s0 =	simm.s32 @p2 $0x1  }
0x17: {  	s4 =	simm.s32 $0x1BF5;
	[smem:$0x3FB0] =	sst s0  }
0x18: {  	s0 =	sld [smem:$0x3F93];
	_ =	swait.ge [sflag:s4], $0x0  }
0x19: {  	s7 =	sld [smem:$0x3F94]  }
0x1a: {  	s8 =	sadd.s32 $0xFFFFE003, lr  }
0x1b: {  	s9 =	sadd.s32 $0xFFFFFEF7, lr;
	s5 =	simm.s32 $0xFFFFFFFF;
	p2 =	slt.u32 s8, $0xFFFFF086  }
0x1c: {  	p1 =	slt.u32 s9, $0xF7A;
	s5 =	simm.s32 @!p2 $0x0  }
0x1d: {  	s5 =	simm.s32 @p1 $0x1;
	p0 =	seq.s32 s7, s2  }
0x1e: {  	s7 =	smul.u32 @!p0 $0xF7A, s2;
	p2 =	seq.s32 @!p0 s5, $0x0  }
0x1f: {  	s9 =	smul.u32 $0xF7A, s1;
	s8 =	simm.s32 @!p0 $0x1BF5;
	p2 =	por !p2, p0  }
0x20: {  	[sflag:s8] =	ssyncset.s32 @!p0 $0xFFFFF086;
	s6 =	sadd.s32 @!p0 s3, s7;
	s7 =	simm.s32 @!p0 $0x108  }
0x21: {  	s3 =	sadd.s32 s3, s9;
	s6 =	sadd.s32 @!p0 $0x88, s6;
	s7 =	simm.s32 @p2 $0x1082  }
0x22: {  	[simem:s7], [sflag:s8] =	dma.local @!p0 [hbm:s6], $0xF7A  }
0x23: {  	s9 =	sor.u32 $0xD0000000, s2;
	s6 =	simm.s32 $0x108;
	_ =	swait.ge @!p0 [sflag:s8], $0x0  }
0x24: {  	s3 =	sadd.s32 $0x88, s3;
	s6 =	simm.s32 @!p1 $0x1082;
	[sflag:s4] =	ssyncset.s32 $0xFFFFF086  }
0x25: {  	[simem:s6], [sflag:s4] =	dma.local [hbm:s3], $0xF7A  }
0x26: {  	[smem:$0x3F94] =	sst s1;
	(tag) =	ssettag s2;
	_ =	strace s9  }
0x27: {  	s1 =	sld [smem:$0x3FA4]  }
0x28: {  	s2 =	sld [smem:$0x3FA5]  }
0x29: {  	s4 =	sld [smem:$0x3FA7]  }
0x2a: {  	p0 =	seq.s32 s5, $0x0;
	s5 =	sld [smem:$0x3FA8]  }
0x2b: {  	s6 =	sld [smem:$0x3FA9]  }
0x2c: {  	s7 =	sld [smem:$0x3FAA]  }
0x2d: {  	s3 =	simm.s32 $0x108;
	s8 =	sld [smem:$0x3FAB]  }
0x2e: {  	s3 =	simm.s32 @!p0 $0x1082;
	s9 =	sld [smem:$0x3FAC]  }
0x2f: {  	lr =	sadd.s32 s0, s3;
	s0 =	sld [smem:$0x3FA3]  }
0x30: {  	s3 =	sld [smem:$0x3FA6]  }
0x31: {  	[smem:$0x3FAF] =	sst s10  }
0x32: {  	s10 =	sld [smem:$0x3FAD];
	_ =	sdelay $0x3  }
0x33: {  	p0 =	seq.s32 s10, $0x1;
	s10 =	sld [smem:$0x3FAF];
	_ =	sdelay $0x3  }
0x34: {  	[smem:$0x3FAF] =	sst s10  }
0x35: {  	s10 =	sld [smem:$0x3FAE];
	_ =	sdelay $0x3  }
0x36: {  	p1 =	seq.s32 s10, $0x1;
	s10 =	sld [smem:$0x3FAF];
	_ =	sdelay $0x3  }
0x37: {  	[smem:$0x3FAF] =	sst s10  }
0x38: {  	s10 =	sld [smem:$0x3FB0]  }
0x39: {  	_ = 	snop;
	(pc) =	sbr.ind lr, $3  }
0x3a: {  	_ = 	snop  }
0x3b: {  	_ = 	snop  }
0x3c: {  	p2 =	seq.s32 s10, $0x1;
	s10 =	sld [smem:$0x3FAF]  }
0x3d: {  	_ =	shalt  }
0x3e: {  	_ =	shalt  }
0x3f: {  	_ =	shalt  }
0x40: {  	_ =	shalt  }
0x41: {  	_ =	shalt  }
0x42: {  	_ =	shalt  }
0x43: {  	_ =	shalt  }
0x44: {  	_ =	shalt  }
0x45: {  	_ =	shalt  }
0x46: {  	_ =	shalt  }
0x47: {  	_ =	shalt  }
0x48: {  	_ =	shalt  }
0x49: {  	_ =	shalt  }
0x4a: {  	_ =	shalt  }
0x4b: {  	_ =	shalt  }
0x4c: {  	_ =	shalt  }
0x4d: {  	_ =	shalt  }
0x4e: {  	_ =	shalt  }
0x4f: {  	_ =	shalt  }
0x50: {  	_ =	shalt  }
0x51: {  	_ =	shalt  }
0x52: {  	_ =	shalt  }
0x53: {  	_ =	shalt  }
0x54: {  	_ =	shalt  }
0x55: {  	_ =	shalt  }
0x56: {  	_ =	shalt  }
0x57: {  	_ =	shalt  }
0x58: {  	_ =	shalt  }
0x59: {  	_ =	shalt  }
0x5a: {  	_ =	shalt  }
0x5b: {  	_ =	shalt  }
0x5c: {  	_ =	shalt  }
0x5d: {  	_ =	shalt  }
0x5e: {  	_ =	shalt  }
0x5f: {  	_ =	shalt  }
0x60: {  	_ =	shalt  }
0x61: {  	_ =	shalt  }
0x62: {  	_ =	shalt  }
0x63: {  	_ =	shalt  }
0x64: {  	_ =	shalt  }
0x65: {  	_ =	shalt  }
0x66: {  	_ =	shalt  }
0x67: {  	_ =	shalt  }
0x68: {  	_ =	shalt  }
0x69: {  	_ =	shalt  }
0x6a: {  	_ =	shalt  }
0x6b: {  	_ =	shalt  }
0x6c: {  	_ =	shalt  }
0x6d: {  	_ =	shalt  }
0x6e: {  	_ =	shalt  }
0x6f: {  	_ =	shalt  }
0x70: {  	_ =	shalt  }
0x71: {  	_ =	shalt  }
0x72: {  	_ =	shalt  }
0x73: {  	_ =	shalt  }
0x74: {  	_ =	shalt  }
0x75: {  	_ =	shalt  }
0x76: {  	_ =	shalt  }
0x77: {  	_ =	shalt  }
0x78: {  	_ =	shalt  }
0x79: {  	_ =	shalt  }
0x7a: {  	_ =	shalt  }
0x7b: {  	_ =	shalt  }
0x7c: {  	_ =	shalt  }
0x7d: {  	_ =	shalt  }
0x7e: {  	_ =	shalt  }
0x7f: {  	_ =	shalt  }
0x80: {  	_ =	shalt  }
0x81: {  	_ =	shalt  }
0x82: {  	_ =	shalt  }
0x83: {  	_ =	shalt  }
0x84: {  	_ =	shalt  }
0x85: {  	_ =	shalt  }
0x86: {  	_ =	shalt  }
0x87: {  	_ =	shalt  }
.Lfunc_end0:
.L_simem_size_0:
called_computation.1_lowered:
.L_overlay_start_0:
0x88: {  	s2 =	sld [smem:$0x3FD9]  }
0x89: {  	s3 =	sld [smem:$0x3FFE];
	_ =	sdelay $0x1  }
0x8a: {  	s1 =	srdreg.scid  }
0x8b: {  	s0 =	sand.u32 $0x1, s1  }
0x8c: {  	s16 =	sshll.u32 s0, $0xA;
	s2 =	sadd.s32 s3, s2  }
0x8d: {  	s2 =	sadd.s32 s2, s16  }
0x8e: {  	[smem:$0x3FBB] =	sst s2  }
0x8f: {  	_ = 	snop  }
0x90: {  	(tm) =	ssettm $0x1  }
0x91: {  	s17 =	sld [smem:$0x3FFB];
	_ =	sdelay $0x3  }
0x92: {  	_ =	strace s17  }
0x93: {  	s2 =	sld [smem:$0x3FFC];
	_ =	sdelay $0x3  }
0x94: {  	_ =	strace s2  }
0x95: {  	s2 =	sld [smem:$0x3FFD];
	_ =	sdelay $0x3  }
0x96: {  	_ =	strace s2  }
0x97: {  	_ =	strace $0x8FFFFFFF  }
0x98: {  	s18 =	sld [smem:$0x3FDB];
	_ =	sdelay $0x1  }
0x99: {  	s19 =	simm.s32 $_scs_section_size  }
0x9a: {  	s4 =	simm.s32 $_size__tile_overlayer_lowered;
	s5 =	simm.s32 $_tile_overlayer_lowered  }
0x9b: {  	s22 =	simm.s32 $0x1BFF;
	s21 =	sshll.u32 s5, $0x1;
	s2 =	sadd.s32 s19, s18  }
0x9c: {  	s6 =	simm.s32 $0x0;
	s20 =	sshll.u32 s4, $0x1;
	s4 =	sadd.s32 s21, s2  }
0x9d: {  	[timem:s6], [sflag:s22] =	dma.local [hbm:s4], s20  }
0x9e: {  	_ =	swait.ge [sflag:s22], s20  }
0x9f: {  	s3 =	ssub.s32 $0x0, s20;
	[sflag:s22] =	ssyncset.done $0x0  }
0xa0: {  	[sflag:s22] =	ssyncadd.s32 s3;
	_ =	sdelay $0x1  }
0xa1: {  	s23 =	simm.s32 $0x1B8B  }
0xa2: {  	_ =	swait.ge [sflag:s23], $0x1  }
0xa3: {  	[sflag:s23] =	ssyncset.done $0x0  }
0xa4: {  	s25 =	simm.s32 $0x1B8E;
	s24 =	sld [smem:$0x3FFE];
	[sflag:s23] =	ssyncadd.s32 $0xFFFFFFFF  }
0xa5: {  	s26 =	simm.s32 $execute0_lowered;
	[smem:$0x3FD2] =	sst s25  }
0xa6: {  	s4 =	sshll.u32 s26, $0x1;
	_ =	strace $0x80000049;
	[dreg:$0x1] =	wrdreg $0xFFFFFFFF  }
0xa7: {  	s28 =	simm.s32 $_size_execute0_lowered;
	s2 =	sadd.s32 s2, s4;
	[dreg:$0x0] =	wrdreg $0x0  }
0xa8: {  	s4 =	sshll.u32 s28, $0x1;
	[dreg:$0x2] =	wrdreg s2  }
0xa9: {  	[dreg:$0x3] =	wrdreg s4  }
0xaa: {  	[dreg:$0x4] =	wrdreg $0xC0  }
0xab: {  	_ =	task [dreg:s6], $0x5FFFF  }
0xac: {  	[dreg:$0x1] =	wrdreg $0xFFFFFFFF  }
0xad: {  	[dreg:$0x0] =	wrdreg $0x60  }
0xae: {  	[dreg:$0x2] =	wrdreg s24  }
0xaf: {  	[dreg:$0x3] =	wrdreg $0xAF000  }
0xb0: {  	[dreg:$0x4] =	wrdreg $0x9  }
0xb1: {  	_ =	task.clear_ibuf [dreg:s6], $0x5FFFF;
	_ =	strace $0x90000049  }
0xb2: {  	s29 =	simm.s32 $0x9;
	_ =	strace $0x8000004B  }
0xb3: {  	_ =	swait.ge [sflag:s29], $0x1  }
0xb4: {  	[sflag:s29] =	ssyncadd.s32 $0xFFFFFFFF  }
0xb5: {  	_ =	strace $0x9000004B  }
0xb6: {  	_ =	sfence  }
0xb7: {  	s30 =	sld [smem:$0x0];
	_ =	sdelay $0x2  }
0xb8: {  	s31 =	sshll.u32 s1, $0xD;
	s1 =	sshrl.u32 s1, $0x2  }
0xb9: {  	s3 =	sand.u32 $0x4000, s31;
	s1 =	sadd.s32 s1, s30  }
0xba: {  	s0 =	sor.u32 s3, s0;
	s1 =	sshll.u32 s1, $0x11  }
0xbb: {  	s0 =	sor.u32 s1, s0  }
0xbc: {  	s0 =	sadd.s32 $0x8F2B, s0  }
0xbd: {  	[sflag:s0] =	ssyncadd.remote.s32 $0x1  }
0xbe: {  	_ =	sfence.sel $0xFFFF  }
0xbf: {  	[dreg:$0x0] =	wrdreg $0xFFFFFFFF;
	(pc) =	sbr.abs _section_cstart, $3  }
0xc0: {  	[dreg:$0x1] =	wrdreg $0xFFFFFFFF  }
0xc1: {  	_ =	task.clear_ibuf [dreg:s6], $0x2FFFF;
	_ =	strace $0x9FFFFFFF  }
0xc2: {  	(tm) =	ssettm $0x7FFFFFFF  }
0xc3: {  	_ =	shalt  }
tec
execute0_lowered:
.L_overlay_start_1:
0x0: {  	(tag) =	ssettag $0x1  }
0x1: {  	s0 =	srdreg.scid;
	s6 =	rddreg [dreg:$0x0]  }
0x2: {  	s2 =	rddreg [dreg:$0x1];
	s31 =	stileid.u32;
	s3 =	simm.s32 $0x0  }
0x3: {  	s22 =	simm.s32 $0x80;
	s23 =	simm.s32 $0x4F00;
	s24 =	simm.s32 $0x6F00  }
0x4: {  	s25 =	simm.s32 $0x1;
	s26 =	simm.s32 $0x2;
	s28 =	simm.s32 $0x0  }
0x5: {  	s9 =	sand.u32 $0x1, s0;
	[smem:$0x7FF] =	sst s3;
	s12 =	smul.u32 $0xA000, s31  }
0x6: {  	s17 =	sadd.s32 $0x2F400, s6;
	s4 =	sshll.u32 s9, $0x4;
	_ =	strace $0x8000004A  }
0x7: {  	s8 =	ssub.s32 $0x2, s9;
	s19 =	smul.u32 $0xA0000, s9;
	s4 =	sor.u32 s31, s4  }
0x8: {  	s10 =	sshrl.u32 s8, $0x1;
	s13 =	sadd.s32 $0x2000, s12;
	s15 =	sadd.s32 $0x4000, s12  }
0x9: {  	s16 =	sadd.s32 $0x6000, s12;
	s20 =	sadd.s32 $0x8000, s12;
	s5 =	smul.u32 $0x4F0, s4  }
0xa: {  	s4 =	sadd.s32 $0x1B400, s6;
	s18 =	ssub.s32 s8, s10;
	s8 =	sadd.s32 s12, s2  }
0xb: {  	s9 =	sadd.s32 s13, s2;
	s10 =	sadd.s32 s15, s2;
	s11 =	sadd.s32 s16, s2  }
0xc: {  	s14 =	sadd.s32 s12, s19;
	s13 =	sadd.s32 s19, s13;
	s12 =	sadd.s32 s20, s2  }
0xd: {  	s15 =	sadd.s32 s19, s15;
	s16 =	sadd.s32 s19, s16;
	s19 =	sadd.s32 s19, s20  }
0xe: {  	s20 =	simm.s32 $0x2780;
	s14 =	sshrl.u32 s14, $0x3;
	s21 =	sshrl.u32 s13, $0x3  }
0xf: {  	s15 =	sshrl.u32 s15, $0x3;
	s16 =	sshrl.u32 s16, $0x3;
	s19 =	sshrl.u32 s19, $0x3  }
0x10: {  	s18 =	smax.u32 s18, $0x1;
	s7 =	sadd.s32 s5, s6;
	s5 =	sadd.s32 $0xC400, s6  }
0x11: {  	s13 =	sadd.s32 s17, s14;
	s14 =	sadd.s32 s17, s21;
	s15 =	sadd.s32 s17, s15  }
0x12: {  	s16 =	sadd.s32 s17, s16;
	s17 =	sadd.s32 s17, s19;
	s19 =	simm.s32 $0x3  }
0x13: {  	s21 =	simm.s32 $0x8F00;
	s6 =	sadd.s32 $0x11600, s7;
	s7 =	sadd.s32 $0x2400, s7  }
.LBB2_1:
0x14: {  	[tilespmem:s3], [sflag:$0x3] =	stream.linear.gather [hbm4b:s6+s3], $0x2780, $0x38;
	[tilespmem:$0x14F00] =	vst v63  }
0x15: {  	_ =	swait.ge [sflag:s19], $0x2780  }
0x16: {  	[sflag:s19] =	ssyncset.done $0x0  }
0x17: {  	[sflag:s19] =	ssyncadd.s32 $0xFFFFD880  }
0x18: {  	[tilespmem:s20], [sflag:$0x3] =	stream.linear.gather [hbm4b:s7+s3], $0x2780, $0x38;
	[tilespmem:$0x14F00] =	vst v63  }
0x19: {  	_ =	swait.ge [sflag:s19], $0x2780  }
0x1a: {  	[sflag:s19] =	ssyncset.done $0x0  }
0x1b: {  	[sflag:s19] =	ssyncadd.s32 $0xFFFFD880  }
0x1c: {  	[tilespmem:s21], [sflag:$0x3] =	stream.linear.gather [hbm4b:s5+s3], $0x2000, $0x38;
	[tilespmem:$0x14F00] =	vst v63  }
0x1d: {  	_ =	swait.ge [sflag:s19], $0x2000  }
0x1e: {  	[sflag:s19] =	ssyncset.done $0x0  }
0x1f: {  	[sflag:s19] =	ssyncadd.s32 $0xFFFFE000  }
0x20: {  	[spmem:s8] =	stream.linear.scatter [tilespmem:s21], [sflag:$0x3], $0x2000, $0x38;
	[tilespmem:$0x14F00] =	vst v63  }
0x21: {  	_ =	swait.ge [sflag:s19], $0x2000  }
0x22: {  	[sflag:s19] =	ssyncset.done $0x0  }
0x23: {  	[sflag:s19] =	ssyncadd.s32 $0xFFFFE000  }
0x24: {  	[spmem:s9] =	stream.linear.scatter [tilespmem:s21], [sflag:$0x3], $0x2000, $0x38;
	[tilespmem:$0x14F00] =	vst v63  }
0x25: {  	_ =	swait.ge [sflag:s19], $0x2000  }
0x26: {  	[sflag:s19] =	ssyncset.done $0x0  }
0x27: {  	[sflag:s19] =	ssyncadd.s32 $0xFFFFE000  }
0x28: {  	[spmem:s10] =	stream.linear.scatter [tilespmem:s21], [sflag:$0x3], $0x2000, $0x38;
	[tilespmem:$0x14F00] =	vst v63  }
0x29: {  	_ =	swait.ge [sflag:s19], $0x2000  }
0x2a: {  	[sflag:s19] =	ssyncset.done $0x0  }
0x2b: {  	[sflag:s19] =	ssyncadd.s32 $0xFFFFE000  }
0x2c: {  	[spmem:s11] =	stream.linear.scatter [tilespmem:s21], [sflag:$0x3], $0x2000, $0x38;
	[tilespmem:$0x14F00] =	vst v63  }
0x2d: {  	_ =	swait.ge [sflag:s19], $0x2000  }
0x2e: {  	[sflag:s19] =	ssyncset.done $0x0  }
0x2f: {  	[sflag:s19] =	ssyncadd.s32 $0xFFFFE000  }
0x30: {  	[spmem:s12] =	stream.linear.scatter [tilespmem:s21], [sflag:$0x3], $0x2000, $0x38;
	[tilespmem:$0x14F00] =	vst v63  }
0x31: {  	_ =	swait.ge [sflag:s19], $0x2000  }
0x32: {  	[sflag:s19] =	ssyncset.done $0x0  }
0x33: {  	[sflag:s19] =	ssyncadd.s32 $0xFFFFE000  }
0x34: {  	[bflag:$0x0] =	sbarrier.arrive $0xFFFF  }
0x35: {  	[tilespmem:s23], [sflag:$0x1] =	stream.indirect.gather [hbm4b:s4+s22], $0x40, s3, s22, $0xb8;
	[tilespmem:$0x14F00] =	vst v63  }
0x36: {  	_ =	swait.ge [sflag:s25], $0x2000  }
0x37: {  	[sflag:s25] =	ssyncset.done $0x0  }
0x38: {  	[sflag:s25] =	ssyncadd.s32 $0xFFFFE000  }
0x39: {  	[tilespmem:s24], [sflag:$0x1] =	stream.indirect.gather [hbm4b:s4+s22], $0x40, s22, s22, $0xb8;
	[tilespmem:$0x14F00] =	vst v63  }
0x3a: {  	s29 =	simm.s32 $0x1  }
0x3b: {  	[spmem:s2] =	stream.indirect.scatter.add.f32 [tilespmem:s23], [sflag:$0x2], $0x40, s20, s22, $0xb8;
	[tilespmem:$0x14F00] =	vst v63  }
.LBB2_2:
0x3c: {  	_ =	swait.ge [sflag:s25], $0x2000  }
0x3d: {  	s30 =	smov.u32 s29;
	p0 =	seq.s32 s29, $0x4E;
	[sflag:s25] =	ssyncset.done $0x0  }
0x3e: {  	s29 =	sadd.s32 @!p0 $0x1, s29;
	s1 =	simm.s32 @!p0 $0x80;
	[sflag:s25] =	ssyncadd.s32 $0xFFFFE000  }
0x3f: {  	s31 =	sshll.u32 @!p0 s29, $0xD;
	s0 =	sshll.u32 @!p0 s29, $0x7;
	_ =	swait.ge [sflag:s26], $0x2000  }
0x40: {  	s29 =	simm.s32 @p0 $0x4F;
	s31 =	sand.u32 @!p0 $0x2000, s31;
	[sflag:s26] =	ssyncset.done $0x0  }
0x41: {  	s0 =	sand.u32 @!p0 $0x3FFFFF80, s0;
	s31 =	sor.u32 @!p0 $0x4F00, s31;
	[sflag:s26] =	ssyncadd.s32 $0xFFFFE000  }
0x42: {  	[tilespmem:s31], [sflag:$0x1] =	stream.indirect.gather @!p0 [hbm4b:s4+s1], $0x40, s0, s1, $0xb8;
	[tilespmem:$0x14F00] =	vst v63  }
0x43: {  	p0 =	sne.s32 s29, $0x4F  }
.Ltmp0:
0x44: {  	_ = 	snop;
	(pc) =	sbr.rel @p0 .LBB2_2-.Ltmp0, $4  }
0x45: {  	s1 =	sshll.u32 s30, $0xD;
	s31 =	sshll.u32 s30, $0x7  }
0x46: {  	s0 =	sand.u32 $0x2000, s1;
	s1 =	sand.u32 $0x3FFFFF80, s31  }
0x47: {  	s0 =	sor.u32 $0x4F00, s0;
	s1 =	sadd.s32 $0x2780, s1  }
0x48: {  	[spmem:s2] =	stream.indirect.scatter.add.f32 [tilespmem:s0], [sflag:$0x2], $0x40, s1, s22, $0xb8;
	[tilespmem:$0x14F00] =	vst v63  }
0x49: {  	_ =	swait.ge [sflag:s26], $0x2000  }
0x4a: {  	[sflag:s26] =	ssyncset.done $0x0  }
0x4b: {  	[sflag:s26] =	ssyncadd.s32 $0xFFFFE000  }
0x4c: {  	[bflag:$0x0] =	sbarrier.arrive $0xFFFF  }
0x4d: {  	[tilespmem:s21], [sflag:$0x3] =	stream.linear.gather [spmem:s8], $0x2000, $0x38;
	[tilespmem:$0x14F00] =	vst v63  }
0x4e: {  	_ =	swait.ge [sflag:s19], $0x2000  }
0x4f: {  	[sflag:s19] =	ssyncset.done $0x0  }
0x50: {  	[sflag:s19] =	ssyncadd.s32 $0xFFFFE000  }
0x51: {  	[hbm4b:s13+s3] =	stream.linear.scatter [tilespmem:s21], [sflag:$0x3], $0x2000, $0x38;
	[tilespmem:$0x14F00] =	vst v63  }
0x52: {  	_ =	swait.ge [sflag:s19], $0x2000  }
0x53: {  	[sflag:s19] =	ssyncset.done $0x0  }
0x54: {  	[sflag:s19] =	ssyncadd.s32 $0xFFFFE000  }
0x55: {  	[tilespmem:s21], [sflag:$0x3] =	stream.linear.gather [spmem:s9], $0x2000, $0x38;
	[tilespmem:$0x14F00] =	vst v63  }
0x56: {  	_ =	swait.ge [sflag:s19], $0x2000  }
0x57: {  	[sflag:s19] =	ssyncset.done $0x0  }
0x58: {  	[sflag:s19] =	ssyncadd.s32 $0xFFFFE000  }
0x59: {  	[hbm4b:s14+s3] =	stream.linear.scatter [tilespmem:s21], [sflag:$0x3], $0x2000, $0x38;
	[tilespmem:$0x14F00] =	vst v63  }
0x5a: {  	_ =	swait.ge [sflag:s19], $0x2000  }
0x5b: {  	[sflag:s19] =	ssyncset.done $0x0  }
0x5c: {  	[sflag:s19] =	ssyncadd.s32 $0xFFFFE000  }
0x5d: {  	[tilespmem:s21], [sflag:$0x3] =	stream.linear.gather [spmem:s10], $0x2000, $0x38;
	[tilespmem:$0x14F00] =	vst v63  }
0x5e: {  	_ =	swait.ge [sflag:s19], $0x2000  }
0x5f: {  	[sflag:s19] =	ssyncset.done $0x0  }
0x60: {  	[sflag:s19] =	ssyncadd.s32 $0xFFFFE000  }
0x61: {  	[hbm4b:s15+s3] =	stream.linear.scatter [tilespmem:s21], [sflag:$0x3], $0x2000, $0x38;
	[tilespmem:$0x14F00] =	vst v63  }
0x62: {  	_ =	swait.ge [sflag:s19], $0x2000  }
0x63: {  	[sflag:s19] =	ssyncset.done $0x0  }
0x64: {  	[sflag:s19] =	ssyncadd.s32 $0xFFFFE000  }
0x65: {  	[tilespmem:s21], [sflag:$0x3] =	stream.linear.gather [spmem:s11], $0x2000, $0x38;
	[tilespmem:$0x14F00] =	vst v63  }
0x66: {  	_ =	swait.ge [sflag:s19], $0x2000  }
0x67: {  	[sflag:s19] =	ssyncset.done $0x0  }
0x68: {  	[sflag:s19] =	ssyncadd.s32 $0xFFFFE000  }
0x69: {  	[hbm4b:s16+s3] =	stream.linear.scatter [tilespmem:s21], [sflag:$0x3], $0x2000, $0x38;
	[tilespmem:$0x14F00] =	vst v63  }
0x6a: {  	_ =	swait.ge [sflag:s19], $0x2000  }
0x6b: {  	[sflag:s19] =	ssyncset.done $0x0  }
0x6c: {  	[sflag:s19] =	ssyncadd.s32 $0xFFFFE000  }
0x6d: {  	[tilespmem:s21], [sflag:$0x3] =	stream.linear.gather [spmem:s12], $0x2000, $0x38;
	[tilespmem:$0x14F00] =	vst v63  }
0x6e: {  	s28 =	sadd.s32 $0x1, s28;
	_ =	swait.ge [sflag:s19], $0x2000  }
0x6f: {  	p0 =	sne.s32 s28, s18;
	[sflag:s19] =	ssyncset.done $0x0  }
.Ltmp1:
0x70: {  	[sflag:s19] =	ssyncadd.s32 $0xFFFFE000;
	(pc) =	sbr.rel @p0 .LBB2_1-.Ltmp1, $4  }
0x71: {  	[hbm4b:s17+s3] =	stream.linear.scatter [tilespmem:s21], [sflag:$0x3], $0x2000, $0x38;
	[tilespmem:$0x14F00] =	vst v63  }
0x72: {  	_ =	swait.ge [sflag:s19], $0x2000  }
0x73: {  	[sflag:s19] =	ssyncset.done $0x0  }
0x74: {  	[sflag:s19] =	ssyncadd.s32 $0xFFFFE000  }
0x75: {  	_ =	sfence.sel $0x180000  }
0x76: {  	[bflag:$0x0] =	sbarrier.arrive $0xFFFF  }
0x77: {  	_ =	strace $0x9000004A  }
0x78: {  	s0 =	stileid.u32;
	[bflag:$0x2] =	sbarrier.arrive $0xFFFF  }
0x79: {  	p0 =	sne.s32 s0, $0x0;
	s0 =	rddreg [dreg:$0x2]  }
0x7a: {  	s0 =	sadd.s32 @!p0 $0x100000, s0  }
0x7b: {  	[sflag:s0] =	ssyncadd.tile.s32 @!p0 $0x1;
	_ =	shalt  }
.Lfunc_end2:
_tile_overlayer_lowered:
.L_overlay_start_2:
0x7c: {  	(tag) =	ssettag $0x2  }
0x7d: {  	s0 =	rddreg [dreg:$0x0];
	s2 =	stileid.u32  }
0x7e: {  	s1 =	rddreg [dreg:$0x1];
	p0 =	sne.s32 s2, $0x0  }
0x7f: {  	s3 =	rddreg [dreg:$0x2];
	[bflag:$0x3] =	sbarrier.arrive $0xFFFF;
	s2 =	simm.s32 @!p0 $0x1C03  }
0x80: {  	[timem:s3], [sflag:s2] =	dma.local @!p0 [hbm:s0], s1  }
0x81: {  	s0 =	simm.s32 @!p0 $0x3  }
0x82: {  	_ =	swait.ge @!p0 [sflag:s0], s1  }
0x83: {  	s1 =	ssub.s32 @!p0 $0x0, s1;
	[sflag:s0] =	ssyncset.done @!p0 $0x0  }
0x84: {  	[sflag:s0] =	ssyncadd.s32 @!p0 s1  }
0x85: {  	[bflag:$0x3] =	sbarrier.arrive $0xFFFF  }
0x86: {  	_ =	shalt  }

// kernel: kernel.18.cloned.1.call-start
scs
__scs_entry_jumppad:
0x0: {  	(pc) =	sbr.rel $0x88, $3  }
0x1: {  	(tag) =	ssettag $0x0;
	lr =	simm.s32 $0x1  }
0x2: {  	[smem:$0x3F94] =	sst lr;
	_ =	strace $0xD0000000  }
0x3: {  	_ = 	snop  }
0x4: {  	_ = 	snop  }
0x5: {  	_ = 	snop  }
0x6: {  	_ = 	snop  }
0x7: {  	_ = 	snop  }
__scs_overlays_trampoline_lowered:
0x8: {  	[smem:$0x3FA3] =	sst s0  }
0x9: {  	[smem:$0x3FA4] =	sst s1  }
0xa: {  	[smem:$0x3FA5] =	sst s2  }
0xb: {  	[smem:$0x3FA6] =	sst s3  }
0xc: {  	[smem:$0x3FA7] =	sst s4  }
0xd: {  	[smem:$0x3FA8] =	sst s5  }
0xe: {  	[smem:$0x3FA9] =	sst s6  }
0xf: {  	[smem:$0x3FAA] =	sst s7  }
0x10: {  	[smem:$0x3FAB] =	sst s8  }
0x11: {  	[smem:$0x3FAC] =	sst s9;
	s0 =	simm.s32 @!p0 $0x0  }
0x12: {  	s1 =	sld [smem:$0x3F92];
	s0 =	simm.s32 @p0 $0x1  }
0x13: {  	[smem:$0x3FAD] =	sst s0;
	s0 =	simm.s32 @!p1 $0x0  }
0x14: {  	s2 =	sld [smem:$0x3F91];
	s0 =	simm.s32 @p1 $0x1  }
0x15: {  	[smem:$0x3FAE] =	sst s0;
	s0 =	simm.s32 @!p2 $0x0  }
0x16: {  	s3 =	sld [smem:$0x3FDB];
	s0 =	simm.s32 @p2 $0x1  }
0x17: {  	s4 =	simm.s32 $0x1BF5;
	[smem:$0x3FB0] =	sst s0  }
0x18: {  	s0 =	sld [smem:$0x3F93];
	_ =	swait.ge [sflag:s4], $0x0  }
0x19: {  	s7 =	sld [smem:$0x3F94]  }
0x1a: {  	s8 =	sadd.s32 $0xFFFFE003, lr  }
0x1b: {  	s9 =	sadd.s32 $0xFFFFFEF7, lr;
	s5 =	simm.s32 $0xFFFFFFFF;
	p2 =	slt.u32 s8, $0xFFFFF086  }
0x1c: {  	p1 =	slt.u32 s9, $0xF7A;
	s5 =	simm.s32 @!p2 $0x0  }
0x1d: {  	s5 =	simm.s32 @p1 $0x1;
	p0 =	seq.s32 s7, s2  }
0x1e: {  	s7 =	smul.u32 @!p0 $0xF7A, s2;
	p2 =	seq.s32 @!p0 s5, $0x0  }
0x1f: {  	s9 =	smul.u32 $0xF7A, s1;
	s8 =	simm.s32 @!p0 $0x1BF5;
	p2 =	por !p2, p0  }
0x20: {  	[sflag:s8] =	ssyncset.s32 @!p0 $0xFFFFF086;
	s6 =	sadd.s32 @!p0 s3, s7;
	s7 =	simm.s32 @!p0 $0x108  }
0x21: {  	s3 =	sadd.s32 s3, s9;
	s6 =	sadd.s32 @!p0 $0x88, s6;
	s7 =	simm.s32 @p2 $0x1082  }
0x22: {  	[simem:s7], [sflag:s8] =	dma.local @!p0 [hbm:s6], $0xF7A  }
0x23: {  	s9 =	sor.u32 $0xD0000000, s2;
	s6 =	simm.s32 $0x108;
	_ =	swait.ge @!p0 [sflag:s8], $0x0  }
0x24: {  	s3 =	sadd.s32 $0x88, s3;
	s6 =	simm.s32 @!p1 $0x1082;
	[sflag:s4] =	ssyncset.s32 $0xFFFFF086  }
0x25: {  	[simem:s6], [sflag:s4] =	dma.local [hbm:s3], $0xF7A  }
0x26: {  	[smem:$0x3F94] =	sst s1;
	(tag) =	ssettag s2;
	_ =	strace s9  }
0x27: {  	s1 =	sld [smem:$0x3FA4]  }
0x28: {  	s2 =	sld [smem:$0x3FA5]  }
0x29: {  	s4 =	sld [smem:$0x3FA7]  }
0x2a: {  	p0 =	seq.s32 s5, $0x0;
	s5 =	sld [smem:$0x3FA8]  }
0x2b: {  	s6 =	sld [smem:$0x3FA9]  }
0x2c: {  	s7 =	sld [smem:$0x3FAA]  }
0x2d: {  	s3 =	simm.s32 $0x108;
	s8 =	sld [smem:$0x3FAB]  }
0x2e: {  	s3 =	simm.s32 @!p0 $0x1082;
	s9 =	sld [smem:$0x3FAC]  }
0x2f: {  	lr =	sadd.s32 s0, s3;
	s0 =	sld [smem:$0x3FA3]  }
0x30: {  	s3 =	sld [smem:$0x3FA6]  }
0x31: {  	[smem:$0x3FAF] =	sst s10  }
0x32: {  	s10 =	sld [smem:$0x3FAD];
	_ =	sdelay $0x3  }
0x33: {  	p0 =	seq.s32 s10, $0x1;
	s10 =	sld [smem:$0x3FAF];
	_ =	sdelay $0x3  }
0x34: {  	[smem:$0x3FAF] =	sst s10  }
0x35: {  	s10 =	sld [smem:$0x3FAE];
	_ =	sdelay $0x3  }
0x36: {  	p1 =	seq.s32 s10, $0x1;
	s10 =	sld [smem:$0x3FAF];
	_ =	sdelay $0x3  }
0x37: {  	[smem:$0x3FAF] =	sst s10  }
0x38: {  	s10 =	sld [smem:$0x3FB0]  }
0x39: {  	_ = 	snop;
	(pc) =	sbr.ind lr, $3  }
0x3a: {  	_ = 	snop  }
0x3b: {  	_ = 	snop  }
0x3c: {  	p2 =	seq.s32 s10, $0x1;
	s10 =	sld [smem:$0x3FAF]  }
0x3d: {  	_ =	shalt  }
0x3e: {  	_ =	shalt  }
0x3f: {  	_ =	shalt  }
0x40: {  	_ =	shalt  }
0x41: {  	_ =	shalt  }
0x42: {  	_ =	shalt  }
0x43: {  	_ =	shalt  }
0x44: {  	_ =	shalt  }
0x45: {  	_ =	shalt  }
0x46: {  	_ =	shalt  }
0x47: {  	_ =	shalt  }
0x48: {  	_ =	shalt  }
0x49: {  	_ =	shalt  }
0x4a: {  	_ =	shalt  }
0x4b: {  	_ =	shalt  }
0x4c: {  	_ =	shalt  }
0x4d: {  	_ =	shalt  }
0x4e: {  	_ =	shalt  }
0x4f: {  	_ =	shalt  }
0x50: {  	_ =	shalt  }
0x51: {  	_ =	shalt  }
0x52: {  	_ =	shalt  }
0x53: {  	_ =	shalt  }
0x54: {  	_ =	shalt  }
0x55: {  	_ =	shalt  }
0x56: {  	_ =	shalt  }
0x57: {  	_ =	shalt  }
0x58: {  	_ =	shalt  }
0x59: {  	_ =	shalt  }
0x5a: {  	_ =	shalt  }
0x5b: {  	_ =	shalt  }
0x5c: {  	_ =	shalt  }
0x5d: {  	_ =	shalt  }
0x5e: {  	_ =	shalt  }
0x5f: {  	_ =	shalt  }
0x60: {  	_ =	shalt  }
0x61: {  	_ =	shalt  }
0x62: {  	_ =	shalt  }
0x63: {  	_ =	shalt  }
0x64: {  	_ =	shalt  }
0x65: {  	_ =	shalt  }
0x66: {  	_ =	shalt  }
0x67: {  	_ =	shalt  }
0x68: {  	_ =	shalt  }
0x69: {  	_ =	shalt  }
0x6a: {  	_ =	shalt  }
0x6b: {  	_ =	shalt  }
0x6c: {  	_ =	shalt  }
0x6d: {  	_ =	shalt  }
0x6e: {  	_ =	shalt  }
0x6f: {  	_ =	shalt  }
0x70: {  	_ =	shalt  }
0x71: {  	_ =	shalt  }
0x72: {  	_ =	shalt  }
0x73: {  	_ =	shalt  }
0x74: {  	_ =	shalt  }
0x75: {  	_ =	shalt  }
0x76: {  	_ =	shalt  }
0x77: {  	_ =	shalt  }
0x78: {  	_ =	shalt  }
0x79: {  	_ =	shalt  }
0x7a: {  	_ =	shalt  }
0x7b: {  	_ =	shalt  }
0x7c: {  	_ =	shalt  }
0x7d: {  	_ =	shalt  }
0x7e: {  	_ =	shalt  }
0x7f: {  	_ =	shalt  }
0x80: {  	_ =	shalt  }
0x81: {  	_ =	shalt  }
0x82: {  	_ =	shalt  }
0x83: {  	_ =	shalt  }
0x84: {  	_ =	shalt  }
0x85: {  	_ =	shalt  }
0x86: {  	_ =	shalt  }
0x87: {  	_ =	shalt  }
.Lfunc_end0:
.L_simem_size_0:
called_computation.2_lowered:
.L_overlay_start_0:
0x88: {  	s2 =	sld [smem:$0x3FD9]  }
0x89: {  	s3 =	sld [smem:$0x3FFE];
	_ =	sdelay $0x1  }
0x8a: {  	s1 =	srdreg.scid  }
0x8b: {  	s0 =	sand.u32 $0x1, s1  }
0x8c: {  	s16 =	sshll.u32 s0, $0xA;
	s2 =	sadd.s32 s3, s2  }
0x8d: {  	s2 =	sadd.s32 s2, s16  }
0x8e: {  	[smem:$0x3FBB] =	sst s2  }
0x8f: {  	_ = 	snop  }
0x90: {  	(tm) =	ssettm $0x1  }
0x91: {  	s17 =	sld [smem:$0x3FFB];
	_ =	sdelay $0x3  }
0x92: {  	_ =	strace s17  }
0x93: {  	s2 =	sld [smem:$0x3FFC];
	_ =	sdelay $0x3  }
0x94: {  	_ =	strace s2  }
0x95: {  	s2 =	sld [smem:$0x3FFD];
	_ =	sdelay $0x3  }
0x96: {  	_ =	strace s2  }
0x97: {  	_ =	strace $0x8FFFFFFF  }
0x98: {  	s18 =	sld [smem:$0x3FDB];
	_ =	sdelay $0x1  }
0x99: {  	s19 =	simm.s32 $_scs_section_size  }
0x9a: {  	s4 =	simm.s32 $_size__tile_overlayer_lowered;
	s5 =	simm.s32 $_tile_overlayer_lowered  }
0x9b: {  	s22 =	simm.s32 $0x1BFF;
	s21 =	sshll.u32 s5, $0x1;
	s2 =	sadd.s32 s19, s18  }
0x9c: {  	s6 =	simm.s32 $0x0;
	s20 =	sshll.u32 s4, $0x1;
	s4 =	sadd.s32 s21, s2  }
0x9d: {  	[timem:s6], [sflag:s22] =	dma.local [hbm:s4], s20  }
0x9e: {  	_ =	swait.ge [sflag:s22], s20  }
0x9f: {  	s3 =	ssub.s32 $0x0, s20;
	[sflag:s22] =	ssyncset.done $0x0  }
0xa0: {  	[sflag:s22] =	ssyncadd.s32 s3;
	_ =	sdelay $0x1  }
0xa1: {  	s23 =	simm.s32 $0x1B8B  }
0xa2: {  	_ =	swait.ge [sflag:s23], $0x1  }
0xa3: {  	[sflag:s23] =	ssyncset.done $0x0  }
0xa4: {  	s25 =	simm.s32 $0x1B8E;
	s24 =	sld [smem:$0x3FFE];
	[sflag:s23] =	ssyncadd.s32 $0xFFFFFFFF  }
0xa5: {  	s26 =	simm.s32 $execute0_lowered;
	[smem:$0x3FD2] =	sst s25  }
0xa6: {  	s4 =	sshll.u32 s26, $0x1;
	_ =	strace $0x8000004C;
	[dreg:$0x1] =	wrdreg $0xFFFFFFFF  }
0xa7: {  	s28 =	simm.s32 $_size_execute0_lowered;
	s2 =	sadd.s32 s2, s4;
	[dreg:$0x0] =	wrdreg $0x0  }
0xa8: {  	s4 =	sshll.u32 s28, $0x1;
	[dreg:$0x2] =	wrdreg s2  }
0xa9: {  	[dreg:$0x3] =	wrdreg s4  }
0xaa: {  	[dreg:$0x4] =	wrdreg $0xC0  }
0xab: {  	_ =	task [dreg:s6], $0x5FFFF  }
0xac: {  	[dreg:$0x1] =	wrdreg $0xFFFFFFFF  }
0xad: {  	[dreg:$0x0] =	wrdreg $0x60  }
0xae: {  	[dreg:$0x2] =	wrdreg s24  }
0xaf: {  	[dreg:$0x3] =	wrdreg $0x7F000  }
0xb0: {  	[dreg:$0x4] =	wrdreg $0x9  }
0xb1: {  	_ =	task.clear_ibuf [dreg:s6], $0x5FFFF;
	_ =	strace $0x9000004C  }
0xb2: {  	s29 =	simm.s32 $0x9;
	_ =	strace $0x8000004E  }
0xb3: {  	_ =	swait.ge [sflag:s29], $0x1  }
0xb4: {  	[sflag:s29] =	ssyncadd.s32 $0xFFFFFFFF  }
0xb5: {  	_ =	strace $0x9000004E  }
0xb6: {  	_ =	sfence  }
0xb7: {  	s30 =	sld [smem:$0x0];
	_ =	sdelay $0x2  }
0xb8: {  	s31 =	sshll.u32 s1, $0xD;
	s1 =	sshrl.u32 s1, $0x2  }
0xb9: {  	s3 =	sand.u32 $0x4000, s31;
	s1 =	sadd.s32 s1, s30  }
0xba: {  	s0 =	sor.u32 s3, s0;
	s1 =	sshll.u32 s1, $0x11  }
0xbb: {  	s0 =	sor.u32 s1, s0  }
0xbc: {  	s0 =	sadd.s32 $0x8F2B, s0  }
0xbd: {  	[sflag:s0] =	ssyncadd.remote.s32 $0x1  }
0xbe: {  	_ =	sfence.sel $0xFFFF  }
0xbf: {  	[dreg:$0x0] =	wrdreg $0xFFFFFFFF;
	(pc) =	sbr.abs _section_cstart, $3  }
0xc0: {  	[dreg:$0x1] =	wrdreg $0xFFFFFFFF  }
0xc1: {  	_ =	task.clear_ibuf [dreg:s6], $0x2FFFF;
	_ =	strace $0x9FFFFFFF  }
0xc2: {  	(tm) =	ssettm $0x7FFFFFFF  }
0xc3: {  	_ =	shalt  }
tec
execute0_lowered:
.L_overlay_start_1:
0x0: {  	(tag) =	ssettag $0x1  }
0x1: {  	s0 =	srdreg.scid;
	s6 =	rddreg [dreg:$0x0]  }
0x2: {  	s2 =	rddreg [dreg:$0x1];
	s31 =	stileid.u32;
	s3 =	simm.s32 $0x0  }
0x3: {  	s22 =	simm.s32 $0x80;
	s23 =	simm.s32 $0x4F00;
	s24 =	simm.s32 $0x5F00  }
0x4: {  	s25 =	simm.s32 $0x1;
	s26 =	simm.s32 $0x2;
	s28 =	simm.s32 $0x0  }
0x5: {  	s9 =	sand.u32 $0x1, s0;
	[smem:$0x7FF] =	sst s3;
	s12 =	smul.u32 $0x5000, s31  }
0x6: {  	s17 =	sadd.s32 $0x25400, s6;
	s4 =	sshll.u32 s9, $0x4;
	_ =	strace $0x8000004D  }
0x7: {  	s8 =	ssub.s32 $0x2, s9;
	s19 =	smul.u32 $0x50000, s9;
	s4 =	sor.u32 s31, s4  }
0x8: {  	s10 =	sshrl.u32 s8, $0x1;
	s13 =	sadd.s32 $0x1000, s12;
	s15 =	sadd.s32 $0x2000, s12  }
0x9: {  	s16 =	sadd.s32 $0x3000, s12;
	s20 =	sadd.s32 $0x4000, s12;
	s5 =	smul.u32 $0x4F0, s4  }
0xa: {  	s4 =	sadd.s32 $0x1B400, s6;
	s18 =	ssub.s32 s8, s10;
	s8 =	sadd.s32 s12, s2  }
0xb: {  	s9 =	sadd.s32 s13, s2;
	s10 =	sadd.s32 s15, s2;
	s11 =	sadd.s32 s16, s2  }
0xc: {  	s14 =	sadd.s32 s12, s19;
	s13 =	sadd.s32 s19, s13;
	s12 =	sadd.s32 s20, s2  }
0xd: {  	s15 =	sadd.s32 s19, s15;
	s16 =	sadd.s32 s19, s16;
	s19 =	sadd.s32 s19, s20  }
0xe: {  	s20 =	simm.s32 $0x2780;
	s14 =	sshrl.u32 s14, $0x3;
	s21 =	sshrl.u32 s13, $0x3  }
0xf: {  	s15 =	sshrl.u32 s15, $0x3;
	s16 =	sshrl.u32 s16, $0x3;
	s19 =	sshrl.u32 s19, $0x3  }
0x10: {  	s18 =	smax.u32 s18, $0x1;
	s7 =	sadd.s32 s5, s6;
	s5 =	sadd.s32 $0xC400, s6  }
0x11: {  	s13 =	sadd.s32 s17, s14;
	s14 =	sadd.s32 s17, s21;
	s15 =	sadd.s32 s17, s15  }
0x12: {  	s16 =	sadd.s32 s17, s16;
	s17 =	sadd.s32 s17, s19;
	s19 =	simm.s32 $0x3  }
0x13: {  	s21 =	simm.s32 $0x6F00;
	s6 =	sadd.s32 $0x11600, s7;
	s7 =	sadd.s32 $0x2400, s7  }
.LBB2_1:
0x14: {  	[tilespmem:s3], [sflag:$0x3] =	stream.linear.gather [hbm4b:s6+s3], $0x2780, $0x38;
	[tilespmem:$0xCF00] =	vst v63  }
0x15: {  	_ =	swait.ge [sflag:s19], $0x2780  }
0x16: {  	[sflag:s19] =	ssyncset.done $0x0  }
0x17: {  	[sflag:s19] =	ssyncadd.s32 $0xFFFFD880  }
0x18: {  	[tilespmem:s20], [sflag:$0x3] =	stream.linear.gather [hbm4b:s7+s3], $0x2780, $0x38;
	[tilespmem:$0xCF00] =	vst v63  }
0x19: {  	_ =	swait.ge [sflag:s19], $0x2780  }
0x1a: {  	[sflag:s19] =	ssyncset.done $0x0  }
0x1b: {  	[sflag:s19] =	ssyncadd.s32 $0xFFFFD880  }
0x1c: {  	[tilespmem:s21], [sflag:$0x3] =	stream.linear.gather [hbm4b:s5+s3], $0x1000, $0x38;
	[tilespmem:$0xCF00] =	vst v63  }
0x1d: {  	_ =	swait.ge [sflag:s19], $0x1000  }
0x1e: {  	[sflag:s19] =	ssyncset.done $0x0  }
0x1f: {  	[sflag:s19] =	ssyncadd.s32 $0xFFFFF000  }
0x20: {  	[spmem:s8] =	stream.linear.scatter [tilespmem:s21], [sflag:$0x3], $0x1000, $0x38;
	[tilespmem:$0xCF00] =	vst v63  }
0x21: {  	_ =	swait.ge [sflag:s19], $0x1000  }
0x22: {  	[sflag:s19] =	ssyncset.done $0x0  }
0x23: {  	[sflag:s19] =	ssyncadd.s32 $0xFFFFF000  }
0x24: {  	[spmem:s9] =	stream.linear.scatter [tilespmem:s21], [sflag:$0x3], $0x1000, $0x38;
	[tilespmem:$0xCF00] =	vst v63  }
0x25: {  	_ =	swait.ge [sflag:s19], $0x1000  }
0x26: {  	[sflag:s19] =	ssyncset.done $0x0  }
0x27: {  	[sflag:s19] =	ssyncadd.s32 $0xFFFFF000  }
0x28: {  	[spmem:s10] =	stream.linear.scatter [tilespmem:s21], [sflag:$0x3], $0x1000, $0x38;
	[tilespmem:$0xCF00] =	vst v63  }
0x29: {  	_ =	swait.ge [sflag:s19], $0x1000  }
0x2a: {  	[sflag:s19] =	ssyncset.done $0x0  }
0x2b: {  	[sflag:s19] =	ssyncadd.s32 $0xFFFFF000  }
0x2c: {  	[spmem:s11] =	stream.linear.scatter [tilespmem:s21], [sflag:$0x3], $0x1000, $0x38;
	[tilespmem:$0xCF00] =	vst v63  }
0x2d: {  	_ =	swait.ge [sflag:s19], $0x1000  }
0x2e: {  	[sflag:s19] =	ssyncset.done $0x0  }
0x2f: {  	[sflag:s19] =	ssyncadd.s32 $0xFFFFF000  }
0x30: {  	[spmem:s12] =	stream.linear.scatter [tilespmem:s21], [sflag:$0x3], $0x1000, $0x38;
	[tilespmem:$0xCF00] =	vst v63  }
0x31: {  	_ =	swait.ge [sflag:s19], $0x1000  }
0x32: {  	[sflag:s19] =	ssyncset.done $0x0  }
0x33: {  	[sflag:s19] =	ssyncadd.s32 $0xFFFFF000  }
0x34: {  	[bflag:$0x0] =	sbarrier.arrive $0xFFFF  }
0x35: {  	[tilespmem:s23], [sflag:$0x1] =	stream.indirect.gather [hbm4b:s4+s22], $0x20, s3, s22, $0xb8;
	[tilespmem:$0xCF00] =	vst v63  }
0x36: {  	_ =	swait.ge [sflag:s25], $0x1000  }
0x37: {  	[sflag:s25] =	ssyncset.done $0x0  }
0x38: {  	[sflag:s25] =	ssyncadd.s32 $0xFFFFF000  }
0x39: {  	[tilespmem:s24], [sflag:$0x1] =	stream.indirect.gather [hbm4b:s4+s22], $0x20, s22, s22, $0xb8;
	[tilespmem:$0xCF00] =	vst v63  }
0x3a: {  	s29 =	simm.s32 $0x1  }
0x3b: {  	[spmem:s2] =	stream.indirect.scatter.add.f32 [tilespmem:s23], [sflag:$0x2], $0x20, s20, s22, $0xb8;
	[tilespmem:$0xCF00] =	vst v63  }
.LBB2_2:
0x3c: {  	_ =	swait.ge [sflag:s25], $0x1000  }
0x3d: {  	s30 =	smov.u32 s29;
	p0 =	seq.s32 s29, $0x4E;
	[sflag:s25] =	ssyncset.done $0x0  }
0x3e: {  	s29 =	sadd.s32 @!p0 $0x1, s29;
	s1 =	simm.s32 @!p0 $0x80;
	[sflag:s25] =	ssyncadd.s32 $0xFFFFF000  }
0x3f: {  	s31 =	sshll.u32 @!p0 s29, $0xC;
	s0 =	sshll.u32 @!p0 s29, $0x7;
	_ =	swait.ge [sflag:s26], $0x1000  }
0x40: {  	s29 =	simm.s32 @p0 $0x4F;
	s31 =	sand.u32 @!p0 $0x1000, s31;
	[sflag:s26] =	ssyncset.done $0x0  }
0x41: {  	s0 =	sand.u32 @!p0 $0x3FFFFF80, s0;
	s31 =	sor.u32 @!p0 $0x4F00, s31;
	[sflag:s26] =	ssyncadd.s32 $0xFFFFF000  }
0x42: {  	[tilespmem:s31], [sflag:$0x1] =	stream.indirect.gather @!p0 [hbm4b:s4+s1], $0x20, s0, s1, $0xb8;
	[tilespmem:$0xCF00] =	vst v63  }
0x43: {  	p0 =	sne.s32 s29, $0x4F  }
.Ltmp0:
0x44: {  	_ = 	snop;
	(pc) =	sbr.rel @p0 .LBB2_2-.Ltmp0, $4  }
0x45: {  	s1 =	sshll.u32 s30, $0xC;
	s31 =	sshll.u32 s30, $0x7  }
0x46: {  	s0 =	sand.u32 $0x1000, s1;
	s1 =	sand.u32 $0x3FFFFF80, s31  }
0x47: {  	s0 =	sor.u32 $0x4F00, s0;
	s1 =	sadd.s32 $0x2780, s1  }
0x48: {  	[spmem:s2] =	stream.indirect.scatter.add.f32 [tilespmem:s0], [sflag:$0x2], $0x20, s1, s22, $0xb8;
	[tilespmem:$0xCF00] =	vst v63  }
0x49: {  	_ =	swait.ge [sflag:s26], $0x1000  }
0x4a: {  	[sflag:s26] =	ssyncset.done $0x0  }
0x4b: {  	[sflag:s26] =	ssyncadd.s32 $0xFFFFF000  }
0x4c: {  	[bflag:$0x0] =	sbarrier.arrive $0xFFFF  }
0x4d: {  	[tilespmem:s21], [sflag:$0x3] =	stream.linear.gather [spmem:s8], $0x1000, $0x38;
	[tilespmem:$0xCF00] =	vst v63  }
0x4e: {  	_ =	swait.ge [sflag:s19], $0x1000  }
0x4f: {  	[sflag:s19] =	ssyncset.done $0x0  }
0x50: {  	[sflag:s19] =	ssyncadd.s32 $0xFFFFF000  }
0x51: {  	[hbm4b:s13+s3] =	stream.linear.scatter [tilespmem:s21], [sflag:$0x3], $0x1000, $0x38;
	[tilespmem:$0xCF00] =	vst v63  }
0x52: {  	_ =	swait.ge [sflag:s19], $0x1000  }
0x53: {  	[sflag:s19] =	ssyncset.done $0x0  }
0x54: {  	[sflag:s19] =	ssyncadd.s32 $0xFFFFF000  }
0x55: {  	[tilespmem:s21], [sflag:$0x3] =	stream.linear.gather [spmem:s9], $0x1000, $0x38;
	[tilespmem:$0xCF00] =	vst v63  }
0x56: {  	_ =	swait.ge [sflag:s19], $0x1000  }
0x57: {  	[sflag:s19] =	ssyncset.done $0x0  }
0x58: {  	[sflag:s19] =	ssyncadd.s32 $0xFFFFF000  }
0x59: {  	[hbm4b:s14+s3] =	stream.linear.scatter [tilespmem:s21], [sflag:$0x3], $0x1000, $0x38;
	[tilespmem:$0xCF00] =	vst v63  }
0x5a: {  	_ =	swait.ge [sflag:s19], $0x1000  }
0x5b: {  	[sflag:s19] =	ssyncset.done $0x0  }
0x5c: {  	[sflag:s19] =	ssyncadd.s32 $0xFFFFF000  }
0x5d: {  	[tilespmem:s21], [sflag:$0x3] =	stream.linear.gather [spmem:s10], $0x1000, $0x38;
	[tilespmem:$0xCF00] =	vst v63  }
0x5e: {  	_ =	swait.ge [sflag:s19], $0x1000  }
0x5f: {  	[sflag:s19] =	ssyncset.done $0x0  }
0x60: {  	[sflag:s19] =	ssyncadd.s32 $0xFFFFF000  }
0x61: {  	[hbm4b:s15+s3] =	stream.linear.scatter [tilespmem:s21], [sflag:$0x3], $0x1000, $0x38;
	[tilespmem:$0xCF00] =	vst v63  }
0x62: {  	_ =	swait.ge [sflag:s19], $0x1000  }
0x63: {  	[sflag:s19] =	ssyncset.done $0x0  }
0x64: {  	[sflag:s19] =	ssyncadd.s32 $0xFFFFF000  }
0x65: {  	[tilespmem:s21], [sflag:$0x3] =	stream.linear.gather [spmem:s11], $0x1000, $0x38;
	[tilespmem:$0xCF00] =	vst v63  }
0x66: {  	_ =	swait.ge [sflag:s19], $0x1000  }
0x67: {  	[sflag:s19] =	ssyncset.done $0x0  }
0x68: {  	[sflag:s19] =	ssyncadd.s32 $0xFFFFF000  }
0x69: {  	[hbm4b:s16+s3] =	stream.linear.scatter [tilespmem:s21], [sflag:$0x3], $0x1000, $0x38;
	[tilespmem:$0xCF00] =	vst v63  }
0x6a: {  	_ =	swait.ge [sflag:s19], $0x1000  }
0x6b: {  	[sflag:s19] =	ssyncset.done $0x0  }
0x6c: {  	[sflag:s19] =	ssyncadd.s32 $0xFFFFF000  }
0x6d: {  	[tilespmem:s21], [sflag:$0x3] =	stream.linear.gather [spmem:s12], $0x1000, $0x38;
	[tilespmem:$0xCF00] =	vst v63  }
0x6e: {  	s28 =	sadd.s32 $0x1, s28;
	_ =	swait.ge [sflag:s19], $0x1000  }
0x6f: {  	p0 =	sne.s32 s28, s18;
	[sflag:s19] =	ssyncset.done $0x0  }
.Ltmp1:
0x70: {  	[sflag:s19] =	ssyncadd.s32 $0xFFFFF000;
	(pc) =	sbr.rel @p0 .LBB2_1-.Ltmp1, $4  }
0x71: {  	[hbm4b:s17+s3] =	stream.linear.scatter [tilespmem:s21], [sflag:$0x3], $0x1000, $0x38;
	[tilespmem:$0xCF00] =	vst v63  }
0x72: {  	_ =	swait.ge [sflag:s19], $0x1000  }
0x73: {  	[sflag:s19] =	ssyncset.done $0x0  }
0x74: {  	[sflag:s19] =	ssyncadd.s32 $0xFFFFF000  }
0x75: {  	_ =	sfence.sel $0x180000  }
0x76: {  	[bflag:$0x0] =	sbarrier.arrive $0xFFFF  }
0x77: {  	_ =	strace $0x9000004D  }
0x78: {  	s0 =	stileid.u32;
	[bflag:$0x2] =	sbarrier.arrive $0xFFFF  }
0x79: {  	p0 =	sne.s32 s0, $0x0;
	s0 =	rddreg [dreg:$0x2]  }
0x7a: {  	s0 =	sadd.s32 @!p0 $0x100000, s0  }
0x7b: {  	[sflag:s0] =	ssyncadd.tile.s32 @!p0 $0x1;
	_ =	shalt  }
.Lfunc_end2:
_tile_overlayer_lowered:
.L_overlay_start_2:
0x7c: {  	(tag) =	ssettag $0x2  }
0x7d: {  	s0 =	rddreg [dreg:$0x0];
	s2 =	stileid.u32  }
0x7e: {  	s1 =	rddreg [dreg:$0x1];
	p0 =	sne.s32 s2, $0x0  }
0x7f: {  	s3 =	rddreg [dreg:$0x2];
	[bflag:$0x3] =	sbarrier.arrive $0xFFFF;
	s2 =	simm.s32 @!p0 $0x1C03  }
0x80: {  	[timem:s3], [sflag:s2] =	dma.local @!p0 [hbm:s0], s1  }
0x81: {  	s0 =	simm.s32 @!p0 $0x3  }
0x82: {  	_ =	swait.ge @!p0 [sflag:s0], s1  }
0x83: {  	s1 =	ssub.s32 @!p0 $0x0, s1;
	[sflag:s0] =	ssyncset.done @!p0 $0x0  }
0x84: {  	[sflag:s0] =	ssyncadd.s32 @!p0 s1  }
0x85: {  	[bflag:$0x3] =	sbarrier.arrive $0xFFFF  }
0x86: {  	_ =	shalt  }

// kernel: kernel.21.cloned.1.call-start
scs
__scs_entry_jumppad:
0x0: {  	(pc) =	sbr.rel $0x88, $3  }
0x1: {  	(tag) =	ssettag $0x0;
	lr =	simm.s32 $0x1  }
0x2: {  	[smem:$0x3F94] =	sst lr;
	_ =	strace $0xD0000000  }
0x3: {  	_ = 	snop  }
0x4: {  	_ = 	snop  }
0x5: {  	_ = 	snop  }
0x6: {  	_ = 	snop  }
0x7: {  	_ = 	snop  }
__scs_overlays_trampoline_lowered:
0x8: {  	[smem:$0x3FA3] =	sst s0  }
0x9: {  	[smem:$0x3FA4] =	sst s1  }
0xa: {  	[smem:$0x3FA5] =	sst s2  }
0xb: {  	[smem:$0x3FA6] =	sst s3  }
0xc: {  	[smem:$0x3FA7] =	sst s4  }
0xd: {  	[smem:$0x3FA8] =	sst s5  }
0xe: {  	[smem:$0x3FA9] =	sst s6  }
0xf: {  	[smem:$0x3FAA] =	sst s7  }
0x10: {  	[smem:$0x3FAB] =	sst s8  }
0x11: {  	[smem:$0x3FAC] =	sst s9;
	s0 =	simm.s32 @!p0 $0x0  }
0x12: {  	s1 =	sld [smem:$0x3F92];
	s0 =	simm.s32 @p0 $0x1  }
0x13: {  	[smem:$0x3FAD] =	sst s0;
	s0 =	simm.s32 @!p1 $0x0  }
0x14: {  	s2 =	sld [smem:$0x3F91];
	s0 =	simm.s32 @p1 $0x1  }
0x15: {  	[smem:$0x3FAE] =	sst s0;
	s0 =	simm.s32 @!p2 $0x0  }
0x16: {  	s3 =	sld [smem:$0x3FDB];
	s0 =	simm.s32 @p2 $0x1  }
0x17: {  	s4 =	simm.s32 $0x1BF5;
	[smem:$0x3FB0] =	sst s0  }
0x18: {  	s0 =	sld [smem:$0x3F93];
	_ =	swait.ge [sflag:s4], $0x0  }
0x19: {  	s7 =	sld [smem:$0x3F94]  }
0x1a: {  	s8 =	sadd.s32 $0xFFFFE003, lr  }
0x1b: {  	s9 =	sadd.s32 $0xFFFFFEF7, lr;
	s5 =	simm.s32 $0xFFFFFFFF;
	p2 =	slt.u32 s8, $0xFFFFF086  }
0x1c: {  	p1 =	slt.u32 s9, $0xF7A;
	s5 =	simm.s32 @!p2 $0x0  }
0x1d: {  	s5 =	simm.s32 @p1 $0x1;
	p0 =	seq.s32 s7, s2  }
0x1e: {  	s7 =	smul.u32 @!p0 $0xF7A, s2;
	p2 =	seq.s32 @!p0 s5, $0x0  }
0x1f: {  	s9 =	smul.u32 $0xF7A, s1;
	s8 =	simm.s32 @!p0 $0x1BF5;
	p2 =	por !p2, p0  }
0x20: {  	[sflag:s8] =	ssyncset.s32 @!p0 $0xFFFFF086;
	s6 =	sadd.s32 @!p0 s3, s7;
	s7 =	simm.s32 @!p0 $0x108  }
0x21: {  	s3 =	sadd.s32 s3, s9;
	s6 =	sadd.s32 @!p0 $0x88, s6;
	s7 =	simm.s32 @p2 $0x1082  }
0x22: {  	[simem:s7], [sflag:s8] =	dma.local @!p0 [hbm:s6], $0xF7A  }
0x23: {  	s9 =	sor.u32 $0xD0000000, s2;
	s6 =	simm.s32 $0x108;
	_ =	swait.ge @!p0 [sflag:s8], $0x0  }
0x24: {  	s3 =	sadd.s32 $0x88, s3;
	s6 =	simm.s32 @!p1 $0x1082;
	[sflag:s4] =	ssyncset.s32 $0xFFFFF086  }
0x25: {  	[simem:s6], [sflag:s4] =	dma.local [hbm:s3], $0xF7A  }
0x26: {  	[smem:$0x3F94] =	sst s1;
	(tag) =	ssettag s2;
	_ =	strace s9  }
0x27: {  	s1 =	sld [smem:$0x3FA4]  }
0x28: {  	s2 =	sld [smem:$0x3FA5]  }
0x29: {  	s4 =	sld [smem:$0x3FA7]  }
0x2a: {  	p0 =	seq.s32 s5, $0x0;
	s5 =	sld [smem:$0x3FA8]  }
0x2b: {  	s6 =	sld [smem:$0x3FA9]  }
0x2c: {  	s7 =	sld [smem:$0x3FAA]  }
0x2d: {  	s3 =	simm.s32 $0x108;
	s8 =	sld [smem:$0x3FAB]  }
0x2e: {  	s3 =	simm.s32 @!p0 $0x1082;
	s9 =	sld [smem:$0x3FAC]  }
0x2f: {  	lr =	sadd.s32 s0, s3;
	s0 =	sld [smem:$0x3FA3]  }
0x30: {  	s3 =	sld [smem:$0x3FA6]  }
0x31: {  	[smem:$0x3FAF] =	sst s10  }
0x32: {  	s10 =	sld [smem:$0x3FAD];
	_ =	sdelay $0x3  }
0x33: {  	p0 =	seq.s32 s10, $0x1;
	s10 =	sld [smem:$0x3FAF];
	_ =	sdelay $0x3  }
0x34: {  	[smem:$0x3FAF] =	sst s10  }
0x35: {  	s10 =	sld [smem:$0x3FAE];
	_ =	sdelay $0x3  }
0x36: {  	p1 =	seq.s32 s10, $0x1;
	s10 =	sld [smem:$0x3FAF];
	_ =	sdelay $0x3  }
0x37: {  	[smem:$0x3FAF] =	sst s10  }
0x38: {  	s10 =	sld [smem:$0x3FB0]  }
0x39: {  	_ = 	snop;
	(pc) =	sbr.ind lr, $3  }
0x3a: {  	_ = 	snop  }
0x3b: {  	_ = 	snop  }
0x3c: {  	p2 =	seq.s32 s10, $0x1;
	s10 =	sld [smem:$0x3FAF]  }
0x3d: {  	_ =	shalt  }
0x3e: {  	_ =	shalt  }
0x3f: {  	_ =	shalt  }
0x40: {  	_ =	shalt  }
0x41: {  	_ =	shalt  }
0x42: {  	_ =	shalt  }
0x43: {  	_ =	shalt  }
0x44: {  	_ =	shalt  }
0x45: {  	_ =	shalt  }
0x46: {  	_ =	shalt  }
0x47: {  	_ =	shalt  }
0x48: {  	_ =	shalt  }
0x49: {  	_ =	shalt  }
0x4a: {  	_ =	shalt  }
0x4b: {  	_ =	shalt  }
0x4c: {  	_ =	shalt  }
0x4d: {  	_ =	shalt  }
0x4e: {  	_ =	shalt  }
0x4f: {  	_ =	shalt  }
0x50: {  	_ =	shalt  }
0x51: {  	_ =	shalt  }
0x52: {  	_ =	shalt  }
0x53: {  	_ =	shalt  }
0x54: {  	_ =	shalt  }
0x55: {  	_ =	shalt  }
0x56: {  	_ =	shalt  }
0x57: {  	_ =	shalt  }
0x58: {  	_ =	shalt  }
0x59: {  	_ =	shalt  }
0x5a: {  	_ =	shalt  }
0x5b: {  	_ =	shalt  }
0x5c: {  	_ =	shalt  }
0x5d: {  	_ =	shalt  }
0x5e: {  	_ =	shalt  }
0x5f: {  	_ =	shalt  }
0x60: {  	_ =	shalt  }
0x61: {  	_ =	shalt  }
0x62: {  	_ =	shalt  }
0x63: {  	_ =	shalt  }
0x64: {  	_ =	shalt  }
0x65: {  	_ =	shalt  }
0x66: {  	_ =	shalt  }
0x67: {  	_ =	shalt  }
0x68: {  	_ =	shalt  }
0x69: {  	_ =	shalt  }
0x6a: {  	_ =	shalt  }
0x6b: {  	_ =	shalt  }
0x6c: {  	_ =	shalt  }
0x6d: {  	_ =	shalt  }
0x6e: {  	_ =	shalt  }
0x6f: {  	_ =	shalt  }
0x70: {  	_ =	shalt  }
0x71: {  	_ =	shalt  }
0x72: {  	_ =	shalt  }
0x73: {  	_ =	shalt  }
0x74: {  	_ =	shalt  }
0x75: {  	_ =	shalt  }
0x76: {  	_ =	shalt  }
0x77: {  	_ =	shalt  }
0x78: {  	_ =	shalt  }
0x79: {  	_ =	shalt  }
0x7a: {  	_ =	shalt  }
0x7b: {  	_ =	shalt  }
0x7c: {  	_ =	shalt  }
0x7d: {  	_ =	shalt  }
0x7e: {  	_ =	shalt  }
0x7f: {  	_ =	shalt  }
0x80: {  	_ =	shalt  }
0x81: {  	_ =	shalt  }
0x82: {  	_ =	shalt  }
0x83: {  	_ =	shalt  }
0x84: {  	_ =	shalt  }
0x85: {  	_ =	shalt  }
0x86: {  	_ =	shalt  }
0x87: {  	_ =	shalt  }
.Lfunc_end0:
.L_simem_size_0:
called_computation.3_lowered:
.L_overlay_start_0:
0x88: {  	s2 =	sld [smem:$0x3FD9]  }
0x89: {  	s3 =	sld [smem:$0x3FFE];
	_ =	sdelay $0x1  }
0x8a: {  	s1 =	srdreg.scid  }
0x8b: {  	s0 =	sand.u32 $0x1, s1  }
0x8c: {  	s16 =	sshll.u32 s0, $0xA;
	s2 =	sadd.s32 s3, s2  }
0x8d: {  	s2 =	sadd.s32 s2, s16  }
0x8e: {  	[smem:$0x3FBB] =	sst s2  }
0x8f: {  	_ = 	snop  }
0x90: {  	(tm) =	ssettm $0x1  }
0x91: {  	s17 =	sld [smem:$0x3FFB];
	_ =	sdelay $0x3  }
0x92: {  	_ =	strace s17  }
0x93: {  	s2 =	sld [smem:$0x3FFC];
	_ =	sdelay $0x3  }
0x94: {  	_ =	strace s2  }
0x95: {  	s2 =	sld [smem:$0x3FFD];
	_ =	sdelay $0x3  }
0x96: {  	_ =	strace s2  }
0x97: {  	_ =	strace $0x8FFFFFFF  }
0x98: {  	s18 =	sld [smem:$0x3FDB];
	_ =	sdelay $0x1  }
0x99: {  	s19 =	simm.s32 $_scs_section_size  }
0x9a: {  	s4 =	simm.s32 $_size__tile_overlayer_lowered;
	s5 =	simm.s32 $_tile_overlayer_lowered  }
0x9b: {  	s22 =	simm.s32 $0x1BFF;
	s21 =	sshll.u32 s5, $0x1;
	s2 =	sadd.s32 s19, s18  }
0x9c: {  	s6 =	simm.s32 $0x0;
	s20 =	sshll.u32 s4, $0x1;
	s4 =	sadd.s32 s21, s2  }
0x9d: {  	[timem:s6], [sflag:s22] =	dma.local [hbm:s4], s20  }
0x9e: {  	_ =	swait.ge [sflag:s22], s20  }
0x9f: {  	s3 =	ssub.s32 $0x0, s20;
	[sflag:s22] =	ssyncset.done $0x0  }
0xa0: {  	[sflag:s22] =	ssyncadd.s32 s3;
	_ =	sdelay $0x1  }
0xa1: {  	s23 =	simm.s32 $0x1B8B  }
0xa2: {  	_ =	swait.ge [sflag:s23], $0x1  }
0xa3: {  	[sflag:s23] =	ssyncset.done $0x0  }
0xa4: {  	s25 =	simm.s32 $0x1B8E;
	s24 =	sld [smem:$0x3FFE];
	[sflag:s23] =	ssyncadd.s32 $0xFFFFFFFF  }
0xa5: {  	s26 =	simm.s32 $execute0_lowered;
	[smem:$0x3FD2] =	sst s25  }
0xa6: {  	s4 =	sshll.u32 s26, $0x1;
	_ =	strace $0x8000004F;
	[dreg:$0x1] =	wrdreg $0xFFFFFFFF  }
0xa7: {  	s28 =	simm.s32 $_size_execute0_lowered;
	s2 =	sadd.s32 s2, s4;
	[dreg:$0x0] =	wrdreg $0x0  }
0xa8: {  	s4 =	sshll.u32 s28, $0x1;
	[dreg:$0x2] =	wrdreg s2  }
0xa9: {  	[dreg:$0x3] =	wrdreg s4  }
0xaa: {  	[dreg:$0x4] =	wrdreg $0xC0  }
0xab: {  	_ =	task [dreg:s6], $0x5FFFF  }
0xac: {  	[dreg:$0x1] =	wrdreg $0xFFFFFFFF  }
0xad: {  	[dreg:$0x0] =	wrdreg $0x60  }
0xae: {  	[dreg:$0x2] =	wrdreg s24  }
0xaf: {  	[dreg:$0x3] =	wrdreg $0x67000  }
0xb0: {  	[dreg:$0x4] =	wrdreg $0x9  }
0xb1: {  	_ =	task.clear_ibuf [dreg:s6], $0x5FFFF;
	_ =	strace $0x9000004F  }
0xb2: {  	s29 =	simm.s32 $0x9;
	_ =	strace $0x80000051  }
0xb3: {  	_ =	swait.ge [sflag:s29], $0x1  }
0xb4: {  	[sflag:s29] =	ssyncadd.s32 $0xFFFFFFFF  }
0xb5: {  	_ =	strace $0x90000051  }
0xb6: {  	_ =	sfence  }
0xb7: {  	s30 =	sld [smem:$0x0];
	_ =	sdelay $0x2  }
0xb8: {  	s31 =	sshll.u32 s1, $0xD;
	s1 =	sshrl.u32 s1, $0x2  }
0xb9: {  	s3 =	sand.u32 $0x4000, s31;
	s1 =	sadd.s32 s1, s30  }
0xba: {  	s0 =	sor.u32 s3, s0;
	s1 =	sshll.u32 s1, $0x11  }
0xbb: {  	s0 =	sor.u32 s1, s0  }
0xbc: {  	s0 =	sadd.s32 $0x8F2B, s0  }
0xbd: {  	[sflag:s0] =	ssyncadd.remote.s32 $0x1  }
0xbe: {  	_ =	sfence.sel $0xFFFF  }
0xbf: {  	[dreg:$0x0] =	wrdreg $0xFFFFFFFF;
	(pc) =	sbr.abs _section_cstart, $3  }
0xc0: {  	[dreg:$0x1] =	wrdreg $0xFFFFFFFF  }
0xc1: {  	_ =	task.clear_ibuf [dreg:s6], $0x2FFFF;
	_ =	strace $0x9FFFFFFF  }
0xc2: {  	(tm) =	ssettm $0x7FFFFFFF  }
0xc3: {  	_ =	shalt  }
tec
execute0_lowered:
.L_overlay_start_1:
0x0: {  	(tag) =	ssettag $0x1  }
0x1: {  	s0 =	srdreg.scid;
	s6 =	rddreg [dreg:$0x0]  }
0x2: {  	s2 =	rddreg [dreg:$0x1];
	s31 =	stileid.u32;
	s3 =	simm.s32 $0x0  }
0x3: {  	s22 =	simm.s32 $0x80;
	s23 =	simm.s32 $0x4F00;
	s24 =	simm.s32 $0x5700  }
0x4: {  	s25 =	simm.s32 $0x1;
	s26 =	simm.s32 $0x2;
	s28 =	simm.s32 $0x0  }
0x5: {  	s9 =	sand.u32 $0x1, s0;
	[smem:$0x7FF] =	sst s3;
	s12 =	smul.u32 $0x2800, s31  }
0x6: {  	s17 =	sadd.s32 $0x1B400, s6;
	s4 =	sshll.u32 s9, $0x4;
	_ =	strace $0x80000050  }
0x7: {  	s8 =	ssub.s32 $0x2, s9;
	s19 =	smul.u32 $0x28000, s9;
	s4 =	sor.u32 s31, s4  }
0x8: {  	s10 =	sshrl.u32 s8, $0x1;
	s13 =	sadd.s32 $0x800, s12;
	s15 =	sadd.s32 $0x1000, s12  }
0x9: {  	s16 =	sadd.s32 $0x1800, s12;
	s20 =	sadd.s32 $0x2000, s12;
	s5 =	smul.u32 $0x4F0, s4  }
0xa: {  	s4 =	sadd.s32 $0xC400, s6;
	s18 =	ssub.s32 s8, s10;
	s8 =	sadd.s32 s12, s2  }
0xb: {  	s9 =	sadd.s32 s13, s2;
	s10 =	sadd.s32 s15, s2;
	s11 =	sadd.s32 s16, s2  }
0xc: {  	s14 =	sadd.s32 s12, s19;
	s13 =	sadd.s32 s19, s13;
	s12 =	sadd.s32 s20, s2  }
0xd: {  	s15 =	sadd.s32 s19, s15;
	s16 =	sadd.s32 s19, s16;
	s19 =	sadd.s32 s19, s20  }
0xe: {  	s20 =	simm.s32 $0x2780;
	s14 =	sshrl.u32 s14, $0x3;
	s21 =	sshrl.u32 s13, $0x3  }
0xf: {  	s15 =	sshrl.u32 s15, $0x3;
	s16 =	sshrl.u32 s16, $0x3;
	s19 =	sshrl.u32 s19, $0x3  }
0x10: {  	s18 =	smax.u32 s18, $0x1;
	s7 =	sadd.s32 s5, s6;
	s5 =	sadd.s32 $0x11400, s6  }
0x11: {  	s13 =	sadd.s32 s17, s14;
	s14 =	sadd.s32 s17, s21;
	s15 =	sadd.s32 s17, s15  }
0x12: {  	s16 =	sadd.s32 s17, s16;
	s17 =	sadd.s32 s17, s19;
	s19 =	simm.s32 $0x3  }
0x13: {  	s21 =	simm.s32 $0x5F00;
	s6 =	sadd.s32 $0x11600, s7;
	s7 =	sadd.s32 $0x2400, s7  }
.LBB2_1:
0x14: {  	[tilespmem:s3], [sflag:$0x3] =	stream.linear.gather [hbm4b:s6+s3], $0x2780, $0x38;
	[tilespmem:$0x8F00] =	vst v63  }
0x15: {  	_ =	swait.ge [sflag:s19], $0x2780  }
0x16: {  	[sflag:s19] =	ssyncset.done $0x0  }
0x17: {  	[sflag:s19] =	ssyncadd.s32 $0xFFFFD880  }
0x18: {  	[tilespmem:s20], [sflag:$0x3] =	stream.linear.gather [hbm4b:s7+s3], $0x2780, $0x38;
	[tilespmem:$0x8F00] =	vst v63  }
0x19: {  	_ =	swait.ge [sflag:s19], $0x2780  }
0x1a: {  	[sflag:s19] =	ssyncset.done $0x0  }
0x1b: {  	[sflag:s19] =	ssyncadd.s32 $0xFFFFD880  }
0x1c: {  	[tilespmem:s21], [sflag:$0x3] =	stream.linear.gather [hbm4b:s5+s3], $0x800, $0x38;
	[tilespmem:$0x8F00] =	vst v63  }
0x1d: {  	_ =	swait.ge [sflag:s19], $0x800  }
0x1e: {  	[sflag:s19] =	ssyncset.done $0x0  }
0x1f: {  	[sflag:s19] =	ssyncadd.s32 $0xFFFFF800  }
0x20: {  	[spmem:s8] =	stream.linear.scatter [tilespmem:s21], [sflag:$0x3], $0x800, $0x38;
	[tilespmem:$0x8F00] =	vst v63  }
0x21: {  	_ =	swait.ge [sflag:s19], $0x800  }
0x22: {  	[sflag:s19] =	ssyncset.done $0x0  }
0x23: {  	[sflag:s19] =	ssyncadd.s32 $0xFFFFF800  }
0x24: {  	[spmem:s9] =	stream.linear.scatter [tilespmem:s21], [sflag:$0x3], $0x800, $0x38;
	[tilespmem:$0x8F00] =	vst v63  }
0x25: {  	_ =	swait.ge [sflag:s19], $0x800  }
0x26: {  	[sflag:s19] =	ssyncset.done $0x0  }
0x27: {  	[sflag:s19] =	ssyncadd.s32 $0xFFFFF800  }
0x28: {  	[spmem:s10] =	stream.linear.scatter [tilespmem:s21], [sflag:$0x3], $0x800, $0x38;
	[tilespmem:$0x8F00] =	vst v63  }
0x29: {  	_ =	swait.ge [sflag:s19], $0x800  }
0x2a: {  	[sflag:s19] =	ssyncset.done $0x0  }
0x2b: {  	[sflag:s19] =	ssyncadd.s32 $0xFFFFF800  }
0x2c: {  	[spmem:s11] =	stream.linear.scatter [tilespmem:s21], [sflag:$0x3], $0x800, $0x38;
	[tilespmem:$0x8F00] =	vst v63  }
0x2d: {  	_ =	swait.ge [sflag:s19], $0x800  }
0x2e: {  	[sflag:s19] =	ssyncset.done $0x0  }
0x2f: {  	[sflag:s19] =	ssyncadd.s32 $0xFFFFF800  }
0x30: {  	[spmem:s12] =	stream.linear.scatter [tilespmem:s21], [sflag:$0x3], $0x800, $0x38;
	[tilespmem:$0x8F00] =	vst v63  }
0x31: {  	_ =	swait.ge [sflag:s19], $0x800  }
0x32: {  	[sflag:s19] =	ssyncset.done $0x0  }
0x33: {  	[sflag:s19] =	ssyncadd.s32 $0xFFFFF800  }
0x34: {  	[bflag:$0x0] =	sbarrier.arrive $0xFFFF  }
0x35: {  	[tilespmem:s23], [sflag:$0x1] =	stream.indirect.gather [hbm4b:s4+s22], $0x10, s3, s22, $0xb8;
	[tilespmem:$0x8F00] =	vst v63  }
0x36: {  	_ =	swait.ge [sflag:s25], $0x800  }
0x37: {  	[sflag:s25] =	ssyncset.done $0x0  }
0x38: {  	[sflag:s25] =	ssyncadd.s32 $0xFFFFF800  }
0x39: {  	[tilespmem:s24], [sflag:$0x1] =	stream.indirect.gather [hbm4b:s4+s22], $0x10, s22, s22, $0xb8;
	[tilespmem:$0x8F00] =	vst v63  }
0x3a: {  	s29 =	simm.s32 $0x1  }
0x3b: {  	[spmem:s2] =	stream.indirect.scatter.add.f32 [tilespmem:s23], [sflag:$0x2], $0x10, s20, s22, $0xb8;
	[tilespmem:$0x8F00] =	vst v63  }
.LBB2_2:
0x3c: {  	_ =	swait.ge [sflag:s25], $0x800  }
0x3d: {  	s30 =	smov.u32 s29;
	p0 =	seq.s32 s29, $0x4E;
	[sflag:s25] =	ssyncset.done $0x0  }
0x3e: {  	s29 =	sadd.s32 @!p0 $0x1, s29;
	s1 =	simm.s32 @!p0 $0x80;
	[sflag:s25] =	ssyncadd.s32 $0xFFFFF800  }
0x3f: {  	s31 =	sshll.u32 @!p0 s29, $0xB;
	s0 =	sshll.u32 @!p0 s29, $0x7;
	_ =	swait.ge [sflag:s26], $0x800  }
0x40: {  	s29 =	simm.s32 @p0 $0x4F;
	s31 =	sand.u32 @!p0 $0x800, s31;
	[sflag:s26] =	ssyncset.done $0x0  }
0x41: {  	s0 =	sand.u32 @!p0 $0x3FFFFF80, s0;
	s31 =	sadd.s32 @!p0 $0x4F00, s31;
	[sflag:s26] =	ssyncadd.s32 $0xFFFFF800  }
0x42: {  	[tilespmem:s31], [sflag:$0x1] =	stream.indirect.gather @!p0 [hbm4b:s4+s1], $0x10, s0, s1, $0xb8;
	[tilespmem:$0x8F00] =	vst v63  }
0x43: {  	p0 =	sne.s32 s29, $0x4F  }
.Ltmp0:
0x44: {  	_ = 	snop;
	(pc) =	sbr.rel @p0 .LBB2_2-.Ltmp0, $4  }
0x45: {  	s1 =	sshll.u32 s30, $0xB;
	s31 =	sshll.u32 s30, $0x7  }
0x46: {  	s0 =	sand.u32 $0x800, s1;
	s1 =	sand.u32 $0x3FFFFF80, s31  }
0x47: {  	s0 =	sadd.s32 $0x4F00, s0;
	s1 =	sadd.s32 $0x2780, s1  }
0x48: {  	[spmem:s2] =	stream.indirect.scatter.add.f32 [tilespmem:s0], [sflag:$0x2], $0x10, s1, s22, $0xb8;
	[tilespmem:$0x8F00] =	vst v63  }
0x49: {  	_ =	swait.ge [sflag:s26], $0x800  }
0x4a: {  	[sflag:s26] =	ssyncset.done $0x0  }
0x4b: {  	[sflag:s26] =	ssyncadd.s32 $0xFFFFF800  }
0x4c: {  	[bflag:$0x0] =	sbarrier.arrive $0xFFFF  }
0x4d: {  	[tilespmem:s21], [sflag:$0x3] =	stream.linear.gather [spmem:s8], $0x800, $0x38;
	[tilespmem:$0x8F00] =	vst v63  }
0x4e: {  	_ =	swait.ge [sflag:s19], $0x800  }
0x4f: {  	[sflag:s19] =	ssyncset.done $0x0  }
0x50: {  	[sflag:s19] =	ssyncadd.s32 $0xFFFFF800  }
0x51: {  	[hbm4b:s13+s3] =	stream.linear.scatter [tilespmem:s21], [sflag:$0x3], $0x800, $0x38;
	[tilespmem:$0x8F00] =	vst v63  }
0x52: {  	_ =	swait.ge [sflag:s19], $0x800  }
0x53: {  	[sflag:s19] =	ssyncset.done $0x0  }
0x54: {  	[sflag:s19] =	ssyncadd.s32 $0xFFFFF800  }
0x55: {  	[tilespmem:s21], [sflag:$0x3] =	stream.linear.gather [spmem:s9], $0x800, $0x38;
	[tilespmem:$0x8F00] =	vst v63  }
0x56: {  	_ =	swait.ge [sflag:s19], $0x800  }
0x57: {  	[sflag:s19] =	ssyncset.done $0x0  }
0x58: {  	[sflag:s19] =	ssyncadd.s32 $0xFFFFF800  }
0x59: {  	[hbm4b:s14+s3] =	stream.linear.scatter [tilespmem:s21], [sflag:$0x3], $0x800, $0x38;
	[tilespmem:$0x8F00] =	vst v63  }
0x5a: {  	_ =	swait.ge [sflag:s19], $0x800  }
0x5b: {  	[sflag:s19] =	ssyncset.done $0x0  }
0x5c: {  	[sflag:s19] =	ssyncadd.s32 $0xFFFFF800  }
0x5d: {  	[tilespmem:s21], [sflag:$0x3] =	stream.linear.gather [spmem:s10], $0x800, $0x38;
	[tilespmem:$0x8F00] =	vst v63  }
0x5e: {  	_ =	swait.ge [sflag:s19], $0x800  }
0x5f: {  	[sflag:s19] =	ssyncset.done $0x0  }
0x60: {  	[sflag:s19] =	ssyncadd.s32 $0xFFFFF800  }
0x61: {  	[hbm4b:s15+s3] =	stream.linear.scatter [tilespmem:s21], [sflag:$0x3], $0x800, $0x38;
	[tilespmem:$0x8F00] =	vst v63  }
0x62: {  	_ =	swait.ge [sflag:s19], $0x800  }
0x63: {  	[sflag:s19] =	ssyncset.done $0x0  }
0x64: {  	[sflag:s19] =	ssyncadd.s32 $0xFFFFF800  }
0x65: {  	[tilespmem:s21], [sflag:$0x3] =	stream.linear.gather [spmem:s11], $0x800, $0x38;
	[tilespmem:$0x8F00] =	vst v63  }
0x66: {  	_ =	swait.ge [sflag:s19], $0x800  }
0x67: {  	[sflag:s19] =	ssyncset.done $0x0  }
0x68: {  	[sflag:s19] =	ssyncadd.s32 $0xFFFFF800  }
0x69: {  	[hbm4b:s16+s3] =	stream.linear.scatter [tilespmem:s21], [sflag:$0x3], $0x800, $0x38;
	[tilespmem:$0x8F00] =	vst v63  }
0x6a: {  	_ =	swait.ge [sflag:s19], $0x800  }
0x6b: {  	[sflag:s19] =	ssyncset.done $0x0  }
0x6c: {  	[sflag:s19] =	ssyncadd.s32 $0xFFFFF800  }
0x6d: {  	[tilespmem:s21], [sflag:$0x3] =	stream.linear.gather [spmem:s12], $0x800, $0x38;
	[tilespmem:$0x8F00] =	vst v63  }
0x6e: {  	s28 =	sadd.s32 $0x1, s28;
	_ =	swait.ge [sflag:s19], $0x800  }
0x6f: {  	p0 =	sne.s32 s28, s18;
	[sflag:s19] =	ssyncset.done $0x0  }
.Ltmp1:
0x70: {  	[sflag:s19] =	ssyncadd.s32 $0xFFFFF800;
	(pc) =	sbr.rel @p0 .LBB2_1-.Ltmp1, $4  }
0x71: {  	[hbm4b:s17+s3] =	stream.linear.scatter [tilespmem:s21], [sflag:$0x3], $0x800, $0x38;
	[tilespmem:$0x8F00] =	vst v63  }
0x72: {  	_ =	swait.ge [sflag:s19], $0x800  }
0x73: {  	[sflag:s19] =	ssyncset.done $0x0  }
0x74: {  	[sflag:s19] =	ssyncadd.s32 $0xFFFFF800  }
0x75: {  	_ =	sfence.sel $0x180000  }
0x76: {  	[bflag:$0x0] =	sbarrier.arrive $0xFFFF  }
0x77: {  	_ =	strace $0x90000050  }
0x78: {  	s0 =	stileid.u32;
	[bflag:$0x2] =	sbarrier.arrive $0xFFFF  }
0x79: {  	p0 =	sne.s32 s0, $0x0;
	s0 =	rddreg [dreg:$0x2]  }
0x7a: {  	s0 =	sadd.s32 @!p0 $0x100000, s0  }
0x7b: {  	[sflag:s0] =	ssyncadd.tile.s32 @!p0 $0x1;
	_ =	shalt  }
.Lfunc_end2:
_tile_overlayer_lowered:
.L_overlay_start_2:
0x7c: {  	(tag) =	ssettag $0x2  }
0x7d: {  	s0 =	rddreg [dreg:$0x0];
	s2 =	stileid.u32  }
0x7e: {  	s1 =	rddreg [dreg:$0x1];
	p0 =	sne.s32 s2, $0x0  }
0x7f: {  	s3 =	rddreg [dreg:$0x2];
	[bflag:$0x3] =	sbarrier.arrive $0xFFFF;
	s2 =	simm.s32 @!p0 $0x1C03  }
0x80: {  	[timem:s3], [sflag:s2] =	dma.local @!p0 [hbm:s0], s1  }
0x81: {  	s0 =	simm.s32 @!p0 $0x3  }
0x82: {  	_ =	swait.ge @!p0 [sflag:s0], s1  }
0x83: {  	s1 =	ssub.s32 @!p0 $0x0, s1;
	[sflag:s0] =	ssyncset.done @!p0 $0x0  }
0x84: {  	[sflag:s0] =	ssyncadd.s32 @!p0 s1  }
0x85: {  	[bflag:$0x3] =	sbarrier.arrive $0xFFFF  }
0x86: {  	_ =	shalt  }

// kernel: kernel.24.cloned.1.call-start
scs
__scs_entry_jumppad:
0x0: {  	(pc) =	sbr.rel $0x88, $3  }
0x1: {  	(tag) =	ssettag $0x0;
	lr =	simm.s32 $0x1  }
0x2: {  	[smem:$0x3F94] =	sst lr;
	_ =	strace $0xD0000000  }
0x3: {  	_ = 	snop  }
0x4: {  	_ = 	snop  }
0x5: {  	_ = 	snop  }
0x6: {  	_ = 	snop  }
0x7: {  	_ = 	snop  }
__scs_overlays_trampoline_lowered:
0x8: {  	[smem:$0x3FA3] =	sst s0  }
0x9: {  	[smem:$0x3FA4] =	sst s1  }
0xa: {  	[smem:$0x3FA5] =	sst s2  }
0xb: {  	[smem:$0x3FA6] =	sst s3  }
0xc: {  	[smem:$0x3FA7] =	sst s4  }
0xd: {  	[smem:$0x3FA8] =	sst s5  }
0xe: {  	[smem:$0x3FA9] =	sst s6  }
0xf: {  	[smem:$0x3FAA] =	sst s7  }
0x10: {  	[smem:$0x3FAB] =	sst s8  }
0x11: {  	[smem:$0x3FAC] =	sst s9;
	s0 =	simm.s32 @!p0 $0x0  }
0x12: {  	s1 =	sld [smem:$0x3F92];
	s0 =	simm.s32 @p0 $0x1  }
0x13: {  	[smem:$0x3FAD] =	sst s0;
	s0 =	simm.s32 @!p1 $0x0  }
0x14: {  	s2 =	sld [smem:$0x3F91];
	s0 =	simm.s32 @p1 $0x1  }
0x15: {  	[smem:$0x3FAE] =	sst s0;
	s0 =	simm.s32 @!p2 $0x0  }
0x16: {  	s3 =	sld [smem:$0x3FDB];
	s0 =	simm.s32 @p2 $0x1  }
0x17: {  	s4 =	simm.s32 $0x1BF5;
	[smem:$0x3FB0] =	sst s0  }
0x18: {  	s0 =	sld [smem:$0x3F93];
	_ =	swait.ge [sflag:s4], $0x0  }
0x19: {  	s7 =	sld [smem:$0x3F94]  }
0x1a: {  	s8 =	sadd.s32 $0xFFFFE003, lr  }
0x1b: {  	s9 =	sadd.s32 $0xFFFFFEF7, lr;
	s5 =	simm.s32 $0xFFFFFFFF;
	p2 =	slt.u32 s8, $0xFFFFF086  }
0x1c: {  	p1 =	slt.u32 s9, $0xF7A;
	s5 =	simm.s32 @!p2 $0x0  }
0x1d: {  	s5 =	simm.s32 @p1 $0x1;
	p0 =	seq.s32 s7, s2  }
0x1e: {  	s7 =	smul.u32 @!p0 $0xF7A, s2;
	p2 =	seq.s32 @!p0 s5, $0x0  }
0x1f: {  	s9 =	smul.u32 $0xF7A, s1;
	s8 =	simm.s32 @!p0 $0x1BF5;
	p2 =	por !p2, p0  }
0x20: {  	[sflag:s8] =	ssyncset.s32 @!p0 $0xFFFFF086;
	s6 =	sadd.s32 @!p0 s3, s7;
	s7 =	simm.s32 @!p0 $0x108  }
0x21: {  	s3 =	sadd.s32 s3, s9;
	s6 =	sadd.s32 @!p0 $0x88, s6;
	s7 =	simm.s32 @p2 $0x1082  }
0x22: {  	[simem:s7], [sflag:s8] =	dma.local @!p0 [hbm:s6], $0xF7A  }
0x23: {  	s9 =	sor.u32 $0xD0000000, s2;
	s6 =	simm.s32 $0x108;
	_ =	swait.ge @!p0 [sflag:s8], $0x0  }
0x24: {  	s3 =	sadd.s32 $0x88, s3;
	s6 =	simm.s32 @!p1 $0x1082;
	[sflag:s4] =	ssyncset.s32 $0xFFFFF086  }
0x25: {  	[simem:s6], [sflag:s4] =	dma.local [hbm:s3], $0xF7A  }
0x26: {  	[smem:$0x3F94] =	sst s1;
	(tag) =	ssettag s2;
	_ =	strace s9  }
0x27: {  	s1 =	sld [smem:$0x3FA4]  }
0x28: {  	s2 =	sld [smem:$0x3FA5]  }
0x29: {  	s4 =	sld [smem:$0x3FA7]  }
0x2a: {  	p0 =	seq.s32 s5, $0x0;
	s5 =	sld [smem:$0x3FA8]  }
0x2b: {  	s6 =	sld [smem:$0x3FA9]  }
0x2c: {  	s7 =	sld [smem:$0x3FAA]  }
0x2d: {  	s3 =	simm.s32 $0x108;
	s8 =	sld [smem:$0x3FAB]  }
0x2e: {  	s3 =	simm.s32 @!p0 $0x1082;
	s9 =	sld [smem:$0x3FAC]  }
0x2f: {  	lr =	sadd.s32 s0, s3;
	s0 =	sld [smem:$0x3FA3]  }
0x30: {  	s3 =	sld [smem:$0x3FA6]  }
0x31: {  	[smem:$0x3FAF] =	sst s10  }
0x32: {  	s10 =	sld [smem:$0x3FAD];
	_ =	sdelay $0x3  }
0x33: {  	p0 =	seq.s32 s10, $0x1;
	s10 =	sld [smem:$0x3FAF];
	_ =	sdelay $0x3  }
0x34: {  	[smem:$0x3FAF] =	sst s10  }
0x35: {  	s10 =	sld [smem:$0x3FAE];
	_ =	sdelay $0x3  }
0x36: {  	p1 =	seq.s32 s10, $0x1;
	s10 =	sld [smem:$0x3FAF];
	_ =	sdelay $0x3  }
0x37: {  	[smem:$0x3FAF] =	sst s10  }
0x38: {  	s10 =	sld [smem:$0x3FB0]  }
0x39: {  	_ = 	snop;
	(pc) =	sbr.ind lr, $3  }
0x3a: {  	_ = 	snop  }
0x3b: {  	_ = 	snop  }
0x3c: {  	p2 =	seq.s32 s10, $0x1;
	s10 =	sld [smem:$0x3FAF]  }
0x3d: {  	_ =	shalt  }
0x3e: {  	_ =	shalt  }
0x3f: {  	_ =	shalt  }
0x40: {  	_ =	shalt  }
0x41: {  	_ =	shalt  }
0x42: {  	_ =	shalt  }
0x43: {  	_ =	shalt  }
0x44: {  	_ =	shalt  }
0x45: {  	_ =	shalt  }
0x46: {  	_ =	shalt  }
0x47: {  	_ =	shalt  }
0x48: {  	_ =	shalt  }
0x49: {  	_ =	shalt  }
0x4a: {  	_ =	shalt  }
0x4b: {  	_ =	shalt  }
0x4c: {  	_ =	shalt  }
0x4d: {  	_ =	shalt  }
0x4e: {  	_ =	shalt  }
0x4f: {  	_ =	shalt  }
0x50: {  	_ =	shalt  }
0x51: {  	_ =	shalt  }
0x52: {  	_ =	shalt  }
0x53: {  	_ =	shalt  }
0x54: {  	_ =	shalt  }
0x55: {  	_ =	shalt  }
0x56: {  	_ =	shalt  }
0x57: {  	_ =	shalt  }
0x58: {  	_ =	shalt  }
0x59: {  	_ =	shalt  }
0x5a: {  	_ =	shalt  }
0x5b: {  	_ =	shalt  }
0x5c: {  	_ =	shalt  }
0x5d: {  	_ =	shalt  }
0x5e: {  	_ =	shalt  }
0x5f: {  	_ =	shalt  }
0x60: {  	_ =	shalt  }
0x61: {  	_ =	shalt  }
0x62: {  	_ =	shalt  }
0x63: {  	_ =	shalt  }
0x64: {  	_ =	shalt  }
0x65: {  	_ =	shalt  }
0x66: {  	_ =	shalt  }
0x67: {  	_ =	shalt  }
0x68: {  	_ =	shalt  }
0x69: {  	_ =	shalt  }
0x6a: {  	_ =	shalt  }
0x6b: {  	_ =	shalt  }
0x6c: {  	_ =	shalt  }
0x6d: {  	_ =	shalt  }
0x6e: {  	_ =	shalt  }
0x6f: {  	_ =	shalt  }
0x70: {  	_ =	shalt  }
0x71: {  	_ =	shalt  }
0x72: {  	_ =	shalt  }
0x73: {  	_ =	shalt  }
0x74: {  	_ =	shalt  }
0x75: {  	_ =	shalt  }
0x76: {  	_ =	shalt  }
0x77: {  	_ =	shalt  }
0x78: {  	_ =	shalt  }
0x79: {  	_ =	shalt  }
0x7a: {  	_ =	shalt  }
0x7b: {  	_ =	shalt  }
0x7c: {  	_ =	shalt  }
0x7d: {  	_ =	shalt  }
0x7e: {  	_ =	shalt  }
0x7f: {  	_ =	shalt  }
0x80: {  	_ =	shalt  }
0x81: {  	_ =	shalt  }
0x82: {  	_ =	shalt  }
0x83: {  	_ =	shalt  }
0x84: {  	_ =	shalt  }
0x85: {  	_ =	shalt  }
0x86: {  	_ =	shalt  }
0x87: {  	_ =	shalt  }
.Lfunc_end0:
.L_simem_size_0:
called_computation.4_lowered:
.L_overlay_start_0:
0x88: {  	s2 =	sld [smem:$0x3FD9]  }
0x89: {  	s3 =	sld [smem:$0x3FFE];
	_ =	sdelay $0x1  }
0x8a: {  	s1 =	srdreg.scid  }
0x8b: {  	s0 =	sand.u32 $0x1, s1  }
0x8c: {  	s16 =	sshll.u32 s0, $0xA;
	s2 =	sadd.s32 s3, s2  }
0x8d: {  	s2 =	sadd.s32 s2, s16  }
0x8e: {  	[smem:$0x3FBB] =	sst s2  }
0x8f: {  	_ = 	snop  }
0x90: {  	(tm) =	ssettm $0x1  }
0x91: {  	s17 =	sld [smem:$0x3FFB];
	_ =	sdelay $0x3  }
0x92: {  	_ =	strace s17  }
0x93: {  	s2 =	sld [smem:$0x3FFC];
	_ =	sdelay $0x3  }
0x94: {  	_ =	strace s2  }
0x95: {  	s2 =	sld [smem:$0x3FFD];
	_ =	sdelay $0x3  }
0x96: {  	_ =	strace s2  }
0x97: {  	_ =	strace $0x8FFFFFFF  }
0x98: {  	s18 =	sld [smem:$0x3FDB];
	_ =	sdelay $0x1  }
0x99: {  	s19 =	simm.s32 $_scs_section_size  }
0x9a: {  	s4 =	simm.s32 $_size__tile_overlayer_lowered;
	s5 =	simm.s32 $_tile_overlayer_lowered  }
0x9b: {  	s22 =	simm.s32 $0x1BFF;
	s21 =	sshll.u32 s5, $0x1;
	s2 =	sadd.s32 s19, s18  }
0x9c: {  	s6 =	simm.s32 $0x0;
	s20 =	sshll.u32 s4, $0x1;
	s4 =	sadd.s32 s21, s2  }
0x9d: {  	[timem:s6], [sflag:s22] =	dma.local [hbm:s4], s20  }
0x9e: {  	_ =	swait.ge [sflag:s22], s20  }
0x9f: {  	s3 =	ssub.s32 $0x0, s20;
	[sflag:s22] =	ssyncset.done $0x0  }
0xa0: {  	[sflag:s22] =	ssyncadd.s32 s3;
	_ =	sdelay $0x1  }
0xa1: {  	s23 =	simm.s32 $0x1B8B  }
0xa2: {  	_ =	swait.ge [sflag:s23], $0x1  }
0xa3: {  	[sflag:s23] =	ssyncset.done $0x0  }
0xa4: {  	s25 =	simm.s32 $0x1B8E;
	s24 =	sld [smem:$0x3FFE];
	[sflag:s23] =	ssyncadd.s32 $0xFFFFFFFF  }
0xa5: {  	s26 =	simm.s32 $execute0_lowered;
	[smem:$0x3FD2] =	sst s25  }
0xa6: {  	s4 =	sshll.u32 s26, $0x1;
	_ =	strace $0x80000052;
	[dreg:$0x1] =	wrdreg $0xFFFFFFFF  }
0xa7: {  	s28 =	simm.s32 $_size_execute0_lowered;
	s2 =	sadd.s32 s2, s4;
	[dreg:$0x0] =	wrdreg $0x0  }
0xa8: {  	s4 =	sshll.u32 s28, $0x1;
	[dreg:$0x2] =	wrdreg s2  }
0xa9: {  	[dreg:$0x3] =	wrdreg s4  }
0xaa: {  	[dreg:$0x4] =	wrdreg $0xC0  }
0xab: {  	_ =	task [dreg:s6], $0x5FFFF  }
0xac: {  	[dreg:$0x1] =	wrdreg $0xFFFFFFFF  }
0xad: {  	[dreg:$0x0] =	wrdreg $0x60  }
0xae: {  	[dreg:$0x2] =	wrdreg s24  }
0xaf: {  	[dreg:$0x3] =	wrdreg $0x5B000  }
0xb0: {  	[dreg:$0x4] =	wrdreg $0x9  }
0xb1: {  	_ =	task.clear_ibuf [dreg:s6], $0x5FFFF;
	_ =	strace $0x90000052  }
0xb2: {  	s29 =	simm.s32 $0x9;
	_ =	strace $0x80000054  }
0xb3: {  	_ =	swait.ge [sflag:s29], $0x1  }
0xb4: {  	[sflag:s29] =	ssyncadd.s32 $0xFFFFFFFF  }
0xb5: {  	_ =	strace $0x90000054  }
0xb6: {  	_ =	sfence  }
0xb7: {  	s30 =	sld [smem:$0x0];
	_ =	sdelay $0x2  }
0xb8: {  	s31 =	sshll.u32 s1, $0xD;
	s1 =	sshrl.u32 s1, $0x2  }
0xb9: {  	s3 =	sand.u32 $0x4000, s31;
	s1 =	sadd.s32 s1, s30  }
0xba: {  	s0 =	sor.u32 s3, s0;
	s1 =	sshll.u32 s1, $0x11  }
0xbb: {  	s0 =	sor.u32 s1, s0  }
0xbc: {  	s0 =	sadd.s32 $0x8F2B, s0  }
0xbd: {  	[sflag:s0] =	ssyncadd.remote.s32 $0x1  }
0xbe: {  	_ =	sfence.sel $0xFFFF  }
0xbf: {  	[dreg:$0x0] =	wrdreg $0xFFFFFFFF;
	(pc) =	sbr.abs _section_cstart, $3  }
0xc0: {  	[dreg:$0x1] =	wrdreg $0xFFFFFFFF  }
0xc1: {  	_ =	task.clear_ibuf [dreg:s6], $0x2FFFF;
	_ =	strace $0x9FFFFFFF  }
0xc2: {  	(tm) =	ssettm $0x7FFFFFFF  }
0xc3: {  	_ =	shalt  }
tec
execute0_lowered:
.L_overlay_start_1:
0x0: {  	(tag) =	ssettag $0x1  }
0x1: {  	s0 =	srdreg.scid;
	s6 =	rddreg [dreg:$0x0]  }
0x2: {  	s2 =	rddreg [dreg:$0x1];
	s31 =	stileid.u32;
	s3 =	simm.s32 $0x0  }
0x3: {  	s22 =	simm.s32 $0x80;
	s23 =	simm.s32 $0x4F00;
	s24 =	simm.s32 $0x5300  }
0x4: {  	s25 =	simm.s32 $0x1;
	s26 =	simm.s32 $0x2;
	s28 =	simm.s32 $0x0  }
0x5: {  	s9 =	sand.u32 $0x1, s0;
	[smem:$0x7FF] =	sst s3;
	s12 =	smul.u32 $0x1400, s31  }
0x6: {  	s17 =	sadd.s32 $0x1B400, s6;
	s4 =	sshll.u32 s9, $0x4;
	_ =	strace $0x80000053  }
0x7: {  	s8 =	ssub.s32 $0x2, s9;
	s19 =	smul.u32 $0x14000, s9;
	s4 =	sor.u32 s31, s4  }
0x8: {  	s10 =	sshrl.u32 s8, $0x1;
	s13 =	sadd.s32 $0x400, s12;
	s15 =	sadd.s32 $0x800, s12  }
0x9: {  	s16 =	sadd.s32 $0xC00, s12;
	s20 =	sadd.s32 $0x1000, s12;
	s5 =	smul.u32 $0x4F0, s4  }
0xa: {  	s4 =	sadd.s32 $0xC400, s6;
	s18 =	ssub.s32 s8, s10;
	s8 =	sadd.s32 s12, s2  }
0xb: {  	s9 =	sadd.s32 s13, s2;
	s10 =	sadd.s32 s15, s2;
	s11 =	sadd.s32 s16, s2  }
0xc: {  	s14 =	sadd.s32 s12, s19;
	s13 =	sadd.s32 s19, s13;
	s12 =	sadd.s32 s20, s2  }
0xd: {  	s15 =	sadd.s32 s19, s15;
	s16 =	sadd.s32 s19, s16;
	s19 =	sadd.s32 s19, s20  }
0xe: {  	s20 =	simm.s32 $0x2780;
	s14 =	sshrl.u32 s14, $0x3;
	s21 =	sshrl.u32 s13, $0x3  }
0xf: {  	s15 =	sshrl.u32 s15, $0x3;
	s16 =	sshrl.u32 s16, $0x3;
	s19 =	sshrl.u32 s19, $0x3  }
0x10: {  	s18 =	smax.u32 s18, $0x1;
	s7 =	sadd.s32 s5, s6;
	s5 =	sadd.s32 $0xC200, s6  }
0x11: {  	s13 =	sadd.s32 s17, s14;
	s14 =	sadd.s32 s17, s21;
	s15 =	sadd.s32 s17, s15  }
0x12: {  	s16 =	sadd.s32 s17, s16;
	s17 =	sadd.s32 s17, s19;
	s19 =	simm.s32 $0x3  }
0x13: {  	s21 =	simm.s32 $0x5700;
	s6 =	sadd.s32 $0x11600, s7;
	s7 =	sadd.s32 $0x2400, s7  }
.LBB2_1:
0x14: {  	[tilespmem:s3], [sflag:$0x3] =	stream.linear.gather [hbm4b:s6+s3], $0x2780, $0x38;
	[tilespmem:$0x6F00] =	vst v63  }
0x15: {  	_ =	swait.ge [sflag:s19], $0x2780  }
0x16: {  	[sflag:s19] =	ssyncset.done $0x0  }
0x17: {  	[sflag:s19] =	ssyncadd.s32 $0xFFFFD880  }
0x18: {  	[tilespmem:s20], [sflag:$0x3] =	stream.linear.gather [hbm4b:s7+s3], $0x2780, $0x38;
	[tilespmem:$0x6F00] =	vst v63  }
0x19: {  	_ =	swait.ge [sflag:s19], $0x2780  }
0x1a: {  	[sflag:s19] =	ssyncset.done $0x0  }
0x1b: {  	[sflag:s19] =	ssyncadd.s32 $0xFFFFD880  }
0x1c: {  	[tilespmem:s21], [sflag:$0x3] =	stream.linear.gather [hbm4b:s5+s3], $0x400, $0x38;
	[tilespmem:$0x6F00] =	vst v63  }
0x1d: {  	_ =	swait.ge [sflag:s19], $0x400  }
0x1e: {  	[sflag:s19] =	ssyncset.done $0x0  }
0x1f: {  	[sflag:s19] =	ssyncadd.s32 $0xFFFFFC00  }
0x20: {  	[spmem:s8] =	stream.linear.scatter [tilespmem:s21], [sflag:$0x3], $0x400, $0x38;
	[tilespmem:$0x6F00] =	vst v63  }
0x21: {  	_ =	swait.ge [sflag:s19], $0x400  }
0x22: {  	[sflag:s19] =	ssyncset.done $0x0  }
0x23: {  	[sflag:s19] =	ssyncadd.s32 $0xFFFFFC00  }
0x24: {  	[spmem:s9] =	stream.linear.scatter [tilespmem:s21], [sflag:$0x3], $0x400, $0x38;
	[tilespmem:$0x6F00] =	vst v63  }
0x25: {  	_ =	swait.ge [sflag:s19], $0x400  }
0x26: {  	[sflag:s19] =	ssyncset.done $0x0  }
0x27: {  	[sflag:s19] =	ssyncadd.s32 $0xFFFFFC00  }
0x28: {  	[spmem:s10] =	stream.linear.scatter [tilespmem:s21], [sflag:$0x3], $0x400, $0x38;
	[tilespmem:$0x6F00] =	vst v63  }
0x29: {  	_ =	swait.ge [sflag:s19], $0x400  }
0x2a: {  	[sflag:s19] =	ssyncset.done $0x0  }
0x2b: {  	[sflag:s19] =	ssyncadd.s32 $0xFFFFFC00  }
0x2c: {  	[spmem:s11] =	stream.linear.scatter [tilespmem:s21], [sflag:$0x3], $0x400, $0x38;
	[tilespmem:$0x6F00] =	vst v63  }
0x2d: {  	_ =	swait.ge [sflag:s19], $0x400  }
0x2e: {  	[sflag:s19] =	ssyncset.done $0x0  }
0x2f: {  	[sflag:s19] =	ssyncadd.s32 $0xFFFFFC00  }
0x30: {  	[spmem:s12] =	stream.linear.scatter [tilespmem:s21], [sflag:$0x3], $0x400, $0x38;
	[tilespmem:$0x6F00] =	vst v63  }
0x31: {  	_ =	swait.ge [sflag:s19], $0x400  }
0x32: {  	[sflag:s19] =	ssyncset.done $0x0  }
0x33: {  	[sflag:s19] =	ssyncadd.s32 $0xFFFFFC00  }
0x34: {  	[bflag:$0x0] =	sbarrier.arrive $0xFFFF  }
0x35: {  	[tilespmem:s23], [sflag:$0x1] =	stream.indirect.gather [hbm4b:s4+s22], $0x8, s3, s22, $0xb8;
	[tilespmem:$0x6F00] =	vst v63  }
0x36: {  	_ =	swait.ge [sflag:s25], $0x400  }
0x37: {  	[sflag:s25] =	ssyncset.done $0x0  }
0x38: {  	[sflag:s25] =	ssyncadd.s32 $0xFFFFFC00  }
0x39: {  	[tilespmem:s24], [sflag:$0x1] =	stream.indirect.gather [hbm4b:s4+s22], $0x8, s22, s22, $0xb8;
	[tilespmem:$0x6F00] =	vst v63  }
0x3a: {  	s29 =	simm.s32 $0x1  }
0x3b: {  	[spmem:s2] =	stream.indirect.scatter.add.f32 [tilespmem:s23], [sflag:$0x2], $0x8, s20, s22, $0xb8;
	[tilespmem:$0x6F00] =	vst v63  }
.LBB2_2:
0x3c: {  	_ =	swait.ge [sflag:s25], $0x400  }
0x3d: {  	s30 =	smov.u32 s29;
	p0 =	seq.s32 s29, $0x4E;
	[sflag:s25] =	ssyncset.done $0x0  }
0x3e: {  	s29 =	sadd.s32 @!p0 $0x1, s29;
	s1 =	simm.s32 @!p0 $0x80;
	[sflag:s25] =	ssyncadd.s32 $0xFFFFFC00  }
0x3f: {  	s31 =	sshll.u32 @!p0 s29, $0xA;
	s0 =	sshll.u32 @!p0 s29, $0x7;
	_ =	swait.ge [sflag:s26], $0x400  }
0x40: {  	s29 =	simm.s32 @p0 $0x4F;
	s31 =	sand.u32 @!p0 $0x400, s31;
	[sflag:s26] =	ssyncset.done $0x0  }
0x41: {  	s0 =	sand.u32 @!p0 $0x3FFFFF80, s0;
	s31 =	sadd.s32 @!p0 $0x4F00, s31;
	[sflag:s26] =	ssyncadd.s32 $0xFFFFFC00  }
0x42: {  	[tilespmem:s31], [sflag:$0x1] =	stream.indirect.gather @!p0 [hbm4b:s4+s1], $0x8, s0, s1, $0xb8;
	[tilespmem:$0x6F00] =	vst v63  }
0x43: {  	p0 =	sne.s32 s29, $0x4F  }
.Ltmp0:
0x44: {  	_ = 	snop;
	(pc) =	sbr.rel @p0 .LBB2_2-.Ltmp0, $4  }
0x45: {  	s1 =	sshll.u32 s30, $0xA;
	s31 =	sshll.u32 s30, $0x7  }
0x46: {  	s0 =	sand.u32 $0x400, s1;
	s1 =	sand.u32 $0x3FFFFF80, s31  }
0x47: {  	s0 =	sadd.s32 $0x4F00, s0;
	s1 =	sadd.s32 $0x2780, s1  }
0x48: {  	[spmem:s2] =	stream.indirect.scatter.add.f32 [tilespmem:s0], [sflag:$0x2], $0x8, s1, s22, $0xb8;
	[tilespmem:$0x6F00] =	vst v63  }
0x49: {  	_ =	swait.ge [sflag:s26], $0x400  }
0x4a: {  	[sflag:s26] =	ssyncset.done $0x0  }
0x4b: {  	[sflag:s26] =	ssyncadd.s32 $0xFFFFFC00  }
0x4c: {  	[bflag:$0x0] =	sbarrier.arrive $0xFFFF  }
0x4d: {  	[tilespmem:s21], [sflag:$0x3] =	stream.linear.gather [spmem:s8], $0x400, $0x38;
	[tilespmem:$0x6F00] =	vst v63  }
0x4e: {  	_ =	swait.ge [sflag:s19], $0x400  }
0x4f: {  	[sflag:s19] =	ssyncset.done $0x0  }
0x50: {  	[sflag:s19] =	ssyncadd.s32 $0xFFFFFC00  }
0x51: {  	[hbm4b:s13+s3] =	stream.linear.scatter [tilespmem:s21], [sflag:$0x3], $0x400, $0x38;
	[tilespmem:$0x6F00] =	vst v63  }
0x52: {  	_ =	swait.ge [sflag:s19], $0x400  }
0x53: {  	[sflag:s19] =	ssyncset.done $0x0  }
0x54: {  	[sflag:s19] =	ssyncadd.s32 $0xFFFFFC00  }
0x55: {  	[tilespmem:s21], [sflag:$0x3] =	stream.linear.gather [spmem:s9], $0x400, $0x38;
	[tilespmem:$0x6F00] =	vst v63  }
0x56: {  	_ =	swait.ge [sflag:s19], $0x400  }
0x57: {  	[sflag:s19] =	ssyncset.done $0x0  }
0x58: {  	[sflag:s19] =	ssyncadd.s32 $0xFFFFFC00  }
0x59: {  	[hbm4b:s14+s3] =	stream.linear.scatter [tilespmem:s21], [sflag:$0x3], $0x400, $0x38;
	[tilespmem:$0x6F00] =	vst v63  }
0x5a: {  	_ =	swait.ge [sflag:s19], $0x400  }
0x5b: {  	[sflag:s19] =	ssyncset.done $0x0  }
0x5c: {  	[sflag:s19] =	ssyncadd.s32 $0xFFFFFC00  }
0x5d: {  	[tilespmem:s21], [sflag:$0x3] =	stream.linear.gather [spmem:s10], $0x400, $0x38;
	[tilespmem:$0x6F00] =	vst v63  }
0x5e: {  	_ =	swait.ge [sflag:s19], $0x400  }
0x5f: {  	[sflag:s19] =	ssyncset.done $0x0  }
0x60: {  	[sflag:s19] =	ssyncadd.s32 $0xFFFFFC00  }
0x61: {  	[hbm4b:s15+s3] =	stream.linear.scatter [tilespmem:s21], [sflag:$0x3], $0x400, $0x38;
	[tilespmem:$0x6F00] =	vst v63  }
0x62: {  	_ =	swait.ge [sflag:s19], $0x400  }
0x63: {  	[sflag:s19] =	ssyncset.done $0x0  }
0x64: {  	[sflag:s19] =	ssyncadd.s32 $0xFFFFFC00  }
0x65: {  	[tilespmem:s21], [sflag:$0x3] =	stream.linear.gather [spmem:s11], $0x400, $0x38;
	[tilespmem:$0x6F00] =	vst v63  }
0x66: {  	_ =	swait.ge [sflag:s19], $0x400  }
0x67: {  	[sflag:s19] =	ssyncset.done $0x0  }
0x68: {  	[sflag:s19] =	ssyncadd.s32 $0xFFFFFC00  }
0x69: {  	[hbm4b:s16+s3] =	stream.linear.scatter [tilespmem:s21], [sflag:$0x3], $0x400, $0x38;
	[tilespmem:$0x6F00] =	vst v63  }
0x6a: {  	_ =	swait.ge [sflag:s19], $0x400  }
0x6b: {  	[sflag:s19] =	ssyncset.done $0x0  }
0x6c: {  	[sflag:s19] =	ssyncadd.s32 $0xFFFFFC00  }
0x6d: {  	[tilespmem:s21], [sflag:$0x3] =	stream.linear.gather [spmem:s12], $0x400, $0x38;
	[tilespmem:$0x6F00] =	vst v63  }
0x6e: {  	s28 =	sadd.s32 $0x1, s28;
	_ =	swait.ge [sflag:s19], $0x400  }
0x6f: {  	p0 =	sne.s32 s28, s18;
	[sflag:s19] =	ssyncset.done $0x0  }
.Ltmp1:
0x70: {  	[sflag:s19] =	ssyncadd.s32 $0xFFFFFC00;
	(pc) =	sbr.rel @p0 .LBB2_1-.Ltmp1, $4  }
0x71: {  	[hbm4b:s17+s3] =	stream.linear.scatter [tilespmem:s21], [sflag:$0x3], $0x400, $0x38;
	[tilespmem:$0x6F00] =	vst v63  }
0x72: {  	_ =	swait.ge [sflag:s19], $0x400  }
0x73: {  	[sflag:s19] =	ssyncset.done $0x0  }
0x74: {  	[sflag:s19] =	ssyncadd.s32 $0xFFFFFC00  }
0x75: {  	_ =	sfence.sel $0x180000  }
0x76: {  	[bflag:$0x0] =	sbarrier.arrive $0xFFFF  }
0x77: {  	_ =	strace $0x90000053  }
0x78: {  	s0 =	stileid.u32;
	[bflag:$0x2] =	sbarrier.arrive $0xFFFF  }
0x79: {  	p0 =	sne.s32 s0, $0x0;
	s0 =	rddreg [dreg:$0x2]  }
0x7a: {  	s0 =	sadd.s32 @!p0 $0x100000, s0  }
0x7b: {  	[sflag:s0] =	ssyncadd.tile.s32 @!p0 $0x1;
	_ =	shalt  }
.Lfunc_end2:
_tile_overlayer_lowered:
.L_overlay_start_2:
0x7c: {  	(tag) =	ssettag $0x2  }
0x7d: {  	s0 =	rddreg [dreg:$0x0];
	s2 =	stileid.u32  }
0x7e: {  	s1 =	rddreg [dreg:$0x1];
	p0 =	sne.s32 s2, $0x0  }
0x7f: {  	s3 =	rddreg [dreg:$0x2];
	[bflag:$0x3] =	sbarrier.arrive $0xFFFF;
	s2 =	simm.s32 @!p0 $0x1C03  }
0x80: {  	[timem:s3], [sflag:s2] =	dma.local @!p0 [hbm:s0], s1  }
0x81: {  	s0 =	simm.s32 @!p0 $0x3  }
0x82: {  	_ =	swait.ge @!p0 [sflag:s0], s1  }
0x83: {  	s1 =	ssub.s32 @!p0 $0x0, s1;
	[sflag:s0] =	ssyncset.done @!p0 $0x0  }
0x84: {  	[sflag:s0] =	ssyncadd.s32 @!p0 s1  }
0x85: {  	[bflag:$0x3] =	sbarrier.arrive $0xFFFF  }
0x86: {  	_ =	shalt  }

</sc_bundles>
